<compile_context>
chip_gen: v7x
topology: tpu7x:2x2x1
jax: 0.10.2.dev20260603
libtpu: 0.0.44.dev20260713+nightly
codegen_flags: <defaults>
</compile_context>

<pallas_src>
import functools

import jax
import jax.numpy as jnp
from jax import lax
from jax.experimental import pallas as pl
from jax.experimental.pallas import tpu as pltpu
from jax.experimental.pallas import tpu_sc as plsc

B, L, D = 4096, 50, 128
LP = 128
LANES = 16
DV = D // LANES
NC, NS = 2, 16
NW = NC * NS
S_SC = 2048
RPW = S_SC // NW
CH = 8
NCHUNK = RPW // CH
NBUF = 2
RB = 128


def _sc_body(x_hbm, m_hbm, out_hbm, xbufs, mbufs, obufs, sems_in, sems_out):
    wid = lax.axis_index("s") * NC + lax.axis_index("c")
    base = wid * RPW

    def start_in(g, slot):
        rows = base + g * CH
        cx = pltpu.async_copy(
            x_hbm.at[:, pl.ds(rows, CH), :], xbufs[slot], sems_in[slot]
        )
        cm = pltpu.async_copy(m_hbm.at[pl.ds(rows, CH)], mbufs[slot], sems_in[slot])
        return (cx, cm)

    def compute(slot):
        xb, mb, ob = xbufs[slot], mbufs[slot], obufs[slot]

        nfull = L // LANES
        ntail = L - nfull * LANES

        def row_body(r, carry):
            del carry

            def grp_body(k, carry):
                accs = list(carry[:DV])
                cnt = carry[DV]
                mrow = mb[r, pl.ds(k * LANES, LANES)]
                for j in range(LANES):
                    m = mrow[j]
                    cnt = cnt + m
                    lpos = k * LANES + j
                    for d in range(DV):
                        accs[d] = accs[d] + xb[lpos, r, pl.ds(d * LANES, LANES)] * m
                return (*accs, cnt)

            init = tuple(jnp.zeros((LANES,), jnp.float32) for _ in range(DV + 1))
            res = lax.fori_loop(0, nfull, grp_body, init)
            accs = list(res[:DV])
            cnt = res[DV]
            mrow = mb[r, pl.ds(nfull * LANES, LANES)]
            for j in range(ntail):
                m = mrow[j]
                cnt = cnt + m
                for d in range(DV):
                    accs[d] = accs[d] + xb[nfull * LANES + j, r, pl.ds(d * LANES, LANES)] * m
            for d in range(DV):
                ob[r, pl.ds(d * LANES, LANES)] = accs[d] / cnt
            return 0

        lax.fori_loop(0, CH, row_body, 0)

    def start_out(g, slot):
        rows = base + g * CH
        return pltpu.async_copy(obufs[slot], out_hbm.at[pl.ds(rows, CH)], sems_out[slot])

    def wait_in(slot):
        pltpu.make_async_copy(
            x_hbm.at[:, pl.ds(0, CH), :], xbufs[slot], sems_in[slot]
        ).wait()
        pltpu.make_async_copy(m_hbm.at[pl.ds(0, CH)], mbufs[slot], sems_in[slot]).wait()

    def wait_out(slot):
        pltpu.make_async_copy(obufs[slot], out_hbm.at[pl.ds(0, CH)], sems_out[slot]).wait()

    for g in range(NBUF):
        start_in(g, g)

    def group_body(gg, carry):
        for b in range(NBUF):
            g = gg * NBUF + b
            wait_in(b)

            @pl.when(g >= NBUF)
            def _():
                wait_out(b)

            compute(b)
            start_out(g, b)

            @pl.when(g + NBUF < NCHUNK)
            def _():
                start_in(g + NBUF, b)

        return carry

    lax.fori_loop(0, NCHUNK // NBUF, group_body, 0)
    for b in range(NBUF):
        wait_out(b)


def _build_call():
    mesh = plsc.VectorSubcoreMesh(core_axis_name="c", subcore_axis_name="s")
    scratch = (
        [pltpu.VMEM((L, CH, D), jnp.float32) for _ in range(NBUF)],
        [pltpu.VMEM((CH, LP), jnp.float32) for _ in range(NBUF)],
        [pltpu.VMEM((CH, D), jnp.float32) for _ in range(NBUF)],
        [pltpu.SemaphoreType.DMA for _ in range(NBUF)],
        [pltpu.SemaphoreType.DMA for _ in range(NBUF)],
    )
    return pl.kernel(
        _sc_body,
        out_type=jax.ShapeDtypeStruct((S_SC, D), jnp.float32),
        mesh=mesh,
        scratch_types=scratch,
    )


_sc_call = _build_call()


def _tc_body(x_ref, m_ref, o_ref):
    acc = x_ref[0] * m_ref[:, 0:1]
    for l in range(1, L):
        acc = acc + x_ref[l] * m_ref[:, l : l + 1]
    cnt = jnp.sum(m_ref[:, :L], axis=1, keepdims=True)
    o_ref[...] = acc / cnt


def _build_tc_call():
    nblk = (B - S_SC) // RB
    off = S_SC // RB
    return pl.pallas_call(
        _tc_body,
        grid=(nblk,),
        in_specs=[
            pl.BlockSpec((L, RB, D), lambda i: (0, off + i, 0)),
            pl.BlockSpec((RB, LP), lambda i: (off + i, 0)),
        ],
        out_specs=pl.BlockSpec((RB, D), lambda i: (i, 0)),
        out_shape=jax.ShapeDtypeStruct((B - S_SC, D), jnp.float32),
    )


_tc_call = _build_tc_call()


@jax.jit
def kernel(inputs, mask):
    maskf = jnp.pad(mask.astype(jnp.float32), ((0, 0), (0, LP - L)))
    xt = jnp.transpose(inputs, (1, 0, 2))
    out_sc = _sc_call(xt, maskf)
    out_tc = _tc_call(xt, maskf)
    return jnp.concatenate([out_sc, out_tc], axis=0)

# --- scband reference (transcript-rebuilt; emitter-appended) ---
"""Pipeline reference for scband-masked-embeddings-aggregator-layer-20229295964606 (READ-ONLY COPY).

The authoritative reference and input builder live on the scoring server;
editing this copy changes nothing except your own understanding.
"""

import jax, jax.numpy as jnp
import numpy as np


def setup_inputs(seed: int = 0) -> dict:
    key = jax.random.key(seed)
    k1, k2 = jax.random.split(key)
    B, L, D = 4096, 50, 128
    inputs = jax.random.normal(k1, (B, L, D), dtype=jnp.float32)
    # boolean validity mask over the history dimension (~50% valid)
    mask = jax.random.bernoulli(k2, 0.5, (B, L))
    return {"inputs": inputs, "mask": mask}


def reference(inputs, mask):
    # tf.ragged.boolean_mask(inputs, mask) followed by reduce_mean(axis=1)
    # == sum over valid positions divided by the per-row count of valid positions
    m = mask.astype(inputs.dtype)[..., None]  # [B, L, 1]
    summed = jnp.sum(inputs * m, axis=1)      # [B, D]
    counts = jnp.sum(m, axis=1)               # [B, 1]
    aggregated = summed / counts              # mean over valid entries only
    return aggregated

if __name__ == "__main__":
    import jax
    _d = setup_inputs()
    print(jax.jit(kernel)(*tuple(_d.values())))

</pallas_src>

<mosaic_0001>
#map = affine_map<(d0, d1) -> (0, 0, 0)>
#map1 = affine_map<(d0, d1) -> (0, 0)>
module attributes {stable_mosaic.version = 14 : i64} {
  func.func @_sc_body(%arg0: i32, %arg1: i32, %arg2: memref<50x4096x128xf32, #tpu.memory_space<hbm>>, %arg3: memref<4096x128xf32, #tpu.memory_space<hbm>>, %arg4: memref<2048x128xf32, #tpu.memory_space<hbm>>, %arg5: memref<50x8x128xf32, #tpu.memory_space<vmem>>, %arg6: memref<50x8x128xf32, #tpu.memory_space<vmem>>, %arg7: memref<8x128xf32, #tpu.memory_space<vmem>>, %arg8: memref<8x128xf32, #tpu.memory_space<vmem>>, %arg9: memref<8x128xf32, #tpu.memory_space<vmem>>, %arg10: memref<8x128xf32, #tpu.memory_space<vmem>>, %arg11: memref<!tpu.dma_semaphore, #tpu.memory_space<semaphore_mem>>, %arg12: memref<!tpu.dma_semaphore, #tpu.memory_space<semaphore_mem>>, %arg13: memref<!tpu.dma_semaphore, #tpu.memory_space<semaphore_mem>>, %arg14: memref<!tpu.dma_semaphore, #tpu.memory_space<semaphore_mem>>) attributes {dimension_semantics = [#tpu.dimension_semantics<core_parallel>, #tpu.dimension_semantics<subcore_parallel>], iteration_bounds = array<i64: 2, 16>, scalar_prefetch = 0 : i64, scratch_operands = 10 : i64, tpu.core_type = #tpu.core_type<sc_vector_subcore>, window_params = [{transform_indices = #map}, {transform_indices = #map1}, {transform_indices = #map1}]} {
    %mul3A = arith.constant 2 : i32
    %mul3A_0 = arith.muli %arg1, %mul3A : i32
    %add3A = arith.addi %mul3A_0, %arg0 : i32
    %mul3A_1 = arith.constant 64 : i32
    %mul3A_2 = arith.muli %add3A, %mul3A_1 : i32
    %add3A_3 = arith.constant 0 : i32
    %add3A_4 = arith.addi %mul3A_2, %add3A_3 : i32
    %dma_start3A = arith.constant 0 : i32
    %dma_start3A_5 = arith.constant 0 : i32
    %dma_start3A_6 = tpu.memref_slice %arg2[%dma_start3A, %add3A_4, %dma_start3A_5] : memref<50x4096x128xf32, #tpu.memory_space<hbm>> -> memref<50x8x128xf32, #tpu.memory_space<hbm>>
    %dma_start3A_7 = arith.constant 0 : i32
    %dma_start3A_8 = arith.constant 0 : i32
    %dma_start3A_9 = tpu.memref_slice %arg2[%dma_start3A_7, %add3A_4, %dma_start3A_8] : memref<50x4096x128xf32, #tpu.memory_space<hbm>> -> memref<50x8x128xf32, #tpu.memory_space<hbm>>
    tpu.enqueue_dma source(%dma_start3A_9 : memref<50x8x128xf32, #tpu.memory_space<hbm>>) target(%arg5 : memref<50x8x128xf32, #tpu.memory_space<vmem>>) target_semaphore(%arg11 : memref<!tpu.dma_semaphore, #tpu.memory_space<semaphore_mem>>)
    %dma_start3A_10 = arith.constant 0 : i32
    %dma_start3A_11 = tpu.memref_slice %arg3[%add3A_4, %dma_start3A_10] : memref<4096x128xf32, #tpu.memory_space<hbm>> -> memref<8x128xf32, #tpu.memory_space<hbm>>
    %dma_start3A_12 = arith.constant 0 : i32
    %dma_start3A_13 = tpu.memref_slice %arg3[%add3A_4, %dma_start3A_12] : memref<4096x128xf32, #tpu.memory_space<hbm>> -> memref<8x128xf32, #tpu.memory_space<hbm>>
    tpu.enqueue_dma source(%dma_start3A_13 : memref<8x128xf32, #tpu.memory_space<hbm>>) target(%arg7 : memref<8x128xf32, #tpu.memory_space<vmem>>) target_semaphore(%arg11 : memref<!tpu.dma_semaphore, #tpu.memory_space<semaphore_mem>>)
    %add3A_14 = arith.constant 8 : i32
    %add3A_15 = arith.addi %mul3A_2, %add3A_14 : i32
    %dma_start3A_16 = arith.constant 0 : i32
    %dma_start3A_17 = arith.constant 0 : i32
    %dma_start3A_18 = tpu.memref_slice %arg2[%dma_start3A_16, %add3A_15, %dma_start3A_17] : memref<50x4096x128xf32, #tpu.memory_space<hbm>> -> memref<50x8x128xf32, #tpu.memory_space<hbm>>
    %dma_start3A_19 = arith.constant 0 : i32
    %dma_start3A_20 = arith.constant 0 : i32
    %dma_start3A_21 = tpu.memref_slice %arg2[%dma_start3A_19, %add3A_15, %dma_start3A_20] : memref<50x4096x128xf32, #tpu.memory_space<hbm>> -> memref<50x8x128xf32, #tpu.memory_space<hbm>>
    tpu.enqueue_dma source(%dma_start3A_21 : memref<50x8x128xf32, #tpu.memory_space<hbm>>) target(%arg6 : memref<50x8x128xf32, #tpu.memory_space<vmem>>) target_semaphore(%arg12 : memref<!tpu.dma_semaphore, #tpu.memory_space<semaphore_mem>>)
    %dma_start3A_22 = arith.constant 0 : i32
    %dma_start3A_23 = tpu.memref_slice %arg3[%add3A_15, %dma_start3A_22] : memref<4096x128xf32, #tpu.memory_space<hbm>> -> memref<8x128xf32, #tpu.memory_space<hbm>>
    %dma_start3A_24 = arith.constant 0 : i32
    %dma_start3A_25 = tpu.memref_slice %arg3[%add3A_15, %dma_start3A_24] : memref<4096x128xf32, #tpu.memory_space<hbm>> -> memref<8x128xf32, #tpu.memory_space<hbm>>
    tpu.enqueue_dma source(%dma_start3A_25 : memref<8x128xf32, #tpu.memory_space<hbm>>) target(%arg8 : memref<8x128xf32, #tpu.memory_space<vmem>>) target_semaphore(%arg12 : memref<!tpu.dma_semaphore, #tpu.memory_space<semaphore_mem>>)
    %scan3A = arith.constant 0 : i32
    %scan3A_26 = arith.constant 0 : i32
    %scan3A_27 = arith.constant 4 : i32
    %scan3A_28 = arith.addi %scan3A_26, %scan3A_27 : i32
    %scan3A_29 = arith.constant 1 : i32
    scf.for %scan3A_42 = %scan3A_26 to %scan3A_28 step %scan3A_29  : i32 {
      %mul3A_43 = arith.constant 2 : i32
      %mul3A_44 = arith.muli %scan3A_42, %mul3A_43 : i32
      %add3A_45 = arith.constant 0 : i32
      %add3A_46 = arith.addi %mul3A_44, %add3A_45 : i32
      %dma_wait3A_47 = arith.constant 0 : i32
      %dma_wait3A_48 = arith.constant 0 : i32
      %dma_wait3A_49 = arith.constant 0 : i32
      %dma_wait3A_50 = tpu.memref_slice %arg2[%dma_wait3A_47, %dma_wait3A_48, %dma_wait3A_49] : memref<50x4096x128xf32, #tpu.memory_space<hbm>> -> memref<50x8x128xf32, #tpu.memory_space<hbm>>
      %dma_wait3A_51 = arith.constant 0 : i32
      %dma_wait3A_52 = arith.constant 0 : i32
      %dma_wait3A_53 = arith.constant 0 : i32
      %dma_wait3A_54 = tpu.memref_slice %arg2[%dma_wait3A_51, %dma_wait3A_52, %dma_wait3A_53] : memref<50x4096x128xf32, #tpu.memory_space<hbm>> -> memref<50x8x128xf32, #tpu.memory_space<hbm>>
      tpu.wait_dma2 semaphore(%arg11 : memref<!tpu.dma_semaphore, #tpu.memory_space<semaphore_mem>>) src(%dma_wait3A_54 : memref<50x8x128xf32, #tpu.memory_space<hbm>>) dst(%arg5 : memref<50x8x128xf32, #tpu.memory_space<vmem>>)
      %dma_wait3A_55 = arith.constant 0 : i32
      %dma_wait3A_56 = arith.constant 0 : i32
      %dma_wait3A_57 = tpu.memref_slice %arg3[%dma_wait3A_55, %dma_wait3A_56] : memref<4096x128xf32, #tpu.memory_space<hbm>> -> memref<8x128xf32, #tpu.memory_space<hbm>>
      %dma_wait3A_58 = arith.constant 0 : i32
      %dma_wait3A_59 = arith.constant 0 : i32
      %dma_wait3A_60 = tpu.memref_slice %arg3[%dma_wait3A_58, %dma_wait3A_59] : memref<4096x128xf32, #tpu.memory_space<hbm>> -> memref<8x128xf32, #tpu.memory_space<hbm>>
      tpu.wait_dma2 semaphore(%arg11 : memref<!tpu.dma_semaphore, #tpu.memory_space<semaphore_mem>>) src(%dma_wait3A_60 : memref<8x128xf32, #tpu.memory_space<hbm>>) dst(%arg7 : memref<8x128xf32, #tpu.memory_space<vmem>>)
      %ge3A = arith.constant 2 : i32
      %ge3A_61 = arith.cmpi sge, %add3A_46, %ge3A : i32
      %convert_element_type3A = arith.extui %ge3A_61 : i1 to i32
      %cond3A = arith.constant 0 : i32
      %cond3A_62 = arith.cmpi ne, %convert_element_type3A, %cond3A : i32
      scf.if %cond3A_62 {
        %dma_wait3A_127 = arith.constant 0 : i32
        %dma_wait3A_128 = arith.constant 0 : i32
        %dma_wait3A_129 = tpu.memref_slice %arg4[%dma_wait3A_127, %dma_wait3A_128] : memref<2048x128xf32, #tpu.memory_space<hbm>> -> memref<8x128xf32, #tpu.memory_space<hbm>>
        %dma_wait3A_130 = arith.constant 0 : i32
        %dma_wait3A_131 = arith.constant 0 : i32
        %dma_wait3A_132 = tpu.memref_slice %arg4[%dma_wait3A_130, %dma_wait3A_131] : memref<2048x128xf32, #tpu.memory_space<hbm>> -> memref<8x128xf32, #tpu.memory_space<hbm>>
        tpu.wait_dma2 semaphore(%arg13 : memref<!tpu.dma_semaphore, #tpu.memory_space<semaphore_mem>>) src(%arg9 : memref<8x128xf32, #tpu.memory_space<vmem>>) dst(%dma_wait3A_132 : memref<8x128xf32, #tpu.memory_space<hbm>>)
      } else {
      }
      %scan3A_63 = arith.constant 0 : i32
      %scan3A_64 = arith.constant 0 : i32
      %scan3A_65 = arith.constant 8 : i32
      %scan3A_66 = arith.addi %scan3A_64, %scan3A_65 : i32
      %scan3A_67 = arith.constant 1 : i32
      %scan3A_68 = scf.for %scan3A_127 = %scan3A_64 to %scan3A_66 step %scan3A_67 iter_args(%scan3A_128 = %scan3A_63) -> (i32)  : i32 {
        %broadcast_in_dim3A = arith.constant 0.000000e+00 : f32
        %broadcast_in_dim3A_129 = vector.broadcast %broadcast_in_dim3A : f32 to vector<16xf32>
        %broadcast_in_dim3A_130 = arith.constant 0.000000e+00 : f32
        %broadcast_in_dim3A_131 = vector.broadcast %broadcast_in_dim3A_130 : f32 to vector<16xf32>
        %broadcast_in_dim3A_132 = arith.constant 0.000000e+00 : f32
        %broadcast_in_dim3A_133 = vector.broadcast %broadcast_in_dim3A_132 : f32 to vector<16xf32>
        %broadcast_in_dim3A_134 = arith.constant 0.000000e+00 : f32
        %broadcast_in_dim3A_135 = vector.broadcast %broadcast_in_dim3A_134 : f32 to vector<16xf32>
        %broadcast_in_dim3A_136 = arith.constant 0.000000e+00 : f32
        %broadcast_in_dim3A_137 = vector.broadcast %broadcast_in_dim3A_136 : f32 to vector<16xf32>
        %broadcast_in_dim3A_138 = arith.constant 0.000000e+00 : f32
        %broadcast_in_dim3A_139 = vector.broadcast %broadcast_in_dim3A_138 : f32 to vector<16xf32>
        %broadcast_in_dim3A_140 = arith.constant 0.000000e+00 : f32
        %broadcast_in_dim3A_141 = vector.broadcast %broadcast_in_dim3A_140 : f32 to vector<16xf32>
        %broadcast_in_dim3A_142 = arith.constant 0.000000e+00 : f32
        %broadcast_in_dim3A_143 = vector.broadcast %broadcast_in_dim3A_142 : f32 to vector<16xf32>
        %broadcast_in_dim3A_144 = arith.constant 0.000000e+00 : f32
        %broadcast_in_dim3A_145 = vector.broadcast %broadcast_in_dim3A_144 : f32 to vector<16xf32>
        %scan3A_146 = arith.constant 0 : i32
        %scan3A_147 = arith.constant 3 : i32
        %scan3A_148 = arith.addi %scan3A_146, %scan3A_147 : i32
        %scan3A_149 = arith.constant 1 : i32
        %scan3A_150:9 = scf.for %scan3A_352 = %scan3A_146 to %scan3A_148 step %scan3A_149 iter_args(%scan3A_353 = %broadcast_in_dim3A_129, %scan3A_354 = %broadcast_in_dim3A_131, %scan3A_355 = %broadcast_in_dim3A_133, %scan3A_356 = %broadcast_in_dim3A_135, %scan3A_357 = %broadcast_in_dim3A_137, %scan3A_358 = %broadcast_in_dim3A_139, %scan3A_359 = %broadcast_in_dim3A_141, %scan3A_360 = %broadcast_in_dim3A_143, %scan3A_361 = %broadcast_in_dim3A_145) -> (vector<16xf32>, vector<16xf32>, vector<16xf32>, vector<16xf32>, vector<16xf32>, vector<16xf32>, vector<16xf32>, vector<16xf32>, vector<16xf32>)  : i32 {
          %mul3A_362 = arith.constant 16 : i32
          %mul3A_363 = arith.muli %scan3A_352, %mul3A_362 : i32
          %get3A_364 = arith.index_cast %scan3A_127 : i32 to index
          %get3A_365 = arith.index_cast %mul3A_363 : i32 to index
          %get3A_366 = tpu.vector_load %arg7[%get3A_364, %get3A_365] {strides = array<i32>} : memref<8x128xf32, #tpu.memory_space<vmem>>, vector<1x16xf32>,
          %get3A_367 = vector.shape_cast %get3A_366 : vector<1x16xf32> to vector<16xf32>
          %slice3A_368 = vector.extract_strided_slice %get3A_367 {offsets = [0], sizes = [1], strides = [1]} : vector<16xf32> to vector<1xf32>
          %squeeze3A_369 = vector.extract %slice3A_368[0] : f32 from vector<1xf32>
          %add3A_370 = vector.broadcast %squeeze3A_369 : f32 to vector<16xf32>
          %add3A_371 = arith.addf %scan3A_361, %add3A_370 : vector<16xf32>
          %mul3A_372 = arith.constant 16 : i32
          %mul3A_373 = arith.muli %scan3A_352, %mul3A_372 : i32
          %add3A_374 = arith.constant 0 : i32
          %add3A_375 = arith.addi %mul3A_373, %add3A_374 : i32
          %get3A_376 = arith.index_cast %add3A_375 : i32 to index
          %get3A_377 = arith.index_cast %scan3A_127 : i32 to index
          %get3A_378 = arith.constant 0 : index
          %get3A_379 = tpu.vector_load %arg5[%get3A_376, %get3A_377, %get3A_378] {strides = array<i32>} : memref<50x8x128xf32, #tpu.memory_space<vmem>>, vector<1x1x16xf32>,
          %get3A_380 = vector.shape_cast %get3A_379 : vector<1x1x16xf32> to vector<16xf32>
          %mul3A_381 = vector.broadcast %squeeze3A_369 : f32 to vector<16xf32>
          %mul3A_382 = arith.mulf %get3A_380, %mul3A_381 : vector<16xf32>
          %add3A_383 = arith.addf %scan3A_353, %mul3A_382 : vector<16xf32>
          %get3A_384 = arith.index_cast %add3A_375 : i32 to index
          %get3A_385 = arith.index_cast %scan3A_127 : i32 to index
          %get3A_386 = arith.constant 16 : index
          %get3A_387 = tpu.vector_load %arg5[%get3A_384, %get3A_385, %get3A_386] {strides = array<i32>} : memref<50x8x128xf32, #tpu.memory_space<vmem>>, vector<1x1x16xf32>,
          %get3A_388 = vector.shape_cast %get3A_387 : vector<1x1x16xf32> to vector<16xf32>
          %mul3A_389 = vector.broadcast %squeeze3A_369 : f32 to vector<16xf32>
          %mul3A_390 = arith.mulf %get3A_388, %mul3A_389 : vector<16xf32>
          %add3A_391 = arith.addf %scan3A_354, %mul3A_390 : vector<16xf32>
          %get3A_392 = arith.index_cast %add3A_375 : i32 to index
          %get3A_393 = arith.index_cast %scan3A_127 : i32 to index
          %get3A_394 = arith.constant 32 : index
          %get3A_395 = tpu.vector_load %arg5[%get3A_392, %get3A_393, %get3A_394] {strides = array<i32>} : memref<50x8x128xf32, #tpu.memory_space<vmem>>, vector<1x1x16xf32>,
          %get3A_396 = vector.shape_cast %get3A_395 : vector<1x1x16xf32> to vector<16xf32>
          %mul3A_397 = vector.broadcast %squeeze3A_369 : f32 to vector<16xf32>
          %mul3A_398 = arith.mulf %get3A_396, %mul3A_397 : vector<16xf32>
          %add3A_399 = arith.addf %scan3A_355, %mul3A_398 : vector<16xf32>
          %get3A_400 = arith.index_cast %add3A_375 : i32 to index
          %get3A_401 = arith.index_cast %scan3A_127 : i32 to index
          %get3A_402 = arith.constant 48 : index
          %get3A_403 = tpu.vector_load %arg5[%get3A_400, %get3A_401, %get3A_402] {strides = array<i32>} : memref<50x8x128xf32, #tpu.memory_space<vmem>>, vector<1x1x16xf32>,
          %get3A_404 = vector.shape_cast %get3A_403 : vector<1x1x16xf32> to vector<16xf32>
          %mul3A_405 = vector.broadcast %squeeze3A_369 : f32 to vector<16xf32>
          %mul3A_406 = arith.mulf %get3A_404, %mul3A_405 : vector<16xf32>
          %add3A_407 = arith.addf %scan3A_356, %mul3A_406 : vector<16xf32>
          %get3A_408 = arith.index_cast %add3A_375 : i32 to index
          %get3A_409 = arith.index_cast %scan3A_127 : i32 to index
          %get3A_410 = arith.constant 64 : index
          %get3A_411 = tpu.vector_load %arg5[%get3A_408, %get3A_409, %get3A_410] {strides = array<i32>} : memref<50x8x128xf32, #tpu.memory_space<vmem>>, vector<1x1x16xf32>,
          %get3A_412 = vector.shape_cast %get3A_411 : vector<1x1x16xf32> to vector<16xf32>
          %mul3A_413 = vector.broadcast %squeeze3A_369 : f32 to vector<16xf32>
          %mul3A_414 = arith.mulf %get3A_412, %mul3A_413 : vector<16xf32>
          %add3A_415 = arith.addf %scan3A_357, %mul3A_414 : vector<16xf32>
          %get3A_416 = arith.index_cast %add3A_375 : i32 to index
          %get3A_417 = arith.index_cast %scan3A_127 : i32 to index
          %get3A_418 = arith.constant 80 : index
          %get3A_419 = tpu.vector_load %arg5[%get3A_416, %get3A_417, %get3A_418] {strides = array<i32>} : memref<50x8x128xf32, #tpu.memory_space<vmem>>, vector<1x1x16xf32>,
          %get3A_420 = vector.shape_cast %get3A_419 : vector<1x1x16xf32> to vector<16xf32>
          %mul3A_421 = vector.broadcast %squeeze3A_369 : f32 to vector<16xf32>
          %mul3A_422 = arith.mulf %get3A_420, %mul3A_421 : vector<16xf32>
          %add3A_423 = arith.addf %scan3A_358, %mul3A_422 : vector<16xf32>
          %get3A_424 = arith.index_cast %add3A_375 : i32 to index
          %get3A_425 = arith.index_cast %scan3A_127 : i32 to index
          %get3A_426 = arith.constant 96 : index
          %get3A_427 = tpu.vector_load %arg5[%get3A_424, %get3A_425, %get3A_426] {strides = array<i32>} : memref<50x8x128xf32, #tpu.memory_space<vmem>>, vector<1x1x16xf32>,
          %get3A_428 = vector.shape_cast %get3A_427 : vector<1x1x16xf32> to vector<16xf32>
          %mul3A_429 = vector.broadcast %squeeze3A_369 : f32 to vector<16xf32>
          %mul3A_430 = arith.mulf %get3A_428, %mul3A_429 : vector<16xf32>
          %add3A_431 = arith.addf %scan3A_359, %mul3A_430 : vector<16xf32>
          %get3A_432 = arith.index_cast %add3A_375 : i32 to index
          %get3A_433 = arith.index_cast %scan3A_127 : i32 to index
          %get3A_434 = arith.constant 112 : index
          %get3A_435 = tpu.vector_load %arg5[%get3A_432, %get3A_433, %get3A_434] {strides = array<i32>} : memref<50x8x128xf32, #tpu.memory_space<vmem>>, vector<1x1x16xf32>,
          %get3A_436 = vector.shape_cast %get3A_435 : vector<1x1x16xf32> to vector<16xf32>
          %mul3A_437 = vector.broadcast %squeeze3A_369 : f32 to vector<16xf32>
          %mul3A_438 = arith.mulf %get3A_436, %mul3A_437 : vector<16xf32>
          %add3A_439 = arith.addf %scan3A_360, %mul3A_438 : vector<16xf32>
          %slice3A_440 = vector.extract_strided_slice %get3A_367 {offsets = [1], sizes = [1], strides = [1]} : vector<16xf32> to vector<1xf32>
          %squeeze3A_441 = vector.extract %slice3A_440[0] : f32 from vector<1xf32>
          %add3A_442 = vector.broadcast %squeeze3A_441 : f32 to vector<16xf32>
          %add3A_443 = arith.addf %add3A_371, %add3A_442 : vector<16xf32>
          %mul3A_444 = arith.constant 16 : i32
          %mul3A_445 = arith.muli %scan3A_352, %mul3A_444 : i32
          %add3A_446 = arith.constant 1 : i32
          %add3A_447 = arith.addi %mul3A_445, %add3A_446 : i32
          %get3A_448 = arith.index_cast %add3A_447 : i32 to index
          %get3A_449 = arith.index_cast %scan3A_127 : i32 to index
          %get3A_450 = arith.constant 0 : index
          %get3A_451 = tpu.vector_load %arg5[%get3A_448, %get3A_449, %get3A_450] {strides = array<i32>} : memref<50x8x128xf32, #tpu.memory_space<vmem>>, vector<1x1x16xf32>,
          %get3A_452 = vector.shape_cast %get3A_451 : vector<1x1x16xf32> to vector<16xf32>
          %mul3A_453 = vector.broadcast %squeeze3A_441 : f32 to vector<16xf32>
          %mul3A_454 = arith.mulf %get3A_452, %mul3A_453 : vector<16xf32>
          %add3A_455 = arith.addf %add3A_383, %mul3A_454 : vector<16xf32>
          %get3A_456 = arith.index_cast %add3A_447 : i32 to index
          %get3A_457 = arith.index_cast %scan3A_127 : i32 to index
          %get3A_458 = arith.constant 16 : index
          %get3A_459 = tpu.vector_load %arg5[%get3A_456, %get3A_457, %get3A_458] {strides = array<i32>} : memref<50x8x128xf32, #tpu.memory_space<vmem>>, vector<1x1x16xf32>,
          %get3A_460 = vector.shape_cast %get3A_459 : vector<1x1x16xf32> to vector<16xf32>
          %mul3A_461 = vector.broadcast %squeeze3A_441 : f32 to vector<16xf32>
          %mul3A_462 = arith.mulf %get3A_460, %mul3A_461 : vector<16xf32>
          %add3A_463 = arith.addf %add3A_391, %mul3A_462 : vector<16xf32>
          %get3A_464 = arith.index_cast %add3A_447 : i32 to index
          %get3A_465 = arith.index_cast %scan3A_127 : i32 to index
          %get3A_466 = arith.constant 32 : index
          %get3A_467 = tpu.vector_load %arg5[%get3A_464, %get3A_465, %get3A_466] {strides = array<i32>} : memref<50x8x128xf32, #tpu.memory_space<vmem>>, vector<1x1x16xf32>,
          %get3A_468 = vector.shape_cast %get3A_467 : vector<1x1x16xf32> to vector<16xf32>
          %mul3A_469 = vector.broadcast %squeeze3A_441 : f32 to vector<16xf32>
          %mul3A_470 = arith.mulf %get3A_468, %mul3A_469 : vector<16xf32>
          %add3A_471 = arith.addf %add3A_399, %mul3A_470 : vector<16xf32>
          %get3A_472 = arith.index_cast %add3A_447 : i32 to index
          %get3A_473 = arith.index_cast %scan3A_127 : i32 to index
          %get3A_474 = arith.constant 48 : index
          %get3A_475 = tpu.vector_load %arg5[%get3A_472, %get3A_473, %get3A_474] {strides = array<i32>} : memref<50x8x128xf32, #tpu.memory_space<vmem>>, vector<1x1x16xf32>,
          %get3A_476 = vector.shape_cast %get3A_475 : vector<1x1x16xf32> to vector<16xf32>
          %mul3A_477 = vector.broadcast %squeeze3A_441 : f32 to vector<16xf32>
          %mul3A_478 = arith.mulf %get3A_476, %mul3A_477 : vector<16xf32>
          %add3A_479 = arith.addf %add3A_407, %mul3A_478 : vector<16xf32>
          %get3A_480 = arith.index_cast %add3A_447 : i32 to index
          %get3A_481 = arith.index_cast %scan3A_127 : i32 to index
          %get3A_482 = arith.constant 64 : index
          %get3A_483 = tpu.vector_load %arg5[%get3A_480, %get3A_481, %get3A_482] {strides = array<i32>} : memref<50x8x128xf32, #tpu.memory_space<vmem>>, vector<1x1x16xf32>,
          %get3A_484 = vector.shape_cast %get3A_483 : vector<1x1x16xf32> to vector<16xf32>
          %mul3A_485 = vector.broadcast %squeeze3A_441 : f32 to vector<16xf32>
          %mul3A_486 = arith.mulf %get3A_484, %mul3A_485 : vector<16xf32>
          %add3A_487 = arith.addf %add3A_415, %mul3A_486 : vector<16xf32>
          %get3A_488 = arith.index_cast %add3A_447 : i32 to index
          %get3A_489 = arith.index_cast %scan3A_127 : i32 to index
          %get3A_490 = arith.constant 80 : index
          %get3A_491 = tpu.vector_load %arg5[%get3A_488, %get3A_489, %get3A_490] {strides = array<i32>} : memref<50x8x128xf32, #tpu.memory_space<vmem>>, vector<1x1x16xf32>,
          %get3A_492 = vector.shape_cast %get3A_491 : vector<1x1x16xf32> to vector<16xf32>
          %mul3A_493 = vector.broadcast %squeeze3A_441 : f32 to vector<16xf32>
          %mul3A_494 = arith.mulf %get3A_492, %mul3A_493 : vector<16xf32>
          %add3A_495 = arith.addf %add3A_423, %mul3A_494 : vector<16xf32>
          %get3A_496 = arith.index_cast %add3A_447 : i32 to index
          %get3A_497 = arith.index_cast %scan3A_127 : i32 to index
          %get3A_498 = arith.constant 96 : index
          %get3A_499 = tpu.vector_load %arg5[%get3A_496, %get3A_497, %get3A_498] {strides = array<i32>} : memref<50x8x128xf32, #tpu.memory_space<vmem>>, vector<1x1x16xf32>,
          %get3A_500 = vector.shape_cast %get3A_499 : vector<1x1x16xf32> to vector<16xf32>
          %mul3A_501 = vector.broadcast %squeeze3A_441 : f32 to vector<16xf32>
          %mul3A_502 = arith.mulf %get3A_500, %mul3A_501 : vector<16xf32>
          %add3A_503 = arith.addf %add3A_431, %mul3A_502 : vector<16xf32>
          %get3A_504 = arith.index_cast %add3A_447 : i32 to index
          %get3A_505 = arith.index_cast %scan3A_127 : i32 to index
          %get3A_506 = arith.constant 112 : index
          %get3A_507 = tpu.vector_load %arg5[%get3A_504, %get3A_505, %get3A_506] {strides = array<i32>} : memref<50x8x128xf32, #tpu.memory_space<vmem>>, vector<1x1x16xf32>,
          %get3A_508 = vector.shape_cast %get3A_507 : vector<1x1x16xf32> to vector<16xf32>
          %mul3A_509 = vector.broadcast %squeeze3A_441 : f32 to vector<16xf32>
          %mul3A_510 = arith.mulf %get3A_508, %mul3A_509 : vector<16xf32>
          %add3A_511 = arith.addf %add3A_439, %mul3A_510 : vector<16xf32>
          %slice3A_512 = vector.extract_strided_slice %get3A_367 {offsets = [2], sizes = [1], strides = [1]} : vector<16xf32> to vector<1xf32>
          %squeeze3A_513 = vector.extract %slice3A_512[0] : f32 from vector<1xf32>
          %add3A_514 = vector.broadcast %squeeze3A_513 : f32 to vector<16xf32>
          %add3A_515 = arith.addf %add3A_443, %add3A_514 : vector<16xf32>
          %mul3A_516 = arith.constant 16 : i32
          %mul3A_517 = arith.muli %scan3A_352, %mul3A_516 : i32
          %add3A_518 = arith.constant 2 : i32
          %add3A_519 = arith.addi %mul3A_517, %add3A_518 : i32
          %get3A_520 = arith.index_cast %add3A_519 : i32 to index
          %get3A_521 = arith.index_cast %scan3A_127 : i32 to index
          %get3A_522 = arith.constant 0 : index
          %get3A_523 = tpu.vector_load %arg5[%get3A_520, %get3A_521, %get3A_522] {strides = array<i32>} : memref<50x8x128xf32, #tpu.memory_space<vmem>>, vector<1x1x16xf32>,
          %get3A_524 = vector.shape_cast %get3A_523 : vector<1x1x16xf32> to vector<16xf32>
          %mul3A_525 = vector.broadcast %squeeze3A_513 : f32 to vector<16xf32>
          %mul3A_526 = arith.mulf %get3A_524, %mul3A_525 : vector<16xf32>
          %add3A_527 = arith.addf %add3A_455, %mul3A_526 : vector<16xf32>
          %get3A_528 = arith.index_cast %add3A_519 : i32 to index
          %get3A_529 = arith.index_cast %scan3A_127 : i32 to index
          %get3A_530 = arith.constant 16 : index
          %get3A_531 = tpu.vector_load %arg5[%get3A_528, %get3A_529, %get3A_530] {strides = array<i32>} : memref<50x8x128xf32, #tpu.memory_space<vmem>>, vector<1x1x16xf32>,
          %get3A_532 = vector.shape_cast %get3A_531 : vector<1x1x16xf32> to vector<16xf32>
          %mul3A_533 = vector.broadcast %squeeze3A_513 : f32 to vector<16xf32>
          %mul3A_534 = arith.mulf %get3A_532, %mul3A_533 : vector<16xf32>
          %add3A_535 = arith.addf %add3A_463, %mul3A_534 : vector<16xf32>
          %get3A_536 = arith.index_cast %add3A_519 : i32 to index
          %get3A_537 = arith.index_cast %scan3A_127 : i32 to index
          %get3A_538 = arith.constant 32 : index
          %get3A_539 = tpu.vector_load %arg5[%get3A_536, %get3A_537, %get3A_538] {strides = array<i32>} : memref<50x8x128xf32, #tpu.memory_space<vmem>>, vector<1x1x16xf32>,
          %get3A_540 = vector.shape_cast %get3A_539 : vector<1x1x16xf32> to vector<16xf32>
          %mul3A_541 = vector.broadcast %squeeze3A_513 : f32 to vector<16xf32>
          %mul3A_542 = arith.mulf %get3A_540, %mul3A_541 : vector<16xf32>
          %add3A_543 = arith.addf %add3A_471, %mul3A_542 : vector<16xf32>
          %get3A_544 = arith.index_cast %add3A_519 : i32 to index
          %get3A_545 = arith.index_cast %scan3A_127 : i32 to index
          %get3A_546 = arith.constant 48 : index
          %get3A_547 = tpu.vector_load %arg5[%get3A_544, %get3A_545, %get3A_546] {strides = array<i32>} : memref<50x8x128xf32, #tpu.memory_space<vmem>>, vector<1x1x16xf32>,
          %get3A_548 = vector.shape_cast %get3A_547 : vector<1x1x16xf32> to vector<16xf32>
          %mul3A_549 = vector.broadcast %squeeze3A_513 : f32 to vector<16xf32>
          %mul3A_550 = arith.mulf %get3A_548, %mul3A_549 : vector<16xf32>
          %add3A_551 = arith.addf %add3A_479, %mul3A_550 : vector<16xf32>
          %get3A_552 = arith.index_cast %add3A_519 : i32 to index
          %get3A_553 = arith.index_cast %scan3A_127 : i32 to index
          %get3A_554 = arith.constant 64 : index
          %get3A_555 = tpu.vector_load %arg5[%get3A_552, %get3A_553, %get3A_554] {strides = array<i32>} : memref<50x8x128xf32, #tpu.memory_space<vmem>>, vector<1x1x16xf32>,
          %get3A_556 = vector.shape_cast %get3A_555 : vector<1x1x16xf32> to vector<16xf32>
          %mul3A_557 = vector.broadcast %squeeze3A_513 : f32 to vector<16xf32>
          %mul3A_558 = arith.mulf %get3A_556, %mul3A_557 : vector<16xf32>
          %add3A_559 = arith.addf %add3A_487, %mul3A_558 : vector<16xf32>
          %get3A_560 = arith.index_cast %add3A_519 : i32 to index
          %get3A_561 = arith.index_cast %scan3A_127 : i32 to index
          %get3A_562 = arith.constant 80 : index
          %get3A_563 = tpu.vector_load %arg5[%get3A_560, %get3A_561, %get3A_562] {strides = array<i32>} : memref<50x8x128xf32, #tpu.memory_space<vmem>>, vector<1x1x16xf32>,
          %get3A_564 = vector.shape_cast %get3A_563 : vector<1x1x16xf32> to vector<16xf32>
          %mul3A_565 = vector.broadcast %squeeze3A_513 : f32 to vector<16xf32>
          %mul3A_566 = arith.mulf %get3A_564, %mul3A_565 : vector<16xf32>
          %add3A_567 = arith.addf %add3A_495, %mul3A_566 : vector<16xf32>
          %get3A_568 = arith.index_cast %add3A_519 : i32 to index
          %get3A_569 = arith.index_cast %scan3A_127 : i32 to index
          %get3A_570 = arith.constant 96 : index
          %get3A_571 = tpu.vector_load %arg5[%get3A_568, %get3A_569, %get3A_570] {strides = array<i32>} : memref<50x8x128xf32, #tpu.memory_space<vmem>>, vector<1x1x16xf32>,
          %get3A_572 = vector.shape_cast %get3A_571 : vector<1x1x16xf32> to vector<16xf32>
          %mul3A_573 = vector.broadcast %squeeze3A_513 : f32 to vector<16xf32>
          %mul3A_574 = arith.mulf %get3A_572, %mul3A_573 : vector<16xf32>
          %add3A_575 = arith.addf %add3A_503, %mul3A_574 : vector<16xf32>
          %get3A_576 = arith.index_cast %add3A_519 : i32 to index
          %get3A_577 = arith.index_cast %scan3A_127 : i32 to index
          %get3A_578 = arith.constant 112 : index
          %get3A_579 = tpu.vector_load %arg5[%get3A_576, %get3A_577, %get3A_578] {strides = array<i32>} : memref<50x8x128xf32, #tpu.memory_space<vmem>>, vector<1x1x16xf32>,
          %get3A_580 = vector.shape_cast %get3A_579 : vector<1x1x16xf32> to vector<16xf32>
          %mul3A_581 = vector.broadcast %squeeze3A_513 : f32 to vector<16xf32>
          %mul3A_582 = arith.mulf %get3A_580, %mul3A_581 : vector<16xf32>
          %add3A_583 = arith.addf %add3A_511, %mul3A_582 : vector<16xf32>
          %slice3A_584 = vector.extract_strided_slice %get3A_367 {offsets = [3], sizes = [1], strides = [1]} : vector<16xf32> to vector<1xf32>
          %squeeze3A_585 = vector.extract %slice3A_584[0] : f32 from vector<1xf32>
          %add3A_586 = vector.broadcast %squeeze3A_585 : f32 to vector<16xf32>
          %add3A_587 = arith.addf %add3A_515, %add3A_586 : vector<16xf32>
          %mul3A_588 = arith.constant 16 : i32
          %mul3A_589 = arith.muli %scan3A_352, %mul3A_588 : i32
          %add3A_590 = arith.constant 3 : i32
          %add3A_591 = arith.addi %mul3A_589, %add3A_590 : i32
          %get3A_592 = arith.index_cast %add3A_591 : i32 to index
          %get3A_593 = arith.index_cast %scan3A_127 : i32 to index
          %get3A_594 = arith.constant 0 : index
          %get3A_595 = tpu.vector_load %arg5[%get3A_592, %get3A_593, %get3A_594] {strides = array<i32>} : memref<50x8x128xf32, #tpu.memory_space<vmem>>, vector<1x1x16xf32>,
          %get3A_596 = vector.shape_cast %get3A_595 : vector<1x1x16xf32> to vector<16xf32>
          %mul3A_597 = vector.broadcast %squeeze3A_585 : f32 to vector<16xf32>
          %mul3A_598 = arith.mulf %get3A_596, %mul3A_597 : vector<16xf32>
          %add3A_599 = arith.addf %add3A_527, %mul3A_598 : vector<16xf32>
          %get3A_600 = arith.index_cast %add3A_591 : i32 to index
          %get3A_601 = arith.index_cast %scan3A_127 : i32 to index
          %get3A_602 = arith.constant 16 : index
          %get3A_603 = tpu.vector_load %arg5[%get3A_600, %get3A_601, %get3A_602] {strides = array<i32>} : memref<50x8x128xf32, #tpu.memory_space<vmem>>, vector<1x1x16xf32>,
          %get3A_604 = vector.shape_cast %get3A_603 : vector<1x1x16xf32> to vector<16xf32>
          %mul3A_605 = vector.broadcast %squeeze3A_585 : f32 to vector<16xf32>
          %mul3A_606 = arith.mulf %get3A_604, %mul3A_605 : vector<16xf32>
          %add3A_607 = arith.addf %add3A_535, %mul3A_606 : vector<16xf32>
          %get3A_608 = arith.index_cast %add3A_591 : i32 to index
          %get3A_609 = arith.index_cast %scan3A_127 : i32 to index
          %get3A_610 = arith.constant 32 : index
          %get3A_611 = tpu.vector_load %arg5[%get3A_608, %get3A_609, %get3A_610] {strides = array<i32>} : memref<50x8x128xf32, #tpu.memory_space<vmem>>, vector<1x1x16xf32>,
          %get3A_612 = vector.shape_cast %get3A_611 : vector<1x1x16xf32> to vector<16xf32>
          %mul3A_613 = vector.broadcast %squeeze3A_585 : f32 to vector<16xf32>
          %mul3A_614 = arith.mulf %get3A_612, %mul3A_613 : vector<16xf32>
          %add3A_615 = arith.addf %add3A_543, %mul3A_614 : vector<16xf32>
          %get3A_616 = arith.index_cast %add3A_591 : i32 to index
          %get3A_617 = arith.index_cast %scan3A_127 : i32 to index
          %get3A_618 = arith.constant 48 : index
          %get3A_619 = tpu.vector_load %arg5[%get3A_616, %get3A_617, %get3A_618] {strides = array<i32>} : memref<50x8x128xf32, #tpu.memory_space<vmem>>, vector<1x1x16xf32>,
          %get3A_620 = vector.shape_cast %get3A_619 : vector<1x1x16xf32> to vector<16xf32>
          %mul3A_621 = vector.broadcast %squeeze3A_585 : f32 to vector<16xf32>
          %mul3A_622 = arith.mulf %get3A_620, %mul3A_621 : vector<16xf32>
          %add3A_623 = arith.addf %add3A_551, %mul3A_622 : vector<16xf32>
          %get3A_624 = arith.index_cast %add3A_591 : i32 to index
          %get3A_625 = arith.index_cast %scan3A_127 : i32 to index
          %get3A_626 = arith.constant 64 : index
          %get3A_627 = tpu.vector_load %arg5[%get3A_624, %get3A_625, %get3A_626] {strides = array<i32>} : memref<50x8x128xf32, #tpu.memory_space<vmem>>, vector<1x1x16xf32>,
          %get3A_628 = vector.shape_cast %get3A_627 : vector<1x1x16xf32> to vector<16xf32>
          %mul3A_629 = vector.broadcast %squeeze3A_585 : f32 to vector<16xf32>
          %mul3A_630 = arith.mulf %get3A_628, %mul3A_629 : vector<16xf32>
          %add3A_631 = arith.addf %add3A_559, %mul3A_630 : vector<16xf32>
          %get3A_632 = arith.index_cast %add3A_591 : i32 to index
          %get3A_633 = arith.index_cast %scan3A_127 : i32 to index
          %get3A_634 = arith.constant 80 : index
          %get3A_635 = tpu.vector_load %arg5[%get3A_632, %get3A_633, %get3A_634] {strides = array<i32>} : memref<50x8x128xf32, #tpu.memory_space<vmem>>, vector<1x1x16xf32>,
          %get3A_636 = vector.shape_cast %get3A_635 : vector<1x1x16xf32> to vector<16xf32>
          %mul3A_637 = vector.broadcast %squeeze3A_585 : f32 to vector<16xf32>
          %mul3A_638 = arith.mulf %get3A_636, %mul3A_637 : vector<16xf32>
          %add3A_639 = arith.addf %add3A_567, %mul3A_638 : vector<16xf32>
          %get3A_640 = arith.index_cast %add3A_591 : i32 to index
          %get3A_641 = arith.index_cast %scan3A_127 : i32 to index
          %get3A_642 = arith.constant 96 : index
          %get3A_643 = tpu.vector_load %arg5[%get3A_640, %get3A_641, %get3A_642] {strides = array<i32>} : memref<50x8x128xf32, #tpu.memory_space<vmem>>, vector<1x1x16xf32>,
          %get3A_644 = vector.shape_cast %get3A_643 : vector<1x1x16xf32> to vector<16xf32>
          %mul3A_645 = vector.broadcast %squeeze3A_585 : f32 to vector<16xf32>
          %mul3A_646 = arith.mulf %get3A_644, %mul3A_645 : vector<16xf32>
          %add3A_647 = arith.addf %add3A_575, %mul3A_646 : vector<16xf32>
          %get3A_648 = arith.index_cast %add3A_591 : i32 to index
          %get3A_649 = arith.index_cast %scan3A_127 : i32 to index
          %get3A_650 = arith.constant 112 : index
          %get3A_651 = tpu.vector_load %arg5[%get3A_648, %get3A_649, %get3A_650] {strides = array<i32>} : memref<50x8x128xf32, #tpu.memory_space<vmem>>, vector<1x1x16xf32>,
          %get3A_652 = vector.shape_cast %get3A_651 : vector<1x1x16xf32> to vector<16xf32>
          %mul3A_653 = vector.broadcast %squeeze3A_585 : f32 to vector<16xf32>
          %mul3A_654 = arith.mulf %get3A_652, %mul3A_653 : vector<16xf32>
          %add3A_655 = arith.addf %add3A_583, %mul3A_654 : vector<16xf32>
          %slice3A_656 = vector.extract_strided_slice %get3A_367 {offsets = [4], sizes = [1], strides = [1]} : vector<16xf32> to vector<1xf32>
          %squeeze3A_657 = vector.extract %slice3A_656[0] : f32 from vector<1xf32>
          %add3A_658 = vector.broadcast %squeeze3A_657 : f32 to vector<16xf32>
          %add3A_659 = arith.addf %add3A_587, %add3A_658 : vector<16xf32>
          %mul3A_660 = arith.constant 16 : i32
          %mul3A_661 = arith.muli %scan3A_352, %mul3A_660 : i32
          %add3A_662 = arith.constant 4 : i32
          %add3A_663 = arith.addi %mul3A_661, %add3A_662 : i32
          %get3A_664 = arith.index_cast %add3A_663 : i32 to index
          %get3A_665 = arith.index_cast %scan3A_127 : i32 to index
          %get3A_666 = arith.constant 0 : index
          %get3A_667 = tpu.vector_load %arg5[%get3A_664, %get3A_665, %get3A_666] {strides = array<i32>} : memref<50x8x128xf32, #tpu.memory_space<vmem>>, vector<1x1x16xf32>,
          %get3A_668 = vector.shape_cast %get3A_667 : vector<1x1x16xf32> to vector<16xf32>
          %mul3A_669 = vector.broadcast %squeeze3A_657 : f32 to vector<16xf32>
          %mul3A_670 = arith.mulf %get3A_668, %mul3A_669 : vector<16xf32>
          %add3A_671 = arith.addf %add3A_599, %mul3A_670 : vector<16xf32>
          %get3A_672 = arith.index_cast %add3A_663 : i32 to index
          %get3A_673 = arith.index_cast %scan3A_127 : i32 to index
          %get3A_674 = arith.constant 16 : index
          %get3A_675 = tpu.vector_load %arg5[%get3A_672, %get3A_673, %get3A_674] {strides = array<i32>} : memref<50x8x128xf32, #tpu.memory_space<vmem>>, vector<1x1x16xf32>,
          %get3A_676 = vector.shape_cast %get3A_675 : vector<1x1x16xf32> to vector<16xf32>
          %mul3A_677 = vector.broadcast %squeeze3A_657 : f32 to vector<16xf32>
          %mul3A_678 = arith.mulf %get3A_676, %mul3A_677 : vector<16xf32>
          %add3A_679 = arith.addf %add3A_607, %mul3A_678 : vector<16xf32>
          %get3A_680 = arith.index_cast %add3A_663 : i32 to index
          %get3A_681 = arith.index_cast %scan3A_127 : i32 to index
          %get3A_682 = arith.constant 32 : index
          %get3A_683 = tpu.vector_load %arg5[%get3A_680, %get3A_681, %get3A_682] {strides = array<i32>} : memref<50x8x128xf32, #tpu.memory_space<vmem>>, vector<1x1x16xf32>,
          %get3A_684 = vector.shape_cast %get3A_683 : vector<1x1x16xf32> to vector<16xf32>
          %mul3A_685 = vector.broadcast %squeeze3A_657 : f32 to vector<16xf32>
          %mul3A_686 = arith.mulf %get3A_684, %mul3A_685 : vector<16xf32>
          %add3A_687 = arith.addf %add3A_615, %mul3A_686 : vector<16xf32>
          %get3A_688 = arith.index_cast %add3A_663 : i32 to index
          %get3A_689 = arith.index_cast %scan3A_127 : i32 to index
          %get3A_690 = arith.constant 48 : index
          %get3A_691 = tpu.vector_load %arg5[%get3A_688, %get3A_689, %get3A_690] {strides = array<i32>} : memref<50x8x128xf32, #tpu.memory_space<vmem>>, vector<1x1x16xf32>,
          %get3A_692 = vector.shape_cast %get3A_691 : vector<1x1x16xf32> to vector<16xf32>
          %mul3A_693 = vector.broadcast %squeeze3A_657 : f32 to vector<16xf32>
          %mul3A_694 = arith.mulf %get3A_692, %mul3A_693 : vector<16xf32>
          %add3A_695 = arith.addf %add3A_623, %mul3A_694 : vector<16xf32>
          %get3A_696 = arith.index_cast %add3A_663 : i32 to index
          %get3A_697 = arith.index_cast %scan3A_127 : i32 to index
          %get3A_698 = arith.constant 64 : index
          %get3A_699 = tpu.vector_load %arg5[%get3A_696, %get3A_697, %get3A_698] {strides = array<i32>} : memref<50x8x128xf32, #tpu.memory_space<vmem>>, vector<1x1x16xf32>,
          %get3A_700 = vector.shape_cast %get3A_699 : vector<1x1x16xf32> to vector<16xf32>
          %mul3A_701 = vector.broadcast %squeeze3A_657 : f32 to vector<16xf32>
          %mul3A_702 = arith.mulf %get3A_700, %mul3A_701 : vector<16xf32>
          %add3A_703 = arith.addf %add3A_631, %mul3A_702 : vector<16xf32>
          %get3A_704 = arith.index_cast %add3A_663 : i32 to index
          %get3A_705 = arith.index_cast %scan3A_127 : i32 to index
          %get3A_706 = arith.constant 80 : index
          %get3A_707 = tpu.vector_load %arg5[%get3A_704, %get3A_705, %get3A_706] {strides = array<i32>} : memref<50x8x128xf32, #tpu.memory_space<vmem>>, vector<1x1x16xf32>,
          %get3A_708 = vector.shape_cast %get3A_707 : vector<1x1x16xf32> to vector<16xf32>
          %mul3A_709 = vector.broadcast %squeeze3A_657 : f32 to vector<16xf32>
          %mul3A_710 = arith.mulf %get3A_708, %mul3A_709 : vector<16xf32>
          %add3A_711 = arith.addf %add3A_639, %mul3A_710 : vector<16xf32>
          %get3A_712 = arith.index_cast %add3A_663 : i32 to index
          %get3A_713 = arith.index_cast %scan3A_127 : i32 to index
          %get3A_714 = arith.constant 96 : index
          %get3A_715 = tpu.vector_load %arg5[%get3A_712, %get3A_713, %get3A_714] {strides = array<i32>} : memref<50x8x128xf32, #tpu.memory_space<vmem>>, vector<1x1x16xf32>,
          %get3A_716 = vector.shape_cast %get3A_715 : vector<1x1x16xf32> to vector<16xf32>
          %mul3A_717 = vector.broadcast %squeeze3A_657 : f32 to vector<16xf32>
          %mul3A_718 = arith.mulf %get3A_716, %mul3A_717 : vector<16xf32>
          %add3A_719 = arith.addf %add3A_647, %mul3A_718 : vector<16xf32>
          %get3A_720 = arith.index_cast %add3A_663 : i32 to index
          %get3A_721 = arith.index_cast %scan3A_127 : i32 to index
          %get3A_722 = arith.constant 112 : index
          %get3A_723 = tpu.vector_load %arg5[%get3A_720, %get3A_721, %get3A_722] {strides = array<i32>} : memref<50x8x128xf32, #tpu.memory_space<vmem>>, vector<1x1x16xf32>,
          %get3A_724 = vector.shape_cast %get3A_723 : vector<1x1x16xf32> to vector<16xf32>
          %mul3A_725 = vector.broadcast %squeeze3A_657 : f32 to vector<16xf32>
          %mul3A_726 = arith.mulf %get3A_724, %mul3A_725 : vector<16xf32>
          %add3A_727 = arith.addf %add3A_655, %mul3A_726 : vector<16xf32>
          %slice3A_728 = vector.extract_strided_slice %get3A_367 {offsets = [5], sizes = [1], strides = [1]} : vector<16xf32> to vector<1xf32>
          %squeeze3A_729 = vector.extract %slice3A_728[0] : f32 from vector<1xf32>
          %add3A_730 = vector.broadcast %squeeze3A_729 : f32 to vector<16xf32>
          %add3A_731 = arith.addf %add3A_659, %add3A_730 : vector<16xf32>
          %mul3A_732 = arith.constant 16 : i32
          %mul3A_733 = arith.muli %scan3A_352, %mul3A_732 : i32
          %add3A_734 = arith.constant 5 : i32
          %add3A_735 = arith.addi %mul3A_733, %add3A_734 : i32
          %get3A_736 = arith.index_cast %add3A_735 : i32 to index
          %get3A_737 = arith.index_cast %scan3A_127 : i32 to index
          %get3A_738 = arith.constant 0 : index
          %get3A_739 = tpu.vector_load %arg5[%get3A_736, %get3A_737, %get3A_738] {strides = array<i32>} : memref<50x8x128xf32, #tpu.memory_space<vmem>>, vector<1x1x16xf32>,
          %get3A_740 = vector.shape_cast %get3A_739 : vector<1x1x16xf32> to vector<16xf32>
          %mul3A_741 = vector.broadcast %squeeze3A_729 : f32 to vector<16xf32>
          %mul3A_742 = arith.mulf %get3A_740, %mul3A_741 : vector<16xf32>
          %add3A_743 = arith.addf %add3A_671, %mul3A_742 : vector<16xf32>
          %get3A_744 = arith.index_cast %add3A_735 : i32 to index
          %get3A_745 = arith.index_cast %scan3A_127 : i32 to index
          %get3A_746 = arith.constant 16 : index
          %get3A_747 = tpu.vector_load %arg5[%get3A_744, %get3A_745, %get3A_746] {strides = array<i32>} : memref<50x8x128xf32, #tpu.memory_space<vmem>>, vector<1x1x16xf32>,
          %get3A_748 = vector.shape_cast %get3A_747 : vector<1x1x16xf32> to vector<16xf32>
          %mul3A_749 = vector.broadcast %squeeze3A_729 : f32 to vector<16xf32>
          %mul3A_750 = arith.mulf %get3A_748, %mul3A_749 : vector<16xf32>
          %add3A_751 = arith.addf %add3A_679, %mul3A_750 : vector<16xf32>
          %get3A_752 = arith.index_cast %add3A_735 : i32 to index
          %get3A_753 = arith.index_cast %scan3A_127 : i32 to index
          %get3A_754 = arith.constant 32 : index
          %get3A_755 = tpu.vector_load %arg5[%get3A_752, %get3A_753, %get3A_754] {strides = array<i32>} : memref<50x8x128xf32, #tpu.memory_space<vmem>>, vector<1x1x16xf32>,
          %get3A_756 = vector.shape_cast %get3A_755 : vector<1x1x16xf32> to vector<16xf32>
          %mul3A_757 = vector.broadcast %squeeze3A_729 : f32 to vector<16xf32>
          %mul3A_758 = arith.mulf %get3A_756, %mul3A_757 : vector<16xf32>
          %add3A_759 = arith.addf %add3A_687, %mul3A_758 : vector<16xf32>
          %get3A_760 = arith.index_cast %add3A_735 : i32 to index
          %get3A_761 = arith.index_cast %scan3A_127 : i32 to index
          %get3A_762 = arith.constant 48 : index
          %get3A_763 = tpu.vector_load %arg5[%get3A_760, %get3A_761, %get3A_762] {strides = array<i32>} : memref<50x8x128xf32, #tpu.memory_space<vmem>>, vector<1x1x16xf32>,
          %get3A_764 = vector.shape_cast %get3A_763 : vector<1x1x16xf32> to vector<16xf32>
          %mul3A_765 = vector.broadcast %squeeze3A_729 : f32 to vector<16xf32>
          %mul3A_766 = arith.mulf %get3A_764, %mul3A_765 : vector<16xf32>
          %add3A_767 = arith.addf %add3A_695, %mul3A_766 : vector<16xf32>
          %get3A_768 = arith.index_cast %add3A_735 : i32 to index
          %get3A_769 = arith.index_cast %scan3A_127 : i32 to index
          %get3A_770 = arith.constant 64 : index
          %get3A_771 = tpu.vector_load %arg5[%get3A_768, %get3A_769, %get3A_770] {strides = array<i32>} : memref<50x8x128xf32, #tpu.memory_space<vmem>>, vector<1x1x16xf32>,
          %get3A_772 = vector.shape_cast %get3A_771 : vector<1x1x16xf32> to vector<16xf32>
          %mul3A_773 = vector.broadcast %squeeze3A_729 : f32 to vector<16xf32>
          %mul3A_774 = arith.mulf %get3A_772, %mul3A_773 : vector<16xf32>
          %add3A_775 = arith.addf %add3A_703, %mul3A_774 : vector<16xf32>
          %get3A_776 = arith.index_cast %add3A_735 : i32 to index
          %get3A_777 = arith.index_cast %scan3A_127 : i32 to index
          %get3A_778 = arith.constant 80 : index
          %get3A_779 = tpu.vector_load %arg5[%get3A_776, %get3A_777, %get3A_778] {strides = array<i32>} : memref<50x8x128xf32, #tpu.memory_space<vmem>>, vector<1x1x16xf32>,
          %get3A_780 = vector.shape_cast %get3A_779 : vector<1x1x16xf32> to vector<16xf32>
          %mul3A_781 = vector.broadcast %squeeze3A_729 : f32 to vector<16xf32>
          %mul3A_782 = arith.mulf %get3A_780, %mul3A_781 : vector<16xf32>
          %add3A_783 = arith.addf %add3A_711, %mul3A_782 : vector<16xf32>
          %get3A_784 = arith.index_cast %add3A_735 : i32 to index
          %get3A_785 = arith.index_cast %scan3A_127 : i32 to index
          %get3A_786 = arith.constant 96 : index
          %get3A_787 = tpu.vector_load %arg5[%get3A_784, %get3A_785, %get3A_786] {strides = array<i32>} : memref<50x8x128xf32, #tpu.memory_space<vmem>>, vector<1x1x16xf32>,
          %get3A_788 = vector.shape_cast %get3A_787 : vector<1x1x16xf32> to vector<16xf32>
          %mul3A_789 = vector.broadcast %squeeze3A_729 : f32 to vector<16xf32>
          %mul3A_790 = arith.mulf %get3A_788, %mul3A_789 : vector<16xf32>
          %add3A_791 = arith.addf %add3A_719, %mul3A_790 : vector<16xf32>
          %get3A_792 = arith.index_cast %add3A_735 : i32 to index
          %get3A_793 = arith.index_cast %scan3A_127 : i32 to index
          %get3A_794 = arith.constant 112 : index
          %get3A_795 = tpu.vector_load %arg5[%get3A_792, %get3A_793, %get3A_794] {strides = array<i32>} : memref<50x8x128xf32, #tpu.memory_space<vmem>>, vector<1x1x16xf32>,
          %get3A_796 = vector.shape_cast %get3A_795 : vector<1x1x16xf32> to vector<16xf32>
          %mul3A_797 = vector.broadcast %squeeze3A_729 : f32 to vector<16xf32>
          %mul3A_798 = arith.mulf %get3A_796, %mul3A_797 : vector<16xf32>
          %add3A_799 = arith.addf %add3A_727, %mul3A_798 : vector<16xf32>
          %slice3A_800 = vector.extract_strided_slice %get3A_367 {offsets = [6], sizes = [1], strides = [1]} : vector<16xf32> to vector<1xf32>
          %squeeze3A_801 = vector.extract %slice3A_800[0] : f32 from vector<1xf32>
          %add3A_802 = vector.broadcast %squeeze3A_801 : f32 to vector<16xf32>
          %add3A_803 = arith.addf %add3A_731, %add3A_802 : vector<16xf32>
          %mul3A_804 = arith.constant 16 : i32
          %mul3A_805 = arith.muli %scan3A_352, %mul3A_804 : i32
          %add3A_806 = arith.constant 6 : i32
          %add3A_807 = arith.addi %mul3A_805, %add3A_806 : i32
          %get3A_808 = arith.index_cast %add3A_807 : i32 to index
          %get3A_809 = arith.index_cast %scan3A_127 : i32 to index
          %get3A_810 = arith.constant 0 : index
          %get3A_811 = tpu.vector_load %arg5[%get3A_808, %get3A_809, %get3A_810] {strides = array<i32>} : memref<50x8x128xf32, #tpu.memory_space<vmem>>, vector<1x1x16xf32>,
          %get3A_812 = vector.shape_cast %get3A_811 : vector<1x1x16xf32> to vector<16xf32>
          %mul3A_813 = vector.broadcast %squeeze3A_801 : f32 to vector<16xf32>
          %mul3A_814 = arith.mulf %get3A_812, %mul3A_813 : vector<16xf32>
          %add3A_815 = arith.addf %add3A_743, %mul3A_814 : vector<16xf32>
          %get3A_816 = arith.index_cast %add3A_807 : i32 to index
          %get3A_817 = arith.index_cast %scan3A_127 : i32 to index
          %get3A_818 = arith.constant 16 : index
          %get3A_819 = tpu.vector_load %arg5[%get3A_816, %get3A_817, %get3A_818] {strides = array<i32>} : memref<50x8x128xf32, #tpu.memory_space<vmem>>, vector<1x1x16xf32>,
          %get3A_820 = vector.shape_cast %get3A_819 : vector<1x1x16xf32> to vector<16xf32>
          %mul3A_821 = vector.broadcast %squeeze3A_801 : f32 to vector<16xf32>
          %mul3A_822 = arith.mulf %get3A_820, %mul3A_821 : vector<16xf32>
          %add3A_823 = arith.addf %add3A_751, %mul3A_822 : vector<16xf32>
          %get3A_824 = arith.index_cast %add3A_807 : i32 to index
          %get3A_825 = arith.index_cast %scan3A_127 : i32 to index
          %get3A_826 = arith.constant 32 : index
          %get3A_827 = tpu.vector_load %arg5[%get3A_824, %get3A_825, %get3A_826] {strides = array<i32>} : memref<50x8x128xf32, #tpu.memory_space<vmem>>, vector<1x1x16xf32>,
          %get3A_828 = vector.shape_cast %get3A_827 : vector<1x1x16xf32> to vector<16xf32>
          %mul3A_829 = vector.broadcast %squeeze3A_801 : f32 to vector<16xf32>
          %mul3A_830 = arith.mulf %get3A_828, %mul3A_829 : vector<16xf32>
          %add3A_831 = arith.addf %add3A_759, %mul3A_830 : vector<16xf32>
          %get3A_832 = arith.index_cast %add3A_807 : i32 to index
          %get3A_833 = arith.index_cast %scan3A_127 : i32 to index
          %get3A_834 = arith.constant 48 : index
          %get3A_835 = tpu.vector_load %arg5[%get3A_832, %get3A_833, %get3A_834] {strides = array<i32>} : memref<50x8x128xf32, #tpu.memory_space<vmem>>, vector<1x1x16xf32>,
          %get3A_836 = vector.shape_cast %get3A_835 : vector<1x1x16xf32> to vector<16xf32>
          %mul3A_837 = vector.broadcast %squeeze3A_801 : f32 to vector<16xf32>
          %mul3A_838 = arith.mulf %get3A_836, %mul3A_837 : vector<16xf32>
          %add3A_839 = arith.addf %add3A_767, %mul3A_838 : vector<16xf32>
          %get3A_840 = arith.index_cast %add3A_807 : i32 to index
          %get3A_841 = arith.index_cast %scan3A_127 : i32 to index
          %get3A_842 = arith.constant 64 : index
          %get3A_843 = tpu.vector_load %arg5[%get3A_840, %get3A_841, %get3A_842] {strides = array<i32>} : memref<50x8x128xf32, #tpu.memory_space<vmem>>, vector<1x1x16xf32>,
          %get3A_844 = vector.shape_cast %get3A_843 : vector<1x1x16xf32> to vector<16xf32>
          %mul3A_845 = vector.broadcast %squeeze3A_801 : f32 to vector<16xf32>
          %mul3A_846 = arith.mulf %get3A_844, %mul3A_845 : vector<16xf32>
          %add3A_847 = arith.addf %add3A_775, %mul3A_846 : vector<16xf32>
          %get3A_848 = arith.index_cast %add3A_807 : i32 to index
          %get3A_849 = arith.index_cast %scan3A_127 : i32 to index
          %get3A_850 = arith.constant 80 : index
          %get3A_851 = tpu.vector_load %arg5[%get3A_848, %get3A_849, %get3A_850] {strides = array<i32>} : memref<50x8x128xf32, #tpu.memory_space<vmem>>, vector<1x1x16xf32>,
          %get3A_852 = vector.shape_cast %get3A_851 : vector<1x1x16xf32> to vector<16xf32>
          %mul3A_853 = vector.broadcast %squeeze3A_801 : f32 to vector<16xf32>
          %mul3A_854 = arith.mulf %get3A_852, %mul3A_853 : vector<16xf32>
          %add3A_855 = arith.addf %add3A_783, %mul3A_854 : vector<16xf32>
          %get3A_856 = arith.index_cast %add3A_807 : i32 to index
          %get3A_857 = arith.index_cast %scan3A_127 : i32 to index
          %get3A_858 = arith.constant 96 : index
          %get3A_859 = tpu.vector_load %arg5[%get3A_856, %get3A_857, %get3A_858] {strides = array<i32>} : memref<50x8x128xf32, #tpu.memory_space<vmem>>, vector<1x1x16xf32>,
          %get3A_860 = vector.shape_cast %get3A_859 : vector<1x1x16xf32> to vector<16xf32>
          %mul3A_861 = vector.broadcast %squeeze3A_801 : f32 to vector<16xf32>
          %mul3A_862 = arith.mulf %get3A_860, %mul3A_861 : vector<16xf32>
          %add3A_863 = arith.addf %add3A_791, %mul3A_862 : vector<16xf32>
          %get3A_864 = arith.index_cast %add3A_807 : i32 to index
          %get3A_865 = arith.index_cast %scan3A_127 : i32 to index
          %get3A_866 = arith.constant 112 : index
          %get3A_867 = tpu.vector_load %arg5[%get3A_864, %get3A_865, %get3A_866] {strides = array<i32>} : memref<50x8x128xf32, #tpu.memory_space<vmem>>, vector<1x1x16xf32>,
          %get3A_868 = vector.shape_cast %get3A_867 : vector<1x1x16xf32> to vector<16xf32>
          %mul3A_869 = vector.broadcast %squeeze3A_801 : f32 to vector<16xf32>
          %mul3A_870 = arith.mulf %get3A_868, %mul3A_869 : vector<16xf32>
          %add3A_871 = arith.addf %add3A_799, %mul3A_870 : vector<16xf32>
          %slice3A_872 = vector.extract_strided_slice %get3A_367 {offsets = [7], sizes = [1], strides = [1]} : vector<16xf32> to vector<1xf32>
          %squeeze3A_873 = vector.extract %slice3A_872[0] : f32 from vector<1xf32>
          %add3A_874 = vector.broadcast %squeeze3A_873 : f32 to vector<16xf32>
          %add3A_875 = arith.addf %add3A_803, %add3A_874 : vector<16xf32>
          %mul3A_876 = arith.constant 16 : i32
          %mul3A_877 = arith.muli %scan3A_352, %mul3A_876 : i32
          %add3A_878 = arith.constant 7 : i32
          %add3A_879 = arith.addi %mul3A_877, %add3A_878 : i32
          %get3A_880 = arith.index_cast %add3A_879 : i32 to index
          %get3A_881 = arith.index_cast %scan3A_127 : i32 to index
          %get3A_882 = arith.constant 0 : index
          %get3A_883 = tpu.vector_load %arg5[%get3A_880, %get3A_881, %get3A_882] {strides = array<i32>} : memref<50x8x128xf32, #tpu.memory_space<vmem>>, vector<1x1x16xf32>,
          %get3A_884 = vector.shape_cast %get3A_883 : vector<1x1x16xf32> to vector<16xf32>
          %mul3A_885 = vector.broadcast %squeeze3A_873 : f32 to vector<16xf32>
          %mul3A_886 = arith.mulf %get3A_884, %mul3A_885 : vector<16xf32>
          %add3A_887 = arith.addf %add3A_815, %mul3A_886 : vector<16xf32>
          %get3A_888 = arith.index_cast %add3A_879 : i32 to index
          %get3A_889 = arith.index_cast %scan3A_127 : i32 to index
          %get3A_890 = arith.constant 16 : index
          %get3A_891 = tpu.vector_load %arg5[%get3A_888, %get3A_889, %get3A_890] {strides = array<i32>} : memref<50x8x128xf32, #tpu.memory_space<vmem>>, vector<1x1x16xf32>,
          %get3A_892 = vector.shape_cast %get3A_891 : vector<1x1x16xf32> to vector<16xf32>
          %mul3A_893 = vector.broadcast %squeeze3A_873 : f32 to vector<16xf32>
          %mul3A_894 = arith.mulf %get3A_892, %mul3A_893 : vector<16xf32>
          %add3A_895 = arith.addf %add3A_823, %mul3A_894 : vector<16xf32>
          %get3A_896 = arith.index_cast %add3A_879 : i32 to index
          %get3A_897 = arith.index_cast %scan3A_127 : i32 to index
          %get3A_898 = arith.constant 32 : index
          %get3A_899 = tpu.vector_load %arg5[%get3A_896, %get3A_897, %get3A_898] {strides = array<i32>} : memref<50x8x128xf32, #tpu.memory_space<vmem>>, vector<1x1x16xf32>,
          %get3A_900 = vector.shape_cast %get3A_899 : vector<1x1x16xf32> to vector<16xf32>
          %mul3A_901 = vector.broadcast %squeeze3A_873 : f32 to vector<16xf32>
          %mul3A_902 = arith.mulf %get3A_900, %mul3A_901 : vector<16xf32>
          %add3A_903 = arith.addf %add3A_831, %mul3A_902 : vector<16xf32>
          %get3A_904 = arith.index_cast %add3A_879 : i32 to index
          %get3A_905 = arith.index_cast %scan3A_127 : i32 to index
          %get3A_906 = arith.constant 48 : index
          %get3A_907 = tpu.vector_load %arg5[%get3A_904, %get3A_905, %get3A_906] {strides = array<i32>} : memref<50x8x128xf32, #tpu.memory_space<vmem>>, vector<1x1x16xf32>,
          %get3A_908 = vector.shape_cast %get3A_907 : vector<1x1x16xf32> to vector<16xf32>
          %mul3A_909 = vector.broadcast %squeeze3A_873 : f32 to vector<16xf32>
          %mul3A_910 = arith.mulf %get3A_908, %mul3A_909 : vector<16xf32>
          %add3A_911 = arith.addf %add3A_839, %mul3A_910 : vector<16xf32>
          %get3A_912 = arith.index_cast %add3A_879 : i32 to index
          %get3A_913 = arith.index_cast %scan3A_127 : i32 to index
          %get3A_914 = arith.constant 64 : index
          %get3A_915 = tpu.vector_load %arg5[%get3A_912, %get3A_913, %get3A_914] {strides = array<i32>} : memref<50x8x128xf32, #tpu.memory_space<vmem>>, vector<1x1x16xf32>,
          %get3A_916 = vector.shape_cast %get3A_915 : vector<1x1x16xf32> to vector<16xf32>
          %mul3A_917 = vector.broadcast %squeeze3A_873 : f32 to vector<16xf32>
          %mul3A_918 = arith.mulf %get3A_916, %mul3A_917 : vector<16xf32>
          %add3A_919 = arith.addf %add3A_847, %mul3A_918 : vector<16xf32>
          %get3A_920 = arith.index_cast %add3A_879 : i32 to index
          %get3A_921 = arith.index_cast %scan3A_127 : i32 to index
          %get3A_922 = arith.constant 80 : index
          %get3A_923 = tpu.vector_load %arg5[%get3A_920, %get3A_921, %get3A_922] {strides = array<i32>} : memref<50x8x128xf32, #tpu.memory_space<vmem>>, vector<1x1x16xf32>,
          %get3A_924 = vector.shape_cast %get3A_923 : vector<1x1x16xf32> to vector<16xf32>
          %mul3A_925 = vector.broadcast %squeeze3A_873 : f32 to vector<16xf32>
          %mul3A_926 = arith.mulf %get3A_924, %mul3A_925 : vector<16xf32>
          %add3A_927 = arith.addf %add3A_855, %mul3A_926 : vector<16xf32>
          %get3A_928 = arith.index_cast %add3A_879 : i32 to index
          %get3A_929 = arith.index_cast %scan3A_127 : i32 to index
          %get3A_930 = arith.constant 96 : index
          %get3A_931 = tpu.vector_load %arg5[%get3A_928, %get3A_929, %get3A_930] {strides = array<i32>} : memref<50x8x128xf32, #tpu.memory_space<vmem>>, vector<1x1x16xf32>,
          %get3A_932 = vector.shape_cast %get3A_931 : vector<1x1x16xf32> to vector<16xf32>
          %mul3A_933 = vector.broadcast %squeeze3A_873 : f32 to vector<16xf32>
          %mul3A_934 = arith.mulf %get3A_932, %mul3A_933 : vector<16xf32>
          %add3A_935 = arith.addf %add3A_863, %mul3A_934 : vector<16xf32>
          %get3A_936 = arith.index_cast %add3A_879 : i32 to index
          %get3A_937 = arith.index_cast %scan3A_127 : i32 to index
          %get3A_938 = arith.constant 112 : index
          %get3A_939 = tpu.vector_load %arg5[%get3A_936, %get3A_937, %get3A_938] {strides = array<i32>} : memref<50x8x128xf32, #tpu.memory_space<vmem>>, vector<1x1x16xf32>,
          %get3A_940 = vector.shape_cast %get3A_939 : vector<1x1x16xf32> to vector<16xf32>
          %mul3A_941 = vector.broadcast %squeeze3A_873 : f32 to vector<16xf32>
          %mul3A_942 = arith.mulf %get3A_940, %mul3A_941 : vector<16xf32>
          %add3A_943 = arith.addf %add3A_871, %mul3A_942 : vector<16xf32>
          %slice3A_944 = vector.extract_strided_slice %get3A_367 {offsets = [8], sizes = [1], strides = [1]} : vector<16xf32> to vector<1xf32>
          %squeeze3A_945 = vector.extract %slice3A_944[0] : f32 from vector<1xf32>
          %add3A_946 = vector.broadcast %squeeze3A_945 : f32 to vector<16xf32>
          %add3A_947 = arith.addf %add3A_875, %add3A_946 : vector<16xf32>
          %mul3A_948 = arith.constant 16 : i32
          %mul3A_949 = arith.muli %scan3A_352, %mul3A_948 : i32
          %add3A_950 = arith.constant 8 : i32
          %add3A_951 = arith.addi %mul3A_949, %add3A_950 : i32
          %get3A_952 = arith.index_cast %add3A_951 : i32 to index
          %get3A_953 = arith.index_cast %scan3A_127 : i32 to index
          %get3A_954 = arith.constant 0 : index
          %get3A_955 = tpu.vector_load %arg5[%get3A_952, %get3A_953, %get3A_954] {strides = array<i32>} : memref<50x8x128xf32, #tpu.memory_space<vmem>>, vector<1x1x16xf32>,
          %get3A_956 = vector.shape_cast %get3A_955 : vector<1x1x16xf32> to vector<16xf32>
          %mul3A_957 = vector.broadcast %squeeze3A_945 : f32 to vector<16xf32>
          %mul3A_958 = arith.mulf %get3A_956, %mul3A_957 : vector<16xf32>
          %add3A_959 = arith.addf %add3A_887, %mul3A_958 : vector<16xf32>
          %get3A_960 = arith.index_cast %add3A_951 : i32 to index
          %get3A_961 = arith.index_cast %scan3A_127 : i32 to index
          %get3A_962 = arith.constant 16 : index
          %get3A_963 = tpu.vector_load %arg5[%get3A_960, %get3A_961, %get3A_962] {strides = array<i32>} : memref<50x8x128xf32, #tpu.memory_space<vmem>>, vector<1x1x16xf32>,
          %get3A_964 = vector.shape_cast %get3A_963 : vector<1x1x16xf32> to vector<16xf32>
          %mul3A_965 = vector.broadcast %squeeze3A_945 : f32 to vector<16xf32>
          %mul3A_966 = arith.mulf %get3A_964, %mul3A_965 : vector<16xf32>
          %add3A_967 = arith.addf %add3A_895, %mul3A_966 : vector<16xf32>
          %get3A_968 = arith.index_cast %add3A_951 : i32 to index
          %get3A_969 = arith.index_cast %scan3A_127 : i32 to index
          %get3A_970 = arith.constant 32 : index
          %get3A_971 = tpu.vector_load %arg5[%get3A_968, %get3A_969, %get3A_970] {strides = array<i32>} : memref<50x8x128xf32, #tpu.memory_space<vmem>>, vector<1x1x16xf32>,
          %get3A_972 = vector.shape_cast %get3A_971 : vector<1x1x16xf32> to vector<16xf32>
          %mul3A_973 = vector.broadcast %squeeze3A_945 : f32 to vector<16xf32>
          %mul3A_974 = arith.mulf %get3A_972, %mul3A_973 : vector<16xf32>
          %add3A_975 = arith.addf %add3A_903, %mul3A_974 : vector<16xf32>
          %get3A_976 = arith.index_cast %add3A_951 : i32 to index
          %get3A_977 = arith.index_cast %scan3A_127 : i32 to index
          %get3A_978 = arith.constant 48 : index
          %get3A_979 = tpu.vector_load %arg5[%get3A_976, %get3A_977, %get3A_978] {strides = array<i32>} : memref<50x8x128xf32, #tpu.memory_space<vmem>>, vector<1x1x16xf32>,
          %get3A_980 = vector.shape_cast %get3A_979 : vector<1x1x16xf32> to vector<16xf32>
          %mul3A_981 = vector.broadcast %squeeze3A_945 : f32 to vector<16xf32>
          %mul3A_982 = arith.mulf %get3A_980, %mul3A_981 : vector<16xf32>
          %add3A_983 = arith.addf %add3A_911, %mul3A_982 : vector<16xf32>
          %get3A_984 = arith.index_cast %add3A_951 : i32 to index
          %get3A_985 = arith.index_cast %scan3A_127 : i32 to index
          %get3A_986 = arith.constant 64 : index
          %get3A_987 = tpu.vector_load %arg5[%get3A_984, %get3A_985, %get3A_986] {strides = array<i32>} : memref<50x8x128xf32, #tpu.memory_space<vmem>>, vector<1x1x16xf32>,
          %get3A_988 = vector.shape_cast %get3A_987 : vector<1x1x16xf32> to vector<16xf32>
          %mul3A_989 = vector.broadcast %squeeze3A_945 : f32 to vector<16xf32>
          %mul3A_990 = arith.mulf %get3A_988, %mul3A_989 : vector<16xf32>
          %add3A_991 = arith.addf %add3A_919, %mul3A_990 : vector<16xf32>
          %get3A_992 = arith.index_cast %add3A_951 : i32 to index
          %get3A_993 = arith.index_cast %scan3A_127 : i32 to index
          %get3A_994 = arith.constant 80 : index
          %get3A_995 = tpu.vector_load %arg5[%get3A_992, %get3A_993, %get3A_994] {strides = array<i32>} : memref<50x8x128xf32, #tpu.memory_space<vmem>>, vector<1x1x16xf32>,
          %get3A_996 = vector.shape_cast %get3A_995 : vector<1x1x16xf32> to vector<16xf32>
          %mul3A_997 = vector.broadcast %squeeze3A_945 : f32 to vector<16xf32>
          %mul3A_998 = arith.mulf %get3A_996, %mul3A_997 : vector<16xf32>
          %add3A_999 = arith.addf %add3A_927, %mul3A_998 : vector<16xf32>
          %get3A_1000 = arith.index_cast %add3A_951 : i32 to index
          %get3A_1001 = arith.index_cast %scan3A_127 : i32 to index
          %get3A_1002 = arith.constant 96 : index
          %get3A_1003 = tpu.vector_load %arg5[%get3A_1000, %get3A_1001, %get3A_1002] {strides = array<i32>} : memref<50x8x128xf32, #tpu.memory_space<vmem>>, vector<1x1x16xf32>,
          %get3A_1004 = vector.shape_cast %get3A_1003 : vector<1x1x16xf32> to vector<16xf32>
          %mul3A_1005 = vector.broadcast %squeeze3A_945 : f32 to vector<16xf32>
          %mul3A_1006 = arith.mulf %get3A_1004, %mul3A_1005 : vector<16xf32>
          %add3A_1007 = arith.addf %add3A_935, %mul3A_1006 : vector<16xf32>
          %get3A_1008 = arith.index_cast %add3A_951 : i32 to index
          %get3A_1009 = arith.index_cast %scan3A_127 : i32 to index
          %get3A_1010 = arith.constant 112 : index
          %get3A_1011 = tpu.vector_load %arg5[%get3A_1008, %get3A_1009, %get3A_1010] {strides = array<i32>} : memref<50x8x128xf32, #tpu.memory_space<vmem>>, vector<1x1x16xf32>,
          %get3A_1012 = vector.shape_cast %get3A_1011 : vector<1x1x16xf32> to vector<16xf32>
          %mul3A_1013 = vector.broadcast %squeeze3A_945 : f32 to vector<16xf32>
          %mul3A_1014 = arith.mulf %get3A_1012, %mul3A_1013 : vector<16xf32>
          %add3A_1015 = arith.addf %add3A_943, %mul3A_1014 : vector<16xf32>
          %slice3A_1016 = vector.extract_strided_slice %get3A_367 {offsets = [9], sizes = [1], strides = [1]} : vector<16xf32> to vector<1xf32>
          %squeeze3A_1017 = vector.extract %slice3A_1016[0] : f32 from vector<1xf32>
          %add3A_1018 = vector.broadcast %squeeze3A_1017 : f32 to vector<16xf32>
          %add3A_1019 = arith.addf %add3A_947, %add3A_1018 : vector<16xf32>
          %mul3A_1020 = arith.constant 16 : i32
          %mul3A_1021 = arith.muli %scan3A_352, %mul3A_1020 : i32
          %add3A_1022 = arith.constant 9 : i32
          %add3A_1023 = arith.addi %mul3A_1021, %add3A_1022 : i32
          %get3A_1024 = arith.index_cast %add3A_1023 : i32 to index
          %get3A_1025 = arith.index_cast %scan3A_127 : i32 to index
          %get3A_1026 = arith.constant 0 : index
          %get3A_1027 = tpu.vector_load %arg5[%get3A_1024, %get3A_1025, %get3A_1026] {strides = array<i32>} : memref<50x8x128xf32, #tpu.memory_space<vmem>>, vector<1x1x16xf32>,
          %get3A_1028 = vector.shape_cast %get3A_1027 : vector<1x1x16xf32> to vector<16xf32>
          %mul3A_1029 = vector.broadcast %squeeze3A_1017 : f32 to vector<16xf32>
          %mul3A_1030 = arith.mulf %get3A_1028, %mul3A_1029 : vector<16xf32>
          %add3A_1031 = arith.addf %add3A_959, %mul3A_1030 : vector<16xf32>
          %get3A_1032 = arith.index_cast %add3A_1023 : i32 to index
          %get3A_1033 = arith.index_cast %scan3A_127 : i32 to index
          %get3A_1034 = arith.constant 16 : index
          %get3A_1035 = tpu.vector_load %arg5[%get3A_1032, %get3A_1033, %get3A_1034] {strides = array<i32>} : memref<50x8x128xf32, #tpu.memory_space<vmem>>, vector<1x1x16xf32>,
          %get3A_1036 = vector.shape_cast %get3A_1035 : vector<1x1x16xf32> to vector<16xf32>
          %mul3A_1037 = vector.broadcast %squeeze3A_1017 : f32 to vector<16xf32>
          %mul3A_1038 = arith.mulf %get3A_1036, %mul3A_1037 : vector<16xf32>
          %add3A_1039 = arith.addf %add3A_967, %mul3A_1038 : vector<16xf32>
          %get3A_1040 = arith.index_cast %add3A_1023 : i32 to index
          %get3A_1041 = arith.index_cast %scan3A_127 : i32 to index
          %get3A_1042 = arith.constant 32 : index
          %get3A_1043 = tpu.vector_load %arg5[%get3A_1040, %get3A_1041, %get3A_1042] {strides = array<i32>} : memref<50x8x128xf32, #tpu.memory_space<vmem>>, vector<1x1x16xf32>,
          %get3A_1044 = vector.shape_cast %get3A_1043 : vector<1x1x16xf32> to vector<16xf32>
          %mul3A_1045 = vector.broadcast %squeeze3A_1017 : f32 to vector<16xf32>
          %mul3A_1046 = arith.mulf %get3A_1044, %mul3A_1045 : vector<16xf32>
          %add3A_1047 = arith.addf %add3A_975, %mul3A_1046 : vector<16xf32>
          %get3A_1048 = arith.index_cast %add3A_1023 : i32 to index
          %get3A_1049 = arith.index_cast %scan3A_127 : i32 to index
          %get3A_1050 = arith.constant 48 : index
          %get3A_1051 = tpu.vector_load %arg5[%get3A_1048, %get3A_1049, %get3A_1050] {strides = array<i32>} : memref<50x8x128xf32, #tpu.memory_space<vmem>>, vector<1x1x16xf32>,
          %get3A_1052 = vector.shape_cast %get3A_1051 : vector<1x1x16xf32> to vector<16xf32>
          %mul3A_1053 = vector.broadcast %squeeze3A_1017 : f32 to vector<16xf32>
          %mul3A_1054 = arith.mulf %get3A_1052, %mul3A_1053 : vector<16xf32>
          %add3A_1055 = arith.addf %add3A_983, %mul3A_1054 : vector<16xf32>
          %get3A_1056 = arith.index_cast %add3A_1023 : i32 to index
          %get3A_1057 = arith.index_cast %scan3A_127 : i32 to index
          %get3A_1058 = arith.constant 64 : index
          %get3A_1059 = tpu.vector_load %arg5[%get3A_1056, %get3A_1057, %get3A_1058] {strides = array<i32>} : memref<50x8x128xf32, #tpu.memory_space<vmem>>, vector<1x1x16xf32>,
          %get3A_1060 = vector.shape_cast %get3A_1059 : vector<1x1x16xf32> to vector<16xf32>
          %mul3A_1061 = vector.broadcast %squeeze3A_1017 : f32 to vector<16xf32>
          %mul3A_1062 = arith.mulf %get3A_1060, %mul3A_1061 : vector<16xf32>
          %add3A_1063 = arith.addf %add3A_991, %mul3A_1062 : vector<16xf32>
          %get3A_1064 = arith.index_cast %add3A_1023 : i32 to index
          %get3A_1065 = arith.index_cast %scan3A_127 : i32 to index
          %get3A_1066 = arith.constant 80 : index
          %get3A_1067 = tpu.vector_load %arg5[%get3A_1064, %get3A_1065, %get3A_1066] {strides = array<i32>} : memref<50x8x128xf32, #tpu.memory_space<vmem>>, vector<1x1x16xf32>,
          %get3A_1068 = vector.shape_cast %get3A_1067 : vector<1x1x16xf32> to vector<16xf32>
          %mul3A_1069 = vector.broadcast %squeeze3A_1017 : f32 to vector<16xf32>
          %mul3A_1070 = arith.mulf %get3A_1068, %mul3A_1069 : vector<16xf32>
          %add3A_1071 = arith.addf %add3A_999, %mul3A_1070 : vector<16xf32>
          %get3A_1072 = arith.index_cast %add3A_1023 : i32 to index
          %get3A_1073 = arith.index_cast %scan3A_127 : i32 to index
          %get3A_1074 = arith.constant 96 : index
          %get3A_1075 = tpu.vector_load %arg5[%get3A_1072, %get3A_1073, %get3A_1074] {strides = array<i32>} : memref<50x8x128xf32, #tpu.memory_space<vmem>>, vector<1x1x16xf32>,
          %get3A_1076 = vector.shape_cast %get3A_1075 : vector<1x1x16xf32> to vector<16xf32>
          %mul3A_1077 = vector.broadcast %squeeze3A_1017 : f32 to vector<16xf32>
          %mul3A_1078 = arith.mulf %get3A_1076, %mul3A_1077 : vector<16xf32>
          %add3A_1079 = arith.addf %add3A_1007, %mul3A_1078 : vector<16xf32>
          %get3A_1080 = arith.index_cast %add3A_1023 : i32 to index
          %get3A_1081 = arith.index_cast %scan3A_127 : i32 to index
          %get3A_1082 = arith.constant 112 : index
          %get3A_1083 = tpu.vector_load %arg5[%get3A_1080, %get3A_1081, %get3A_1082] {strides = array<i32>} : memref<50x8x128xf32, #tpu.memory_space<vmem>>, vector<1x1x16xf32>,
          %get3A_1084 = vector.shape_cast %get3A_1083 : vector<1x1x16xf32> to vector<16xf32>
          %mul3A_1085 = vector.broadcast %squeeze3A_1017 : f32 to vector<16xf32>
          %mul3A_1086 = arith.mulf %get3A_1084, %mul3A_1085 : vector<16xf32>
          %add3A_1087 = arith.addf %add3A_1015, %mul3A_1086 : vector<16xf32>
          %slice3A_1088 = vector.extract_strided_slice %get3A_367 {offsets = [10], sizes = [1], strides = [1]} : vector<16xf32> to vector<1xf32>
          %squeeze3A_1089 = vector.extract %slice3A_1088[0] : f32 from vector<1xf32>
          %add3A_1090 = vector.broadcast %squeeze3A_1089 : f32 to vector<16xf32>
          %add3A_1091 = arith.addf %add3A_1019, %add3A_1090 : vector<16xf32>
          %mul3A_1092 = arith.constant 16 : i32
          %mul3A_1093 = arith.muli %scan3A_352, %mul3A_1092 : i32
          %add3A_1094 = arith.constant 10 : i32
          %add3A_1095 = arith.addi %mul3A_1093, %add3A_1094 : i32
          %get3A_1096 = arith.index_cast %add3A_1095 : i32 to index
          %get3A_1097 = arith.index_cast %scan3A_127 : i32 to index
          %get3A_1098 = arith.constant 0 : index
          %get3A_1099 = tpu.vector_load %arg5[%get3A_1096, %get3A_1097, %get3A_1098] {strides = array<i32>} : memref<50x8x128xf32, #tpu.memory_space<vmem>>, vector<1x1x16xf32>,
          %get3A_1100 = vector.shape_cast %get3A_1099 : vector<1x1x16xf32> to vector<16xf32>
          %mul3A_1101 = vector.broadcast %squeeze3A_1089 : f32 to vector<16xf32>
          %mul3A_1102 = arith.mulf %get3A_1100, %mul3A_1101 : vector<16xf32>
          %add3A_1103 = arith.addf %add3A_1031, %mul3A_1102 : vector<16xf32>
          %get3A_1104 = arith.index_cast %add3A_1095 : i32 to index
          %get3A_1105 = arith.index_cast %scan3A_127 : i32 to index
          %get3A_1106 = arith.constant 16 : index
          %get3A_1107 = tpu.vector_load %arg5[%get3A_1104, %get3A_1105, %get3A_1106] {strides = array<i32>} : memref<50x8x128xf32, #tpu.memory_space<vmem>>, vector<1x1x16xf32>,
          %get3A_1108 = vector.shape_cast %get3A_1107 : vector<1x1x16xf32> to vector<16xf32>
          %mul3A_1109 = vector.broadcast %squeeze3A_1089 : f32 to vector<16xf32>
          %mul3A_1110 = arith.mulf %get3A_1108, %mul3A_1109 : vector<16xf32>
          %add3A_1111 = arith.addf %add3A_1039, %mul3A_1110 : vector<16xf32>
          %get3A_1112 = arith.index_cast %add3A_1095 : i32 to index
          %get3A_1113 = arith.index_cast %scan3A_127 : i32 to index
          %get3A_1114 = arith.constant 32 : index
          %get3A_1115 = tpu.vector_load %arg5[%get3A_1112, %get3A_1113, %get3A_1114] {strides = array<i32>} : memref<50x8x128xf32, #tpu.memory_space<vmem>>, vector<1x1x16xf32>,
          %get3A_1116 = vector.shape_cast %get3A_1115 : vector<1x1x16xf32> to vector<16xf32>
          %mul3A_1117 = vector.broadcast %squeeze3A_1089 : f32 to vector<16xf32>
          %mul3A_1118 = arith.mulf %get3A_1116, %mul3A_1117 : vector<16xf32>
          %add3A_1119 = arith.addf %add3A_1047, %mul3A_1118 : vector<16xf32>
          %get3A_1120 = arith.index_cast %add3A_1095 : i32 to index
          %get3A_1121 = arith.index_cast %scan3A_127 : i32 to index
          %get3A_1122 = arith.constant 48 : index
          %get3A_1123 = tpu.vector_load %arg5[%get3A_1120, %get3A_1121, %get3A_1122] {strides = array<i32>} : memref<50x8x128xf32, #tpu.memory_space<vmem>>, vector<1x1x16xf32>,
          %get3A_1124 = vector.shape_cast %get3A_1123 : vector<1x1x16xf32> to vector<16xf32>
          %mul3A_1125 = vector.broadcast %squeeze3A_1089 : f32 to vector<16xf32>
          %mul3A_1126 = arith.mulf %get3A_1124, %mul3A_1125 : vector<16xf32>
          %add3A_1127 = arith.addf %add3A_1055, %mul3A_1126 : vector<16xf32>
          %get3A_1128 = arith.index_cast %add3A_1095 : i32 to index
          %get3A_1129 = arith.index_cast %scan3A_127 : i32 to index
          %get3A_1130 = arith.constant 64 : index
          %get3A_1131 = tpu.vector_load %arg5[%get3A_1128, %get3A_1129, %get3A_1130] {strides = array<i32>} : memref<50x8x128xf32, #tpu.memory_space<vmem>>, vector<1x1x16xf32>,
          %get3A_1132 = vector.shape_cast %get3A_1131 : vector<1x1x16xf32> to vector<16xf32>
          %mul3A_1133 = vector.broadcast %squeeze3A_1089 : f32 to vector<16xf32>
          %mul3A_1134 = arith.mulf %get3A_1132, %mul3A_1133 : vector<16xf32>
          %add3A_1135 = arith.addf %add3A_1063, %mul3A_1134 : vector<16xf32>
          %get3A_1136 = arith.index_cast %add3A_1095 : i32 to index
          %get3A_1137 = arith.index_cast %scan3A_127 : i32 to index
          %get3A_1138 = arith.constant 80 : index
          %get3A_1139 = tpu.vector_load %arg5[%get3A_1136, %get3A_1137, %get3A_1138] {strides = array<i32>} : memref<50x8x128xf32, #tpu.memory_space<vmem>>, vector<1x1x16xf32>,
          %get3A_1140 = vector.shape_cast %get3A_1139 : vector<1x1x16xf32> to vector<16xf32>
          %mul3A_1141 = vector.broadcast %squeeze3A_1089 : f32 to vector<16xf32>
          %mul3A_1142 = arith.mulf %get3A_1140, %mul3A_1141 : vector<16xf32>
          %add3A_1143 = arith.addf %add3A_1071, %mul3A_1142 : vector<16xf32>
          %get3A_1144 = arith.index_cast %add3A_1095 : i32 to index
          %get3A_1145 = arith.index_cast %scan3A_127 : i32 to index
          %get3A_1146 = arith.constant 96 : index
          %get3A_1147 = tpu.vector_load %arg5[%get3A_1144, %get3A_1145, %get3A_1146] {strides = array<i32>} : memref<50x8x128xf32, #tpu.memory_space<vmem>>, vector<1x1x16xf32>,
          %get3A_1148 = vector.shape_cast %get3A_1147 : vector<1x1x16xf32> to vector<16xf32>
          %mul3A_1149 = vector.broadcast %squeeze3A_1089 : f32 to vector<16xf32>
          %mul3A_1150 = arith.mulf %get3A_1148, %mul3A_1149 : vector<16xf32>
          %add3A_1151 = arith.addf %add3A_1079, %mul3A_1150 : vector<16xf32>
          %get3A_1152 = arith.index_cast %add3A_1095 : i32 to index
          %get3A_1153 = arith.index_cast %scan3A_127 : i32 to index
          %get3A_1154 = arith.constant 112 : index
          %get3A_1155 = tpu.vector_load %arg5[%get3A_1152, %get3A_1153, %get3A_1154] {strides = array<i32>} : memref<50x8x128xf32, #tpu.memory_space<vmem>>, vector<1x1x16xf32>,
          %get3A_1156 = vector.shape_cast %get3A_1155 : vector<1x1x16xf32> to vector<16xf32>
          %mul3A_1157 = vector.broadcast %squeeze3A_1089 : f32 to vector<16xf32>
          %mul3A_1158 = arith.mulf %get3A_1156, %mul3A_1157 : vector<16xf32>
          %add3A_1159 = arith.addf %add3A_1087, %mul3A_1158 : vector<16xf32>
          %slice3A_1160 = vector.extract_strided_slice %get3A_367 {offsets = [11], sizes = [1], strides = [1]} : vector<16xf32> to vector<1xf32>
          %squeeze3A_1161 = vector.extract %slice3A_1160[0] : f32 from vector<1xf32>
          %add3A_1162 = vector.broadcast %squeeze3A_1161 : f32 to vector<16xf32>
          %add3A_1163 = arith.addf %add3A_1091, %add3A_1162 : vector<16xf32>
          %mul3A_1164 = arith.constant 16 : i32
          %mul3A_1165 = arith.muli %scan3A_352, %mul3A_1164 : i32
          %add3A_1166 = arith.constant 11 : i32
          %add3A_1167 = arith.addi %mul3A_1165, %add3A_1166 : i32
          %get3A_1168 = arith.index_cast %add3A_1167 : i32 to index
          %get3A_1169 = arith.index_cast %scan3A_127 : i32 to index
          %get3A_1170 = arith.constant 0 : index
          %get3A_1171 = tpu.vector_load %arg5[%get3A_1168, %get3A_1169, %get3A_1170] {strides = array<i32>} : memref<50x8x128xf32, #tpu.memory_space<vmem>>, vector<1x1x16xf32>,
          %get3A_1172 = vector.shape_cast %get3A_1171 : vector<1x1x16xf32> to vector<16xf32>
          %mul3A_1173 = vector.broadcast %squeeze3A_1161 : f32 to vector<16xf32>
          %mul3A_1174 = arith.mulf %get3A_1172, %mul3A_1173 : vector<16xf32>
          %add3A_1175 = arith.addf %add3A_1103, %mul3A_1174 : vector<16xf32>
          %get3A_1176 = arith.index_cast %add3A_1167 : i32 to index
          %get3A_1177 = arith.index_cast %scan3A_127 : i32 to index
          %get3A_1178 = arith.constant 16 : index
          %get3A_1179 = tpu.vector_load %arg5[%get3A_1176, %get3A_1177, %get3A_1178] {strides = array<i32>} : memref<50x8x128xf32, #tpu.memory_space<vmem>>, vector<1x1x16xf32>,
          %get3A_1180 = vector.shape_cast %get3A_1179 : vector<1x1x16xf32> to vector<16xf32>
          %mul3A_1181 = vector.broadcast %squeeze3A_1161 : f32 to vector<16xf32>
          %mul3A_1182 = arith.mulf %get3A_1180, %mul3A_1181 : vector<16xf32>
          %add3A_1183 = arith.addf %add3A_1111, %mul3A_1182 : vector<16xf32>
          %get3A_1184 = arith.index_cast %add3A_1167 : i32 to index
          %get3A_1185 = arith.index_cast %scan3A_127 : i32 to index
          %get3A_1186 = arith.constant 32 : index
          %get3A_1187 = tpu.vector_load %arg5[%get3A_1184, %get3A_1185, %get3A_1186] {strides = array<i32>} : memref<50x8x128xf32, #tpu.memory_space<vmem>>, vector<1x1x16xf32>,
          %get3A_1188 = vector.shape_cast %get3A_1187 : vector<1x1x16xf32> to vector<16xf32>
          %mul3A_1189 = vector.broadcast %squeeze3A_1161 : f32 to vector<16xf32>
          %mul3A_1190 = arith.mulf %get3A_1188, %mul3A_1189 : vector<16xf32>
          %add3A_1191 = arith.addf %add3A_1119, %mul3A_1190 : vector<16xf32>
          %get3A_1192 = arith.index_cast %add3A_1167 : i32 to index
          %get3A_1193 = arith.index_cast %scan3A_127 : i32 to index
          %get3A_1194 = arith.constant 48 : index
          %get3A_1195 = tpu.vector_load %arg5[%get3A_1192, %get3A_1193, %get3A_1194] {strides = array<i32>} : memref<50x8x128xf32, #tpu.memory_space<vmem>>, vector<1x1x16xf32>,
          %get3A_1196 = vector.shape_cast %get3A_1195 : vector<1x1x16xf32> to vector<16xf32>
          %mul3A_1197 = vector.broadcast %squeeze3A_1161 : f32 to vector<16xf32>
          %mul3A_1198 = arith.mulf %get3A_1196, %mul3A_1197 : vector<16xf32>
          %add3A_1199 = arith.addf %add3A_1127, %mul3A_1198 : vector<16xf32>
          %get3A_1200 = arith.index_cast %add3A_1167 : i32 to index
          %get3A_1201 = arith.index_cast %scan3A_127 : i32 to index
          %get3A_1202 = arith.constant 64 : index
          %get3A_1203 = tpu.vector_load %arg5[%get3A_1200, %get3A_1201, %get3A_1202] {strides = array<i32>} : memref<50x8x128xf32, #tpu.memory_space<vmem>>, vector<1x1x16xf32>,
          %get3A_1204 = vector.shape_cast %get3A_1203 : vector<1x1x16xf32> to vector<16xf32>
          %mul3A_1205 = vector.broadcast %squeeze3A_1161 : f32 to vector<16xf32>
          %mul3A_1206 = arith.mulf %get3A_1204, %mul3A_1205 : vector<16xf32>
          %add3A_1207 = arith.addf %add3A_1135, %mul3A_1206 : vector<16xf32>
          %get3A_1208 = arith.index_cast %add3A_1167 : i32 to index
          %get3A_1209 = arith.index_cast %scan3A_127 : i32 to index
          %get3A_1210 = arith.constant 80 : index
          %get3A_1211 = tpu.vector_load %arg5[%get3A_1208, %get3A_1209, %get3A_1210] {strides = array<i32>} : memref<50x8x128xf32, #tpu.memory_space<vmem>>, vector<1x1x16xf32>,
          %get3A_1212 = vector.shape_cast %get3A_1211 : vector<1x1x16xf32> to vector<16xf32>
          %mul3A_1213 = vector.broadcast %squeeze3A_1161 : f32 to vector<16xf32>
          %mul3A_1214 = arith.mulf %get3A_1212, %mul3A_1213 : vector<16xf32>
          %add3A_1215 = arith.addf %add3A_1143, %mul3A_1214 : vector<16xf32>
          %get3A_1216 = arith.index_cast %add3A_1167 : i32 to index
          %get3A_1217 = arith.index_cast %scan3A_127 : i32 to index
          %get3A_1218 = arith.constant 96 : index
          %get3A_1219 = tpu.vector_load %arg5[%get3A_1216, %get3A_1217, %get3A_1218] {strides = array<i32>} : memref<50x8x128xf32, #tpu.memory_space<vmem>>, vector<1x1x16xf32>,
          %get3A_1220 = vector.shape_cast %get3A_1219 : vector<1x1x16xf32> to vector<16xf32>
          %mul3A_1221 = vector.broadcast %squeeze3A_1161 : f32 to vector<16xf32>
          %mul3A_1222 = arith.mulf %get3A_1220, %mul3A_1221 : vector<16xf32>
          %add3A_1223 = arith.addf %add3A_1151, %mul3A_1222 : vector<16xf32>
          %get3A_1224 = arith.index_cast %add3A_1167 : i32 to index
          %get3A_1225 = arith.index_cast %scan3A_127 : i32 to index
          %get3A_1226 = arith.constant 112 : index
          %get3A_1227 = tpu.vector_load %arg5[%get3A_1224, %get3A_1225, %get3A_1226] {strides = array<i32>} : memref<50x8x128xf32, #tpu.memory_space<vmem>>, vector<1x1x16xf32>,
          %get3A_1228 = vector.shape_cast %get3A_1227 : vector<1x1x16xf32> to vector<16xf32>
          %mul3A_1229 = vector.broadcast %squeeze3A_1161 : f32 to vector<16xf32>
          %mul3A_1230 = arith.mulf %get3A_1228, %mul3A_1229 : vector<16xf32>
          %add3A_1231 = arith.addf %add3A_1159, %mul3A_1230 : vector<16xf32>
          %slice3A_1232 = vector.extract_strided_slice %get3A_367 {offsets = [12], sizes = [1], strides = [1]} : vector<16xf32> to vector<1xf32>
          %squeeze3A_1233 = vector.extract %slice3A_1232[0] : f32 from vector<1xf32>
          %add3A_1234 = vector.broadcast %squeeze3A_1233 : f32 to vector<16xf32>
          %add3A_1235 = arith.addf %add3A_1163, %add3A_1234 : vector<16xf32>
          %mul3A_1236 = arith.constant 16 : i32
          %mul3A_1237 = arith.muli %scan3A_352, %mul3A_1236 : i32
          %add3A_1238 = arith.constant 12 : i32
          %add3A_1239 = arith.addi %mul3A_1237, %add3A_1238 : i32
          %get3A_1240 = arith.index_cast %add3A_1239 : i32 to index
          %get3A_1241 = arith.index_cast %scan3A_127 : i32 to index
          %get3A_1242 = arith.constant 0 : index
          %get3A_1243 = tpu.vector_load %arg5[%get3A_1240, %get3A_1241, %get3A_1242] {strides = array<i32>} : memref<50x8x128xf32, #tpu.memory_space<vmem>>, vector<1x1x16xf32>,
          %get3A_1244 = vector.shape_cast %get3A_1243 : vector<1x1x16xf32> to vector<16xf32>
          %mul3A_1245 = vector.broadcast %squeeze3A_1233 : f32 to vector<16xf32>
          %mul3A_1246 = arith.mulf %get3A_1244, %mul3A_1245 : vector<16xf32>
          %add3A_1247 = arith.addf %add3A_1175, %mul3A_1246 : vector<16xf32>
          %get3A_1248 = arith.index_cast %add3A_1239 : i32 to index
          %get3A_1249 = arith.index_cast %scan3A_127 : i32 to index
          %get3A_1250 = arith.constant 16 : index
          %get3A_1251 = tpu.vector_load %arg5[%get3A_1248, %get3A_1249, %get3A_1250] {strides = array<i32>} : memref<50x8x128xf32, #tpu.memory_space<vmem>>, vector<1x1x16xf32>,
          %get3A_1252 = vector.shape_cast %get3A_1251 : vector<1x1x16xf32> to vector<16xf32>
          %mul3A_1253 = vector.broadcast %squeeze3A_1233 : f32 to vector<16xf32>
          %mul3A_1254 = arith.mulf %get3A_1252, %mul3A_1253 : vector<16xf32>
          %add3A_1255 = arith.addf %add3A_1183, %mul3A_1254 : vector<16xf32>
          %get3A_1256 = arith.index_cast %add3A_1239 : i32 to index
          %get3A_1257 = arith.index_cast %scan3A_127 : i32 to index
          %get3A_1258 = arith.constant 32 : index
          %get3A_1259 = tpu.vector_load %arg5[%get3A_1256, %get3A_1257, %get3A_1258] {strides = array<i32>} : memref<50x8x128xf32, #tpu.memory_space<vmem>>, vector<1x1x16xf32>,
          %get3A_1260 = vector.shape_cast %get3A_1259 : vector<1x1x16xf32> to vector<16xf32>
          %mul3A_1261 = vector.broadcast %squeeze3A_1233 : f32 to vector<16xf32>
          %mul3A_1262 = arith.mulf %get3A_1260, %mul3A_1261 : vector<16xf32>
          %add3A_1263 = arith.addf %add3A_1191, %mul3A_1262 : vector<16xf32>
          %get3A_1264 = arith.index_cast %add3A_1239 : i32 to index
          %get3A_1265 = arith.index_cast %scan3A_127 : i32 to index
          %get3A_1266 = arith.constant 48 : index
          %get3A_1267 = tpu.vector_load %arg5[%get3A_1264, %get3A_1265, %get3A_1266] {strides = array<i32>} : memref<50x8x128xf32, #tpu.memory_space<vmem>>, vector<1x1x16xf32>,
          %get3A_1268 = vector.shape_cast %get3A_1267 : vector<1x1x16xf32> to vector<16xf32>
          %mul3A_1269 = vector.broadcast %squeeze3A_1233 : f32 to vector<16xf32>
          %mul3A_1270 = arith.mulf %get3A_1268, %mul3A_1269 : vector<16xf32>
          %add3A_1271 = arith.addf %add3A_1199, %mul3A_1270 : vector<16xf32>
          %get3A_1272 = arith.index_cast %add3A_1239 : i32 to index
          %get3A_1273 = arith.index_cast %scan3A_127 : i32 to index
          %get3A_1274 = arith.constant 64 : index
          %get3A_1275 = tpu.vector_load %arg5[%get3A_1272, %get3A_1273, %get3A_1274] {strides = array<i32>} : memref<50x8x128xf32, #tpu.memory_space<vmem>>, vector<1x1x16xf32>,
          %get3A_1276 = vector.shape_cast %get3A_1275 : vector<1x1x16xf32> to vector<16xf32>
          %mul3A_1277 = vector.broadcast %squeeze3A_1233 : f32 to vector<16xf32>
          %mul3A_1278 = arith.mulf %get3A_1276, %mul3A_1277 : vector<16xf32>
          %add3A_1279 = arith.addf %add3A_1207, %mul3A_1278 : vector<16xf32>
          %get3A_1280 = arith.index_cast %add3A_1239 : i32 to index
          %get3A_1281 = arith.index_cast %scan3A_127 : i32 to index
          %get3A_1282 = arith.constant 80 : index
          %get3A_1283 = tpu.vector_load %arg5[%get3A_1280, %get3A_1281, %get3A_1282] {strides = array<i32>} : memref<50x8x128xf32, #tpu.memory_space<vmem>>, vector<1x1x16xf32>,
          %get3A_1284 = vector.shape_cast %get3A_1283 : vector<1x1x16xf32> to vector<16xf32>
          %mul3A_1285 = vector.broadcast %squeeze3A_1233 : f32 to vector<16xf32>
          %mul3A_1286 = arith.mulf %get3A_1284, %mul3A_1285 : vector<16xf32>
          %add3A_1287 = arith.addf %add3A_1215, %mul3A_1286 : vector<16xf32>
          %get3A_1288 = arith.index_cast %add3A_1239 : i32 to index
          %get3A_1289 = arith.index_cast %scan3A_127 : i32 to index
          %get3A_1290 = arith.constant 96 : index
          %get3A_1291 = tpu.vector_load %arg5[%get3A_1288, %get3A_1289, %get3A_1290] {strides = array<i32>} : memref<50x8x128xf32, #tpu.memory_space<vmem>>, vector<1x1x16xf32>,
          %get3A_1292 = vector.shape_cast %get3A_1291 : vector<1x1x16xf32> to vector<16xf32>
          %mul3A_1293 = vector.broadcast %squeeze3A_1233 : f32 to vector<16xf32>
          %mul3A_1294 = arith.mulf %get3A_1292, %mul3A_1293 : vector<16xf32>
          %add3A_1295 = arith.addf %add3A_1223, %mul3A_1294 : vector<16xf32>
          %get3A_1296 = arith.index_cast %add3A_1239 : i32 to index
          %get3A_1297 = arith.index_cast %scan3A_127 : i32 to index
          %get3A_1298 = arith.constant 112 : index
          %get3A_1299 = tpu.vector_load %arg5[%get3A_1296, %get3A_1297, %get3A_1298] {strides = array<i32>} : memref<50x8x128xf32, #tpu.memory_space<vmem>>, vector<1x1x16xf32>,
          %get3A_1300 = vector.shape_cast %get3A_1299 : vector<1x1x16xf32> to vector<16xf32>
          %mul3A_1301 = vector.broadcast %squeeze3A_1233 : f32 to vector<16xf32>
          %mul3A_1302 = arith.mulf %get3A_1300, %mul3A_1301 : vector<16xf32>
          %add3A_1303 = arith.addf %add3A_1231, %mul3A_1302 : vector<16xf32>
          %slice3A_1304 = vector.extract_strided_slice %get3A_367 {offsets = [13], sizes = [1], strides = [1]} : vector<16xf32> to vector<1xf32>
          %squeeze3A_1305 = vector.extract %slice3A_1304[0] : f32 from vector<1xf32>
          %add3A_1306 = vector.broadcast %squeeze3A_1305 : f32 to vector<16xf32>
          %add3A_1307 = arith.addf %add3A_1235, %add3A_1306 : vector<16xf32>
          %mul3A_1308 = arith.constant 16 : i32
          %mul3A_1309 = arith.muli %scan3A_352, %mul3A_1308 : i32
          %add3A_1310 = arith.constant 13 : i32
          %add3A_1311 = arith.addi %mul3A_1309, %add3A_1310 : i32
          %get3A_1312 = arith.index_cast %add3A_1311 : i32 to index
          %get3A_1313 = arith.index_cast %scan3A_127 : i32 to index
          %get3A_1314 = arith.constant 0 : index
          %get3A_1315 = tpu.vector_load %arg5[%get3A_1312, %get3A_1313, %get3A_1314] {strides = array<i32>} : memref<50x8x128xf32, #tpu.memory_space<vmem>>, vector<1x1x16xf32>,
          %get3A_1316 = vector.shape_cast %get3A_1315 : vector<1x1x16xf32> to vector<16xf32>
          %mul3A_1317 = vector.broadcast %squeeze3A_1305 : f32 to vector<16xf32>
          %mul3A_1318 = arith.mulf %get3A_1316, %mul3A_1317 : vector<16xf32>
          %add3A_1319 = arith.addf %add3A_1247, %mul3A_1318 : vector<16xf32>
          %get3A_1320 = arith.index_cast %add3A_1311 : i32 to index
          %get3A_1321 = arith.index_cast %scan3A_127 : i32 to index
          %get3A_1322 = arith.constant 16 : index
          %get3A_1323 = tpu.vector_load %arg5[%get3A_1320, %get3A_1321, %get3A_1322] {strides = array<i32>} : memref<50x8x128xf32, #tpu.memory_space<vmem>>, vector<1x1x16xf32>,
          %get3A_1324 = vector.shape_cast %get3A_1323 : vector<1x1x16xf32> to vector<16xf32>
          %mul3A_1325 = vector.broadcast %squeeze3A_1305 : f32 to vector<16xf32>
          %mul3A_1326 = arith.mulf %get3A_1324, %mul3A_1325 : vector<16xf32>
          %add3A_1327 = arith.addf %add3A_1255, %mul3A_1326 : vector<16xf32>
          %get3A_1328 = arith.index_cast %add3A_1311 : i32 to index
          %get3A_1329 = arith.index_cast %scan3A_127 : i32 to index
          %get3A_1330 = arith.constant 32 : index
          %get3A_1331 = tpu.vector_load %arg5[%get3A_1328, %get3A_1329, %get3A_1330] {strides = array<i32>} : memref<50x8x128xf32, #tpu.memory_space<vmem>>, vector<1x1x16xf32>,
          %get3A_1332 = vector.shape_cast %get3A_1331 : vector<1x1x16xf32> to vector<16xf32>
          %mul3A_1333 = vector.broadcast %squeeze3A_1305 : f32 to vector<16xf32>
          %mul3A_1334 = arith.mulf %get3A_1332, %mul3A_1333 : vector<16xf32>
          %add3A_1335 = arith.addf %add3A_1263, %mul3A_1334 : vector<16xf32>
          %get3A_1336 = arith.index_cast %add3A_1311 : i32 to index
          %get3A_1337 = arith.index_cast %scan3A_127 : i32 to index
          %get3A_1338 = arith.constant 48 : index
          %get3A_1339 = tpu.vector_load %arg5[%get3A_1336, %get3A_1337, %get3A_1338] {strides = array<i32>} : memref<50x8x128xf32, #tpu.memory_space<vmem>>, vector<1x1x16xf32>,
          %get3A_1340 = vector.shape_cast %get3A_1339 : vector<1x1x16xf32> to vector<16xf32>
          %mul3A_1341 = vector.broadcast %squeeze3A_1305 : f32 to vector<16xf32>
          %mul3A_1342 = arith.mulf %get3A_1340, %mul3A_1341 : vector<16xf32>
          %add3A_1343 = arith.addf %add3A_1271, %mul3A_1342 : vector<16xf32>
          %get3A_1344 = arith.index_cast %add3A_1311 : i32 to index
          %get3A_1345 = arith.index_cast %scan3A_127 : i32 to index
          %get3A_1346 = arith.constant 64 : index
          %get3A_1347 = tpu.vector_load %arg5[%get3A_1344, %get3A_1345, %get3A_1346] {strides = array<i32>} : memref<50x8x128xf32, #tpu.memory_space<vmem>>, vector<1x1x16xf32>,
          %get3A_1348 = vector.shape_cast %get3A_1347 : vector<1x1x16xf32> to vector<16xf32>
          %mul3A_1349 = vector.broadcast %squeeze3A_1305 : f32 to vector<16xf32>
          %mul3A_1350 = arith.mulf %get3A_1348, %mul3A_1349 : vector<16xf32>
          %add3A_1351 = arith.addf %add3A_1279, %mul3A_1350 : vector<16xf32>
          %get3A_1352 = arith.index_cast %add3A_1311 : i32 to index
          %get3A_1353 = arith.index_cast %scan3A_127 : i32 to index
          %get3A_1354 = arith.constant 80 : index
          %get3A_1355 = tpu.vector_load %arg5[%get3A_1352, %get3A_1353, %get3A_1354] {strides = array<i32>} : memref<50x8x128xf32, #tpu.memory_space<vmem>>, vector<1x1x16xf32>,
          %get3A_1356 = vector.shape_cast %get3A_1355 : vector<1x1x16xf32> to vector<16xf32>
          %mul3A_1357 = vector.broadcast %squeeze3A_1305 : f32 to vector<16xf32>
          %mul3A_1358 = arith.mulf %get3A_1356, %mul3A_1357 : vector<16xf32>
          %add3A_1359 = arith.addf %add3A_1287, %mul3A_1358 : vector<16xf32>
          %get3A_1360 = arith.index_cast %add3A_1311 : i32 to index
          %get3A_1361 = arith.index_cast %scan3A_127 : i32 to index
          %get3A_1362 = arith.constant 96 : index
          %get3A_1363 = tpu.vector_load %arg5[%get3A_1360, %get3A_1361, %get3A_1362] {strides = array<i32>} : memref<50x8x128xf32, #tpu.memory_space<vmem>>, vector<1x1x16xf32>,
          %get3A_1364 = vector.shape_cast %get3A_1363 : vector<1x1x16xf32> to vector<16xf32>
          %mul3A_1365 = vector.broadcast %squeeze3A_1305 : f32 to vector<16xf32>
          %mul3A_1366 = arith.mulf %get3A_1364, %mul3A_1365 : vector<16xf32>
          %add3A_1367 = arith.addf %add3A_1295, %mul3A_1366 : vector<16xf32>
          %get3A_1368 = arith.index_cast %add3A_1311 : i32 to index
          %get3A_1369 = arith.index_cast %scan3A_127 : i32 to index
          %get3A_1370 = arith.constant 112 : index
          %get3A_1371 = tpu.vector_load %arg5[%get3A_1368, %get3A_1369, %get3A_1370] {strides = array<i32>} : memref<50x8x128xf32, #tpu.memory_space<vmem>>, vector<1x1x16xf32>,
          %get3A_1372 = vector.shape_cast %get3A_1371 : vector<1x1x16xf32> to vector<16xf32>
          %mul3A_1373 = vector.broadcast %squeeze3A_1305 : f32 to vector<16xf32>
          %mul3A_1374 = arith.mulf %get3A_1372, %mul3A_1373 : vector<16xf32>
          %add3A_1375 = arith.addf %add3A_1303, %mul3A_1374 : vector<16xf32>
          %slice3A_1376 = vector.extract_strided_slice %get3A_367 {offsets = [14], sizes = [1], strides = [1]} : vector<16xf32> to vector<1xf32>
          %squeeze3A_1377 = vector.extract %slice3A_1376[0] : f32 from vector<1xf32>
          %add3A_1378 = vector.broadcast %squeeze3A_1377 : f32 to vector<16xf32>
          %add3A_1379 = arith.addf %add3A_1307, %add3A_1378 : vector<16xf32>
          %mul3A_1380 = arith.constant 16 : i32
          %mul3A_1381 = arith.muli %scan3A_352, %mul3A_1380 : i32
          %add3A_1382 = arith.constant 14 : i32
          %add3A_1383 = arith.addi %mul3A_1381, %add3A_1382 : i32
          %get3A_1384 = arith.index_cast %add3A_1383 : i32 to index
          %get3A_1385 = arith.index_cast %scan3A_127 : i32 to index
          %get3A_1386 = arith.constant 0 : index
          %get3A_1387 = tpu.vector_load %arg5[%get3A_1384, %get3A_1385, %get3A_1386] {strides = array<i32>} : memref<50x8x128xf32, #tpu.memory_space<vmem>>, vector<1x1x16xf32>,
          %get3A_1388 = vector.shape_cast %get3A_1387 : vector<1x1x16xf32> to vector<16xf32>
          %mul3A_1389 = vector.broadcast %squeeze3A_1377 : f32 to vector<16xf32>
          %mul3A_1390 = arith.mulf %get3A_1388, %mul3A_1389 : vector<16xf32>
          %add3A_1391 = arith.addf %add3A_1319, %mul3A_1390 : vector<16xf32>
          %get3A_1392 = arith.index_cast %add3A_1383 : i32 to index
          %get3A_1393 = arith.index_cast %scan3A_127 : i32 to index
          %get3A_1394 = arith.constant 16 : index
          %get3A_1395 = tpu.vector_load %arg5[%get3A_1392, %get3A_1393, %get3A_1394] {strides = array<i32>} : memref<50x8x128xf32, #tpu.memory_space<vmem>>, vector<1x1x16xf32>,
          %get3A_1396 = vector.shape_cast %get3A_1395 : vector<1x1x16xf32> to vector<16xf32>
          %mul3A_1397 = vector.broadcast %squeeze3A_1377 : f32 to vector<16xf32>
          %mul3A_1398 = arith.mulf %get3A_1396, %mul3A_1397 : vector<16xf32>
          %add3A_1399 = arith.addf %add3A_1327, %mul3A_1398 : vector<16xf32>
          %get3A_1400 = arith.index_cast %add3A_1383 : i32 to index
          %get3A_1401 = arith.index_cast %scan3A_127 : i32 to index
          %get3A_1402 = arith.constant 32 : index
          %get3A_1403 = tpu.vector_load %arg5[%get3A_1400, %get3A_1401, %get3A_1402] {strides = array<i32>} : memref<50x8x128xf32, #tpu.memory_space<vmem>>, vector<1x1x16xf32>,
          %get3A_1404 = vector.shape_cast %get3A_1403 : vector<1x1x16xf32> to vector<16xf32>
          %mul3A_1405 = vector.broadcast %squeeze3A_1377 : f32 to vector<16xf32>
          %mul3A_1406 = arith.mulf %get3A_1404, %mul3A_1405 : vector<16xf32>
          %add3A_1407 = arith.addf %add3A_1335, %mul3A_1406 : vector<16xf32>
          %get3A_1408 = arith.index_cast %add3A_1383 : i32 to index
          %get3A_1409 = arith.index_cast %scan3A_127 : i32 to index
          %get3A_1410 = arith.constant 48 : index
          %get3A_1411 = tpu.vector_load %arg5[%get3A_1408, %get3A_1409, %get3A_1410] {strides = array<i32>} : memref<50x8x128xf32, #tpu.memory_space<vmem>>, vector<1x1x16xf32>,
          %get3A_1412 = vector.shape_cast %get3A_1411 : vector<1x1x16xf32> to vector<16xf32>
          %mul3A_1413 = vector.broadcast %squeeze3A_1377 : f32 to vector<16xf32>
          %mul3A_1414 = arith.mulf %get3A_1412, %mul3A_1413 : vector<16xf32>
          %add3A_1415 = arith.addf %add3A_1343, %mul3A_1414 : vector<16xf32>
          %get3A_1416 = arith.index_cast %add3A_1383 : i32 to index
          %get3A_1417 = arith.index_cast %scan3A_127 : i32 to index
          %get3A_1418 = arith.constant 64 : index
          %get3A_1419 = tpu.vector_load %arg5[%get3A_1416, %get3A_1417, %get3A_1418] {strides = array<i32>} : memref<50x8x128xf32, #tpu.memory_space<vmem>>, vector<1x1x16xf32>,
          %get3A_1420 = vector.shape_cast %get3A_1419 : vector<1x1x16xf32> to vector<16xf32>
          %mul3A_1421 = vector.broadcast %squeeze3A_1377 : f32 to vector<16xf32>
          %mul3A_1422 = arith.mulf %get3A_1420, %mul3A_1421 : vector<16xf32>
          %add3A_1423 = arith.addf %add3A_1351, %mul3A_1422 : vector<16xf32>
          %get3A_1424 = arith.index_cast %add3A_1383 : i32 to index
          %get3A_1425 = arith.index_cast %scan3A_127 : i32 to index
          %get3A_1426 = arith.constant 80 : index
          %get3A_1427 = tpu.vector_load %arg5[%get3A_1424, %get3A_1425, %get3A_1426] {strides = array<i32>} : memref<50x8x128xf32, #tpu.memory_space<vmem>>, vector<1x1x16xf32>,
          %get3A_1428 = vector.shape_cast %get3A_1427 : vector<1x1x16xf32> to vector<16xf32>
          %mul3A_1429 = vector.broadcast %squeeze3A_1377 : f32 to vector<16xf32>
          %mul3A_1430 = arith.mulf %get3A_1428, %mul3A_1429 : vector<16xf32>
          %add3A_1431 = arith.addf %add3A_1359, %mul3A_1430 : vector<16xf32>
          %get3A_1432 = arith.index_cast %add3A_1383 : i32 to index
          %get3A_1433 = arith.index_cast %scan3A_127 : i32 to index
          %get3A_1434 = arith.constant 96 : index
          %get3A_1435 = tpu.vector_load %arg5[%get3A_1432, %get3A_1433, %get3A_1434] {strides = array<i32>} : memref<50x8x128xf32, #tpu.memory_space<vmem>>, vector<1x1x16xf32>,
          %get3A_1436 = vector.shape_cast %get3A_1435 : vector<1x1x16xf32> to vector<16xf32>
          %mul3A_1437 = vector.broadcast %squeeze3A_1377 : f32 to vector<16xf32>
          %mul3A_1438 = arith.mulf %get3A_1436, %mul3A_1437 : vector<16xf32>
          %add3A_1439 = arith.addf %add3A_1367, %mul3A_1438 : vector<16xf32>
          %get3A_1440 = arith.index_cast %add3A_1383 : i32 to index
          %get3A_1441 = arith.index_cast %scan3A_127 : i32 to index
          %get3A_1442 = arith.constant 112 : index
          %get3A_1443 = tpu.vector_load %arg5[%get3A_1440, %get3A_1441, %get3A_1442] {strides = array<i32>} : memref<50x8x128xf32, #tpu.memory_space<vmem>>, vector<1x1x16xf32>,
          %get3A_1444 = vector.shape_cast %get3A_1443 : vector<1x1x16xf32> to vector<16xf32>
          %mul3A_1445 = vector.broadcast %squeeze3A_1377 : f32 to vector<16xf32>
          %mul3A_1446 = arith.mulf %get3A_1444, %mul3A_1445 : vector<16xf32>
          %add3A_1447 = arith.addf %add3A_1375, %mul3A_1446 : vector<16xf32>
          %slice3A_1448 = vector.extract_strided_slice %get3A_367 {offsets = [15], sizes = [1], strides = [1]} : vector<16xf32> to vector<1xf32>
          %squeeze3A_1449 = vector.extract %slice3A_1448[0] : f32 from vector<1xf32>
          %add3A_1450 = vector.broadcast %squeeze3A_1449 : f32 to vector<16xf32>
          %add3A_1451 = arith.addf %add3A_1379, %add3A_1450 : vector<16xf32>
          %mul3A_1452 = arith.constant 16 : i32
          %mul3A_1453 = arith.muli %scan3A_352, %mul3A_1452 : i32
          %add3A_1454 = arith.constant 15 : i32
          %add3A_1455 = arith.addi %mul3A_1453, %add3A_1454 : i32
          %get3A_1456 = arith.index_cast %add3A_1455 : i32 to index
          %get3A_1457 = arith.index_cast %scan3A_127 : i32 to index
          %get3A_1458 = arith.constant 0 : index
          %get3A_1459 = tpu.vector_load %arg5[%get3A_1456, %get3A_1457, %get3A_1458] {strides = array<i32>} : memref<50x8x128xf32, #tpu.memory_space<vmem>>, vector<1x1x16xf32>,
          %get3A_1460 = vector.shape_cast %get3A_1459 : vector<1x1x16xf32> to vector<16xf32>
          %mul3A_1461 = vector.broadcast %squeeze3A_1449 : f32 to vector<16xf32>
          %mul3A_1462 = arith.mulf %get3A_1460, %mul3A_1461 : vector<16xf32>
          %add3A_1463 = arith.addf %add3A_1391, %mul3A_1462 : vector<16xf32>
          %get3A_1464 = arith.index_cast %add3A_1455 : i32 to index
          %get3A_1465 = arith.index_cast %scan3A_127 : i32 to index
          %get3A_1466 = arith.constant 16 : index
          %get3A_1467 = tpu.vector_load %arg5[%get3A_1464, %get3A_1465, %get3A_1466] {strides = array<i32>} : memref<50x8x128xf32, #tpu.memory_space<vmem>>, vector<1x1x16xf32>,
          %get3A_1468 = vector.shape_cast %get3A_1467 : vector<1x1x16xf32> to vector<16xf32>
          %mul3A_1469 = vector.broadcast %squeeze3A_1449 : f32 to vector<16xf32>
          %mul3A_1470 = arith.mulf %get3A_1468, %mul3A_1469 : vector<16xf32>
          %add3A_1471 = arith.addf %add3A_1399, %mul3A_1470 : vector<16xf32>
          %get3A_1472 = arith.index_cast %add3A_1455 : i32 to index
          %get3A_1473 = arith.index_cast %scan3A_127 : i32 to index
          %get3A_1474 = arith.constant 32 : index
          %get3A_1475 = tpu.vector_load %arg5[%get3A_1472, %get3A_1473, %get3A_1474] {strides = array<i32>} : memref<50x8x128xf32, #tpu.memory_space<vmem>>, vector<1x1x16xf32>,
          %get3A_1476 = vector.shape_cast %get3A_1475 : vector<1x1x16xf32> to vector<16xf32>
          %mul3A_1477 = vector.broadcast %squeeze3A_1449 : f32 to vector<16xf32>
          %mul3A_1478 = arith.mulf %get3A_1476, %mul3A_1477 : vector<16xf32>
          %add3A_1479 = arith.addf %add3A_1407, %mul3A_1478 : vector<16xf32>
          %get3A_1480 = arith.index_cast %add3A_1455 : i32 to index
          %get3A_1481 = arith.index_cast %scan3A_127 : i32 to index
          %get3A_1482 = arith.constant 48 : index
          %get3A_1483 = tpu.vector_load %arg5[%get3A_1480, %get3A_1481, %get3A_1482] {strides = array<i32>} : memref<50x8x128xf32, #tpu.memory_space<vmem>>, vector<1x1x16xf32>,
          %get3A_1484 = vector.shape_cast %get3A_1483 : vector<1x1x16xf32> to vector<16xf32>
          %mul3A_1485 = vector.broadcast %squeeze3A_1449 : f32 to vector<16xf32>
          %mul3A_1486 = arith.mulf %get3A_1484, %mul3A_1485 : vector<16xf32>
          %add3A_1487 = arith.addf %add3A_1415, %mul3A_1486 : vector<16xf32>
          %get3A_1488 = arith.index_cast %add3A_1455 : i32 to index
          %get3A_1489 = arith.index_cast %scan3A_127 : i32 to index
          %get3A_1490 = arith.constant 64 : index
          %get3A_1491 = tpu.vector_load %arg5[%get3A_1488, %get3A_1489, %get3A_1490] {strides = array<i32>} : memref<50x8x128xf32, #tpu.memory_space<vmem>>, vector<1x1x16xf32>,
          %get3A_1492 = vector.shape_cast %get3A_1491 : vector<1x1x16xf32> to vector<16xf32>
          %mul3A_1493 = vector.broadcast %squeeze3A_1449 : f32 to vector<16xf32>
          %mul3A_1494 = arith.mulf %get3A_1492, %mul3A_1493 : vector<16xf32>
          %add3A_1495 = arith.addf %add3A_1423, %mul3A_1494 : vector<16xf32>
          %get3A_1496 = arith.index_cast %add3A_1455 : i32 to index
          %get3A_1497 = arith.index_cast %scan3A_127 : i32 to index
          %get3A_1498 = arith.constant 80 : index
          %get3A_1499 = tpu.vector_load %arg5[%get3A_1496, %get3A_1497, %get3A_1498] {strides = array<i32>} : memref<50x8x128xf32, #tpu.memory_space<vmem>>, vector<1x1x16xf32>,
          %get3A_1500 = vector.shape_cast %get3A_1499 : vector<1x1x16xf32> to vector<16xf32>
          %mul3A_1501 = vector.broadcast %squeeze3A_1449 : f32 to vector<16xf32>
          %mul3A_1502 = arith.mulf %get3A_1500, %mul3A_1501 : vector<16xf32>
          %add3A_1503 = arith.addf %add3A_1431, %mul3A_1502 : vector<16xf32>
          %get3A_1504 = arith.index_cast %add3A_1455 : i32 to index
          %get3A_1505 = arith.index_cast %scan3A_127 : i32 to index
          %get3A_1506 = arith.constant 96 : index
          %get3A_1507 = tpu.vector_load %arg5[%get3A_1504, %get3A_1505, %get3A_1506] {strides = array<i32>} : memref<50x8x128xf32, #tpu.memory_space<vmem>>, vector<1x1x16xf32>,
          %get3A_1508 = vector.shape_cast %get3A_1507 : vector<1x1x16xf32> to vector<16xf32>
          %mul3A_1509 = vector.broadcast %squeeze3A_1449 : f32 to vector<16xf32>
          %mul3A_1510 = arith.mulf %get3A_1508, %mul3A_1509 : vector<16xf32>
          %add3A_1511 = arith.addf %add3A_1439, %mul3A_1510 : vector<16xf32>
          %get3A_1512 = arith.index_cast %add3A_1455 : i32 to index
          %get3A_1513 = arith.index_cast %scan3A_127 : i32 to index
          %get3A_1514 = arith.constant 112 : index
          %get3A_1515 = tpu.vector_load %arg5[%get3A_1512, %get3A_1513, %get3A_1514] {strides = array<i32>} : memref<50x8x128xf32, #tpu.memory_space<vmem>>, vector<1x1x16xf32>,
          %get3A_1516 = vector.shape_cast %get3A_1515 : vector<1x1x16xf32> to vector<16xf32>
          %mul3A_1517 = vector.broadcast %squeeze3A_1449 : f32 to vector<16xf32>
          %mul3A_1518 = arith.mulf %get3A_1516, %mul3A_1517 : vector<16xf32>
          %add3A_1519 = arith.addf %add3A_1447, %mul3A_1518 : vector<16xf32>
          scf.yield %add3A_1463, %add3A_1471, %add3A_1479, %add3A_1487, %add3A_1495, %add3A_1503, %add3A_1511, %add3A_1519, %add3A_1451 : vector<16xf32>, vector<16xf32>, vector<16xf32>, vector<16xf32>, vector<16xf32>, vector<16xf32>, vector<16xf32>, vector<16xf32>, vector<16xf32>
        }
        %scan3A_151 = arith.constant 3 : i32
        %get3A = arith.index_cast %scan3A_127 : i32 to index
        %get3A_152 = arith.constant 48 : index
        %get3A_153 = tpu.vector_load %arg7[%get3A, %get3A_152] {strides = array<i32>} : memref<8x128xf32, #tpu.memory_space<vmem>>, vector<1x16xf32>,
        %get3A_154 = vector.shape_cast %get3A_153 : vector<1x16xf32> to vector<16xf32>
        %slice3A = vector.extract_strided_slice %get3A_154 {offsets = [0], sizes = [1], strides = [1]} : vector<16xf32> to vector<1xf32>
        %squeeze3A = vector.extract %slice3A[0] : f32 from vector<1xf32>
        %add3A_155 = vector.broadcast %squeeze3A : f32 to vector<16xf32>
        %add3A_156 = arith.addf %scan3A_150#8, %add3A_155 : vector<16xf32>
        %get3A_157 = arith.constant 48 : i32
        %get3A_158 = arith.index_cast %get3A_157 : i32 to index
        %get3A_159 = arith.index_cast %scan3A_127 : i32 to index
        %get3A_160 = arith.constant 0 : index
        %get3A_161 = tpu.vector_load %arg5[%get3A_158, %get3A_159, %get3A_160] {strides = array<i32>} : memref<50x8x128xf32, #tpu.memory_space<vmem>>, vector<1x1x16xf32>,
        %get3A_162 = vector.shape_cast %get3A_161 : vector<1x1x16xf32> to vector<16xf32>
        %mul3A_163 = vector.broadcast %squeeze3A : f32 to vector<16xf32>
        %mul3A_164 = arith.mulf %get3A_162, %mul3A_163 : vector<16xf32>
        %add3A_165 = arith.addf %scan3A_150#0, %mul3A_164 : vector<16xf32>
        %get3A_166 = arith.constant 48 : i32
        %get3A_167 = arith.index_cast %get3A_166 : i32 to index
        %get3A_168 = arith.index_cast %scan3A_127 : i32 to index
        %get3A_169 = arith.constant 16 : index
        %get3A_170 = tpu.vector_load %arg5[%get3A_167, %get3A_168, %get3A_169] {strides = array<i32>} : memref<50x8x128xf32, #tpu.memory_space<vmem>>, vector<1x1x16xf32>,
        %get3A_171 = vector.shape_cast %get3A_170 : vector<1x1x16xf32> to vector<16xf32>
        %mul3A_172 = vector.broadcast %squeeze3A : f32 to vector<16xf32>
        %mul3A_173 = arith.mulf %get3A_171, %mul3A_172 : vector<16xf32>
        %add3A_174 = arith.addf %scan3A_150#1, %mul3A_173 : vector<16xf32>
        %get3A_175 = arith.constant 48 : i32
        %get3A_176 = arith.index_cast %get3A_175 : i32 to index
        %get3A_177 = arith.index_cast %scan3A_127 : i32 to index
        %get3A_178 = arith.constant 32 : index
        %get3A_179 = tpu.vector_load %arg5[%get3A_176, %get3A_177, %get3A_178] {strides = array<i32>} : memref<50x8x128xf32, #tpu.memory_space<vmem>>, vector<1x1x16xf32>,
        %get3A_180 = vector.shape_cast %get3A_179 : vector<1x1x16xf32> to vector<16xf32>
        %mul3A_181 = vector.broadcast %squeeze3A : f32 to vector<16xf32>
        %mul3A_182 = arith.mulf %get3A_180, %mul3A_181 : vector<16xf32>
        %add3A_183 = arith.addf %scan3A_150#2, %mul3A_182 : vector<16xf32>
        %get3A_184 = arith.constant 48 : i32
        %get3A_185 = arith.index_cast %get3A_184 : i32 to index
        %get3A_186 = arith.index_cast %scan3A_127 : i32 to index
        %get3A_187 = arith.constant 48 : index
        %get3A_188 = tpu.vector_load %arg5[%get3A_185, %get3A_186, %get3A_187] {strides = array<i32>} : memref<50x8x128xf32, #tpu.memory_space<vmem>>, vector<1x1x16xf32>,
        %get3A_189 = vector.shape_cast %get3A_188 : vector<1x1x16xf32> to vector<16xf32>
        %mul3A_190 = vector.broadcast %squeeze3A : f32 to vector<16xf32>
        %mul3A_191 = arith.mulf %get3A_189, %mul3A_190 : vector<16xf32>
        %add3A_192 = arith.addf %scan3A_150#3, %mul3A_191 : vector<16xf32>
        %get3A_193 = arith.constant 48 : i32
        %get3A_194 = arith.index_cast %get3A_193 : i32 to index
        %get3A_195 = arith.index_cast %scan3A_127 : i32 to index
        %get3A_196 = arith.constant 64 : index
        %get3A_197 = tpu.vector_load %arg5[%get3A_194, %get3A_195, %get3A_196] {strides = array<i32>} : memref<50x8x128xf32, #tpu.memory_space<vmem>>, vector<1x1x16xf32>,
        %get3A_198 = vector.shape_cast %get3A_197 : vector<1x1x16xf32> to vector<16xf32>
        %mul3A_199 = vector.broadcast %squeeze3A : f32 to vector<16xf32>
        %mul3A_200 = arith.mulf %get3A_198, %mul3A_199 : vector<16xf32>
        %add3A_201 = arith.addf %scan3A_150#4, %mul3A_200 : vector<16xf32>
        %get3A_202 = arith.constant 48 : i32
        %get3A_203 = arith.index_cast %get3A_202 : i32 to index
        %get3A_204 = arith.index_cast %scan3A_127 : i32 to index
        %get3A_205 = arith.constant 80 : index
        %get3A_206 = tpu.vector_load %arg5[%get3A_203, %get3A_204, %get3A_205] {strides = array<i32>} : memref<50x8x128xf32, #tpu.memory_space<vmem>>, vector<1x1x16xf32>,
        %get3A_207 = vector.shape_cast %get3A_206 : vector<1x1x16xf32> to vector<16xf32>
        %mul3A_208 = vector.broadcast %squeeze3A : f32 to vector<16xf32>
        %mul3A_209 = arith.mulf %get3A_207, %mul3A_208 : vector<16xf32>
        %add3A_210 = arith.addf %scan3A_150#5, %mul3A_209 : vector<16xf32>
        %get3A_211 = arith.constant 48 : i32
        %get3A_212 = arith.index_cast %get3A_211 : i32 to index
        %get3A_213 = arith.index_cast %scan3A_127 : i32 to index
        %get3A_214 = arith.constant 96 : index
        %get3A_215 = tpu.vector_load %arg5[%get3A_212, %get3A_213, %get3A_214] {strides = array<i32>} : memref<50x8x128xf32, #tpu.memory_space<vmem>>, vector<1x1x16xf32>,
        %get3A_216 = vector.shape_cast %get3A_215 : vector<1x1x16xf32> to vector<16xf32>
        %mul3A_217 = vector.broadcast %squeeze3A : f32 to vector<16xf32>
        %mul3A_218 = arith.mulf %get3A_216, %mul3A_217 : vector<16xf32>
        %add3A_219 = arith.addf %scan3A_150#6, %mul3A_218 : vector<16xf32>
        %get3A_220 = arith.constant 48 : i32
        %get3A_221 = arith.index_cast %get3A_220 : i32 to index
        %get3A_222 = arith.index_cast %scan3A_127 : i32 to index
        %get3A_223 = arith.constant 112 : index
        %get3A_224 = tpu.vector_load %arg5[%get3A_221, %get3A_222, %get3A_223] {strides = array<i32>} : memref<50x8x128xf32, #tpu.memory_space<vmem>>, vector<1x1x16xf32>,
        %get3A_225 = vector.shape_cast %get3A_224 : vector<1x1x16xf32> to vector<16xf32>
        %mul3A_226 = vector.broadcast %squeeze3A : f32 to vector<16xf32>
        %mul3A_227 = arith.mulf %get3A_225, %mul3A_226 : vector<16xf32>
        %add3A_228 = arith.addf %scan3A_150#7, %mul3A_227 : vector<16xf32>
        %slice3A_229 = vector.extract_strided_slice %get3A_154 {offsets = [1], sizes = [1], strides = [1]} : vector<16xf32> to vector<1xf32>
        %squeeze3A_230 = vector.extract %slice3A_229[0] : f32 from vector<1xf32>
        %add3A_231 = vector.broadcast %squeeze3A_230 : f32 to vector<16xf32>
        %add3A_232 = arith.addf %add3A_156, %add3A_231 : vector<16xf32>
        %get3A_233 = arith.constant 49 : i32
        %get3A_234 = arith.index_cast %get3A_233 : i32 to index
        %get3A_235 = arith.index_cast %scan3A_127 : i32 to index
        %get3A_236 = arith.constant 0 : index
        %get3A_237 = tpu.vector_load %arg5[%get3A_234, %get3A_235, %get3A_236] {strides = array<i32>} : memref<50x8x128xf32, #tpu.memory_space<vmem>>, vector<1x1x16xf32>,
        %get3A_238 = vector.shape_cast %get3A_237 : vector<1x1x16xf32> to vector<16xf32>
        %mul3A_239 = vector.broadcast %squeeze3A_230 : f32 to vector<16xf32>
        %mul3A_240 = arith.mulf %get3A_238, %mul3A_239 : vector<16xf32>
        %add3A_241 = arith.addf %add3A_165, %mul3A_240 : vector<16xf32>
        %get3A_242 = arith.constant 49 : i32
        %get3A_243 = arith.index_cast %get3A_242 : i32 to index
        %get3A_244 = arith.index_cast %scan3A_127 : i32 to index
        %get3A_245 = arith.constant 16 : index
        %get3A_246 = tpu.vector_load %arg5[%get3A_243, %get3A_244, %get3A_245] {strides = array<i32>} : memref<50x8x128xf32, #tpu.memory_space<vmem>>, vector<1x1x16xf32>,
        %get3A_247 = vector.shape_cast %get3A_246 : vector<1x1x16xf32> to vector<16xf32>
        %mul3A_248 = vector.broadcast %squeeze3A_230 : f32 to vector<16xf32>
        %mul3A_249 = arith.mulf %get3A_247, %mul3A_248 : vector<16xf32>
        %add3A_250 = arith.addf %add3A_174, %mul3A_249 : vector<16xf32>
        %get3A_251 = arith.constant 49 : i32
        %get3A_252 = arith.index_cast %get3A_251 : i32 to index
        %get3A_253 = arith.index_cast %scan3A_127 : i32 to index
        %get3A_254 = arith.constant 32 : index
        %get3A_255 = tpu.vector_load %arg5[%get3A_252, %get3A_253, %get3A_254] {strides = array<i32>} : memref<50x8x128xf32, #tpu.memory_space<vmem>>, vector<1x1x16xf32>,
        %get3A_256 = vector.shape_cast %get3A_255 : vector<1x1x16xf32> to vector<16xf32>
        %mul3A_257 = vector.broadcast %squeeze3A_230 : f32 to vector<16xf32>
        %mul3A_258 = arith.mulf %get3A_256, %mul3A_257 : vector<16xf32>
        %add3A_259 = arith.addf %add3A_183, %mul3A_258 : vector<16xf32>
        %get3A_260 = arith.constant 49 : i32
        %get3A_261 = arith.index_cast %get3A_260 : i32 to index
        %get3A_262 = arith.index_cast %scan3A_127 : i32 to index
        %get3A_263 = arith.constant 48 : index
        %get3A_264 = tpu.vector_load %arg5[%get3A_261, %get3A_262, %get3A_263] {strides = array<i32>} : memref<50x8x128xf32, #tpu.memory_space<vmem>>, vector<1x1x16xf32>,
        %get3A_265 = vector.shape_cast %get3A_264 : vector<1x1x16xf32> to vector<16xf32>
        %mul3A_266 = vector.broadcast %squeeze3A_230 : f32 to vector<16xf32>
        %mul3A_267 = arith.mulf %get3A_265, %mul3A_266 : vector<16xf32>
        %add3A_268 = arith.addf %add3A_192, %mul3A_267 : vector<16xf32>
        %get3A_269 = arith.constant 49 : i32
        %get3A_270 = arith.index_cast %get3A_269 : i32 to index
        %get3A_271 = arith.index_cast %scan3A_127 : i32 to index
        %get3A_272 = arith.constant 64 : index
        %get3A_273 = tpu.vector_load %arg5[%get3A_270, %get3A_271, %get3A_272] {strides = array<i32>} : memref<50x8x128xf32, #tpu.memory_space<vmem>>, vector<1x1x16xf32>,
        %get3A_274 = vector.shape_cast %get3A_273 : vector<1x1x16xf32> to vector<16xf32>
        %mul3A_275 = vector.broadcast %squeeze3A_230 : f32 to vector<16xf32>
        %mul3A_276 = arith.mulf %get3A_274, %mul3A_275 : vector<16xf32>
        %add3A_277 = arith.addf %add3A_201, %mul3A_276 : vector<16xf32>
        %get3A_278 = arith.constant 49 : i32
        %get3A_279 = arith.index_cast %get3A_278 : i32 to index
        %get3A_280 = arith.index_cast %scan3A_127 : i32 to index
        %get3A_281 = arith.constant 80 : index
        %get3A_282 = tpu.vector_load %arg5[%get3A_279, %get3A_280, %get3A_281] {strides = array<i32>} : memref<50x8x128xf32, #tpu.memory_space<vmem>>, vector<1x1x16xf32>,
        %get3A_283 = vector.shape_cast %get3A_282 : vector<1x1x16xf32> to vector<16xf32>
        %mul3A_284 = vector.broadcast %squeeze3A_230 : f32 to vector<16xf32>
        %mul3A_285 = arith.mulf %get3A_283, %mul3A_284 : vector<16xf32>
        %add3A_286 = arith.addf %add3A_210, %mul3A_285 : vector<16xf32>
        %get3A_287 = arith.constant 49 : i32
        %get3A_288 = arith.index_cast %get3A_287 : i32 to index
        %get3A_289 = arith.index_cast %scan3A_127 : i32 to index
        %get3A_290 = arith.constant 96 : index
        %get3A_291 = tpu.vector_load %arg5[%get3A_288, %get3A_289, %get3A_290] {strides = array<i32>} : memref<50x8x128xf32, #tpu.memory_space<vmem>>, vector<1x1x16xf32>,
        %get3A_292 = vector.shape_cast %get3A_291 : vector<1x1x16xf32> to vector<16xf32>
        %mul3A_293 = vector.broadcast %squeeze3A_230 : f32 to vector<16xf32>
        %mul3A_294 = arith.mulf %get3A_292, %mul3A_293 : vector<16xf32>
        %add3A_295 = arith.addf %add3A_219, %mul3A_294 : vector<16xf32>
        %get3A_296 = arith.constant 49 : i32
        %get3A_297 = arith.index_cast %get3A_296 : i32 to index
        %get3A_298 = arith.index_cast %scan3A_127 : i32 to index
        %get3A_299 = arith.constant 112 : index
        %get3A_300 = tpu.vector_load %arg5[%get3A_297, %get3A_298, %get3A_299] {strides = array<i32>} : memref<50x8x128xf32, #tpu.memory_space<vmem>>, vector<1x1x16xf32>,
        %get3A_301 = vector.shape_cast %get3A_300 : vector<1x1x16xf32> to vector<16xf32>
        %mul3A_302 = vector.broadcast %squeeze3A_230 : f32 to vector<16xf32>
        %mul3A_303 = arith.mulf %get3A_301, %mul3A_302 : vector<16xf32>
        %add3A_304 = arith.addf %add3A_228, %mul3A_303 : vector<16xf32>
        %div3A = arith.divf %add3A_241, %add3A_232 : vector<16xf32>
        %swap3A = arith.index_cast %scan3A_127 : i32 to index
        %swap3A_305 = arith.constant 0 : index
        %swap3A_306 = tpu.vector_load %arg9[%swap3A, %swap3A_305] {strides = array<i32>} : memref<8x128xf32, #tpu.memory_space<vmem>>, vector<1x16xf32>,
        %swap3A_307 = vector.shape_cast %swap3A_306 : vector<1x16xf32> to vector<16xf32>
        %swap3A_308 = vector.shape_cast %div3A : vector<16xf32> to vector<1x16xf32>
        tpu.vector_store %arg9[%swap3A, %swap3A_305], %swap3A_308 {strides = array<i32>} : memref<8x128xf32, #tpu.memory_space<vmem>>, vector<1x16xf32>,
        %div3A_309 = arith.divf %add3A_250, %add3A_232 : vector<16xf32>
        %swap3A_310 = arith.index_cast %scan3A_127 : i32 to index
        %swap3A_311 = arith.constant 16 : index
        %swap3A_312 = tpu.vector_load %arg9[%swap3A_310, %swap3A_311] {strides = array<i32>} : memref<8x128xf32, #tpu.memory_space<vmem>>, vector<1x16xf32>,
        %swap3A_313 = vector.shape_cast %swap3A_312 : vector<1x16xf32> to vector<16xf32>
        %swap3A_314 = vector.shape_cast %div3A_309 : vector<16xf32> to vector<1x16xf32>
        tpu.vector_store %arg9[%swap3A_310, %swap3A_311], %swap3A_314 {strides = array<i32>} : memref<8x128xf32, #tpu.memory_space<vmem>>, vector<1x16xf32>,
        %div3A_315 = arith.divf %add3A_259, %add3A_232 : vector<16xf32>
        %swap3A_316 = arith.index_cast %scan3A_127 : i32 to index
        %swap3A_317 = arith.constant 32 : index
        %swap3A_318 = tpu.vector_load %arg9[%swap3A_316, %swap3A_317] {strides = array<i32>} : memref<8x128xf32, #tpu.memory_space<vmem>>, vector<1x16xf32>,
        %swap3A_319 = vector.shape_cast %swap3A_318 : vector<1x16xf32> to vector<16xf32>
        %swap3A_320 = vector.shape_cast %div3A_315 : vector<16xf32> to vector<1x16xf32>
        tpu.vector_store %arg9[%swap3A_316, %swap3A_317], %swap3A_320 {strides = array<i32>} : memref<8x128xf32, #tpu.memory_space<vmem>>, vector<1x16xf32>,
        %div3A_321 = arith.divf %add3A_268, %add3A_232 : vector<16xf32>
        %swap3A_322 = arith.index_cast %scan3A_127 : i32 to index
        %swap3A_323 = arith.constant 48 : index
        %swap3A_324 = tpu.vector_load %arg9[%swap3A_322, %swap3A_323] {strides = array<i32>} : memref<8x128xf32, #tpu.memory_space<vmem>>, vector<1x16xf32>,
        %swap3A_325 = vector.shape_cast %swap3A_324 : vector<1x16xf32> to vector<16xf32>
        %swap3A_326 = vector.shape_cast %div3A_321 : vector<16xf32> to vector<1x16xf32>
        tpu.vector_store %arg9[%swap3A_322, %swap3A_323], %swap3A_326 {strides = array<i32>} : memref<8x128xf32, #tpu.memory_space<vmem>>, vector<1x16xf32>,
        %div3A_327 = arith.divf %add3A_277, %add3A_232 : vector<16xf32>
        %swap3A_328 = arith.index_cast %scan3A_127 : i32 to index
        %swap3A_329 = arith.constant 64 : index
        %swap3A_330 = tpu.vector_load %arg9[%swap3A_328, %swap3A_329] {strides = array<i32>} : memref<8x128xf32, #tpu.memory_space<vmem>>, vector<1x16xf32>,
        %swap3A_331 = vector.shape_cast %swap3A_330 : vector<1x16xf32> to vector<16xf32>
        %swap3A_332 = vector.shape_cast %div3A_327 : vector<16xf32> to vector<1x16xf32>
        tpu.vector_store %arg9[%swap3A_328, %swap3A_329], %swap3A_332 {strides = array<i32>} : memref<8x128xf32, #tpu.memory_space<vmem>>, vector<1x16xf32>,
        %div3A_333 = arith.divf %add3A_286, %add3A_232 : vector<16xf32>
        %swap3A_334 = arith.index_cast %scan3A_127 : i32 to index
        %swap3A_335 = arith.constant 80 : index
        %swap3A_336 = tpu.vector_load %arg9[%swap3A_334, %swap3A_335] {strides = array<i32>} : memref<8x128xf32, #tpu.memory_space<vmem>>, vector<1x16xf32>,
        %swap3A_337 = vector.shape_cast %swap3A_336 : vector<1x16xf32> to vector<16xf32>
        %swap3A_338 = vector.shape_cast %div3A_333 : vector<16xf32> to vector<1x16xf32>
        tpu.vector_store %arg9[%swap3A_334, %swap3A_335], %swap3A_338 {strides = array<i32>} : memref<8x128xf32, #tpu.memory_space<vmem>>, vector<1x16xf32>,
        %div3A_339 = arith.divf %add3A_295, %add3A_232 : vector<16xf32>
        %swap3A_340 = arith.index_cast %scan3A_127 : i32 to index
        %swap3A_341 = arith.constant 96 : index
        %swap3A_342 = tpu.vector_load %arg9[%swap3A_340, %swap3A_341] {strides = array<i32>} : memref<8x128xf32, #tpu.memory_space<vmem>>, vector<1x16xf32>,
        %swap3A_343 = vector.shape_cast %swap3A_342 : vector<1x16xf32> to vector<16xf32>
        %swap3A_344 = vector.shape_cast %div3A_339 : vector<16xf32> to vector<1x16xf32>
        tpu.vector_store %arg9[%swap3A_340, %swap3A_341], %swap3A_344 {strides = array<i32>} : memref<8x128xf32, #tpu.memory_space<vmem>>, vector<1x16xf32>,
        %div3A_345 = arith.divf %add3A_304, %add3A_232 : vector<16xf32>
        %swap3A_346 = arith.index_cast %scan3A_127 : i32 to index
        %swap3A_347 = arith.constant 112 : index
        %swap3A_348 = tpu.vector_load %arg9[%swap3A_346, %swap3A_347] {strides = array<i32>} : memref<8x128xf32, #tpu.memory_space<vmem>>, vector<1x16xf32>,
        %swap3A_349 = vector.shape_cast %swap3A_348 : vector<1x16xf32> to vector<16xf32>
        %swap3A_350 = vector.shape_cast %div3A_345 : vector<16xf32> to vector<1x16xf32>
        tpu.vector_store %arg9[%swap3A_346, %swap3A_347], %swap3A_350 {strides = array<i32>} : memref<8x128xf32, #tpu.memory_space<vmem>>, vector<1x16xf32>,
        %scan3A_351 = arith.constant 0 : i32
        scf.yield %scan3A_351 : i32
      }
      %scan3A_69 = arith.constant 8 : i32
      %mul3A_70 = arith.constant 8 : i32
      %mul3A_71 = arith.muli %add3A_46, %mul3A_70 : i32
      %add3A_72 = arith.addi %mul3A_2, %mul3A_71 : i32
      %dma_start3A_73 = arith.constant 0 : i32
      %dma_start3A_74 = tpu.memref_slice %arg4[%add3A_72, %dma_start3A_73] : memref<2048x128xf32, #tpu.memory_space<hbm>> -> memref<8x128xf32, #tpu.memory_space<hbm>>
      %dma_start3A_75 = arith.constant 0 : i32
      %dma_start3A_76 = tpu.memref_slice %arg4[%add3A_72, %dma_start3A_75] : memref<2048x128xf32, #tpu.memory_space<hbm>> -> memref<8x128xf32, #tpu.memory_space<hbm>>
      tpu.enqueue_dma source(%arg9 : memref<8x128xf32, #tpu.memory_space<vmem>>) target(%dma_start3A_76 : memref<8x128xf32, #tpu.memory_space<hbm>>) target_semaphore(%arg13 : memref<!tpu.dma_semaphore, #tpu.memory_space<semaphore_mem>>)
      %add3A_77 = arith.constant 2 : i32
      %add3A_78 = arith.addi %add3A_46, %add3A_77 : i32
      %lt3A = arith.constant 8 : i32
      %lt3A_79 = arith.cmpi slt, %add3A_78, %lt3A : i32
      %convert_element_type3A_80 = arith.extui %lt3A_79 : i1 to i32
      %cond3A_81 = arith.constant 0 : i32
      %cond3A_82 = arith.cmpi ne, %convert_element_type3A_80, %cond3A_81 : i32
      scf.if %cond3A_82 {
        %add3A_127 = arith.constant 2 : i32
        %add3A_128 = arith.addi %add3A_46, %add3A_127 : i32
        %mul3A_129 = arith.constant 8 : i32
        %mul3A_130 = arith.muli %add3A_128, %mul3A_129 : i32
        %add3A_131 = arith.addi %mul3A_2, %mul3A_130 : i32
        %dma_start3A_132 = arith.constant 0 : i32
        %dma_start3A_133 = arith.constant 0 : i32
        %dma_start3A_134 = tpu.memref_slice %arg2[%dma_start3A_132, %add3A_131, %dma_start3A_133] : memref<50x4096x128xf32, #tpu.memory_space<hbm>> -> memref<50x8x128xf32, #tpu.memory_space<hbm>>
        %dma_start3A_135 = arith.constant 0 : i32
        %dma_start3A_136 = arith.constant 0 : i32
        %dma_start3A_137 = tpu.memref_slice %arg2[%dma_start3A_135, %add3A_131, %dma_start3A_136] : memref<50x4096x128xf32, #tpu.memory_space<hbm>> -> memref<50x8x128xf32, #tpu.memory_space<hbm>>
        tpu.enqueue_dma source(%dma_start3A_137 : memref<50x8x128xf32, #tpu.memory_space<hbm>>) target(%arg5 : memref<50x8x128xf32, #tpu.memory_space<vmem>>) target_semaphore(%arg11 : memref<!tpu.dma_semaphore, #tpu.memory_space<semaphore_mem>>)
        %dma_start3A_138 = arith.constant 0 : i32
        %dma_start3A_139 = tpu.memref_slice %arg3[%add3A_131, %dma_start3A_138] : memref<4096x128xf32, #tpu.memory_space<hbm>> -> memref<8x128xf32, #tpu.memory_space<hbm>>
        %dma_start3A_140 = arith.constant 0 : i32
        %dma_start3A_141 = tpu.memref_slice %arg3[%add3A_131, %dma_start3A_140] : memref<4096x128xf32, #tpu.memory_space<hbm>> -> memref<8x128xf32, #tpu.memory_space<hbm>>
        tpu.enqueue_dma source(%dma_start3A_141 : memref<8x128xf32, #tpu.memory_space<hbm>>) target(%arg7 : memref<8x128xf32, #tpu.memory_space<vmem>>) target_semaphore(%arg11 : memref<!tpu.dma_semaphore, #tpu.memory_space<semaphore_mem>>)
      } else {
      }
      %mul3A_83 = arith.constant 2 : i32
      %mul3A_84 = arith.muli %scan3A_42, %mul3A_83 : i32
      %add3A_85 = arith.constant 1 : i32
      %add3A_86 = arith.addi %mul3A_84, %add3A_85 : i32
      %dma_wait3A_87 = arith.constant 0 : i32
      %dma_wait3A_88 = arith.constant 0 : i32
      %dma_wait3A_89 = arith.constant 0 : i32
      %dma_wait3A_90 = tpu.memref_slice %arg2[%dma_wait3A_87, %dma_wait3A_88, %dma_wait3A_89] : memref<50x4096x128xf32, #tpu.memory_space<hbm>> -> memref<50x8x128xf32, #tpu.memory_space<hbm>>
      %dma_wait3A_91 = arith.constant 0 : i32
      %dma_wait3A_92 = arith.constant 0 : i32
      %dma_wait3A_93 = arith.constant 0 : i32
      %dma_wait3A_94 = tpu.memref_slice %arg2[%dma_wait3A_91, %dma_wait3A_92, %dma_wait3A_93] : memref<50x4096x128xf32, #tpu.memory_space<hbm>> -> memref<50x8x128xf32, #tpu.memory_space<hbm>>
      tpu.wait_dma2 semaphore(%arg12 : memref<!tpu.dma_semaphore, #tpu.memory_space<semaphore_mem>>) src(%dma_wait3A_94 : memref<50x8x128xf32, #tpu.memory_space<hbm>>) dst(%arg6 : memref<50x8x128xf32, #tpu.memory_space<vmem>>)
      %dma_wait3A_95 = arith.constant 0 : i32
      %dma_wait3A_96 = arith.constant 0 : i32
      %dma_wait3A_97 = tpu.memref_slice %arg3[%dma_wait3A_95, %dma_wait3A_96] : memref<4096x128xf32, #tpu.memory_space<hbm>> -> memref<8x128xf32, #tpu.memory_space<hbm>>
      %dma_wait3A_98 = arith.constant 0 : i32
      %dma_wait3A_99 = arith.constant 0 : i32
      %dma_wait3A_100 = tpu.memref_slice %arg3[%dma_wait3A_98, %dma_wait3A_99] : memref<4096x128xf32, #tpu.memory_space<hbm>> -> memref<8x128xf32, #tpu.memory_space<hbm>>
      tpu.wait_dma2 semaphore(%arg12 : memref<!tpu.dma_semaphore, #tpu.memory_space<semaphore_mem>>) src(%dma_wait3A_100 : memref<8x128xf32, #tpu.memory_space<hbm>>) dst(%arg8 : memref<8x128xf32, #tpu.memory_space<vmem>>)
      %ge3A_101 = arith.constant 2 : i32
      %ge3A_102 = arith.cmpi sge, %add3A_86, %ge3A_101 : i32
      %convert_element_type3A_103 = arith.extui %ge3A_102 : i1 to i32
      %cond3A_104 = arith.constant 0 : i32
      %cond3A_105 = arith.cmpi ne, %convert_element_type3A_103, %cond3A_104 : i32
      scf.if %cond3A_105 {
        %dma_wait3A_127 = arith.constant 0 : i32
        %dma_wait3A_128 = arith.constant 0 : i32
        %dma_wait3A_129 = tpu.memref_slice %arg4[%dma_wait3A_127, %dma_wait3A_128] : memref<2048x128xf32, #tpu.memory_space<hbm>> -> memref<8x128xf32, #tpu.memory_space<hbm>>
        %dma_wait3A_130 = arith.constant 0 : i32
        %dma_wait3A_131 = arith.constant 0 : i32
        %dma_wait3A_132 = tpu.memref_slice %arg4[%dma_wait3A_130, %dma_wait3A_131] : memref<2048x128xf32, #tpu.memory_space<hbm>> -> memref<8x128xf32, #tpu.memory_space<hbm>>
        tpu.wait_dma2 semaphore(%arg14 : memref<!tpu.dma_semaphore, #tpu.memory_space<semaphore_mem>>) src(%arg10 : memref<8x128xf32, #tpu.memory_space<vmem>>) dst(%dma_wait3A_132 : memref<8x128xf32, #tpu.memory_space<hbm>>)
      } else {
      }
      %scan3A_106 = arith.constant 0 : i32
      %scan3A_107 = arith.constant 0 : i32
      %scan3A_108 = arith.constant 8 : i32
      %scan3A_109 = arith.addi %scan3A_107, %scan3A_108 : i32
      %scan3A_110 = arith.constant 1 : i32
      %scan3A_111 = scf.for %scan3A_127 = %scan3A_107 to %scan3A_109 step %scan3A_110 iter_args(%scan3A_128 = %scan3A_106) -> (i32)  : i32 {
        %broadcast_in_dim3A = arith.constant 0.000000e+00 : f32
        %broadcast_in_dim3A_129 = vector.broadcast %broadcast_in_dim3A : f32 to vector<16xf32>
        %broadcast_in_dim3A_130 = arith.constant 0.000000e+00 : f32
        %broadcast_in_dim3A_131 = vector.broadcast %broadcast_in_dim3A_130 : f32 to vector<16xf32>
        %broadcast_in_dim3A_132 = arith.constant 0.000000e+00 : f32
        %broadcast_in_dim3A_133 = vector.broadcast %broadcast_in_dim3A_132 : f32 to vector<16xf32>
        %broadcast_in_dim3A_134 = arith.constant 0.000000e+00 : f32
        %broadcast_in_dim3A_135 = vector.broadcast %broadcast_in_dim3A_134 : f32 to vector<16xf32>
        %broadcast_in_dim3A_136 = arith.constant 0.000000e+00 : f32
        %broadcast_in_dim3A_137 = vector.broadcast %broadcast_in_dim3A_136 : f32 to vector<16xf32>
        %broadcast_in_dim3A_138 = arith.constant 0.000000e+00 : f32
        %broadcast_in_dim3A_139 = vector.broadcast %broadcast_in_dim3A_138 : f32 to vector<16xf32>
        %broadcast_in_dim3A_140 = arith.constant 0.000000e+00 : f32
        %broadcast_in_dim3A_141 = vector.broadcast %broadcast_in_dim3A_140 : f32 to vector<16xf32>
        %broadcast_in_dim3A_142 = arith.constant 0.000000e+00 : f32
        %broadcast_in_dim3A_143 = vector.broadcast %broadcast_in_dim3A_142 : f32 to vector<16xf32>
        %broadcast_in_dim3A_144 = arith.constant 0.000000e+00 : f32
        %broadcast_in_dim3A_145 = vector.broadcast %broadcast_in_dim3A_144 : f32 to vector<16xf32>
        %scan3A_146 = arith.constant 0 : i32
        %scan3A_147 = arith.constant 3 : i32
        %scan3A_148 = arith.addi %scan3A_146, %scan3A_147 : i32
        %scan3A_149 = arith.constant 1 : i32
        %scan3A_150:9 = scf.for %scan3A_352 = %scan3A_146 to %scan3A_148 step %scan3A_149 iter_args(%scan3A_353 = %broadcast_in_dim3A_129, %scan3A_354 = %broadcast_in_dim3A_131, %scan3A_355 = %broadcast_in_dim3A_133, %scan3A_356 = %broadcast_in_dim3A_135, %scan3A_357 = %broadcast_in_dim3A_137, %scan3A_358 = %broadcast_in_dim3A_139, %scan3A_359 = %broadcast_in_dim3A_141, %scan3A_360 = %broadcast_in_dim3A_143, %scan3A_361 = %broadcast_in_dim3A_145) -> (vector<16xf32>, vector<16xf32>, vector<16xf32>, vector<16xf32>, vector<16xf32>, vector<16xf32>, vector<16xf32>, vector<16xf32>, vector<16xf32>)  : i32 {
          %mul3A_362 = arith.constant 16 : i32
          %mul3A_363 = arith.muli %scan3A_352, %mul3A_362 : i32
          %get3A_364 = arith.index_cast %scan3A_127 : i32 to index
          %get3A_365 = arith.index_cast %mul3A_363 : i32 to index
          %get3A_366 = tpu.vector_load %arg8[%get3A_364, %get3A_365] {strides = array<i32>} : memref<8x128xf32, #tpu.memory_space<vmem>>, vector<1x16xf32>,
          %get3A_367 = vector.shape_cast %get3A_366 : vector<1x16xf32> to vector<16xf32>
          %slice3A_368 = vector.extract_strided_slice %get3A_367 {offsets = [0], sizes = [1], strides = [1]} : vector<16xf32> to vector<1xf32>
          %squeeze3A_369 = vector.extract %slice3A_368[0] : f32 from vector<1xf32>
          %add3A_370 = vector.broadcast %squeeze3A_369 : f32 to vector<16xf32>
          %add3A_371 = arith.addf %scan3A_361, %add3A_370 : vector<16xf32>
          %mul3A_372 = arith.constant 16 : i32
          %mul3A_373 = arith.muli %scan3A_352, %mul3A_372 : i32
          %add3A_374 = arith.constant 0 : i32
          %add3A_375 = arith.addi %mul3A_373, %add3A_374 : i32
          %get3A_376 = arith.index_cast %add3A_375 : i32 to index
          %get3A_377 = arith.index_cast %scan3A_127 : i32 to index
          %get3A_378 = arith.constant 0 : index
          %get3A_379 = tpu.vector_load %arg6[%get3A_376, %get3A_377, %get3A_378] {strides = array<i32>} : memref<50x8x128xf32, #tpu.memory_space<vmem>>, vector<1x1x16xf32>,
          %get3A_380 = vector.shape_cast %get3A_379 : vector<1x1x16xf32> to vector<16xf32>
          %mul3A_381 = vector.broadcast %squeeze3A_369 : f32 to vector<16xf32>
          %mul3A_382 = arith.mulf %get3A_380, %mul3A_381 : vector<16xf32>
          %add3A_383 = arith.addf %scan3A_353, %mul3A_382 : vector<16xf32>
          %get3A_384 = arith.index_cast %add3A_375 : i32 to index
          %get3A_385 = arith.index_cast %scan3A_127 : i32 to index
          %get3A_386 = arith.constant 16 : index
          %get3A_387 = tpu.vector_load %arg6[%get3A_384, %get3A_385, %get3A_386] {strides = array<i32>} : memref<50x8x128xf32, #tpu.memory_space<vmem>>, vector<1x1x16xf32>,
          %get3A_388 = vector.shape_cast %get3A_387 : vector<1x1x16xf32> to vector<16xf32>
          %mul3A_389 = vector.broadcast %squeeze3A_369 : f32 to vector<16xf32>
          %mul3A_390 = arith.mulf %get3A_388, %mul3A_389 : vector<16xf32>
          %add3A_391 = arith.addf %scan3A_354, %mul3A_390 : vector<16xf32>
          %get3A_392 = arith.index_cast %add3A_375 : i32 to index
          %get3A_393 = arith.index_cast %scan3A_127 : i32 to index
          %get3A_394 = arith.constant 32 : index
          %get3A_395 = tpu.vector_load %arg6[%get3A_392, %get3A_393, %get3A_394] {strides = array<i32>} : memref<50x8x128xf32, #tpu.memory_space<vmem>>, vector<1x1x16xf32>,
          %get3A_396 = vector.shape_cast %get3A_395 : vector<1x1x16xf32> to vector<16xf32>
          %mul3A_397 = vector.broadcast %squeeze3A_369 : f32 to vector<16xf32>
          %mul3A_398 = arith.mulf %get3A_396, %mul3A_397 : vector<16xf32>
          %add3A_399 = arith.addf %scan3A_355, %mul3A_398 : vector<16xf32>
          %get3A_400 = arith.index_cast %add3A_375 : i32 to index
          %get3A_401 = arith.index_cast %scan3A_127 : i32 to index
          %get3A_402 = arith.constant 48 : index
          %get3A_403 = tpu.vector_load %arg6[%get3A_400, %get3A_401, %get3A_402] {strides = array<i32>} : memref<50x8x128xf32, #tpu.memory_space<vmem>>, vector<1x1x16xf32>,
          %get3A_404 = vector.shape_cast %get3A_403 : vector<1x1x16xf32> to vector<16xf32>
          %mul3A_405 = vector.broadcast %squeeze3A_369 : f32 to vector<16xf32>
          %mul3A_406 = arith.mulf %get3A_404, %mul3A_405 : vector<16xf32>
          %add3A_407 = arith.addf %scan3A_356, %mul3A_406 : vector<16xf32>
          %get3A_408 = arith.index_cast %add3A_375 : i32 to index
          %get3A_409 = arith.index_cast %scan3A_127 : i32 to index
          %get3A_410 = arith.constant 64 : index
          %get3A_411 = tpu.vector_load %arg6[%get3A_408, %get3A_409, %get3A_410] {strides = array<i32>} : memref<50x8x128xf32, #tpu.memory_space<vmem>>, vector<1x1x16xf32>,
          %get3A_412 = vector.shape_cast %get3A_411 : vector<1x1x16xf32> to vector<16xf32>
          %mul3A_413 = vector.broadcast %squeeze3A_369 : f32 to vector<16xf32>
          %mul3A_414 = arith.mulf %get3A_412, %mul3A_413 : vector<16xf32>
          %add3A_415 = arith.addf %scan3A_357, %mul3A_414 : vector<16xf32>
          %get3A_416 = arith.index_cast %add3A_375 : i32 to index
          %get3A_417 = arith.index_cast %scan3A_127 : i32 to index
          %get3A_418 = arith.constant 80 : index
          %get3A_419 = tpu.vector_load %arg6[%get3A_416, %get3A_417, %get3A_418] {strides = array<i32>} : memref<50x8x128xf32, #tpu.memory_space<vmem>>, vector<1x1x16xf32>,
          %get3A_420 = vector.shape_cast %get3A_419 : vector<1x1x16xf32> to vector<16xf32>
          %mul3A_421 = vector.broadcast %squeeze3A_369 : f32 to vector<16xf32>
          %mul3A_422 = arith.mulf %get3A_420, %mul3A_421 : vector<16xf32>
          %add3A_423 = arith.addf %scan3A_358, %mul3A_422 : vector<16xf32>
          %get3A_424 = arith.index_cast %add3A_375 : i32 to index
          %get3A_425 = arith.index_cast %scan3A_127 : i32 to index
          %get3A_426 = arith.constant 96 : index
          %get3A_427 = tpu.vector_load %arg6[%get3A_424, %get3A_425, %get3A_426] {strides = array<i32>} : memref<50x8x128xf32, #tpu.memory_space<vmem>>, vector<1x1x16xf32>,
          %get3A_428 = vector.shape_cast %get3A_427 : vector<1x1x16xf32> to vector<16xf32>
          %mul3A_429 = vector.broadcast %squeeze3A_369 : f32 to vector<16xf32>
          %mul3A_430 = arith.mulf %get3A_428, %mul3A_429 : vector<16xf32>
          %add3A_431 = arith.addf %scan3A_359, %mul3A_430 : vector<16xf32>
          %get3A_432 = arith.index_cast %add3A_375 : i32 to index
          %get3A_433 = arith.index_cast %scan3A_127 : i32 to index
          %get3A_434 = arith.constant 112 : index
          %get3A_435 = tpu.vector_load %arg6[%get3A_432, %get3A_433, %get3A_434] {strides = array<i32>} : memref<50x8x128xf32, #tpu.memory_space<vmem>>, vector<1x1x16xf32>,
          %get3A_436 = vector.shape_cast %get3A_435 : vector<1x1x16xf32> to vector<16xf32>
          %mul3A_437 = vector.broadcast %squeeze3A_369 : f32 to vector<16xf32>
          %mul3A_438 = arith.mulf %get3A_436, %mul3A_437 : vector<16xf32>
          %add3A_439 = arith.addf %scan3A_360, %mul3A_438 : vector<16xf32>
          %slice3A_440 = vector.extract_strided_slice %get3A_367 {offsets = [1], sizes = [1], strides = [1]} : vector<16xf32> to vector<1xf32>
          %squeeze3A_441 = vector.extract %slice3A_440[0] : f32 from vector<1xf32>
          %add3A_442 = vector.broadcast %squeeze3A_441 : f32 to vector<16xf32>
          %add3A_443 = arith.addf %add3A_371, %add3A_442 : vector<16xf32>
          %mul3A_444 = arith.constant 16 : i32
          %mul3A_445 = arith.muli %scan3A_352, %mul3A_444 : i32
          %add3A_446 = arith.constant 1 : i32
          %add3A_447 = arith.addi %mul3A_445, %add3A_446 : i32
          %get3A_448 = arith.index_cast %add3A_447 : i32 to index
          %get3A_449 = arith.index_cast %scan3A_127 : i32 to index
          %get3A_450 = arith.constant 0 : index
          %get3A_451 = tpu.vector_load %arg6[%get3A_448, %get3A_449, %get3A_450] {strides = array<i32>} : memref<50x8x128xf32, #tpu.memory_space<vmem>>, vector<1x1x16xf32>,
          %get3A_452 = vector.shape_cast %get3A_451 : vector<1x1x16xf32> to vector<16xf32>
          %mul3A_453 = vector.broadcast %squeeze3A_441 : f32 to vector<16xf32>
          %mul3A_454 = arith.mulf %get3A_452, %mul3A_453 : vector<16xf32>
          %add3A_455 = arith.addf %add3A_383, %mul3A_454 : vector<16xf32>
          %get3A_456 = arith.index_cast %add3A_447 : i32 to index
          %get3A_457 = arith.index_cast %scan3A_127 : i32 to index
          %get3A_458 = arith.constant 16 : index
          %get3A_459 = tpu.vector_load %arg6[%get3A_456, %get3A_457, %get3A_458] {strides = array<i32>} : memref<50x8x128xf32, #tpu.memory_space<vmem>>, vector<1x1x16xf32>,
          %get3A_460 = vector.shape_cast %get3A_459 : vector<1x1x16xf32> to vector<16xf32>
          %mul3A_461 = vector.broadcast %squeeze3A_441 : f32 to vector<16xf32>
          %mul3A_462 = arith.mulf %get3A_460, %mul3A_461 : vector<16xf32>
          %add3A_463 = arith.addf %add3A_391, %mul3A_462 : vector<16xf32>
          %get3A_464 = arith.index_cast %add3A_447 : i32 to index
          %get3A_465 = arith.index_cast %scan3A_127 : i32 to index
          %get3A_466 = arith.constant 32 : index
          %get3A_467 = tpu.vector_load %arg6[%get3A_464, %get3A_465, %get3A_466] {strides = array<i32>} : memref<50x8x128xf32, #tpu.memory_space<vmem>>, vector<1x1x16xf32>,
          %get3A_468 = vector.shape_cast %get3A_467 : vector<1x1x16xf32> to vector<16xf32>
          %mul3A_469 = vector.broadcast %squeeze3A_441 : f32 to vector<16xf32>
          %mul3A_470 = arith.mulf %get3A_468, %mul3A_469 : vector<16xf32>
          %add3A_471 = arith.addf %add3A_399, %mul3A_470 : vector<16xf32>
          %get3A_472 = arith.index_cast %add3A_447 : i32 to index
          %get3A_473 = arith.index_cast %scan3A_127 : i32 to index
          %get3A_474 = arith.constant 48 : index
          %get3A_475 = tpu.vector_load %arg6[%get3A_472, %get3A_473, %get3A_474] {strides = array<i32>} : memref<50x8x128xf32, #tpu.memory_space<vmem>>, vector<1x1x16xf32>,
          %get3A_476 = vector.shape_cast %get3A_475 : vector<1x1x16xf32> to vector<16xf32>
          %mul3A_477 = vector.broadcast %squeeze3A_441 : f32 to vector<16xf32>
          %mul3A_478 = arith.mulf %get3A_476, %mul3A_477 : vector<16xf32>
          %add3A_479 = arith.addf %add3A_407, %mul3A_478 : vector<16xf32>
          %get3A_480 = arith.index_cast %add3A_447 : i32 to index
          %get3A_481 = arith.index_cast %scan3A_127 : i32 to index
          %get3A_482 = arith.constant 64 : index
          %get3A_483 = tpu.vector_load %arg6[%get3A_480, %get3A_481, %get3A_482] {strides = array<i32>} : memref<50x8x128xf32, #tpu.memory_space<vmem>>, vector<1x1x16xf32>,
          %get3A_484 = vector.shape_cast %get3A_483 : vector<1x1x16xf32> to vector<16xf32>
          %mul3A_485 = vector.broadcast %squeeze3A_441 : f32 to vector<16xf32>
          %mul3A_486 = arith.mulf %get3A_484, %mul3A_485 : vector<16xf32>
          %add3A_487 = arith.addf %add3A_415, %mul3A_486 : vector<16xf32>
          %get3A_488 = arith.index_cast %add3A_447 : i32 to index
          %get3A_489 = arith.index_cast %scan3A_127 : i32 to index
          %get3A_490 = arith.constant 80 : index
          %get3A_491 = tpu.vector_load %arg6[%get3A_488, %get3A_489, %get3A_490] {strides = array<i32>} : memref<50x8x128xf32, #tpu.memory_space<vmem>>, vector<1x1x16xf32>,
          %get3A_492 = vector.shape_cast %get3A_491 : vector<1x1x16xf32> to vector<16xf32>
          %mul3A_493 = vector.broadcast %squeeze3A_441 : f32 to vector<16xf32>
          %mul3A_494 = arith.mulf %get3A_492, %mul3A_493 : vector<16xf32>
          %add3A_495 = arith.addf %add3A_423, %mul3A_494 : vector<16xf32>
          %get3A_496 = arith.index_cast %add3A_447 : i32 to index
          %get3A_497 = arith.index_cast %scan3A_127 : i32 to index
          %get3A_498 = arith.constant 96 : index
          %get3A_499 = tpu.vector_load %arg6[%get3A_496, %get3A_497, %get3A_498] {strides = array<i32>} : memref<50x8x128xf32, #tpu.memory_space<vmem>>, vector<1x1x16xf32>,
          %get3A_500 = vector.shape_cast %get3A_499 : vector<1x1x16xf32> to vector<16xf32>
          %mul3A_501 = vector.broadcast %squeeze3A_441 : f32 to vector<16xf32>
          %mul3A_502 = arith.mulf %get3A_500, %mul3A_501 : vector<16xf32>
          %add3A_503 = arith.addf %add3A_431, %mul3A_502 : vector<16xf32>
          %get3A_504 = arith.index_cast %add3A_447 : i32 to index
          %get3A_505 = arith.index_cast %scan3A_127 : i32 to index
          %get3A_506 = arith.constant 112 : index
          %get3A_507 = tpu.vector_load %arg6[%get3A_504, %get3A_505, %get3A_506] {strides = array<i32>} : memref<50x8x128xf32, #tpu.memory_space<vmem>>, vector<1x1x16xf32>,
          %get3A_508 = vector.shape_cast %get3A_507 : vector<1x1x16xf32> to vector<16xf32>
          %mul3A_509 = vector.broadcast %squeeze3A_441 : f32 to vector<16xf32>
          %mul3A_510 = arith.mulf %get3A_508, %mul3A_509 : vector<16xf32>
          %add3A_511 = arith.addf %add3A_439, %mul3A_510 : vector<16xf32>
          %slice3A_512 = vector.extract_strided_slice %get3A_367 {offsets = [2], sizes = [1], strides = [1]} : vector<16xf32> to vector<1xf32>
          %squeeze3A_513 = vector.extract %slice3A_512[0] : f32 from vector<1xf32>
          %add3A_514 = vector.broadcast %squeeze3A_513 : f32 to vector<16xf32>
          %add3A_515 = arith.addf %add3A_443, %add3A_514 : vector<16xf32>
          %mul3A_516 = arith.constant 16 : i32
          %mul3A_517 = arith.muli %scan3A_352, %mul3A_516 : i32
          %add3A_518 = arith.constant 2 : i32
          %add3A_519 = arith.addi %mul3A_517, %add3A_518 : i32
          %get3A_520 = arith.index_cast %add3A_519 : i32 to index
          %get3A_521 = arith.index_cast %scan3A_127 : i32 to index
          %get3A_522 = arith.constant 0 : index
          %get3A_523 = tpu.vector_load %arg6[%get3A_520, %get3A_521, %get3A_522] {strides = array<i32>} : memref<50x8x128xf32, #tpu.memory_space<vmem>>, vector<1x1x16xf32>,
          %get3A_524 = vector.shape_cast %get3A_523 : vector<1x1x16xf32> to vector<16xf32>
          %mul3A_525 = vector.broadcast %squeeze3A_513 : f32 to vector<16xf32>
          %mul3A_526 = arith.mulf %get3A_524, %mul3A_525 : vector<16xf32>
          %add3A_527 = arith.addf %add3A_455, %mul3A_526 : vector<16xf32>
          %get3A_528 = arith.index_cast %add3A_519 : i32 to index
          %get3A_529 = arith.index_cast %scan3A_127 : i32 to index
          %get3A_530 = arith.constant 16 : index
          %get3A_531 = tpu.vector_load %arg6[%get3A_528, %get3A_529, %get3A_530] {strides = array<i32>} : memref<50x8x128xf32, #tpu.memory_space<vmem>>, vector<1x1x16xf32>,
          %get3A_532 = vector.shape_cast %get3A_531 : vector<1x1x16xf32> to vector<16xf32>
          %mul3A_533 = vector.broadcast %squeeze3A_513 : f32 to vector<16xf32>
          %mul3A_534 = arith.mulf %get3A_532, %mul3A_533 : vector<16xf32>
          %add3A_535 = arith.addf %add3A_463, %mul3A_534 : vector<16xf32>
          %get3A_536 = arith.index_cast %add3A_519 : i32 to index
          %get3A_537 = arith.index_cast %scan3A_127 : i32 to index
          %get3A_538 = arith.constant 32 : index
          %get3A_539 = tpu.vector_load %arg6[%get3A_536, %get3A_537, %get3A_538] {strides = array<i32>} : memref<50x8x128xf32, #tpu.memory_space<vmem>>, vector<1x1x16xf32>,
          %get3A_540 = vector.shape_cast %get3A_539 : vector<1x1x16xf32> to vector<16xf32>
          %mul3A_541 = vector.broadcast %squeeze3A_513 : f32 to vector<16xf32>
          %mul3A_542 = arith.mulf %get3A_540, %mul3A_541 : vector<16xf32>
          %add3A_543 = arith.addf %add3A_471, %mul3A_542 : vector<16xf32>
          %get3A_544 = arith.index_cast %add3A_519 : i32 to index
          %get3A_545 = arith.index_cast %scan3A_127 : i32 to index
          %get3A_546 = arith.constant 48 : index
          %get3A_547 = tpu.vector_load %arg6[%get3A_544, %get3A_545, %get3A_546] {strides = array<i32>} : memref<50x8x128xf32, #tpu.memory_space<vmem>>, vector<1x1x16xf32>,
          %get3A_548 = vector.shape_cast %get3A_547 : vector<1x1x16xf32> to vector<16xf32>
          %mul3A_549 = vector.broadcast %squeeze3A_513 : f32 to vector<16xf32>
          %mul3A_550 = arith.mulf %get3A_548, %mul3A_549 : vector<16xf32>
          %add3A_551 = arith.addf %add3A_479, %mul3A_550 : vector<16xf32>
          %get3A_552 = arith.index_cast %add3A_519 : i32 to index
          %get3A_553 = arith.index_cast %scan3A_127 : i32 to index
          %get3A_554 = arith.constant 64 : index
          %get3A_555 = tpu.vector_load %arg6[%get3A_552, %get3A_553, %get3A_554] {strides = array<i32>} : memref<50x8x128xf32, #tpu.memory_space<vmem>>, vector<1x1x16xf32>,
          %get3A_556 = vector.shape_cast %get3A_555 : vector<1x1x16xf32> to vector<16xf32>
          %mul3A_557 = vector.broadcast %squeeze3A_513 : f32 to vector<16xf32>
          %mul3A_558 = arith.mulf %get3A_556, %mul3A_557 : vector<16xf32>
          %add3A_559 = arith.addf %add3A_487, %mul3A_558 : vector<16xf32>
          %get3A_560 = arith.index_cast %add3A_519 : i32 to index
          %get3A_561 = arith.index_cast %scan3A_127 : i32 to index
          %get3A_562 = arith.constant 80 : index
          %get3A_563 = tpu.vector_load %arg6[%get3A_560, %get3A_561, %get3A_562] {strides = array<i32>} : memref<50x8x128xf32, #tpu.memory_space<vmem>>, vector<1x1x16xf32>,
          %get3A_564 = vector.shape_cast %get3A_563 : vector<1x1x16xf32> to vector<16xf32>
          %mul3A_565 = vector.broadcast %squeeze3A_513 : f32 to vector<16xf32>
          %mul3A_566 = arith.mulf %get3A_564, %mul3A_565 : vector<16xf32>
          %add3A_567 = arith.addf %add3A_495, %mul3A_566 : vector<16xf32>
          %get3A_568 = arith.index_cast %add3A_519 : i32 to index
          %get3A_569 = arith.index_cast %scan3A_127 : i32 to index
          %get3A_570 = arith.constant 96 : index
          %get3A_571 = tpu.vector_load %arg6[%get3A_568, %get3A_569, %get3A_570] {strides = array<i32>} : memref<50x8x128xf32, #tpu.memory_space<vmem>>, vector<1x1x16xf32>,
          %get3A_572 = vector.shape_cast %get3A_571 : vector<1x1x16xf32> to vector<16xf32>
          %mul3A_573 = vector.broadcast %squeeze3A_513 : f32 to vector<16xf32>
          %mul3A_574 = arith.mulf %get3A_572, %mul3A_573 : vector<16xf32>
          %add3A_575 = arith.addf %add3A_503, %mul3A_574 : vector<16xf32>
          %get3A_576 = arith.index_cast %add3A_519 : i32 to index
          %get3A_577 = arith.index_cast %scan3A_127 : i32 to index
          %get3A_578 = arith.constant 112 : index
          %get3A_579 = tpu.vector_load %arg6[%get3A_576, %get3A_577, %get3A_578] {strides = array<i32>} : memref<50x8x128xf32, #tpu.memory_space<vmem>>, vector<1x1x16xf32>,
          %get3A_580 = vector.shape_cast %get3A_579 : vector<1x1x16xf32> to vector<16xf32>
          %mul3A_581 = vector.broadcast %squeeze3A_513 : f32 to vector<16xf32>
          %mul3A_582 = arith.mulf %get3A_580, %mul3A_581 : vector<16xf32>
          %add3A_583 = arith.addf %add3A_511, %mul3A_582 : vector<16xf32>
          %slice3A_584 = vector.extract_strided_slice %get3A_367 {offsets = [3], sizes = [1], strides = [1]} : vector<16xf32> to vector<1xf32>
          %squeeze3A_585 = vector.extract %slice3A_584[0] : f32 from vector<1xf32>
          %add3A_586 = vector.broadcast %squeeze3A_585 : f32 to vector<16xf32>
          %add3A_587 = arith.addf %add3A_515, %add3A_586 : vector<16xf32>
          %mul3A_588 = arith.constant 16 : i32
          %mul3A_589 = arith.muli %scan3A_352, %mul3A_588 : i32
          %add3A_590 = arith.constant 3 : i32
          %add3A_591 = arith.addi %mul3A_589, %add3A_590 : i32
          %get3A_592 = arith.index_cast %add3A_591 : i32 to index
          %get3A_593 = arith.index_cast %scan3A_127 : i32 to index
          %get3A_594 = arith.constant 0 : index
          %get3A_595 = tpu.vector_load %arg6[%get3A_592, %get3A_593, %get3A_594] {strides = array<i32>} : memref<50x8x128xf32, #tpu.memory_space<vmem>>, vector<1x1x16xf32>,
          %get3A_596 = vector.shape_cast %get3A_595 : vector<1x1x16xf32> to vector<16xf32>
          %mul3A_597 = vector.broadcast %squeeze3A_585 : f32 to vector<16xf32>
          %mul3A_598 = arith.mulf %get3A_596, %mul3A_597 : vector<16xf32>
          %add3A_599 = arith.addf %add3A_527, %mul3A_598 : vector<16xf32>
          %get3A_600 = arith.index_cast %add3A_591 : i32 to index
          %get3A_601 = arith.index_cast %scan3A_127 : i32 to index
          %get3A_602 = arith.constant 16 : index
          %get3A_603 = tpu.vector_load %arg6[%get3A_600, %get3A_601, %get3A_602] {strides = array<i32>} : memref<50x8x128xf32, #tpu.memory_space<vmem>>, vector<1x1x16xf32>,
          %get3A_604 = vector.shape_cast %get3A_603 : vector<1x1x16xf32> to vector<16xf32>
          %mul3A_605 = vector.broadcast %squeeze3A_585 : f32 to vector<16xf32>
          %mul3A_606 = arith.mulf %get3A_604, %mul3A_605 : vector<16xf32>
          %add3A_607 = arith.addf %add3A_535, %mul3A_606 : vector<16xf32>
          %get3A_608 = arith.index_cast %add3A_591 : i32 to index
          %get3A_609 = arith.index_cast %scan3A_127 : i32 to index
          %get3A_610 = arith.constant 32 : index
          %get3A_611 = tpu.vector_load %arg6[%get3A_608, %get3A_609, %get3A_610] {strides = array<i32>} : memref<50x8x128xf32, #tpu.memory_space<vmem>>, vector<1x1x16xf32>,
          %get3A_612 = vector.shape_cast %get3A_611 : vector<1x1x16xf32> to vector<16xf32>
          %mul3A_613 = vector.broadcast %squeeze3A_585 : f32 to vector<16xf32>
          %mul3A_614 = arith.mulf %get3A_612, %mul3A_613 : vector<16xf32>
          %add3A_615 = arith.addf %add3A_543, %mul3A_614 : vector<16xf32>
          %get3A_616 = arith.index_cast %add3A_591 : i32 to index
          %get3A_617 = arith.index_cast %scan3A_127 : i32 to index
          %get3A_618 = arith.constant 48 : index
          %get3A_619 = tpu.vector_load %arg6[%get3A_616, %get3A_617, %get3A_618] {strides = array<i32>} : memref<50x8x128xf32, #tpu.memory_space<vmem>>, vector<1x1x16xf32>,
          %get3A_620 = vector.shape_cast %get3A_619 : vector<1x1x16xf32> to vector<16xf32>
          %mul3A_621 = vector.broadcast %squeeze3A_585 : f32 to vector<16xf32>
          %mul3A_622 = arith.mulf %get3A_620, %mul3A_621 : vector<16xf32>
          %add3A_623 = arith.addf %add3A_551, %mul3A_622 : vector<16xf32>
          %get3A_624 = arith.index_cast %add3A_591 : i32 to index
          %get3A_625 = arith.index_cast %scan3A_127 : i32 to index
          %get3A_626 = arith.constant 64 : index
          %get3A_627 = tpu.vector_load %arg6[%get3A_624, %get3A_625, %get3A_626] {strides = array<i32>} : memref<50x8x128xf32, #tpu.memory_space<vmem>>, vector<1x1x16xf32>,
          %get3A_628 = vector.shape_cast %get3A_627 : vector<1x1x16xf32> to vector<16xf32>
          %mul3A_629 = vector.broadcast %squeeze3A_585 : f32 to vector<16xf32>
          %mul3A_630 = arith.mulf %get3A_628, %mul3A_629 : vector<16xf32>
          %add3A_631 = arith.addf %add3A_559, %mul3A_630 : vector<16xf32>
          %get3A_632 = arith.index_cast %add3A_591 : i32 to index
          %get3A_633 = arith.index_cast %scan3A_127 : i32 to index
          %get3A_634 = arith.constant 80 : index
          %get3A_635 = tpu.vector_load %arg6[%get3A_632, %get3A_633, %get3A_634] {strides = array<i32>} : memref<50x8x128xf32, #tpu.memory_space<vmem>>, vector<1x1x16xf32>,
          %get3A_636 = vector.shape_cast %get3A_635 : vector<1x1x16xf32> to vector<16xf32>
          %mul3A_637 = vector.broadcast %squeeze3A_585 : f32 to vector<16xf32>
          %mul3A_638 = arith.mulf %get3A_636, %mul3A_637 : vector<16xf32>
          %add3A_639 = arith.addf %add3A_567, %mul3A_638 : vector<16xf32>
          %get3A_640 = arith.index_cast %add3A_591 : i32 to index
          %get3A_641 = arith.index_cast %scan3A_127 : i32 to index
          %get3A_642 = arith.constant 96 : index
          %get3A_643 = tpu.vector_load %arg6[%get3A_640, %get3A_641, %get3A_642] {strides = array<i32>} : memref<50x8x128xf32, #tpu.memory_space<vmem>>, vector<1x1x16xf32>,
          %get3A_644 = vector.shape_cast %get3A_643 : vector<1x1x16xf32> to vector<16xf32>
          %mul3A_645 = vector.broadcast %squeeze3A_585 : f32 to vector<16xf32>
          %mul3A_646 = arith.mulf %get3A_644, %mul3A_645 : vector<16xf32>
          %add3A_647 = arith.addf %add3A_575, %mul3A_646 : vector<16xf32>
          %get3A_648 = arith.index_cast %add3A_591 : i32 to index
          %get3A_649 = arith.index_cast %scan3A_127 : i32 to index
          %get3A_650 = arith.constant 112 : index
          %get3A_651 = tpu.vector_load %arg6[%get3A_648, %get3A_649, %get3A_650] {strides = array<i32>} : memref<50x8x128xf32, #tpu.memory_space<vmem>>, vector<1x1x16xf32>,
          %get3A_652 = vector.shape_cast %get3A_651 : vector<1x1x16xf32> to vector<16xf32>
          %mul3A_653 = vector.broadcast %squeeze3A_585 : f32 to vector<16xf32>
          %mul3A_654 = arith.mulf %get3A_652, %mul3A_653 : vector<16xf32>
          %add3A_655 = arith.addf %add3A_583, %mul3A_654 : vector<16xf32>
          %slice3A_656 = vector.extract_strided_slice %get3A_367 {offsets = [4], sizes = [1], strides = [1]} : vector<16xf32> to vector<1xf32>
          %squeeze3A_657 = vector.extract %slice3A_656[0] : f32 from vector<1xf32>
          %add3A_658 = vector.broadcast %squeeze3A_657 : f32 to vector<16xf32>
          %add3A_659 = arith.addf %add3A_587, %add3A_658 : vector<16xf32>
          %mul3A_660 = arith.constant 16 : i32
          %mul3A_661 = arith.muli %scan3A_352, %mul3A_660 : i32
          %add3A_662 = arith.constant 4 : i32
          %add3A_663 = arith.addi %mul3A_661, %add3A_662 : i32
          %get3A_664 = arith.index_cast %add3A_663 : i32 to index
          %get3A_665 = arith.index_cast %scan3A_127 : i32 to index
          %get3A_666 = arith.constant 0 : index
          %get3A_667 = tpu.vector_load %arg6[%get3A_664, %get3A_665, %get3A_666] {strides = array<i32>} : memref<50x8x128xf32, #tpu.memory_space<vmem>>, vector<1x1x16xf32>,
          %get3A_668 = vector.shape_cast %get3A_667 : vector<1x1x16xf32> to vector<16xf32>
          %mul3A_669 = vector.broadcast %squeeze3A_657 : f32 to vector<16xf32>
          %mul3A_670 = arith.mulf %get3A_668, %mul3A_669 : vector<16xf32>
          %add3A_671 = arith.addf %add3A_599, %mul3A_670 : vector<16xf32>
          %get3A_672 = arith.index_cast %add3A_663 : i32 to index
          %get3A_673 = arith.index_cast %scan3A_127 : i32 to index
          %get3A_674 = arith.constant 16 : index
          %get3A_675 = tpu.vector_load %arg6[%get3A_672, %get3A_673, %get3A_674] {strides = array<i32>} : memref<50x8x128xf32, #tpu.memory_space<vmem>>, vector<1x1x16xf32>,
          %get3A_676 = vector.shape_cast %get3A_675 : vector<1x1x16xf32> to vector<16xf32>
          %mul3A_677 = vector.broadcast %squeeze3A_657 : f32 to vector<16xf32>
          %mul3A_678 = arith.mulf %get3A_676, %mul3A_677 : vector<16xf32>
          %add3A_679 = arith.addf %add3A_607, %mul3A_678 : vector<16xf32>
          %get3A_680 = arith.index_cast %add3A_663 : i32 to index
          %get3A_681 = arith.index_cast %scan3A_127 : i32 to index
          %get3A_682 = arith.constant 32 : index
          %get3A_683 = tpu.vector_load %arg6[%get3A_680, %get3A_681, %get3A_682] {strides = array<i32>} : memref<50x8x128xf32, #tpu.memory_space<vmem>>, vector<1x1x16xf32>,
          %get3A_684 = vector.shape_cast %get3A_683 : vector<1x1x16xf32> to vector<16xf32>
          %mul3A_685 = vector.broadcast %squeeze3A_657 : f32 to vector<16xf32>
          %mul3A_686 = arith.mulf %get3A_684, %mul3A_685 : vector<16xf32>
          %add3A_687 = arith.addf %add3A_615, %mul3A_686 : vector<16xf32>
          %get3A_688 = arith.index_cast %add3A_663 : i32 to index
          %get3A_689 = arith.index_cast %scan3A_127 : i32 to index
          %get3A_690 = arith.constant 48 : index
          %get3A_691 = tpu.vector_load %arg6[%get3A_688, %get3A_689, %get3A_690] {strides = array<i32>} : memref<50x8x128xf32, #tpu.memory_space<vmem>>, vector<1x1x16xf32>,
          %get3A_692 = vector.shape_cast %get3A_691 : vector<1x1x16xf32> to vector<16xf32>
          %mul3A_693 = vector.broadcast %squeeze3A_657 : f32 to vector<16xf32>
          %mul3A_694 = arith.mulf %get3A_692, %mul3A_693 : vector<16xf32>
          %add3A_695 = arith.addf %add3A_623, %mul3A_694 : vector<16xf32>
          %get3A_696 = arith.index_cast %add3A_663 : i32 to index
          %get3A_697 = arith.index_cast %scan3A_127 : i32 to index
          %get3A_698 = arith.constant 64 : index
          %get3A_699 = tpu.vector_load %arg6[%get3A_696, %get3A_697, %get3A_698] {strides = array<i32>} : memref<50x8x128xf32, #tpu.memory_space<vmem>>, vector<1x1x16xf32>,
          %get3A_700 = vector.shape_cast %get3A_699 : vector<1x1x16xf32> to vector<16xf32>
          %mul3A_701 = vector.broadcast %squeeze3A_657 : f32 to vector<16xf32>
          %mul3A_702 = arith.mulf %get3A_700, %mul3A_701 : vector<16xf32>
          %add3A_703 = arith.addf %add3A_631, %mul3A_702 : vector<16xf32>
          %get3A_704 = arith.index_cast %add3A_663 : i32 to index
          %get3A_705 = arith.index_cast %scan3A_127 : i32 to index
          %get3A_706 = arith.constant 80 : index
          %get3A_707 = tpu.vector_load %arg6[%get3A_704, %get3A_705, %get3A_706] {strides = array<i32>} : memref<50x8x128xf32, #tpu.memory_space<vmem>>, vector<1x1x16xf32>,
          %get3A_708 = vector.shape_cast %get3A_707 : vector<1x1x16xf32> to vector<16xf32>
          %mul3A_709 = vector.broadcast %squeeze3A_657 : f32 to vector<16xf32>
          %mul3A_710 = arith.mulf %get3A_708, %mul3A_709 : vector<16xf32>
          %add3A_711 = arith.addf %add3A_639, %mul3A_710 : vector<16xf32>
          %get3A_712 = arith.index_cast %add3A_663 : i32 to index
          %get3A_713 = arith.index_cast %scan3A_127 : i32 to index
          %get3A_714 = arith.constant 96 : index
          %get3A_715 = tpu.vector_load %arg6[%get3A_712, %get3A_713, %get3A_714] {strides = array<i32>} : memref<50x8x128xf32, #tpu.memory_space<vmem>>, vector<1x1x16xf32>,
          %get3A_716 = vector.shape_cast %get3A_715 : vector<1x1x16xf32> to vector<16xf32>
          %mul3A_717 = vector.broadcast %squeeze3A_657 : f32 to vector<16xf32>
          %mul3A_718 = arith.mulf %get3A_716, %mul3A_717 : vector<16xf32>
          %add3A_719 = arith.addf %add3A_647, %mul3A_718 : vector<16xf32>
          %get3A_720 = arith.index_cast %add3A_663 : i32 to index
          %get3A_721 = arith.index_cast %scan3A_127 : i32 to index
          %get3A_722 = arith.constant 112 : index
          %get3A_723 = tpu.vector_load %arg6[%get3A_720, %get3A_721, %get3A_722] {strides = array<i32>} : memref<50x8x128xf32, #tpu.memory_space<vmem>>, vector<1x1x16xf32>,
          %get3A_724 = vector.shape_cast %get3A_723 : vector<1x1x16xf32> to vector<16xf32>
          %mul3A_725 = vector.broadcast %squeeze3A_657 : f32 to vector<16xf32>
          %mul3A_726 = arith.mulf %get3A_724, %mul3A_725 : vector<16xf32>
          %add3A_727 = arith.addf %add3A_655, %mul3A_726 : vector<16xf32>
          %slice3A_728 = vector.extract_strided_slice %get3A_367 {offsets = [5], sizes = [1], strides = [1]} : vector<16xf32> to vector<1xf32>
          %squeeze3A_729 = vector.extract %slice3A_728[0] : f32 from vector<1xf32>
          %add3A_730 = vector.broadcast %squeeze3A_729 : f32 to vector<16xf32>
          %add3A_731 = arith.addf %add3A_659, %add3A_730 : vector<16xf32>
          %mul3A_732 = arith.constant 16 : i32
          %mul3A_733 = arith.muli %scan3A_352, %mul3A_732 : i32
          %add3A_734 = arith.constant 5 : i32
          %add3A_735 = arith.addi %mul3A_733, %add3A_734 : i32
          %get3A_736 = arith.index_cast %add3A_735 : i32 to index
          %get3A_737 = arith.index_cast %scan3A_127 : i32 to index
          %get3A_738 = arith.constant 0 : index
          %get3A_739 = tpu.vector_load %arg6[%get3A_736, %get3A_737, %get3A_738] {strides = array<i32>} : memref<50x8x128xf32, #tpu.memory_space<vmem>>, vector<1x1x16xf32>,
          %get3A_740 = vector.shape_cast %get3A_739 : vector<1x1x16xf32> to vector<16xf32>
          %mul3A_741 = vector.broadcast %squeeze3A_729 : f32 to vector<16xf32>
          %mul3A_742 = arith.mulf %get3A_740, %mul3A_741 : vector<16xf32>
          %add3A_743 = arith.addf %add3A_671, %mul3A_742 : vector<16xf32>
          %get3A_744 = arith.index_cast %add3A_735 : i32 to index
          %get3A_745 = arith.index_cast %scan3A_127 : i32 to index
          %get3A_746 = arith.constant 16 : index
          %get3A_747 = tpu.vector_load %arg6[%get3A_744, %get3A_745, %get3A_746] {strides = array<i32>} : memref<50x8x128xf32, #tpu.memory_space<vmem>>, vector<1x1x16xf32>,
          %get3A_748 = vector.shape_cast %get3A_747 : vector<1x1x16xf32> to vector<16xf32>
          %mul3A_749 = vector.broadcast %squeeze3A_729 : f32 to vector<16xf32>
          %mul3A_750 = arith.mulf %get3A_748, %mul3A_749 : vector<16xf32>
          %add3A_751 = arith.addf %add3A_679, %mul3A_750 : vector<16xf32>
          %get3A_752 = arith.index_cast %add3A_735 : i32 to index
          %get3A_753 = arith.index_cast %scan3A_127 : i32 to index
          %get3A_754 = arith.constant 32 : index
          %get3A_755 = tpu.vector_load %arg6[%get3A_752, %get3A_753, %get3A_754] {strides = array<i32>} : memref<50x8x128xf32, #tpu.memory_space<vmem>>, vector<1x1x16xf32>,
          %get3A_756 = vector.shape_cast %get3A_755 : vector<1x1x16xf32> to vector<16xf32>
          %mul3A_757 = vector.broadcast %squeeze3A_729 : f32 to vector<16xf32>
          %mul3A_758 = arith.mulf %get3A_756, %mul3A_757 : vector<16xf32>
          %add3A_759 = arith.addf %add3A_687, %mul3A_758 : vector<16xf32>
          %get3A_760 = arith.index_cast %add3A_735 : i32 to index
          %get3A_761 = arith.index_cast %scan3A_127 : i32 to index
          %get3A_762 = arith.constant 48 : index
          %get3A_763 = tpu.vector_load %arg6[%get3A_760, %get3A_761, %get3A_762] {strides = array<i32>} : memref<50x8x128xf32, #tpu.memory_space<vmem>>, vector<1x1x16xf32>,
          %get3A_764 = vector.shape_cast %get3A_763 : vector<1x1x16xf32> to vector<16xf32>
          %mul3A_765 = vector.broadcast %squeeze3A_729 : f32 to vector<16xf32>
          %mul3A_766 = arith.mulf %get3A_764, %mul3A_765 : vector<16xf32>
          %add3A_767 = arith.addf %add3A_695, %mul3A_766 : vector<16xf32>
          %get3A_768 = arith.index_cast %add3A_735 : i32 to index
          %get3A_769 = arith.index_cast %scan3A_127 : i32 to index
          %get3A_770 = arith.constant 64 : index
          %get3A_771 = tpu.vector_load %arg6[%get3A_768, %get3A_769, %get3A_770] {strides = array<i32>} : memref<50x8x128xf32, #tpu.memory_space<vmem>>, vector<1x1x16xf32>,
          %get3A_772 = vector.shape_cast %get3A_771 : vector<1x1x16xf32> to vector<16xf32>
          %mul3A_773 = vector.broadcast %squeeze3A_729 : f32 to vector<16xf32>
          %mul3A_774 = arith.mulf %get3A_772, %mul3A_773 : vector<16xf32>
          %add3A_775 = arith.addf %add3A_703, %mul3A_774 : vector<16xf32>
          %get3A_776 = arith.index_cast %add3A_735 : i32 to index
          %get3A_777 = arith.index_cast %scan3A_127 : i32 to index
          %get3A_778 = arith.constant 80 : index
          %get3A_779 = tpu.vector_load %arg6[%get3A_776, %get3A_777, %get3A_778] {strides = array<i32>} : memref<50x8x128xf32, #tpu.memory_space<vmem>>, vector<1x1x16xf32>,
          %get3A_780 = vector.shape_cast %get3A_779 : vector<1x1x16xf32> to vector<16xf32>
          %mul3A_781 = vector.broadcast %squeeze3A_729 : f32 to vector<16xf32>
          %mul3A_782 = arith.mulf %get3A_780, %mul3A_781 : vector<16xf32>
          %add3A_783 = arith.addf %add3A_711, %mul3A_782 : vector<16xf32>
          %get3A_784 = arith.index_cast %add3A_735 : i32 to index
          %get3A_785 = arith.index_cast %scan3A_127 : i32 to index
          %get3A_786 = arith.constant 96 : index
          %get3A_787 = tpu.vector_load %arg6[%get3A_784, %get3A_785, %get3A_786] {strides = array<i32>} : memref<50x8x128xf32, #tpu.memory_space<vmem>>, vector<1x1x16xf32>,
          %get3A_788 = vector.shape_cast %get3A_787 : vector<1x1x16xf32> to vector<16xf32>
          %mul3A_789 = vector.broadcast %squeeze3A_729 : f32 to vector<16xf32>
          %mul3A_790 = arith.mulf %get3A_788, %mul3A_789 : vector<16xf32>
          %add3A_791 = arith.addf %add3A_719, %mul3A_790 : vector<16xf32>
          %get3A_792 = arith.index_cast %add3A_735 : i32 to index
          %get3A_793 = arith.index_cast %scan3A_127 : i32 to index
          %get3A_794 = arith.constant 112 : index
          %get3A_795 = tpu.vector_load %arg6[%get3A_792, %get3A_793, %get3A_794] {strides = array<i32>} : memref<50x8x128xf32, #tpu.memory_space<vmem>>, vector<1x1x16xf32>,
          %get3A_796 = vector.shape_cast %get3A_795 : vector<1x1x16xf32> to vector<16xf32>
          %mul3A_797 = vector.broadcast %squeeze3A_729 : f32 to vector<16xf32>
          %mul3A_798 = arith.mulf %get3A_796, %mul3A_797 : vector<16xf32>
          %add3A_799 = arith.addf %add3A_727, %mul3A_798 : vector<16xf32>
          %slice3A_800 = vector.extract_strided_slice %get3A_367 {offsets = [6], sizes = [1], strides = [1]} : vector<16xf32> to vector<1xf32>
          %squeeze3A_801 = vector.extract %slice3A_800[0] : f32 from vector<1xf32>
          %add3A_802 = vector.broadcast %squeeze3A_801 : f32 to vector<16xf32>
          %add3A_803 = arith.addf %add3A_731, %add3A_802 : vector<16xf32>
          %mul3A_804 = arith.constant 16 : i32
          %mul3A_805 = arith.muli %scan3A_352, %mul3A_804 : i32
          %add3A_806 = arith.constant 6 : i32
          %add3A_807 = arith.addi %mul3A_805, %add3A_806 : i32
          %get3A_808 = arith.index_cast %add3A_807 : i32 to index
          %get3A_809 = arith.index_cast %scan3A_127 : i32 to index
          %get3A_810 = arith.constant 0 : index
          %get3A_811 = tpu.vector_load %arg6[%get3A_808, %get3A_809, %get3A_810] {strides = array<i32>} : memref<50x8x128xf32, #tpu.memory_space<vmem>>, vector<1x1x16xf32>,
          %get3A_812 = vector.shape_cast %get3A_811 : vector<1x1x16xf32> to vector<16xf32>
          %mul3A_813 = vector.broadcast %squeeze3A_801 : f32 to vector<16xf32>
          %mul3A_814 = arith.mulf %get3A_812, %mul3A_813 : vector<16xf32>
          %add3A_815 = arith.addf %add3A_743, %mul3A_814 : vector<16xf32>
          %get3A_816 = arith.index_cast %add3A_807 : i32 to index
          %get3A_817 = arith.index_cast %scan3A_127 : i32 to index
          %get3A_818 = arith.constant 16 : index
          %get3A_819 = tpu.vector_load %arg6[%get3A_816, %get3A_817, %get3A_818] {strides = array<i32>} : memref<50x8x128xf32, #tpu.memory_space<vmem>>, vector<1x1x16xf32>,
          %get3A_820 = vector.shape_cast %get3A_819 : vector<1x1x16xf32> to vector<16xf32>
          %mul3A_821 = vector.broadcast %squeeze3A_801 : f32 to vector<16xf32>
          %mul3A_822 = arith.mulf %get3A_820, %mul3A_821 : vector<16xf32>
          %add3A_823 = arith.addf %add3A_751, %mul3A_822 : vector<16xf32>
          %get3A_824 = arith.index_cast %add3A_807 : i32 to index
          %get3A_825 = arith.index_cast %scan3A_127 : i32 to index
          %get3A_826 = arith.constant 32 : index
          %get3A_827 = tpu.vector_load %arg6[%get3A_824, %get3A_825, %get3A_826] {strides = array<i32>} : memref<50x8x128xf32, #tpu.memory_space<vmem>>, vector<1x1x16xf32>,
          %get3A_828 = vector.shape_cast %get3A_827 : vector<1x1x16xf32> to vector<16xf32>
          %mul3A_829 = vector.broadcast %squeeze3A_801 : f32 to vector<16xf32>
          %mul3A_830 = arith.mulf %get3A_828, %mul3A_829 : vector<16xf32>
          %add3A_831 = arith.addf %add3A_759, %mul3A_830 : vector<16xf32>
          %get3A_832 = arith.index_cast %add3A_807 : i32 to index
          %get3A_833 = arith.index_cast %scan3A_127 : i32 to index
          %get3A_834 = arith.constant 48 : index
          %get3A_835 = tpu.vector_load %arg6[%get3A_832, %get3A_833, %get3A_834] {strides = array<i32>} : memref<50x8x128xf32, #tpu.memory_space<vmem>>, vector<1x1x16xf32>,
          %get3A_836 = vector.shape_cast %get3A_835 : vector<1x1x16xf32> to vector<16xf32>
          %mul3A_837 = vector.broadcast %squeeze3A_801 : f32 to vector<16xf32>
          %mul3A_838 = arith.mulf %get3A_836, %mul3A_837 : vector<16xf32>
          %add3A_839 = arith.addf %add3A_767, %mul3A_838 : vector<16xf32>
          %get3A_840 = arith.index_cast %add3A_807 : i32 to index
          %get3A_841 = arith.index_cast %scan3A_127 : i32 to index
          %get3A_842 = arith.constant 64 : index
          %get3A_843 = tpu.vector_load %arg6[%get3A_840, %get3A_841, %get3A_842] {strides = array<i32>} : memref<50x8x128xf32, #tpu.memory_space<vmem>>, vector<1x1x16xf32>,
          %get3A_844 = vector.shape_cast %get3A_843 : vector<1x1x16xf32> to vector<16xf32>
          %mul3A_845 = vector.broadcast %squeeze3A_801 : f32 to vector<16xf32>
          %mul3A_846 = arith.mulf %get3A_844, %mul3A_845 : vector<16xf32>
          %add3A_847 = arith.addf %add3A_775, %mul3A_846 : vector<16xf32>
          %get3A_848 = arith.index_cast %add3A_807 : i32 to index
          %get3A_849 = arith.index_cast %scan3A_127 : i32 to index
          %get3A_850 = arith.constant 80 : index
          %get3A_851 = tpu.vector_load %arg6[%get3A_848, %get3A_849, %get3A_850] {strides = array<i32>} : memref<50x8x128xf32, #tpu.memory_space<vmem>>, vector<1x1x16xf32>,
          %get3A_852 = vector.shape_cast %get3A_851 : vector<1x1x16xf32> to vector<16xf32>
          %mul3A_853 = vector.broadcast %squeeze3A_801 : f32 to vector<16xf32>
          %mul3A_854 = arith.mulf %get3A_852, %mul3A_853 : vector<16xf32>
          %add3A_855 = arith.addf %add3A_783, %mul3A_854 : vector<16xf32>
          %get3A_856 = arith.index_cast %add3A_807 : i32 to index
          %get3A_857 = arith.index_cast %scan3A_127 : i32 to index
          %get3A_858 = arith.constant 96 : index
          %get3A_859 = tpu.vector_load %arg6[%get3A_856, %get3A_857, %get3A_858] {strides = array<i32>} : memref<50x8x128xf32, #tpu.memory_space<vmem>>, vector<1x1x16xf32>,
          %get3A_860 = vector.shape_cast %get3A_859 : vector<1x1x16xf32> to vector<16xf32>
          %mul3A_861 = vector.broadcast %squeeze3A_801 : f32 to vector<16xf32>
          %mul3A_862 = arith.mulf %get3A_860, %mul3A_861 : vector<16xf32>
          %add3A_863 = arith.addf %add3A_791, %mul3A_862 : vector<16xf32>
          %get3A_864 = arith.index_cast %add3A_807 : i32 to index
          %get3A_865 = arith.index_cast %scan3A_127 : i32 to index
          %get3A_866 = arith.constant 112 : index
          %get3A_867 = tpu.vector_load %arg6[%get3A_864, %get3A_865, %get3A_866] {strides = array<i32>} : memref<50x8x128xf32, #tpu.memory_space<vmem>>, vector<1x1x16xf32>,
          %get3A_868 = vector.shape_cast %get3A_867 : vector<1x1x16xf32> to vector<16xf32>
          %mul3A_869 = vector.broadcast %squeeze3A_801 : f32 to vector<16xf32>
          %mul3A_870 = arith.mulf %get3A_868, %mul3A_869 : vector<16xf32>
          %add3A_871 = arith.addf %add3A_799, %mul3A_870 : vector<16xf32>
          %slice3A_872 = vector.extract_strided_slice %get3A_367 {offsets = [7], sizes = [1], strides = [1]} : vector<16xf32> to vector<1xf32>
          %squeeze3A_873 = vector.extract %slice3A_872[0] : f32 from vector<1xf32>
          %add3A_874 = vector.broadcast %squeeze3A_873 : f32 to vector<16xf32>
          %add3A_875 = arith.addf %add3A_803, %add3A_874 : vector<16xf32>
          %mul3A_876 = arith.constant 16 : i32
          %mul3A_877 = arith.muli %scan3A_352, %mul3A_876 : i32
          %add3A_878 = arith.constant 7 : i32
          %add3A_879 = arith.addi %mul3A_877, %add3A_878 : i32
          %get3A_880 = arith.index_cast %add3A_879 : i32 to index
          %get3A_881 = arith.index_cast %scan3A_127 : i32 to index
          %get3A_882 = arith.constant 0 : index
          %get3A_883 = tpu.vector_load %arg6[%get3A_880, %get3A_881, %get3A_882] {strides = array<i32>} : memref<50x8x128xf32, #tpu.memory_space<vmem>>, vector<1x1x16xf32>,
          %get3A_884 = vector.shape_cast %get3A_883 : vector<1x1x16xf32> to vector<16xf32>
          %mul3A_885 = vector.broadcast %squeeze3A_873 : f32 to vector<16xf32>
          %mul3A_886 = arith.mulf %get3A_884, %mul3A_885 : vector<16xf32>
          %add3A_887 = arith.addf %add3A_815, %mul3A_886 : vector<16xf32>
          %get3A_888 = arith.index_cast %add3A_879 : i32 to index
          %get3A_889 = arith.index_cast %scan3A_127 : i32 to index
          %get3A_890 = arith.constant 16 : index
          %get3A_891 = tpu.vector_load %arg6[%get3A_888, %get3A_889, %get3A_890] {strides = array<i32>} : memref<50x8x128xf32, #tpu.memory_space<vmem>>, vector<1x1x16xf32>,
          %get3A_892 = vector.shape_cast %get3A_891 : vector<1x1x16xf32> to vector<16xf32>
          %mul3A_893 = vector.broadcast %squeeze3A_873 : f32 to vector<16xf32>
          %mul3A_894 = arith.mulf %get3A_892, %mul3A_893 : vector<16xf32>
          %add3A_895 = arith.addf %add3A_823, %mul3A_894 : vector<16xf32>
          %get3A_896 = arith.index_cast %add3A_879 : i32 to index
          %get3A_897 = arith.index_cast %scan3A_127 : i32 to index
          %get3A_898 = arith.constant 32 : index
          %get3A_899 = tpu.vector_load %arg6[%get3A_896, %get3A_897, %get3A_898] {strides = array<i32>} : memref<50x8x128xf32, #tpu.memory_space<vmem>>, vector<1x1x16xf32>,
          %get3A_900 = vector.shape_cast %get3A_899 : vector<1x1x16xf32> to vector<16xf32>
          %mul3A_901 = vector.broadcast %squeeze3A_873 : f32 to vector<16xf32>
          %mul3A_902 = arith.mulf %get3A_900, %mul3A_901 : vector<16xf32>
          %add3A_903 = arith.addf %add3A_831, %mul3A_902 : vector<16xf32>
          %get3A_904 = arith.index_cast %add3A_879 : i32 to index
          %get3A_905 = arith.index_cast %scan3A_127 : i32 to index
          %get3A_906 = arith.constant 48 : index
          %get3A_907 = tpu.vector_load %arg6[%get3A_904, %get3A_905, %get3A_906] {strides = array<i32>} : memref<50x8x128xf32, #tpu.memory_space<vmem>>, vector<1x1x16xf32>,
          %get3A_908 = vector.shape_cast %get3A_907 : vector<1x1x16xf32> to vector<16xf32>
          %mul3A_909 = vector.broadcast %squeeze3A_873 : f32 to vector<16xf32>
          %mul3A_910 = arith.mulf %get3A_908, %mul3A_909 : vector<16xf32>
          %add3A_911 = arith.addf %add3A_839, %mul3A_910 : vector<16xf32>
          %get3A_912 = arith.index_cast %add3A_879 : i32 to index
          %get3A_913 = arith.index_cast %scan3A_127 : i32 to index
          %get3A_914 = arith.constant 64 : index
          %get3A_915 = tpu.vector_load %arg6[%get3A_912, %get3A_913, %get3A_914] {strides = array<i32>} : memref<50x8x128xf32, #tpu.memory_space<vmem>>, vector<1x1x16xf32>,
          %get3A_916 = vector.shape_cast %get3A_915 : vector<1x1x16xf32> to vector<16xf32>
          %mul3A_917 = vector.broadcast %squeeze3A_873 : f32 to vector<16xf32>
          %mul3A_918 = arith.mulf %get3A_916, %mul3A_917 : vector<16xf32>
          %add3A_919 = arith.addf %add3A_847, %mul3A_918 : vector<16xf32>
          %get3A_920 = arith.index_cast %add3A_879 : i32 to index
          %get3A_921 = arith.index_cast %scan3A_127 : i32 to index
          %get3A_922 = arith.constant 80 : index
          %get3A_923 = tpu.vector_load %arg6[%get3A_920, %get3A_921, %get3A_922] {strides = array<i32>} : memref<50x8x128xf32, #tpu.memory_space<vmem>>, vector<1x1x16xf32>,
          %get3A_924 = vector.shape_cast %get3A_923 : vector<1x1x16xf32> to vector<16xf32>
          %mul3A_925 = vector.broadcast %squeeze3A_873 : f32 to vector<16xf32>
          %mul3A_926 = arith.mulf %get3A_924, %mul3A_925 : vector<16xf32>
          %add3A_927 = arith.addf %add3A_855, %mul3A_926 : vector<16xf32>
          %get3A_928 = arith.index_cast %add3A_879 : i32 to index
          %get3A_929 = arith.index_cast %scan3A_127 : i32 to index
          %get3A_930 = arith.constant 96 : index
          %get3A_931 = tpu.vector_load %arg6[%get3A_928, %get3A_929, %get3A_930] {strides = array<i32>} : memref<50x8x128xf32, #tpu.memory_space<vmem>>, vector<1x1x16xf32>,
          %get3A_932 = vector.shape_cast %get3A_931 : vector<1x1x16xf32> to vector<16xf32>
          %mul3A_933 = vector.broadcast %squeeze3A_873 : f32 to vector<16xf32>
          %mul3A_934 = arith.mulf %get3A_932, %mul3A_933 : vector<16xf32>
          %add3A_935 = arith.addf %add3A_863, %mul3A_934 : vector<16xf32>
          %get3A_936 = arith.index_cast %add3A_879 : i32 to index
          %get3A_937 = arith.index_cast %scan3A_127 : i32 to index
          %get3A_938 = arith.constant 112 : index
          %get3A_939 = tpu.vector_load %arg6[%get3A_936, %get3A_937, %get3A_938] {strides = array<i32>} : memref<50x8x128xf32, #tpu.memory_space<vmem>>, vector<1x1x16xf32>,
          %get3A_940 = vector.shape_cast %get3A_939 : vector<1x1x16xf32> to vector<16xf32>
          %mul3A_941 = vector.broadcast %squeeze3A_873 : f32 to vector<16xf32>
          %mul3A_942 = arith.mulf %get3A_940, %mul3A_941 : vector<16xf32>
          %add3A_943 = arith.addf %add3A_871, %mul3A_942 : vector<16xf32>
          %slice3A_944 = vector.extract_strided_slice %get3A_367 {offsets = [8], sizes = [1], strides = [1]} : vector<16xf32> to vector<1xf32>
          %squeeze3A_945 = vector.extract %slice3A_944[0] : f32 from vector<1xf32>
          %add3A_946 = vector.broadcast %squeeze3A_945 : f32 to vector<16xf32>
          %add3A_947 = arith.addf %add3A_875, %add3A_946 : vector<16xf32>
          %mul3A_948 = arith.constant 16 : i32
          %mul3A_949 = arith.muli %scan3A_352, %mul3A_948 : i32
          %add3A_950 = arith.constant 8 : i32
          %add3A_951 = arith.addi %mul3A_949, %add3A_950 : i32
          %get3A_952 = arith.index_cast %add3A_951 : i32 to index
          %get3A_953 = arith.index_cast %scan3A_127 : i32 to index
          %get3A_954 = arith.constant 0 : index
          %get3A_955 = tpu.vector_load %arg6[%get3A_952, %get3A_953, %get3A_954] {strides = array<i32>} : memref<50x8x128xf32, #tpu.memory_space<vmem>>, vector<1x1x16xf32>,
          %get3A_956 = vector.shape_cast %get3A_955 : vector<1x1x16xf32> to vector<16xf32>
          %mul3A_957 = vector.broadcast %squeeze3A_945 : f32 to vector<16xf32>
          %mul3A_958 = arith.mulf %get3A_956, %mul3A_957 : vector<16xf32>
          %add3A_959 = arith.addf %add3A_887, %mul3A_958 : vector<16xf32>
          %get3A_960 = arith.index_cast %add3A_951 : i32 to index
          %get3A_961 = arith.index_cast %scan3A_127 : i32 to index
          %get3A_962 = arith.constant 16 : index
          %get3A_963 = tpu.vector_load %arg6[%get3A_960, %get3A_961, %get3A_962] {strides = array<i32>} : memref<50x8x128xf32, #tpu.memory_space<vmem>>, vector<1x1x16xf32>,
          %get3A_964 = vector.shape_cast %get3A_963 : vector<1x1x16xf32> to vector<16xf32>
          %mul3A_965 = vector.broadcast %squeeze3A_945 : f32 to vector<16xf32>
          %mul3A_966 = arith.mulf %get3A_964, %mul3A_965 : vector<16xf32>
          %add3A_967 = arith.addf %add3A_895, %mul3A_966 : vector<16xf32>
          %get3A_968 = arith.index_cast %add3A_951 : i32 to index
          %get3A_969 = arith.index_cast %scan3A_127 : i32 to index
          %get3A_970 = arith.constant 32 : index
          %get3A_971 = tpu.vector_load %arg6[%get3A_968, %get3A_969, %get3A_970] {strides = array<i32>} : memref<50x8x128xf32, #tpu.memory_space<vmem>>, vector<1x1x16xf32>,
          %get3A_972 = vector.shape_cast %get3A_971 : vector<1x1x16xf32> to vector<16xf32>
          %mul3A_973 = vector.broadcast %squeeze3A_945 : f32 to vector<16xf32>
          %mul3A_974 = arith.mulf %get3A_972, %mul3A_973 : vector<16xf32>
          %add3A_975 = arith.addf %add3A_903, %mul3A_974 : vector<16xf32>
          %get3A_976 = arith.index_cast %add3A_951 : i32 to index
          %get3A_977 = arith.index_cast %scan3A_127 : i32 to index
          %get3A_978 = arith.constant 48 : index
          %get3A_979 = tpu.vector_load %arg6[%get3A_976, %get3A_977, %get3A_978] {strides = array<i32>} : memref<50x8x128xf32, #tpu.memory_space<vmem>>, vector<1x1x16xf32>,
          %get3A_980 = vector.shape_cast %get3A_979 : vector<1x1x16xf32> to vector<16xf32>
          %mul3A_981 = vector.broadcast %squeeze3A_945 : f32 to vector<16xf32>
          %mul3A_982 = arith.mulf %get3A_980, %mul3A_981 : vector<16xf32>
          %add3A_983 = arith.addf %add3A_911, %mul3A_982 : vector<16xf32>
          %get3A_984 = arith.index_cast %add3A_951 : i32 to index
          %get3A_985 = arith.index_cast %scan3A_127 : i32 to index
          %get3A_986 = arith.constant 64 : index
          %get3A_987 = tpu.vector_load %arg6[%get3A_984, %get3A_985, %get3A_986] {strides = array<i32>} : memref<50x8x128xf32, #tpu.memory_space<vmem>>, vector<1x1x16xf32>,
          %get3A_988 = vector.shape_cast %get3A_987 : vector<1x1x16xf32> to vector<16xf32>
          %mul3A_989 = vector.broadcast %squeeze3A_945 : f32 to vector<16xf32>
          %mul3A_990 = arith.mulf %get3A_988, %mul3A_989 : vector<16xf32>
          %add3A_991 = arith.addf %add3A_919, %mul3A_990 : vector<16xf32>
          %get3A_992 = arith.index_cast %add3A_951 : i32 to index
          %get3A_993 = arith.index_cast %scan3A_127 : i32 to index
          %get3A_994 = arith.constant 80 : index
          %get3A_995 = tpu.vector_load %arg6[%get3A_992, %get3A_993, %get3A_994] {strides = array<i32>} : memref<50x8x128xf32, #tpu.memory_space<vmem>>, vector<1x1x16xf32>,
          %get3A_996 = vector.shape_cast %get3A_995 : vector<1x1x16xf32> to vector<16xf32>
          %mul3A_997 = vector.broadcast %squeeze3A_945 : f32 to vector<16xf32>
          %mul3A_998 = arith.mulf %get3A_996, %mul3A_997 : vector<16xf32>
          %add3A_999 = arith.addf %add3A_927, %mul3A_998 : vector<16xf32>
          %get3A_1000 = arith.index_cast %add3A_951 : i32 to index
          %get3A_1001 = arith.index_cast %scan3A_127 : i32 to index
          %get3A_1002 = arith.constant 96 : index
          %get3A_1003 = tpu.vector_load %arg6[%get3A_1000, %get3A_1001, %get3A_1002] {strides = array<i32>} : memref<50x8x128xf32, #tpu.memory_space<vmem>>, vector<1x1x16xf32>,
          %get3A_1004 = vector.shape_cast %get3A_1003 : vector<1x1x16xf32> to vector<16xf32>
          %mul3A_1005 = vector.broadcast %squeeze3A_945 : f32 to vector<16xf32>
          %mul3A_1006 = arith.mulf %get3A_1004, %mul3A_1005 : vector<16xf32>
          %add3A_1007 = arith.addf %add3A_935, %mul3A_1006 : vector<16xf32>
          %get3A_1008 = arith.index_cast %add3A_951 : i32 to index
          %get3A_1009 = arith.index_cast %scan3A_127 : i32 to index
          %get3A_1010 = arith.constant 112 : index
          %get3A_1011 = tpu.vector_load %arg6[%get3A_1008, %get3A_1009, %get3A_1010] {strides = array<i32>} : memref<50x8x128xf32, #tpu.memory_space<vmem>>, vector<1x1x16xf32>,
          %get3A_1012 = vector.shape_cast %get3A_1011 : vector<1x1x16xf32> to vector<16xf32>
          %mul3A_1013 = vector.broadcast %squeeze3A_945 : f32 to vector<16xf32>
          %mul3A_1014 = arith.mulf %get3A_1012, %mul3A_1013 : vector<16xf32>
          %add3A_1015 = arith.addf %add3A_943, %mul3A_1014 : vector<16xf32>
          %slice3A_1016 = vector.extract_strided_slice %get3A_367 {offsets = [9], sizes = [1], strides = [1]} : vector<16xf32> to vector<1xf32>
          %squeeze3A_1017 = vector.extract %slice3A_1016[0] : f32 from vector<1xf32>
          %add3A_1018 = vector.broadcast %squeeze3A_1017 : f32 to vector<16xf32>
          %add3A_1019 = arith.addf %add3A_947, %add3A_1018 : vector<16xf32>
          %mul3A_1020 = arith.constant 16 : i32
          %mul3A_1021 = arith.muli %scan3A_352, %mul3A_1020 : i32
          %add3A_1022 = arith.constant 9 : i32
          %add3A_1023 = arith.addi %mul3A_1021, %add3A_1022 : i32
          %get3A_1024 = arith.index_cast %add3A_1023 : i32 to index
          %get3A_1025 = arith.index_cast %scan3A_127 : i32 to index
          %get3A_1026 = arith.constant 0 : index
          %get3A_1027 = tpu.vector_load %arg6[%get3A_1024, %get3A_1025, %get3A_1026] {strides = array<i32>} : memref<50x8x128xf32, #tpu.memory_space<vmem>>, vector<1x1x16xf32>,
          %get3A_1028 = vector.shape_cast %get3A_1027 : vector<1x1x16xf32> to vector<16xf32>
          %mul3A_1029 = vector.broadcast %squeeze3A_1017 : f32 to vector<16xf32>
          %mul3A_1030 = arith.mulf %get3A_1028, %mul3A_1029 : vector<16xf32>
          %add3A_1031 = arith.addf %add3A_959, %mul3A_1030 : vector<16xf32>
          %get3A_1032 = arith.index_cast %add3A_1023 : i32 to index
          %get3A_1033 = arith.index_cast %scan3A_127 : i32 to index
          %get3A_1034 = arith.constant 16 : index
          %get3A_1035 = tpu.vector_load %arg6[%get3A_1032, %get3A_1033, %get3A_1034] {strides = array<i32>} : memref<50x8x128xf32, #tpu.memory_space<vmem>>, vector<1x1x16xf32>,
          %get3A_1036 = vector.shape_cast %get3A_1035 : vector<1x1x16xf32> to vector<16xf32>
          %mul3A_1037 = vector.broadcast %squeeze3A_1017 : f32 to vector<16xf32>
          %mul3A_1038 = arith.mulf %get3A_1036, %mul3A_1037 : vector<16xf32>
          %add3A_1039 = arith.addf %add3A_967, %mul3A_1038 : vector<16xf32>
          %get3A_1040 = arith.index_cast %add3A_1023 : i32 to index
          %get3A_1041 = arith.index_cast %scan3A_127 : i32 to index
          %get3A_1042 = arith.constant 32 : index
          %get3A_1043 = tpu.vector_load %arg6[%get3A_1040, %get3A_1041, %get3A_1042] {strides = array<i32>} : memref<50x8x128xf32, #tpu.memory_space<vmem>>, vector<1x1x16xf32>,
          %get3A_1044 = vector.shape_cast %get3A_1043 : vector<1x1x16xf32> to vector<16xf32>
          %mul3A_1045 = vector.broadcast %squeeze3A_1017 : f32 to vector<16xf32>
          %mul3A_1046 = arith.mulf %get3A_1044, %mul3A_1045 : vector<16xf32>
          %add3A_1047 = arith.addf %add3A_975, %mul3A_1046 : vector<16xf32>
          %get3A_1048 = arith.index_cast %add3A_1023 : i32 to index
          %get3A_1049 = arith.index_cast %scan3A_127 : i32 to index
          %get3A_1050 = arith.constant 48 : index
          %get3A_1051 = tpu.vector_load %arg6[%get3A_1048, %get3A_1049, %get3A_1050] {strides = array<i32>} : memref<50x8x128xf32, #tpu.memory_space<vmem>>, vector<1x1x16xf32>,
          %get3A_1052 = vector.shape_cast %get3A_1051 : vector<1x1x16xf32> to vector<16xf32>
          %mul3A_1053 = vector.broadcast %squeeze3A_1017 : f32 to vector<16xf32>
          %mul3A_1054 = arith.mulf %get3A_1052, %mul3A_1053 : vector<16xf32>
          %add3A_1055 = arith.addf %add3A_983, %mul3A_1054 : vector<16xf32>
          %get3A_1056 = arith.index_cast %add3A_1023 : i32 to index
          %get3A_1057 = arith.index_cast %scan3A_127 : i32 to index
          %get3A_1058 = arith.constant 64 : index
          %get3A_1059 = tpu.vector_load %arg6[%get3A_1056, %get3A_1057, %get3A_1058] {strides = array<i32>} : memref<50x8x128xf32, #tpu.memory_space<vmem>>, vector<1x1x16xf32>,
          %get3A_1060 = vector.shape_cast %get3A_1059 : vector<1x1x16xf32> to vector<16xf32>
          %mul3A_1061 = vector.broadcast %squeeze3A_1017 : f32 to vector<16xf32>
          %mul3A_1062 = arith.mulf %get3A_1060, %mul3A_1061 : vector<16xf32>
          %add3A_1063 = arith.addf %add3A_991, %mul3A_1062 : vector<16xf32>
          %get3A_1064 = arith.index_cast %add3A_1023 : i32 to index
          %get3A_1065 = arith.index_cast %scan3A_127 : i32 to index
          %get3A_1066 = arith.constant 80 : index
          %get3A_1067 = tpu.vector_load %arg6[%get3A_1064, %get3A_1065, %get3A_1066] {strides = array<i32>} : memref<50x8x128xf32, #tpu.memory_space<vmem>>, vector<1x1x16xf32>,
          %get3A_1068 = vector.shape_cast %get3A_1067 : vector<1x1x16xf32> to vector<16xf32>
          %mul3A_1069 = vector.broadcast %squeeze3A_1017 : f32 to vector<16xf32>
          %mul3A_1070 = arith.mulf %get3A_1068, %mul3A_1069 : vector<16xf32>
          %add3A_1071 = arith.addf %add3A_999, %mul3A_1070 : vector<16xf32>
          %get3A_1072 = arith.index_cast %add3A_1023 : i32 to index
          %get3A_1073 = arith.index_cast %scan3A_127 : i32 to index
          %get3A_1074 = arith.constant 96 : index
          %get3A_1075 = tpu.vector_load %arg6[%get3A_1072, %get3A_1073, %get3A_1074] {strides = array<i32>} : memref<50x8x128xf32, #tpu.memory_space<vmem>>, vector<1x1x16xf32>,
          %get3A_1076 = vector.shape_cast %get3A_1075 : vector<1x1x16xf32> to vector<16xf32>
          %mul3A_1077 = vector.broadcast %squeeze3A_1017 : f32 to vector<16xf32>
          %mul3A_1078 = arith.mulf %get3A_1076, %mul3A_1077 : vector<16xf32>
          %add3A_1079 = arith.addf %add3A_1007, %mul3A_1078 : vector<16xf32>
          %get3A_1080 = arith.index_cast %add3A_1023 : i32 to index
          %get3A_1081 = arith.index_cast %scan3A_127 : i32 to index
          %get3A_1082 = arith.constant 112 : index
          %get3A_1083 = tpu.vector_load %arg6[%get3A_1080, %get3A_1081, %get3A_1082] {strides = array<i32>} : memref<50x8x128xf32, #tpu.memory_space<vmem>>, vector<1x1x16xf32>,
          %get3A_1084 = vector.shape_cast %get3A_1083 : vector<1x1x16xf32> to vector<16xf32>
          %mul3A_1085 = vector.broadcast %squeeze3A_1017 : f32 to vector<16xf32>
          %mul3A_1086 = arith.mulf %get3A_1084, %mul3A_1085 : vector<16xf32>
          %add3A_1087 = arith.addf %add3A_1015, %mul3A_1086 : vector<16xf32>
          %slice3A_1088 = vector.extract_strided_slice %get3A_367 {offsets = [10], sizes = [1], strides = [1]} : vector<16xf32> to vector<1xf32>
          %squeeze3A_1089 = vector.extract %slice3A_1088[0] : f32 from vector<1xf32>
          %add3A_1090 = vector.broadcast %squeeze3A_1089 : f32 to vector<16xf32>
          %add3A_1091 = arith.addf %add3A_1019, %add3A_1090 : vector<16xf32>
          %mul3A_1092 = arith.constant 16 : i32
          %mul3A_1093 = arith.muli %scan3A_352, %mul3A_1092 : i32
          %add3A_1094 = arith.constant 10 : i32
          %add3A_1095 = arith.addi %mul3A_1093, %add3A_1094 : i32
          %get3A_1096 = arith.index_cast %add3A_1095 : i32 to index
          %get3A_1097 = arith.index_cast %scan3A_127 : i32 to index
          %get3A_1098 = arith.constant 0 : index
          %get3A_1099 = tpu.vector_load %arg6[%get3A_1096, %get3A_1097, %get3A_1098] {strides = array<i32>} : memref<50x8x128xf32, #tpu.memory_space<vmem>>, vector<1x1x16xf32>,
          %get3A_1100 = vector.shape_cast %get3A_1099 : vector<1x1x16xf32> to vector<16xf32>
          %mul3A_1101 = vector.broadcast %squeeze3A_1089 : f32 to vector<16xf32>
          %mul3A_1102 = arith.mulf %get3A_1100, %mul3A_1101 : vector<16xf32>
          %add3A_1103 = arith.addf %add3A_1031, %mul3A_1102 : vector<16xf32>
          %get3A_1104 = arith.index_cast %add3A_1095 : i32 to index
          %get3A_1105 = arith.index_cast %scan3A_127 : i32 to index
          %get3A_1106 = arith.constant 16 : index
          %get3A_1107 = tpu.vector_load %arg6[%get3A_1104, %get3A_1105, %get3A_1106] {strides = array<i32>} : memref<50x8x128xf32, #tpu.memory_space<vmem>>, vector<1x1x16xf32>,
          %get3A_1108 = vector.shape_cast %get3A_1107 : vector<1x1x16xf32> to vector<16xf32>
          %mul3A_1109 = vector.broadcast %squeeze3A_1089 : f32 to vector<16xf32>
          %mul3A_1110 = arith.mulf %get3A_1108, %mul3A_1109 : vector<16xf32>
          %add3A_1111 = arith.addf %add3A_1039, %mul3A_1110 : vector<16xf32>
          %get3A_1112 = arith.index_cast %add3A_1095 : i32 to index
          %get3A_1113 = arith.index_cast %scan3A_127 : i32 to index
          %get3A_1114 = arith.constant 32 : index
          %get3A_1115 = tpu.vector_load %arg6[%get3A_1112, %get3A_1113, %get3A_1114] {strides = array<i32>} : memref<50x8x128xf32, #tpu.memory_space<vmem>>, vector<1x1x16xf32>,
          %get3A_1116 = vector.shape_cast %get3A_1115 : vector<1x1x16xf32> to vector<16xf32>
          %mul3A_1117 = vector.broadcast %squeeze3A_1089 : f32 to vector<16xf32>
          %mul3A_1118 = arith.mulf %get3A_1116, %mul3A_1117 : vector<16xf32>
          %add3A_1119 = arith.addf %add3A_1047, %mul3A_1118 : vector<16xf32>
          %get3A_1120 = arith.index_cast %add3A_1095 : i32 to index
          %get3A_1121 = arith.index_cast %scan3A_127 : i32 to index
          %get3A_1122 = arith.constant 48 : index
          %get3A_1123 = tpu.vector_load %arg6[%get3A_1120, %get3A_1121, %get3A_1122] {strides = array<i32>} : memref<50x8x128xf32, #tpu.memory_space<vmem>>, vector<1x1x16xf32>,
          %get3A_1124 = vector.shape_cast %get3A_1123 : vector<1x1x16xf32> to vector<16xf32>
          %mul3A_1125 = vector.broadcast %squeeze3A_1089 : f32 to vector<16xf32>
          %mul3A_1126 = arith.mulf %get3A_1124, %mul3A_1125 : vector<16xf32>
          %add3A_1127 = arith.addf %add3A_1055, %mul3A_1126 : vector<16xf32>
          %get3A_1128 = arith.index_cast %add3A_1095 : i32 to index
          %get3A_1129 = arith.index_cast %scan3A_127 : i32 to index
          %get3A_1130 = arith.constant 64 : index
          %get3A_1131 = tpu.vector_load %arg6[%get3A_1128, %get3A_1129, %get3A_1130] {strides = array<i32>} : memref<50x8x128xf32, #tpu.memory_space<vmem>>, vector<1x1x16xf32>,
          %get3A_1132 = vector.shape_cast %get3A_1131 : vector<1x1x16xf32> to vector<16xf32>
          %mul3A_1133 = vector.broadcast %squeeze3A_1089 : f32 to vector<16xf32>
          %mul3A_1134 = arith.mulf %get3A_1132, %mul3A_1133 : vector<16xf32>
          %add3A_1135 = arith.addf %add3A_1063, %mul3A_1134 : vector<16xf32>
          %get3A_1136 = arith.index_cast %add3A_1095 : i32 to index
          %get3A_1137 = arith.index_cast %scan3A_127 : i32 to index
          %get3A_1138 = arith.constant 80 : index
          %get3A_1139 = tpu.vector_load %arg6[%get3A_1136, %get3A_1137, %get3A_1138] {strides = array<i32>} : memref<50x8x128xf32, #tpu.memory_space<vmem>>, vector<1x1x16xf32>,
          %get3A_1140 = vector.shape_cast %get3A_1139 : vector<1x1x16xf32> to vector<16xf32>
          %mul3A_1141 = vector.broadcast %squeeze3A_1089 : f32 to vector<16xf32>
          %mul3A_1142 = arith.mulf %get3A_1140, %mul3A_1141 : vector<16xf32>
          %add3A_1143 = arith.addf %add3A_1071, %mul3A_1142 : vector<16xf32>
          %get3A_1144 = arith.index_cast %add3A_1095 : i32 to index
          %get3A_1145 = arith.index_cast %scan3A_127 : i32 to index
          %get3A_1146 = arith.constant 96 : index
          %get3A_1147 = tpu.vector_load %arg6[%get3A_1144, %get3A_1145, %get3A_1146] {strides = array<i32>} : memref<50x8x128xf32, #tpu.memory_space<vmem>>, vector<1x1x16xf32>,
          %get3A_1148 = vector.shape_cast %get3A_1147 : vector<1x1x16xf32> to vector<16xf32>
          %mul3A_1149 = vector.broadcast %squeeze3A_1089 : f32 to vector<16xf32>
          %mul3A_1150 = arith.mulf %get3A_1148, %mul3A_1149 : vector<16xf32>
          %add3A_1151 = arith.addf %add3A_1079, %mul3A_1150 : vector<16xf32>
          %get3A_1152 = arith.index_cast %add3A_1095 : i32 to index
          %get3A_1153 = arith.index_cast %scan3A_127 : i32 to index
          %get3A_1154 = arith.constant 112 : index
          %get3A_1155 = tpu.vector_load %arg6[%get3A_1152, %get3A_1153, %get3A_1154] {strides = array<i32>} : memref<50x8x128xf32, #tpu.memory_space<vmem>>, vector<1x1x16xf32>,
          %get3A_1156 = vector.shape_cast %get3A_1155 : vector<1x1x16xf32> to vector<16xf32>
          %mul3A_1157 = vector.broadcast %squeeze3A_1089 : f32 to vector<16xf32>
          %mul3A_1158 = arith.mulf %get3A_1156, %mul3A_1157 : vector<16xf32>
          %add3A_1159 = arith.addf %add3A_1087, %mul3A_1158 : vector<16xf32>
          %slice3A_1160 = vector.extract_strided_slice %get3A_367 {offsets = [11], sizes = [1], strides = [1]} : vector<16xf32> to vector<1xf32>
          %squeeze3A_1161 = vector.extract %slice3A_1160[0] : f32 from vector<1xf32>
          %add3A_1162 = vector.broadcast %squeeze3A_1161 : f32 to vector<16xf32>
          %add3A_1163 = arith.addf %add3A_1091, %add3A_1162 : vector<16xf32>
          %mul3A_1164 = arith.constant 16 : i32
          %mul3A_1165 = arith.muli %scan3A_352, %mul3A_1164 : i32
          %add3A_1166 = arith.constant 11 : i32
          %add3A_1167 = arith.addi %mul3A_1165, %add3A_1166 : i32
          %get3A_1168 = arith.index_cast %add3A_1167 : i32 to index
          %get3A_1169 = arith.index_cast %scan3A_127 : i32 to index
          %get3A_1170 = arith.constant 0 : index
          %get3A_1171 = tpu.vector_load %arg6[%get3A_1168, %get3A_1169, %get3A_1170] {strides = array<i32>} : memref<50x8x128xf32, #tpu.memory_space<vmem>>, vector<1x1x16xf32>,
          %get3A_1172 = vector.shape_cast %get3A_1171 : vector<1x1x16xf32> to vector<16xf32>
          %mul3A_1173 = vector.broadcast %squeeze3A_1161 : f32 to vector<16xf32>
          %mul3A_1174 = arith.mulf %get3A_1172, %mul3A_1173 : vector<16xf32>
          %add3A_1175 = arith.addf %add3A_1103, %mul3A_1174 : vector<16xf32>
          %get3A_1176 = arith.index_cast %add3A_1167 : i32 to index
          %get3A_1177 = arith.index_cast %scan3A_127 : i32 to index
          %get3A_1178 = arith.constant 16 : index
          %get3A_1179 = tpu.vector_load %arg6[%get3A_1176, %get3A_1177, %get3A_1178] {strides = array<i32>} : memref<50x8x128xf32, #tpu.memory_space<vmem>>, vector<1x1x16xf32>,
          %get3A_1180 = vector.shape_cast %get3A_1179 : vector<1x1x16xf32> to vector<16xf32>
          %mul3A_1181 = vector.broadcast %squeeze3A_1161 : f32 to vector<16xf32>
          %mul3A_1182 = arith.mulf %get3A_1180, %mul3A_1181 : vector<16xf32>
          %add3A_1183 = arith.addf %add3A_1111, %mul3A_1182 : vector<16xf32>
          %get3A_1184 = arith.index_cast %add3A_1167 : i32 to index
          %get3A_1185 = arith.index_cast %scan3A_127 : i32 to index
          %get3A_1186 = arith.constant 32 : index
          %get3A_1187 = tpu.vector_load %arg6[%get3A_1184, %get3A_1185, %get3A_1186] {strides = array<i32>} : memref<50x8x128xf32, #tpu.memory_space<vmem>>, vector<1x1x16xf32>,
          %get3A_1188 = vector.shape_cast %get3A_1187 : vector<1x1x16xf32> to vector<16xf32>
          %mul3A_1189 = vector.broadcast %squeeze3A_1161 : f32 to vector<16xf32>
          %mul3A_1190 = arith.mulf %get3A_1188, %mul3A_1189 : vector<16xf32>
          %add3A_1191 = arith.addf %add3A_1119, %mul3A_1190 : vector<16xf32>
          %get3A_1192 = arith.index_cast %add3A_1167 : i32 to index
          %get3A_1193 = arith.index_cast %scan3A_127 : i32 to index
          %get3A_1194 = arith.constant 48 : index
          %get3A_1195 = tpu.vector_load %arg6[%get3A_1192, %get3A_1193, %get3A_1194] {strides = array<i32>} : memref<50x8x128xf32, #tpu.memory_space<vmem>>, vector<1x1x16xf32>,
          %get3A_1196 = vector.shape_cast %get3A_1195 : vector<1x1x16xf32> to vector<16xf32>
          %mul3A_1197 = vector.broadcast %squeeze3A_1161 : f32 to vector<16xf32>
          %mul3A_1198 = arith.mulf %get3A_1196, %mul3A_1197 : vector<16xf32>
          %add3A_1199 = arith.addf %add3A_1127, %mul3A_1198 : vector<16xf32>
          %get3A_1200 = arith.index_cast %add3A_1167 : i32 to index
          %get3A_1201 = arith.index_cast %scan3A_127 : i32 to index
          %get3A_1202 = arith.constant 64 : index
          %get3A_1203 = tpu.vector_load %arg6[%get3A_1200, %get3A_1201, %get3A_1202] {strides = array<i32>} : memref<50x8x128xf32, #tpu.memory_space<vmem>>, vector<1x1x16xf32>,
          %get3A_1204 = vector.shape_cast %get3A_1203 : vector<1x1x16xf32> to vector<16xf32>
          %mul3A_1205 = vector.broadcast %squeeze3A_1161 : f32 to vector<16xf32>
          %mul3A_1206 = arith.mulf %get3A_1204, %mul3A_1205 : vector<16xf32>
          %add3A_1207 = arith.addf %add3A_1135, %mul3A_1206 : vector<16xf32>
          %get3A_1208 = arith.index_cast %add3A_1167 : i32 to index
          %get3A_1209 = arith.index_cast %scan3A_127 : i32 to index
          %get3A_1210 = arith.constant 80 : index
          %get3A_1211 = tpu.vector_load %arg6[%get3A_1208, %get3A_1209, %get3A_1210] {strides = array<i32>} : memref<50x8x128xf32, #tpu.memory_space<vmem>>, vector<1x1x16xf32>,
          %get3A_1212 = vector.shape_cast %get3A_1211 : vector<1x1x16xf32> to vector<16xf32>
          %mul3A_1213 = vector.broadcast %squeeze3A_1161 : f32 to vector<16xf32>
          %mul3A_1214 = arith.mulf %get3A_1212, %mul3A_1213 : vector<16xf32>
          %add3A_1215 = arith.addf %add3A_1143, %mul3A_1214 : vector<16xf32>
          %get3A_1216 = arith.index_cast %add3A_1167 : i32 to index
          %get3A_1217 = arith.index_cast %scan3A_127 : i32 to index
          %get3A_1218 = arith.constant 96 : index
          %get3A_1219 = tpu.vector_load %arg6[%get3A_1216, %get3A_1217, %get3A_1218] {strides = array<i32>} : memref<50x8x128xf32, #tpu.memory_space<vmem>>, vector<1x1x16xf32>,
          %get3A_1220 = vector.shape_cast %get3A_1219 : vector<1x1x16xf32> to vector<16xf32>
          %mul3A_1221 = vector.broadcast %squeeze3A_1161 : f32 to vector<16xf32>
          %mul3A_1222 = arith.mulf %get3A_1220, %mul3A_1221 : vector<16xf32>
          %add3A_1223 = arith.addf %add3A_1151, %mul3A_1222 : vector<16xf32>
          %get3A_1224 = arith.index_cast %add3A_1167 : i32 to index
          %get3A_1225 = arith.index_cast %scan3A_127 : i32 to index
          %get3A_1226 = arith.constant 112 : index
          %get3A_1227 = tpu.vector_load %arg6[%get3A_1224, %get3A_1225, %get3A_1226] {strides = array<i32>} : memref<50x8x128xf32, #tpu.memory_space<vmem>>, vector<1x1x16xf32>,
          %get3A_1228 = vector.shape_cast %get3A_1227 : vector<1x1x16xf32> to vector<16xf32>
          %mul3A_1229 = vector.broadcast %squeeze3A_1161 : f32 to vector<16xf32>
          %mul3A_1230 = arith.mulf %get3A_1228, %mul3A_1229 : vector<16xf32>
          %add3A_1231 = arith.addf %add3A_1159, %mul3A_1230 : vector<16xf32>
          %slice3A_1232 = vector.extract_strided_slice %get3A_367 {offsets = [12], sizes = [1], strides = [1]} : vector<16xf32> to vector<1xf32>
          %squeeze3A_1233 = vector.extract %slice3A_1232[0] : f32 from vector<1xf32>
          %add3A_1234 = vector.broadcast %squeeze3A_1233 : f32 to vector<16xf32>
          %add3A_1235 = arith.addf %add3A_1163, %add3A_1234 : vector<16xf32>
          %mul3A_1236 = arith.constant 16 : i32
          %mul3A_1237 = arith.muli %scan3A_352, %mul3A_1236 : i32
          %add3A_1238 = arith.constant 12 : i32
          %add3A_1239 = arith.addi %mul3A_1237, %add3A_1238 : i32
          %get3A_1240 = arith.index_cast %add3A_1239 : i32 to index
          %get3A_1241 = arith.index_cast %scan3A_127 : i32 to index
          %get3A_1242 = arith.constant 0 : index
          %get3A_1243 = tpu.vector_load %arg6[%get3A_1240, %get3A_1241, %get3A_1242] {strides = array<i32>} : memref<50x8x128xf32, #tpu.memory_space<vmem>>, vector<1x1x16xf32>,
          %get3A_1244 = vector.shape_cast %get3A_1243 : vector<1x1x16xf32> to vector<16xf32>
          %mul3A_1245 = vector.broadcast %squeeze3A_1233 : f32 to vector<16xf32>
          %mul3A_1246 = arith.mulf %get3A_1244, %mul3A_1245 : vector<16xf32>
          %add3A_1247 = arith.addf %add3A_1175, %mul3A_1246 : vector<16xf32>
          %get3A_1248 = arith.index_cast %add3A_1239 : i32 to index
          %get3A_1249 = arith.index_cast %scan3A_127 : i32 to index
          %get3A_1250 = arith.constant 16 : index
          %get3A_1251 = tpu.vector_load %arg6[%get3A_1248, %get3A_1249, %get3A_1250] {strides = array<i32>} : memref<50x8x128xf32, #tpu.memory_space<vmem>>, vector<1x1x16xf32>,
          %get3A_1252 = vector.shape_cast %get3A_1251 : vector<1x1x16xf32> to vector<16xf32>
          %mul3A_1253 = vector.broadcast %squeeze3A_1233 : f32 to vector<16xf32>
          %mul3A_1254 = arith.mulf %get3A_1252, %mul3A_1253 : vector<16xf32>
          %add3A_1255 = arith.addf %add3A_1183, %mul3A_1254 : vector<16xf32>
          %get3A_1256 = arith.index_cast %add3A_1239 : i32 to index
          %get3A_1257 = arith.index_cast %scan3A_127 : i32 to index
          %get3A_1258 = arith.constant 32 : index
          %get3A_1259 = tpu.vector_load %arg6[%get3A_1256, %get3A_1257, %get3A_1258] {strides = array<i32>} : memref<50x8x128xf32, #tpu.memory_space<vmem>>, vector<1x1x16xf32>,
          %get3A_1260 = vector.shape_cast %get3A_1259 : vector<1x1x16xf32> to vector<16xf32>
          %mul3A_1261 = vector.broadcast %squeeze3A_1233 : f32 to vector<16xf32>
          %mul3A_1262 = arith.mulf %get3A_1260, %mul3A_1261 : vector<16xf32>
          %add3A_1263 = arith.addf %add3A_1191, %mul3A_1262 : vector<16xf32>
          %get3A_1264 = arith.index_cast %add3A_1239 : i32 to index
          %get3A_1265 = arith.index_cast %scan3A_127 : i32 to index
          %get3A_1266 = arith.constant 48 : index
          %get3A_1267 = tpu.vector_load %arg6[%get3A_1264, %get3A_1265, %get3A_1266] {strides = array<i32>} : memref<50x8x128xf32, #tpu.memory_space<vmem>>, vector<1x1x16xf32>,
          %get3A_1268 = vector.shape_cast %get3A_1267 : vector<1x1x16xf32> to vector<16xf32>
          %mul3A_1269 = vector.broadcast %squeeze3A_1233 : f32 to vector<16xf32>
          %mul3A_1270 = arith.mulf %get3A_1268, %mul3A_1269 : vector<16xf32>
          %add3A_1271 = arith.addf %add3A_1199, %mul3A_1270 : vector<16xf32>
          %get3A_1272 = arith.index_cast %add3A_1239 : i32 to index
          %get3A_1273 = arith.index_cast %scan3A_127 : i32 to index
          %get3A_1274 = arith.constant 64 : index
          %get3A_1275 = tpu.vector_load %arg6[%get3A_1272, %get3A_1273, %get3A_1274] {strides = array<i32>} : memref<50x8x128xf32, #tpu.memory_space<vmem>>, vector<1x1x16xf32>,
          %get3A_1276 = vector.shape_cast %get3A_1275 : vector<1x1x16xf32> to vector<16xf32>
          %mul3A_1277 = vector.broadcast %squeeze3A_1233 : f32 to vector<16xf32>
          %mul3A_1278 = arith.mulf %get3A_1276, %mul3A_1277 : vector<16xf32>
          %add3A_1279 = arith.addf %add3A_1207, %mul3A_1278 : vector<16xf32>
          %get3A_1280 = arith.index_cast %add3A_1239 : i32 to index
          %get3A_1281 = arith.index_cast %scan3A_127 : i32 to index
          %get3A_1282 = arith.constant 80 : index
          %get3A_1283 = tpu.vector_load %arg6[%get3A_1280, %get3A_1281, %get3A_1282] {strides = array<i32>} : memref<50x8x128xf32, #tpu.memory_space<vmem>>, vector<1x1x16xf32>,
          %get3A_1284 = vector.shape_cast %get3A_1283 : vector<1x1x16xf32> to vector<16xf32>
          %mul3A_1285 = vector.broadcast %squeeze3A_1233 : f32 to vector<16xf32>
          %mul3A_1286 = arith.mulf %get3A_1284, %mul3A_1285 : vector<16xf32>
          %add3A_1287 = arith.addf %add3A_1215, %mul3A_1286 : vector<16xf32>
          %get3A_1288 = arith.index_cast %add3A_1239 : i32 to index
          %get3A_1289 = arith.index_cast %scan3A_127 : i32 to index
          %get3A_1290 = arith.constant 96 : index
          %get3A_1291 = tpu.vector_load %arg6[%get3A_1288, %get3A_1289, %get3A_1290] {strides = array<i32>} : memref<50x8x128xf32, #tpu.memory_space<vmem>>, vector<1x1x16xf32>,
          %get3A_1292 = vector.shape_cast %get3A_1291 : vector<1x1x16xf32> to vector<16xf32>
          %mul3A_1293 = vector.broadcast %squeeze3A_1233 : f32 to vector<16xf32>
          %mul3A_1294 = arith.mulf %get3A_1292, %mul3A_1293 : vector<16xf32>
          %add3A_1295 = arith.addf %add3A_1223, %mul3A_1294 : vector<16xf32>
          %get3A_1296 = arith.index_cast %add3A_1239 : i32 to index
          %get3A_1297 = arith.index_cast %scan3A_127 : i32 to index
          %get3A_1298 = arith.constant 112 : index
          %get3A_1299 = tpu.vector_load %arg6[%get3A_1296, %get3A_1297, %get3A_1298] {strides = array<i32>} : memref<50x8x128xf32, #tpu.memory_space<vmem>>, vector<1x1x16xf32>,
          %get3A_1300 = vector.shape_cast %get3A_1299 : vector<1x1x16xf32> to vector<16xf32>
          %mul3A_1301 = vector.broadcast %squeeze3A_1233 : f32 to vector<16xf32>
          %mul3A_1302 = arith.mulf %get3A_1300, %mul3A_1301 : vector<16xf32>
          %add3A_1303 = arith.addf %add3A_1231, %mul3A_1302 : vector<16xf32>
          %slice3A_1304 = vector.extract_strided_slice %get3A_367 {offsets = [13], sizes = [1], strides = [1]} : vector<16xf32> to vector<1xf32>
          %squeeze3A_1305 = vector.extract %slice3A_1304[0] : f32 from vector<1xf32>
          %add3A_1306 = vector.broadcast %squeeze3A_1305 : f32 to vector<16xf32>
          %add3A_1307 = arith.addf %add3A_1235, %add3A_1306 : vector<16xf32>
          %mul3A_1308 = arith.constant 16 : i32
          %mul3A_1309 = arith.muli %scan3A_352, %mul3A_1308 : i32
          %add3A_1310 = arith.constant 13 : i32
          %add3A_1311 = arith.addi %mul3A_1309, %add3A_1310 : i32
          %get3A_1312 = arith.index_cast %add3A_1311 : i32 to index
          %get3A_1313 = arith.index_cast %scan3A_127 : i32 to index
          %get3A_1314 = arith.constant 0 : index
          %get3A_1315 = tpu.vector_load %arg6[%get3A_1312, %get3A_1313, %get3A_1314] {strides = array<i32>} : memref<50x8x128xf32, #tpu.memory_space<vmem>>, vector<1x1x16xf32>,
          %get3A_1316 = vector.shape_cast %get3A_1315 : vector<1x1x16xf32> to vector<16xf32>
          %mul3A_1317 = vector.broadcast %squeeze3A_1305 : f32 to vector<16xf32>
          %mul3A_1318 = arith.mulf %get3A_1316, %mul3A_1317 : vector<16xf32>
          %add3A_1319 = arith.addf %add3A_1247, %mul3A_1318 : vector<16xf32>
          %get3A_1320 = arith.index_cast %add3A_1311 : i32 to index
          %get3A_1321 = arith.index_cast %scan3A_127 : i32 to index
          %get3A_1322 = arith.constant 16 : index
          %get3A_1323 = tpu.vector_load %arg6[%get3A_1320, %get3A_1321, %get3A_1322] {strides = array<i32>} : memref<50x8x128xf32, #tpu.memory_space<vmem>>, vector<1x1x16xf32>,
          %get3A_1324 = vector.shape_cast %get3A_1323 : vector<1x1x16xf32> to vector<16xf32>
          %mul3A_1325 = vector.broadcast %squeeze3A_1305 : f32 to vector<16xf32>
          %mul3A_1326 = arith.mulf %get3A_1324, %mul3A_1325 : vector<16xf32>
          %add3A_1327 = arith.addf %add3A_1255, %mul3A_1326 : vector<16xf32>
          %get3A_1328 = arith.index_cast %add3A_1311 : i32 to index
          %get3A_1329 = arith.index_cast %scan3A_127 : i32 to index
          %get3A_1330 = arith.constant 32 : index
          %get3A_1331 = tpu.vector_load %arg6[%get3A_1328, %get3A_1329, %get3A_1330] {strides = array<i32>} : memref<50x8x128xf32, #tpu.memory_space<vmem>>, vector<1x1x16xf32>,
          %get3A_1332 = vector.shape_cast %get3A_1331 : vector<1x1x16xf32> to vector<16xf32>
          %mul3A_1333 = vector.broadcast %squeeze3A_1305 : f32 to vector<16xf32>
          %mul3A_1334 = arith.mulf %get3A_1332, %mul3A_1333 : vector<16xf32>
          %add3A_1335 = arith.addf %add3A_1263, %mul3A_1334 : vector<16xf32>
          %get3A_1336 = arith.index_cast %add3A_1311 : i32 to index
          %get3A_1337 = arith.index_cast %scan3A_127 : i32 to index
          %get3A_1338 = arith.constant 48 : index
          %get3A_1339 = tpu.vector_load %arg6[%get3A_1336, %get3A_1337, %get3A_1338] {strides = array<i32>} : memref<50x8x128xf32, #tpu.memory_space<vmem>>, vector<1x1x16xf32>,
          %get3A_1340 = vector.shape_cast %get3A_1339 : vector<1x1x16xf32> to vector<16xf32>
          %mul3A_1341 = vector.broadcast %squeeze3A_1305 : f32 to vector<16xf32>
          %mul3A_1342 = arith.mulf %get3A_1340, %mul3A_1341 : vector<16xf32>
          %add3A_1343 = arith.addf %add3A_1271, %mul3A_1342 : vector<16xf32>
          %get3A_1344 = arith.index_cast %add3A_1311 : i32 to index
          %get3A_1345 = arith.index_cast %scan3A_127 : i32 to index
          %get3A_1346 = arith.constant 64 : index
          %get3A_1347 = tpu.vector_load %arg6[%get3A_1344, %get3A_1345, %get3A_1346] {strides = array<i32>} : memref<50x8x128xf32, #tpu.memory_space<vmem>>, vector<1x1x16xf32>,
          %get3A_1348 = vector.shape_cast %get3A_1347 : vector<1x1x16xf32> to vector<16xf32>
          %mul3A_1349 = vector.broadcast %squeeze3A_1305 : f32 to vector<16xf32>
          %mul3A_1350 = arith.mulf %get3A_1348, %mul3A_1349 : vector<16xf32>
          %add3A_1351 = arith.addf %add3A_1279, %mul3A_1350 : vector<16xf32>
          %get3A_1352 = arith.index_cast %add3A_1311 : i32 to index
          %get3A_1353 = arith.index_cast %scan3A_127 : i32 to index
          %get3A_1354 = arith.constant 80 : index
          %get3A_1355 = tpu.vector_load %arg6[%get3A_1352, %get3A_1353, %get3A_1354] {strides = array<i32>} : memref<50x8x128xf32, #tpu.memory_space<vmem>>, vector<1x1x16xf32>,
          %get3A_1356 = vector.shape_cast %get3A_1355 : vector<1x1x16xf32> to vector<16xf32>
          %mul3A_1357 = vector.broadcast %squeeze3A_1305 : f32 to vector<16xf32>
          %mul3A_1358 = arith.mulf %get3A_1356, %mul3A_1357 : vector<16xf32>
          %add3A_1359 = arith.addf %add3A_1287, %mul3A_1358 : vector<16xf32>
          %get3A_1360 = arith.index_cast %add3A_1311 : i32 to index
          %get3A_1361 = arith.index_cast %scan3A_127 : i32 to index
          %get3A_1362 = arith.constant 96 : index
          %get3A_1363 = tpu.vector_load %arg6[%get3A_1360, %get3A_1361, %get3A_1362] {strides = array<i32>} : memref<50x8x128xf32, #tpu.memory_space<vmem>>, vector<1x1x16xf32>,
          %get3A_1364 = vector.shape_cast %get3A_1363 : vector<1x1x16xf32> to vector<16xf32>
          %mul3A_1365 = vector.broadcast %squeeze3A_1305 : f32 to vector<16xf32>
          %mul3A_1366 = arith.mulf %get3A_1364, %mul3A_1365 : vector<16xf32>
          %add3A_1367 = arith.addf %add3A_1295, %mul3A_1366 : vector<16xf32>
          %get3A_1368 = arith.index_cast %add3A_1311 : i32 to index
          %get3A_1369 = arith.index_cast %scan3A_127 : i32 to index
          %get3A_1370 = arith.constant 112 : index
          %get3A_1371 = tpu.vector_load %arg6[%get3A_1368, %get3A_1369, %get3A_1370] {strides = array<i32>} : memref<50x8x128xf32, #tpu.memory_space<vmem>>, vector<1x1x16xf32>,
          %get3A_1372 = vector.shape_cast %get3A_1371 : vector<1x1x16xf32> to vector<16xf32>
          %mul3A_1373 = vector.broadcast %squeeze3A_1305 : f32 to vector<16xf32>
          %mul3A_1374 = arith.mulf %get3A_1372, %mul3A_1373 : vector<16xf32>
          %add3A_1375 = arith.addf %add3A_1303, %mul3A_1374 : vector<16xf32>
          %slice3A_1376 = vector.extract_strided_slice %get3A_367 {offsets = [14], sizes = [1], strides = [1]} : vector<16xf32> to vector<1xf32>
          %squeeze3A_1377 = vector.extract %slice3A_1376[0] : f32 from vector<1xf32>
          %add3A_1378 = vector.broadcast %squeeze3A_1377 : f32 to vector<16xf32>
          %add3A_1379 = arith.addf %add3A_1307, %add3A_1378 : vector<16xf32>
          %mul3A_1380 = arith.constant 16 : i32
          %mul3A_1381 = arith.muli %scan3A_352, %mul3A_1380 : i32
          %add3A_1382 = arith.constant 14 : i32
          %add3A_1383 = arith.addi %mul3A_1381, %add3A_1382 : i32
          %get3A_1384 = arith.index_cast %add3A_1383 : i32 to index
          %get3A_1385 = arith.index_cast %scan3A_127 : i32 to index
          %get3A_1386 = arith.constant 0 : index
          %get3A_1387 = tpu.vector_load %arg6[%get3A_1384, %get3A_1385, %get3A_1386] {strides = array<i32>} : memref<50x8x128xf32, #tpu.memory_space<vmem>>, vector<1x1x16xf32>,
          %get3A_1388 = vector.shape_cast %get3A_1387 : vector<1x1x16xf32> to vector<16xf32>
          %mul3A_1389 = vector.broadcast %squeeze3A_1377 : f32 to vector<16xf32>
          %mul3A_1390 = arith.mulf %get3A_1388, %mul3A_1389 : vector<16xf32>
          %add3A_1391 = arith.addf %add3A_1319, %mul3A_1390 : vector<16xf32>
          %get3A_1392 = arith.index_cast %add3A_1383 : i32 to index
          %get3A_1393 = arith.index_cast %scan3A_127 : i32 to index
          %get3A_1394 = arith.constant 16 : index
          %get3A_1395 = tpu.vector_load %arg6[%get3A_1392, %get3A_1393, %get3A_1394] {strides = array<i32>} : memref<50x8x128xf32, #tpu.memory_space<vmem>>, vector<1x1x16xf32>,
          %get3A_1396 = vector.shape_cast %get3A_1395 : vector<1x1x16xf32> to vector<16xf32>
          %mul3A_1397 = vector.broadcast %squeeze3A_1377 : f32 to vector<16xf32>
          %mul3A_1398 = arith.mulf %get3A_1396, %mul3A_1397 : vector<16xf32>
          %add3A_1399 = arith.addf %add3A_1327, %mul3A_1398 : vector<16xf32>
          %get3A_1400 = arith.index_cast %add3A_1383 : i32 to index
          %get3A_1401 = arith.index_cast %scan3A_127 : i32 to index
          %get3A_1402 = arith.constant 32 : index
          %get3A_1403 = tpu.vector_load %arg6[%get3A_1400, %get3A_1401, %get3A_1402] {strides = array<i32>} : memref<50x8x128xf32, #tpu.memory_space<vmem>>, vector<1x1x16xf32>,
          %get3A_1404 = vector.shape_cast %get3A_1403 : vector<1x1x16xf32> to vector<16xf32>
          %mul3A_1405 = vector.broadcast %squeeze3A_1377 : f32 to vector<16xf32>
          %mul3A_1406 = arith.mulf %get3A_1404, %mul3A_1405 : vector<16xf32>
          %add3A_1407 = arith.addf %add3A_1335, %mul3A_1406 : vector<16xf32>
          %get3A_1408 = arith.index_cast %add3A_1383 : i32 to index
          %get3A_1409 = arith.index_cast %scan3A_127 : i32 to index
          %get3A_1410 = arith.constant 48 : index
          %get3A_1411 = tpu.vector_load %arg6[%get3A_1408, %get3A_1409, %get3A_1410] {strides = array<i32>} : memref<50x8x128xf32, #tpu.memory_space<vmem>>, vector<1x1x16xf32>,
          %get3A_1412 = vector.shape_cast %get3A_1411 : vector<1x1x16xf32> to vector<16xf32>
          %mul3A_1413 = vector.broadcast %squeeze3A_1377 : f32 to vector<16xf32>
          %mul3A_1414 = arith.mulf %get3A_1412, %mul3A_1413 : vector<16xf32>
          %add3A_1415 = arith.addf %add3A_1343, %mul3A_1414 : vector<16xf32>
          %get3A_1416 = arith.index_cast %add3A_1383 : i32 to index
          %get3A_1417 = arith.index_cast %scan3A_127 : i32 to index
          %get3A_1418 = arith.constant 64 : index
          %get3A_1419 = tpu.vector_load %arg6[%get3A_1416, %get3A_1417, %get3A_1418] {strides = array<i32>} : memref<50x8x128xf32, #tpu.memory_space<vmem>>, vector<1x1x16xf32>,
          %get3A_1420 = vector.shape_cast %get3A_1419 : vector<1x1x16xf32> to vector<16xf32>
          %mul3A_1421 = vector.broadcast %squeeze3A_1377 : f32 to vector<16xf32>
          %mul3A_1422 = arith.mulf %get3A_1420, %mul3A_1421 : vector<16xf32>
          %add3A_1423 = arith.addf %add3A_1351, %mul3A_1422 : vector<16xf32>
          %get3A_1424 = arith.index_cast %add3A_1383 : i32 to index
          %get3A_1425 = arith.index_cast %scan3A_127 : i32 to index
          %get3A_1426 = arith.constant 80 : index
          %get3A_1427 = tpu.vector_load %arg6[%get3A_1424, %get3A_1425, %get3A_1426] {strides = array<i32>} : memref<50x8x128xf32, #tpu.memory_space<vmem>>, vector<1x1x16xf32>,
          %get3A_1428 = vector.shape_cast %get3A_1427 : vector<1x1x16xf32> to vector<16xf32>
          %mul3A_1429 = vector.broadcast %squeeze3A_1377 : f32 to vector<16xf32>
          %mul3A_1430 = arith.mulf %get3A_1428, %mul3A_1429 : vector<16xf32>
          %add3A_1431 = arith.addf %add3A_1359, %mul3A_1430 : vector<16xf32>
          %get3A_1432 = arith.index_cast %add3A_1383 : i32 to index
          %get3A_1433 = arith.index_cast %scan3A_127 : i32 to index
          %get3A_1434 = arith.constant 96 : index
          %get3A_1435 = tpu.vector_load %arg6[%get3A_1432, %get3A_1433, %get3A_1434] {strides = array<i32>} : memref<50x8x128xf32, #tpu.memory_space<vmem>>, vector<1x1x16xf32>,
          %get3A_1436 = vector.shape_cast %get3A_1435 : vector<1x1x16xf32> to vector<16xf32>
          %mul3A_1437 = vector.broadcast %squeeze3A_1377 : f32 to vector<16xf32>
          %mul3A_1438 = arith.mulf %get3A_1436, %mul3A_1437 : vector<16xf32>
          %add3A_1439 = arith.addf %add3A_1367, %mul3A_1438 : vector<16xf32>
          %get3A_1440 = arith.index_cast %add3A_1383 : i32 to index
          %get3A_1441 = arith.index_cast %scan3A_127 : i32 to index
          %get3A_1442 = arith.constant 112 : index
          %get3A_1443 = tpu.vector_load %arg6[%get3A_1440, %get3A_1441, %get3A_1442] {strides = array<i32>} : memref<50x8x128xf32, #tpu.memory_space<vmem>>, vector<1x1x16xf32>,
          %get3A_1444 = vector.shape_cast %get3A_1443 : vector<1x1x16xf32> to vector<16xf32>
          %mul3A_1445 = vector.broadcast %squeeze3A_1377 : f32 to vector<16xf32>
          %mul3A_1446 = arith.mulf %get3A_1444, %mul3A_1445 : vector<16xf32>
          %add3A_1447 = arith.addf %add3A_1375, %mul3A_1446 : vector<16xf32>
          %slice3A_1448 = vector.extract_strided_slice %get3A_367 {offsets = [15], sizes = [1], strides = [1]} : vector<16xf32> to vector<1xf32>
          %squeeze3A_1449 = vector.extract %slice3A_1448[0] : f32 from vector<1xf32>
          %add3A_1450 = vector.broadcast %squeeze3A_1449 : f32 to vector<16xf32>
          %add3A_1451 = arith.addf %add3A_1379, %add3A_1450 : vector<16xf32>
          %mul3A_1452 = arith.constant 16 : i32
          %mul3A_1453 = arith.muli %scan3A_352, %mul3A_1452 : i32
          %add3A_1454 = arith.constant 15 : i32
          %add3A_1455 = arith.addi %mul3A_1453, %add3A_1454 : i32
          %get3A_1456 = arith.index_cast %add3A_1455 : i32 to index
          %get3A_1457 = arith.index_cast %scan3A_127 : i32 to index
          %get3A_1458 = arith.constant 0 : index
          %get3A_1459 = tpu.vector_load %arg6[%get3A_1456, %get3A_1457, %get3A_1458] {strides = array<i32>} : memref<50x8x128xf32, #tpu.memory_space<vmem>>, vector<1x1x16xf32>,
          %get3A_1460 = vector.shape_cast %get3A_1459 : vector<1x1x16xf32> to vector<16xf32>
          %mul3A_1461 = vector.broadcast %squeeze3A_1449 : f32 to vector<16xf32>
          %mul3A_1462 = arith.mulf %get3A_1460, %mul3A_1461 : vector<16xf32>
          %add3A_1463 = arith.addf %add3A_1391, %mul3A_1462 : vector<16xf32>
          %get3A_1464 = arith.index_cast %add3A_1455 : i32 to index
          %get3A_1465 = arith.index_cast %scan3A_127 : i32 to index
          %get3A_1466 = arith.constant 16 : index
          %get3A_1467 = tpu.vector_load %arg6[%get3A_1464, %get3A_1465, %get3A_1466] {strides = array<i32>} : memref<50x8x128xf32, #tpu.memory_space<vmem>>, vector<1x1x16xf32>,
          %get3A_1468 = vector.shape_cast %get3A_1467 : vector<1x1x16xf32> to vector<16xf32>
          %mul3A_1469 = vector.broadcast %squeeze3A_1449 : f32 to vector<16xf32>
          %mul3A_1470 = arith.mulf %get3A_1468, %mul3A_1469 : vector<16xf32>
          %add3A_1471 = arith.addf %add3A_1399, %mul3A_1470 : vector<16xf32>
          %get3A_1472 = arith.index_cast %add3A_1455 : i32 to index
          %get3A_1473 = arith.index_cast %scan3A_127 : i32 to index
          %get3A_1474 = arith.constant 32 : index
          %get3A_1475 = tpu.vector_load %arg6[%get3A_1472, %get3A_1473, %get3A_1474] {strides = array<i32>} : memref<50x8x128xf32, #tpu.memory_space<vmem>>, vector<1x1x16xf32>,
          %get3A_1476 = vector.shape_cast %get3A_1475 : vector<1x1x16xf32> to vector<16xf32>
          %mul3A_1477 = vector.broadcast %squeeze3A_1449 : f32 to vector<16xf32>
          %mul3A_1478 = arith.mulf %get3A_1476, %mul3A_1477 : vector<16xf32>
          %add3A_1479 = arith.addf %add3A_1407, %mul3A_1478 : vector<16xf32>
          %get3A_1480 = arith.index_cast %add3A_1455 : i32 to index
          %get3A_1481 = arith.index_cast %scan3A_127 : i32 to index
          %get3A_1482 = arith.constant 48 : index
          %get3A_1483 = tpu.vector_load %arg6[%get3A_1480, %get3A_1481, %get3A_1482] {strides = array<i32>} : memref<50x8x128xf32, #tpu.memory_space<vmem>>, vector<1x1x16xf32>,
          %get3A_1484 = vector.shape_cast %get3A_1483 : vector<1x1x16xf32> to vector<16xf32>
          %mul3A_1485 = vector.broadcast %squeeze3A_1449 : f32 to vector<16xf32>
          %mul3A_1486 = arith.mulf %get3A_1484, %mul3A_1485 : vector<16xf32>
          %add3A_1487 = arith.addf %add3A_1415, %mul3A_1486 : vector<16xf32>
          %get3A_1488 = arith.index_cast %add3A_1455 : i32 to index
          %get3A_1489 = arith.index_cast %scan3A_127 : i32 to index
          %get3A_1490 = arith.constant 64 : index
          %get3A_1491 = tpu.vector_load %arg6[%get3A_1488, %get3A_1489, %get3A_1490] {strides = array<i32>} : memref<50x8x128xf32, #tpu.memory_space<vmem>>, vector<1x1x16xf32>,
          %get3A_1492 = vector.shape_cast %get3A_1491 : vector<1x1x16xf32> to vector<16xf32>
          %mul3A_1493 = vector.broadcast %squeeze3A_1449 : f32 to vector<16xf32>
          %mul3A_1494 = arith.mulf %get3A_1492, %mul3A_1493 : vector<16xf32>
          %add3A_1495 = arith.addf %add3A_1423, %mul3A_1494 : vector<16xf32>
          %get3A_1496 = arith.index_cast %add3A_1455 : i32 to index
          %get3A_1497 = arith.index_cast %scan3A_127 : i32 to index
          %get3A_1498 = arith.constant 80 : index
          %get3A_1499 = tpu.vector_load %arg6[%get3A_1496, %get3A_1497, %get3A_1498] {strides = array<i32>} : memref<50x8x128xf32, #tpu.memory_space<vmem>>, vector<1x1x16xf32>,
          %get3A_1500 = vector.shape_cast %get3A_1499 : vector<1x1x16xf32> to vector<16xf32>
          %mul3A_1501 = vector.broadcast %squeeze3A_1449 : f32 to vector<16xf32>
          %mul3A_1502 = arith.mulf %get3A_1500, %mul3A_1501 : vector<16xf32>
          %add3A_1503 = arith.addf %add3A_1431, %mul3A_1502 : vector<16xf32>
          %get3A_1504 = arith.index_cast %add3A_1455 : i32 to index
          %get3A_1505 = arith.index_cast %scan3A_127 : i32 to index
          %get3A_1506 = arith.constant 96 : index
          %get3A_1507 = tpu.vector_load %arg6[%get3A_1504, %get3A_1505, %get3A_1506] {strides = array<i32>} : memref<50x8x128xf32, #tpu.memory_space<vmem>>, vector<1x1x16xf32>,
          %get3A_1508 = vector.shape_cast %get3A_1507 : vector<1x1x16xf32> to vector<16xf32>
          %mul3A_1509 = vector.broadcast %squeeze3A_1449 : f32 to vector<16xf32>
          %mul3A_1510 = arith.mulf %get3A_1508, %mul3A_1509 : vector<16xf32>
          %add3A_1511 = arith.addf %add3A_1439, %mul3A_1510 : vector<16xf32>
          %get3A_1512 = arith.index_cast %add3A_1455 : i32 to index
          %get3A_1513 = arith.index_cast %scan3A_127 : i32 to index
          %get3A_1514 = arith.constant 112 : index
          %get3A_1515 = tpu.vector_load %arg6[%get3A_1512, %get3A_1513, %get3A_1514] {strides = array<i32>} : memref<50x8x128xf32, #tpu.memory_space<vmem>>, vector<1x1x16xf32>,
          %get3A_1516 = vector.shape_cast %get3A_1515 : vector<1x1x16xf32> to vector<16xf32>
          %mul3A_1517 = vector.broadcast %squeeze3A_1449 : f32 to vector<16xf32>
          %mul3A_1518 = arith.mulf %get3A_1516, %mul3A_1517 : vector<16xf32>
          %add3A_1519 = arith.addf %add3A_1447, %mul3A_1518 : vector<16xf32>
          scf.yield %add3A_1463, %add3A_1471, %add3A_1479, %add3A_1487, %add3A_1495, %add3A_1503, %add3A_1511, %add3A_1519, %add3A_1451 : vector<16xf32>, vector<16xf32>, vector<16xf32>, vector<16xf32>, vector<16xf32>, vector<16xf32>, vector<16xf32>, vector<16xf32>, vector<16xf32>
        }
        %scan3A_151 = arith.constant 3 : i32
        %get3A = arith.index_cast %scan3A_127 : i32 to index
        %get3A_152 = arith.constant 48 : index
        %get3A_153 = tpu.vector_load %arg8[%get3A, %get3A_152] {strides = array<i32>} : memref<8x128xf32, #tpu.memory_space<vmem>>, vector<1x16xf32>,
        %get3A_154 = vector.shape_cast %get3A_153 : vector<1x16xf32> to vector<16xf32>
        %slice3A = vector.extract_strided_slice %get3A_154 {offsets = [0], sizes = [1], strides = [1]} : vector<16xf32> to vector<1xf32>
        %squeeze3A = vector.extract %slice3A[0] : f32 from vector<1xf32>
        %add3A_155 = vector.broadcast %squeeze3A : f32 to vector<16xf32>
        %add3A_156 = arith.addf %scan3A_150#8, %add3A_155 : vector<16xf32>
        %get3A_157 = arith.constant 48 : i32
        %get3A_158 = arith.index_cast %get3A_157 : i32 to index
        %get3A_159 = arith.index_cast %scan3A_127 : i32 to index
        %get3A_160 = arith.constant 0 : index
        %get3A_161 = tpu.vector_load %arg6[%get3A_158, %get3A_159, %get3A_160] {strides = array<i32>} : memref<50x8x128xf32, #tpu.memory_space<vmem>>, vector<1x1x16xf32>,
        %get3A_162 = vector.shape_cast %get3A_161 : vector<1x1x16xf32> to vector<16xf32>
        %mul3A_163 = vector.broadcast %squeeze3A : f32 to vector<16xf32>
        %mul3A_164 = arith.mulf %get3A_162, %mul3A_163 : vector<16xf32>
        %add3A_165 = arith.addf %scan3A_150#0, %mul3A_164 : vector<16xf32>
        %get3A_166 = arith.constant 48 : i32
        %get3A_167 = arith.index_cast %get3A_166 : i32 to index
        %get3A_168 = arith.index_cast %scan3A_127 : i32 to index
        %get3A_169 = arith.constant 16 : index
        %get3A_170 = tpu.vector_load %arg6[%get3A_167, %get3A_168, %get3A_169] {strides = array<i32>} : memref<50x8x128xf32, #tpu.memory_space<vmem>>, vector<1x1x16xf32>,
        %get3A_171 = vector.shape_cast %get3A_170 : vector<1x1x16xf32> to vector<16xf32>
        %mul3A_172 = vector.broadcast %squeeze3A : f32 to vector<16xf32>
        %mul3A_173 = arith.mulf %get3A_171, %mul3A_172 : vector<16xf32>
        %add3A_174 = arith.addf %scan3A_150#1, %mul3A_173 : vector<16xf32>
        %get3A_175 = arith.constant 48 : i32
        %get3A_176 = arith.index_cast %get3A_175 : i32 to index
        %get3A_177 = arith.index_cast %scan3A_127 : i32 to index
        %get3A_178 = arith.constant 32 : index
        %get3A_179 = tpu.vector_load %arg6[%get3A_176, %get3A_177, %get3A_178] {strides = array<i32>} : memref<50x8x128xf32, #tpu.memory_space<vmem>>, vector<1x1x16xf32>,
        %get3A_180 = vector.shape_cast %get3A_179 : vector<1x1x16xf32> to vector<16xf32>
        %mul3A_181 = vector.broadcast %squeeze3A : f32 to vector<16xf32>
        %mul3A_182 = arith.mulf %get3A_180, %mul3A_181 : vector<16xf32>
        %add3A_183 = arith.addf %scan3A_150#2, %mul3A_182 : vector<16xf32>
        %get3A_184 = arith.constant 48 : i32
        %get3A_185 = arith.index_cast %get3A_184 : i32 to index
        %get3A_186 = arith.index_cast %scan3A_127 : i32 to index
        %get3A_187 = arith.constant 48 : index
        %get3A_188 = tpu.vector_load %arg6[%get3A_185, %get3A_186, %get3A_187] {strides = array<i32>} : memref<50x8x128xf32, #tpu.memory_space<vmem>>, vector<1x1x16xf32>,
        %get3A_189 = vector.shape_cast %get3A_188 : vector<1x1x16xf32> to vector<16xf32>
        %mul3A_190 = vector.broadcast %squeeze3A : f32 to vector<16xf32>
        %mul3A_191 = arith.mulf %get3A_189, %mul3A_190 : vector<16xf32>
        %add3A_192 = arith.addf %scan3A_150#3, %mul3A_191 : vector<16xf32>
        %get3A_193 = arith.constant 48 : i32
        %get3A_194 = arith.index_cast %get3A_193 : i32 to index
        %get3A_195 = arith.index_cast %scan3A_127 : i32 to index
        %get3A_196 = arith.constant 64 : index
        %get3A_197 = tpu.vector_load %arg6[%get3A_194, %get3A_195, %get3A_196] {strides = array<i32>} : memref<50x8x128xf32, #tpu.memory_space<vmem>>, vector<1x1x16xf32>,
        %get3A_198 = vector.shape_cast %get3A_197 : vector<1x1x16xf32> to vector<16xf32>
        %mul3A_199 = vector.broadcast %squeeze3A : f32 to vector<16xf32>
        %mul3A_200 = arith.mulf %get3A_198, %mul3A_199 : vector<16xf32>
        %add3A_201 = arith.addf %scan3A_150#4, %mul3A_200 : vector<16xf32>
        %get3A_202 = arith.constant 48 : i32
        %get3A_203 = arith.index_cast %get3A_202 : i32 to index
        %get3A_204 = arith.index_cast %scan3A_127 : i32 to index
        %get3A_205 = arith.constant 80 : index
        %get3A_206 = tpu.vector_load %arg6[%get3A_203, %get3A_204, %get3A_205] {strides = array<i32>} : memref<50x8x128xf32, #tpu.memory_space<vmem>>, vector<1x1x16xf32>,
        %get3A_207 = vector.shape_cast %get3A_206 : vector<1x1x16xf32> to vector<16xf32>
        %mul3A_208 = vector.broadcast %squeeze3A : f32 to vector<16xf32>
        %mul3A_209 = arith.mulf %get3A_207, %mul3A_208 : vector<16xf32>
        %add3A_210 = arith.addf %scan3A_150#5, %mul3A_209 : vector<16xf32>
        %get3A_211 = arith.constant 48 : i32
        %get3A_212 = arith.index_cast %get3A_211 : i32 to index
        %get3A_213 = arith.index_cast %scan3A_127 : i32 to index
        %get3A_214 = arith.constant 96 : index
        %get3A_215 = tpu.vector_load %arg6[%get3A_212, %get3A_213, %get3A_214] {strides = array<i32>} : memref<50x8x128xf32, #tpu.memory_space<vmem>>, vector<1x1x16xf32>,
        %get3A_216 = vector.shape_cast %get3A_215 : vector<1x1x16xf32> to vector<16xf32>
        %mul3A_217 = vector.broadcast %squeeze3A : f32 to vector<16xf32>
        %mul3A_218 = arith.mulf %get3A_216, %mul3A_217 : vector<16xf32>
        %add3A_219 = arith.addf %scan3A_150#6, %mul3A_218 : vector<16xf32>
        %get3A_220 = arith.constant 48 : i32
        %get3A_221 = arith.index_cast %get3A_220 : i32 to index
        %get3A_222 = arith.index_cast %scan3A_127 : i32 to index
        %get3A_223 = arith.constant 112 : index
        %get3A_224 = tpu.vector_load %arg6[%get3A_221, %get3A_222, %get3A_223] {strides = array<i32>} : memref<50x8x128xf32, #tpu.memory_space<vmem>>, vector<1x1x16xf32>,
        %get3A_225 = vector.shape_cast %get3A_224 : vector<1x1x16xf32> to vector<16xf32>
        %mul3A_226 = vector.broadcast %squeeze3A : f32 to vector<16xf32>
        %mul3A_227 = arith.mulf %get3A_225, %mul3A_226 : vector<16xf32>
        %add3A_228 = arith.addf %scan3A_150#7, %mul3A_227 : vector<16xf32>
        %slice3A_229 = vector.extract_strided_slice %get3A_154 {offsets = [1], sizes = [1], strides = [1]} : vector<16xf32> to vector<1xf32>
        %squeeze3A_230 = vector.extract %slice3A_229[0] : f32 from vector<1xf32>
        %add3A_231 = vector.broadcast %squeeze3A_230 : f32 to vector<16xf32>
        %add3A_232 = arith.addf %add3A_156, %add3A_231 : vector<16xf32>
        %get3A_233 = arith.constant 49 : i32
        %get3A_234 = arith.index_cast %get3A_233 : i32 to index
        %get3A_235 = arith.index_cast %scan3A_127 : i32 to index
        %get3A_236 = arith.constant 0 : index
        %get3A_237 = tpu.vector_load %arg6[%get3A_234, %get3A_235, %get3A_236] {strides = array<i32>} : memref<50x8x128xf32, #tpu.memory_space<vmem>>, vector<1x1x16xf32>,
        %get3A_238 = vector.shape_cast %get3A_237 : vector<1x1x16xf32> to vector<16xf32>
        %mul3A_239 = vector.broadcast %squeeze3A_230 : f32 to vector<16xf32>
        %mul3A_240 = arith.mulf %get3A_238, %mul3A_239 : vector<16xf32>
        %add3A_241 = arith.addf %add3A_165, %mul3A_240 : vector<16xf32>
        %get3A_242 = arith.constant 49 : i32
        %get3A_243 = arith.index_cast %get3A_242 : i32 to index
        %get3A_244 = arith.index_cast %scan3A_127 : i32 to index
        %get3A_245 = arith.constant 16 : index
        %get3A_246 = tpu.vector_load %arg6[%get3A_243, %get3A_244, %get3A_245] {strides = array<i32>} : memref<50x8x128xf32, #tpu.memory_space<vmem>>, vector<1x1x16xf32>,
        %get3A_247 = vector.shape_cast %get3A_246 : vector<1x1x16xf32> to vector<16xf32>
        %mul3A_248 = vector.broadcast %squeeze3A_230 : f32 to vector<16xf32>
        %mul3A_249 = arith.mulf %get3A_247, %mul3A_248 : vector<16xf32>
        %add3A_250 = arith.addf %add3A_174, %mul3A_249 : vector<16xf32>
        %get3A_251 = arith.constant 49 : i32
        %get3A_252 = arith.index_cast %get3A_251 : i32 to index
        %get3A_253 = arith.index_cast %scan3A_127 : i32 to index
        %get3A_254 = arith.constant 32 : index
        %get3A_255 = tpu.vector_load %arg6[%get3A_252, %get3A_253, %get3A_254] {strides = array<i32>} : memref<50x8x128xf32, #tpu.memory_space<vmem>>, vector<1x1x16xf32>,
        %get3A_256 = vector.shape_cast %get3A_255 : vector<1x1x16xf32> to vector<16xf32>
        %mul3A_257 = vector.broadcast %squeeze3A_230 : f32 to vector<16xf32>
        %mul3A_258 = arith.mulf %get3A_256, %mul3A_257 : vector<16xf32>
        %add3A_259 = arith.addf %add3A_183, %mul3A_258 : vector<16xf32>
        %get3A_260 = arith.constant 49 : i32
        %get3A_261 = arith.index_cast %get3A_260 : i32 to index
        %get3A_262 = arith.index_cast %scan3A_127 : i32 to index
        %get3A_263 = arith.constant 48 : index
        %get3A_264 = tpu.vector_load %arg6[%get3A_261, %get3A_262, %get3A_263] {strides = array<i32>} : memref<50x8x128xf32, #tpu.memory_space<vmem>>, vector<1x1x16xf32>,
        %get3A_265 = vector.shape_cast %get3A_264 : vector<1x1x16xf32> to vector<16xf32>
        %mul3A_266 = vector.broadcast %squeeze3A_230 : f32 to vector<16xf32>
        %mul3A_267 = arith.mulf %get3A_265, %mul3A_266 : vector<16xf32>
        %add3A_268 = arith.addf %add3A_192, %mul3A_267 : vector<16xf32>
        %get3A_269 = arith.constant 49 : i32
        %get3A_270 = arith.index_cast %get3A_269 : i32 to index
        %get3A_271 = arith.index_cast %scan3A_127 : i32 to index
        %get3A_272 = arith.constant 64 : index
        %get3A_273 = tpu.vector_load %arg6[%get3A_270, %get3A_271, %get3A_272] {strides = array<i32>} : memref<50x8x128xf32, #tpu.memory_space<vmem>>, vector<1x1x16xf32>,
        %get3A_274 = vector.shape_cast %get3A_273 : vector<1x1x16xf32> to vector<16xf32>
        %mul3A_275 = vector.broadcast %squeeze3A_230 : f32 to vector<16xf32>
        %mul3A_276 = arith.mulf %get3A_274, %mul3A_275 : vector<16xf32>
        %add3A_277 = arith.addf %add3A_201, %mul3A_276 : vector<16xf32>
        %get3A_278 = arith.constant 49 : i32
        %get3A_279 = arith.index_cast %get3A_278 : i32 to index
        %get3A_280 = arith.index_cast %scan3A_127 : i32 to index
        %get3A_281 = arith.constant 80 : index
        %get3A_282 = tpu.vector_load %arg6[%get3A_279, %get3A_280, %get3A_281] {strides = array<i32>} : memref<50x8x128xf32, #tpu.memory_space<vmem>>, vector<1x1x16xf32>,
        %get3A_283 = vector.shape_cast %get3A_282 : vector<1x1x16xf32> to vector<16xf32>
        %mul3A_284 = vector.broadcast %squeeze3A_230 : f32 to vector<16xf32>
        %mul3A_285 = arith.mulf %get3A_283, %mul3A_284 : vector<16xf32>
        %add3A_286 = arith.addf %add3A_210, %mul3A_285 : vector<16xf32>
        %get3A_287 = arith.constant 49 : i32
        %get3A_288 = arith.index_cast %get3A_287 : i32 to index
        %get3A_289 = arith.index_cast %scan3A_127 : i32 to index
        %get3A_290 = arith.constant 96 : index
        %get3A_291 = tpu.vector_load %arg6[%get3A_288, %get3A_289, %get3A_290] {strides = array<i32>} : memref<50x8x128xf32, #tpu.memory_space<vmem>>, vector<1x1x16xf32>,
        %get3A_292 = vector.shape_cast %get3A_291 : vector<1x1x16xf32> to vector<16xf32>
        %mul3A_293 = vector.broadcast %squeeze3A_230 : f32 to vector<16xf32>
        %mul3A_294 = arith.mulf %get3A_292, %mul3A_293 : vector<16xf32>
        %add3A_295 = arith.addf %add3A_219, %mul3A_294 : vector<16xf32>
        %get3A_296 = arith.constant 49 : i32
        %get3A_297 = arith.index_cast %get3A_296 : i32 to index
        %get3A_298 = arith.index_cast %scan3A_127 : i32 to index
        %get3A_299 = arith.constant 112 : index
        %get3A_300 = tpu.vector_load %arg6[%get3A_297, %get3A_298, %get3A_299] {strides = array<i32>} : memref<50x8x128xf32, #tpu.memory_space<vmem>>, vector<1x1x16xf32>,
        %get3A_301 = vector.shape_cast %get3A_300 : vector<1x1x16xf32> to vector<16xf32>
        %mul3A_302 = vector.broadcast %squeeze3A_230 : f32 to vector<16xf32>
        %mul3A_303 = arith.mulf %get3A_301, %mul3A_302 : vector<16xf32>
        %add3A_304 = arith.addf %add3A_228, %mul3A_303 : vector<16xf32>
        %div3A = arith.divf %add3A_241, %add3A_232 : vector<16xf32>
        %swap3A = arith.index_cast %scan3A_127 : i32 to index
        %swap3A_305 = arith.constant 0 : index
        %swap3A_306 = tpu.vector_load %arg10[%swap3A, %swap3A_305] {strides = array<i32>} : memref<8x128xf32, #tpu.memory_space<vmem>>, vector<1x16xf32>,
        %swap3A_307 = vector.shape_cast %swap3A_306 : vector<1x16xf32> to vector<16xf32>
        %swap3A_308 = vector.shape_cast %div3A : vector<16xf32> to vector<1x16xf32>
        tpu.vector_store %arg10[%swap3A, %swap3A_305], %swap3A_308 {strides = array<i32>} : memref<8x128xf32, #tpu.memory_space<vmem>>, vector<1x16xf32>,
        %div3A_309 = arith.divf %add3A_250, %add3A_232 : vector<16xf32>
        %swap3A_310 = arith.index_cast %scan3A_127 : i32 to index
        %swap3A_311 = arith.constant 16 : index
        %swap3A_312 = tpu.vector_load %arg10[%swap3A_310, %swap3A_311] {strides = array<i32>} : memref<8x128xf32, #tpu.memory_space<vmem>>, vector<1x16xf32>,
        %swap3A_313 = vector.shape_cast %swap3A_312 : vector<1x16xf32> to vector<16xf32>
        %swap3A_314 = vector.shape_cast %div3A_309 : vector<16xf32> to vector<1x16xf32>
        tpu.vector_store %arg10[%swap3A_310, %swap3A_311], %swap3A_314 {strides = array<i32>} : memref<8x128xf32, #tpu.memory_space<vmem>>, vector<1x16xf32>,
        %div3A_315 = arith.divf %add3A_259, %add3A_232 : vector<16xf32>
        %swap3A_316 = arith.index_cast %scan3A_127 : i32 to index
        %swap3A_317 = arith.constant 32 : index
        %swap3A_318 = tpu.vector_load %arg10[%swap3A_316, %swap3A_317] {strides = array<i32>} : memref<8x128xf32, #tpu.memory_space<vmem>>, vector<1x16xf32>,
        %swap3A_319 = vector.shape_cast %swap3A_318 : vector<1x16xf32> to vector<16xf32>
        %swap3A_320 = vector.shape_cast %div3A_315 : vector<16xf32> to vector<1x16xf32>
        tpu.vector_store %arg10[%swap3A_316, %swap3A_317], %swap3A_320 {strides = array<i32>} : memref<8x128xf32, #tpu.memory_space<vmem>>, vector<1x16xf32>,
        %div3A_321 = arith.divf %add3A_268, %add3A_232 : vector<16xf32>
        %swap3A_322 = arith.index_cast %scan3A_127 : i32 to index
        %swap3A_323 = arith.constant 48 : index
        %swap3A_324 = tpu.vector_load %arg10[%swap3A_322, %swap3A_323] {strides = array<i32>} : memref<8x128xf32, #tpu.memory_space<vmem>>, vector<1x16xf32>,
        %swap3A_325 = vector.shape_cast %swap3A_324 : vector<1x16xf32> to vector<16xf32>
        %swap3A_326 = vector.shape_cast %div3A_321 : vector<16xf32> to vector<1x16xf32>
        tpu.vector_store %arg10[%swap3A_322, %swap3A_323], %swap3A_326 {strides = array<i32>} : memref<8x128xf32, #tpu.memory_space<vmem>>, vector<1x16xf32>,
        %div3A_327 = arith.divf %add3A_277, %add3A_232 : vector<16xf32>
        %swap3A_328 = arith.index_cast %scan3A_127 : i32 to index
        %swap3A_329 = arith.constant 64 : index
        %swap3A_330 = tpu.vector_load %arg10[%swap3A_328, %swap3A_329] {strides = array<i32>} : memref<8x128xf32, #tpu.memory_space<vmem>>, vector<1x16xf32>,
        %swap3A_331 = vector.shape_cast %swap3A_330 : vector<1x16xf32> to vector<16xf32>
        %swap3A_332 = vector.shape_cast %div3A_327 : vector<16xf32> to vector<1x16xf32>
        tpu.vector_store %arg10[%swap3A_328, %swap3A_329], %swap3A_332 {strides = array<i32>} : memref<8x128xf32, #tpu.memory_space<vmem>>, vector<1x16xf32>,
        %div3A_333 = arith.divf %add3A_286, %add3A_232 : vector<16xf32>
        %swap3A_334 = arith.index_cast %scan3A_127 : i32 to index
        %swap3A_335 = arith.constant 80 : index
        %swap3A_336 = tpu.vector_load %arg10[%swap3A_334, %swap3A_335] {strides = array<i32>} : memref<8x128xf32, #tpu.memory_space<vmem>>, vector<1x16xf32>,
        %swap3A_337 = vector.shape_cast %swap3A_336 : vector<1x16xf32> to vector<16xf32>
        %swap3A_338 = vector.shape_cast %div3A_333 : vector<16xf32> to vector<1x16xf32>
        tpu.vector_store %arg10[%swap3A_334, %swap3A_335], %swap3A_338 {strides = array<i32>} : memref<8x128xf32, #tpu.memory_space<vmem>>, vector<1x16xf32>,
        %div3A_339 = arith.divf %add3A_295, %add3A_232 : vector<16xf32>
        %swap3A_340 = arith.index_cast %scan3A_127 : i32 to index
        %swap3A_341 = arith.constant 96 : index
        %swap3A_342 = tpu.vector_load %arg10[%swap3A_340, %swap3A_341] {strides = array<i32>} : memref<8x128xf32, #tpu.memory_space<vmem>>, vector<1x16xf32>,
        %swap3A_343 = vector.shape_cast %swap3A_342 : vector<1x16xf32> to vector<16xf32>
        %swap3A_344 = vector.shape_cast %div3A_339 : vector<16xf32> to vector<1x16xf32>
        tpu.vector_store %arg10[%swap3A_340, %swap3A_341], %swap3A_344 {strides = array<i32>} : memref<8x128xf32, #tpu.memory_space<vmem>>, vector<1x16xf32>,
        %div3A_345 = arith.divf %add3A_304, %add3A_232 : vector<16xf32>
        %swap3A_346 = arith.index_cast %scan3A_127 : i32 to index
        %swap3A_347 = arith.constant 112 : index
        %swap3A_348 = tpu.vector_load %arg10[%swap3A_346, %swap3A_347] {strides = array<i32>} : memref<8x128xf32, #tpu.memory_space<vmem>>, vector<1x16xf32>,
        %swap3A_349 = vector.shape_cast %swap3A_348 : vector<1x16xf32> to vector<16xf32>
        %swap3A_350 = vector.shape_cast %div3A_345 : vector<16xf32> to vector<1x16xf32>
        tpu.vector_store %arg10[%swap3A_346, %swap3A_347], %swap3A_350 {strides = array<i32>} : memref<8x128xf32, #tpu.memory_space<vmem>>, vector<1x16xf32>,
        %scan3A_351 = arith.constant 0 : i32
        scf.yield %scan3A_351 : i32
      }
      %scan3A_112 = arith.constant 8 : i32
      %mul3A_113 = arith.constant 8 : i32
      %mul3A_114 = arith.muli %add3A_86, %mul3A_113 : i32
      %add3A_115 = arith.addi %mul3A_2, %mul3A_114 : i32
      %dma_start3A_116 = arith.constant 0 : i32
      %dma_start3A_117 = tpu.memref_slice %arg4[%add3A_115, %dma_start3A_116] : memref<2048x128xf32, #tpu.memory_space<hbm>> -> memref<8x128xf32, #tpu.memory_space<hbm>>
      %dma_start3A_118 = arith.constant 0 : i32
      %dma_start3A_119 = tpu.memref_slice %arg4[%add3A_115, %dma_start3A_118] : memref<2048x128xf32, #tpu.memory_space<hbm>> -> memref<8x128xf32, #tpu.memory_space<hbm>>
      tpu.enqueue_dma source(%arg10 : memref<8x128xf32, #tpu.memory_space<vmem>>) target(%dma_start3A_119 : memref<8x128xf32, #tpu.memory_space<hbm>>) target_semaphore(%arg14 : memref<!tpu.dma_semaphore, #tpu.memory_space<semaphore_mem>>)
      %add3A_120 = arith.constant 2 : i32
      %add3A_121 = arith.addi %add3A_86, %add3A_120 : i32
      %lt3A_122 = arith.constant 8 : i32
      %lt3A_123 = arith.cmpi slt, %add3A_121, %lt3A_122 : i32
      %convert_element_type3A_124 = arith.extui %lt3A_123 : i1 to i32
      %cond3A_125 = arith.constant 0 : i32
      %cond3A_126 = arith.cmpi ne, %convert_element_type3A_124, %cond3A_125 : i32
      scf.if %cond3A_126 {
        %add3A_127 = arith.constant 2 : i32
        %add3A_128 = arith.addi %add3A_86, %add3A_127 : i32
        %mul3A_129 = arith.constant 8 : i32
        %mul3A_130 = arith.muli %add3A_128, %mul3A_129 : i32
        %add3A_131 = arith.addi %mul3A_2, %mul3A_130 : i32
        %dma_start3A_132 = arith.constant 0 : i32
        %dma_start3A_133 = arith.constant 0 : i32
        %dma_start3A_134 = tpu.memref_slice %arg2[%dma_start3A_132, %add3A_131, %dma_start3A_133] : memref<50x4096x128xf32, #tpu.memory_space<hbm>> -> memref<50x8x128xf32, #tpu.memory_space<hbm>>
        %dma_start3A_135 = arith.constant 0 : i32
        %dma_start3A_136 = arith.constant 0 : i32
        %dma_start3A_137 = tpu.memref_slice %arg2[%dma_start3A_135, %add3A_131, %dma_start3A_136] : memref<50x4096x128xf32, #tpu.memory_space<hbm>> -> memref<50x8x128xf32, #tpu.memory_space<hbm>>
        tpu.enqueue_dma source(%dma_start3A_137 : memref<50x8x128xf32, #tpu.memory_space<hbm>>) target(%arg6 : memref<50x8x128xf32, #tpu.memory_space<vmem>>) target_semaphore(%arg12 : memref<!tpu.dma_semaphore, #tpu.memory_space<semaphore_mem>>)
        %dma_start3A_138 = arith.constant 0 : i32
        %dma_start3A_139 = tpu.memref_slice %arg3[%add3A_131, %dma_start3A_138] : memref<4096x128xf32, #tpu.memory_space<hbm>> -> memref<8x128xf32, #tpu.memory_space<hbm>>
        %dma_start3A_140 = arith.constant 0 : i32
        %dma_start3A_141 = tpu.memref_slice %arg3[%add3A_131, %dma_start3A_140] : memref<4096x128xf32, #tpu.memory_space<hbm>> -> memref<8x128xf32, #tpu.memory_space<hbm>>
        tpu.enqueue_dma source(%dma_start3A_141 : memref<8x128xf32, #tpu.memory_space<hbm>>) target(%arg8 : memref<8x128xf32, #tpu.memory_space<vmem>>) target_semaphore(%arg12 : memref<!tpu.dma_semaphore, #tpu.memory_space<semaphore_mem>>)
      } else {
      }
    }
    %scan3A_30 = arith.constant 4 : i32
    %dma_wait3A = arith.constant 0 : i32
    %dma_wait3A_31 = arith.constant 0 : i32
    %dma_wait3A_32 = tpu.memref_slice %arg4[%dma_wait3A, %dma_wait3A_31] : memref<2048x128xf32, #tpu.memory_space<hbm>> -> memref<8x128xf32, #tpu.memory_space<hbm>>
    %dma_wait3A_33 = arith.constant 0 : i32
    %dma_wait3A_34 = arith.constant 0 : i32
    %dma_wait3A_35 = tpu.memref_slice %arg4[%dma_wait3A_33, %dma_wait3A_34] : memref<2048x128xf32, #tpu.memory_space<hbm>> -> memref<8x128xf32, #tpu.memory_space<hbm>>
    tpu.wait_dma2 semaphore(%arg13 : memref<!tpu.dma_semaphore, #tpu.memory_space<semaphore_mem>>) src(%arg9 : memref<8x128xf32, #tpu.memory_space<vmem>>) dst(%dma_wait3A_35 : memref<8x128xf32, #tpu.memory_space<hbm>>)
    %dma_wait3A_36 = arith.constant 0 : i32
    %dma_wait3A_37 = arith.constant 0 : i32
    %dma_wait3A_38 = tpu.memref_slice %arg4[%dma_wait3A_36, %dma_wait3A_37] : memref<2048x128xf32, #tpu.memory_space<hbm>> -> memref<8x128xf32, #tpu.memory_space<hbm>>
    %dma_wait3A_39 = arith.constant 0 : i32
    %dma_wait3A_40 = arith.constant 0 : i32
    %dma_wait3A_41 = tpu.memref_slice %arg4[%dma_wait3A_39, %dma_wait3A_40] : memref<2048x128xf32, #tpu.memory_space<hbm>> -> memref<8x128xf32, #tpu.memory_space<hbm>>
    tpu.wait_dma2 semaphore(%arg14 : memref<!tpu.dma_semaphore, #tpu.memory_space<semaphore_mem>>) src(%arg10 : memref<8x128xf32, #tpu.memory_space<vmem>>) dst(%dma_wait3A_41 : memref<8x128xf32, #tpu.memory_space<hbm>>)
    return
  }
}

module attributes {stable_mosaic.version = 14 : i64} {
  func.func @_tc_body(%arg0: i32, %arg1: memref<50x128x128xf32, #tpu.memory_space<vmem>>, %arg2: memref<128x128xf32, #tpu.memory_space<vmem>>, %arg3: memref<128x128xf32, #tpu.memory_space<vmem>>) attributes {dimension_semantics = [#tpu.dimension_semantics<arbitrary>], iteration_bounds = array<i64: 16>, scalar_prefetch = 0 : i64, scratch_operands = 0 : i64, tpu.core_type = #tpu.core_type<tc>, window_params = [{transform_indices = @transform_0, window_bounds = array<i64: 50, 128, 128>}, {transform_indices = @transform_1, window_bounds = array<i64: 128, 128>}, {transform_indices = @transform_2, window_bounds = array<i64: 128, 128>}]} {
    %get3A = arith.constant 0 : index
    %get3A_0 = arith.constant 0 : index
    %get3A_1 = arith.constant 0 : index
    %get3A_2 = vector.load %arg1[%get3A, %get3A_0, %get3A_1] : memref<50x128x128xf32, #tpu.memory_space<vmem>>, vector<1x128x128xf32>
    %get3A_3 = vector.shape_cast %get3A_2 : vector<1x128x128xf32> to vector<128x128xf32>
    %get3A_4 = arith.constant 0 : index
    %get3A_5 = arith.constant 0 : index
    %get3A_6 = vector.load %arg2[%get3A_4, %get3A_5] : memref<128x128xf32, #tpu.memory_space<vmem>>, vector<128x1xf32>
    %mul3A = vector.broadcast %get3A_6 : vector<128x1xf32> to vector<128x128xf32>
    %mul3A_7 = arith.mulf %get3A_3, %mul3A : vector<128x128xf32>
    %get3A_8 = arith.constant 1 : index
    %get3A_9 = arith.constant 0 : index
    %get3A_10 = arith.constant 0 : index
    %get3A_11 = vector.load %arg1[%get3A_8, %get3A_9, %get3A_10] : memref<50x128x128xf32, #tpu.memory_space<vmem>>, vector<1x128x128xf32>
    %get3A_12 = vector.shape_cast %get3A_11 : vector<1x128x128xf32> to vector<128x128xf32>
    %get3A_13 = arith.constant 0 : index
    %get3A_14 = arith.constant 1 : index
    %get3A_15 = vector.load %arg2[%get3A_13, %get3A_14] : memref<128x128xf32, #tpu.memory_space<vmem>>, vector<128x1xf32>
    %mul3A_16 = vector.broadcast %get3A_15 : vector<128x1xf32> to vector<128x128xf32>
    %mul3A_17 = arith.mulf %get3A_12, %mul3A_16 : vector<128x128xf32>
    %add3A = arith.addf %mul3A_7, %mul3A_17 : vector<128x128xf32>
    %get3A_18 = arith.constant 2 : index
    %get3A_19 = arith.constant 0 : index
    %get3A_20 = arith.constant 0 : index
    %get3A_21 = vector.load %arg1[%get3A_18, %get3A_19, %get3A_20] : memref<50x128x128xf32, #tpu.memory_space<vmem>>, vector<1x128x128xf32>
    %get3A_22 = vector.shape_cast %get3A_21 : vector<1x128x128xf32> to vector<128x128xf32>
    %get3A_23 = arith.constant 0 : index
    %get3A_24 = arith.constant 2 : index
    %get3A_25 = vector.load %arg2[%get3A_23, %get3A_24] : memref<128x128xf32, #tpu.memory_space<vmem>>, vector<128x1xf32>
    %mul3A_26 = vector.broadcast %get3A_25 : vector<128x1xf32> to vector<128x128xf32>
    %mul3A_27 = arith.mulf %get3A_22, %mul3A_26 : vector<128x128xf32>
    %add3A_28 = arith.addf %add3A, %mul3A_27 : vector<128x128xf32>
    %get3A_29 = arith.constant 3 : index
    %get3A_30 = arith.constant 0 : index
    %get3A_31 = arith.constant 0 : index
    %get3A_32 = vector.load %arg1[%get3A_29, %get3A_30, %get3A_31] : memref<50x128x128xf32, #tpu.memory_space<vmem>>, vector<1x128x128xf32>
    %get3A_33 = vector.shape_cast %get3A_32 : vector<1x128x128xf32> to vector<128x128xf32>
    %get3A_34 = arith.constant 0 : index
    %get3A_35 = arith.constant 3 : index
    %get3A_36 = vector.load %arg2[%get3A_34, %get3A_35] : memref<128x128xf32, #tpu.memory_space<vmem>>, vector<128x1xf32>
    %mul3A_37 = vector.broadcast %get3A_36 : vector<128x1xf32> to vector<128x128xf32>
    %mul3A_38 = arith.mulf %get3A_33, %mul3A_37 : vector<128x128xf32>
    %add3A_39 = arith.addf %add3A_28, %mul3A_38 : vector<128x128xf32>
    %get3A_40 = arith.constant 4 : index
    %get3A_41 = arith.constant 0 : index
    %get3A_42 = arith.constant 0 : index
    %get3A_43 = vector.load %arg1[%get3A_40, %get3A_41, %get3A_42] : memref<50x128x128xf32, #tpu.memory_space<vmem>>, vector<1x128x128xf32>
    %get3A_44 = vector.shape_cast %get3A_43 : vector<1x128x128xf32> to vector<128x128xf32>
    %get3A_45 = arith.constant 0 : index
    %get3A_46 = arith.constant 4 : index
    %get3A_47 = vector.load %arg2[%get3A_45, %get3A_46] : memref<128x128xf32, #tpu.memory_space<vmem>>, vector<128x1xf32>
    %mul3A_48 = vector.broadcast %get3A_47 : vector<128x1xf32> to vector<128x128xf32>
    %mul3A_49 = arith.mulf %get3A_44, %mul3A_48 : vector<128x128xf32>
    %add3A_50 = arith.addf %add3A_39, %mul3A_49 : vector<128x128xf32>
    %get3A_51 = arith.constant 5 : index
    %get3A_52 = arith.constant 0 : index
    %get3A_53 = arith.constant 0 : index
    %get3A_54 = vector.load %arg1[%get3A_51, %get3A_52, %get3A_53] : memref<50x128x128xf32, #tpu.memory_space<vmem>>, vector<1x128x128xf32>
    %get3A_55 = vector.shape_cast %get3A_54 : vector<1x128x128xf32> to vector<128x128xf32>
    %get3A_56 = arith.constant 0 : index
    %get3A_57 = arith.constant 5 : index
    %get3A_58 = vector.load %arg2[%get3A_56, %get3A_57] : memref<128x128xf32, #tpu.memory_space<vmem>>, vector<128x1xf32>
    %mul3A_59 = vector.broadcast %get3A_58 : vector<128x1xf32> to vector<128x128xf32>
    %mul3A_60 = arith.mulf %get3A_55, %mul3A_59 : vector<128x128xf32>
    %add3A_61 = arith.addf %add3A_50, %mul3A_60 : vector<128x128xf32>
    %get3A_62 = arith.constant 6 : index
    %get3A_63 = arith.constant 0 : index
    %get3A_64 = arith.constant 0 : index
    %get3A_65 = vector.load %arg1[%get3A_62, %get3A_63, %get3A_64] : memref<50x128x128xf32, #tpu.memory_space<vmem>>, vector<1x128x128xf32>
    %get3A_66 = vector.shape_cast %get3A_65 : vector<1x128x128xf32> to vector<128x128xf32>
    %get3A_67 = arith.constant 0 : index
    %get3A_68 = arith.constant 6 : index
    %get3A_69 = vector.load %arg2[%get3A_67, %get3A_68] : memref<128x128xf32, #tpu.memory_space<vmem>>, vector<128x1xf32>
    %mul3A_70 = vector.broadcast %get3A_69 : vector<128x1xf32> to vector<128x128xf32>
    %mul3A_71 = arith.mulf %get3A_66, %mul3A_70 : vector<128x128xf32>
    %add3A_72 = arith.addf %add3A_61, %mul3A_71 : vector<128x128xf32>
    %get3A_73 = arith.constant 7 : index
    %get3A_74 = arith.constant 0 : index
    %get3A_75 = arith.constant 0 : index
    %get3A_76 = vector.load %arg1[%get3A_73, %get3A_74, %get3A_75] : memref<50x128x128xf32, #tpu.memory_space<vmem>>, vector<1x128x128xf32>
    %get3A_77 = vector.shape_cast %get3A_76 : vector<1x128x128xf32> to vector<128x128xf32>
    %get3A_78 = arith.constant 0 : index
    %get3A_79 = arith.constant 7 : index
    %get3A_80 = vector.load %arg2[%get3A_78, %get3A_79] : memref<128x128xf32, #tpu.memory_space<vmem>>, vector<128x1xf32>
    %mul3A_81 = vector.broadcast %get3A_80 : vector<128x1xf32> to vector<128x128xf32>
    %mul3A_82 = arith.mulf %get3A_77, %mul3A_81 : vector<128x128xf32>
    %add3A_83 = arith.addf %add3A_72, %mul3A_82 : vector<128x128xf32>
    %get3A_84 = arith.constant 8 : index
    %get3A_85 = arith.constant 0 : index
    %get3A_86 = arith.constant 0 : index
    %get3A_87 = vector.load %arg1[%get3A_84, %get3A_85, %get3A_86] : memref<50x128x128xf32, #tpu.memory_space<vmem>>, vector<1x128x128xf32>
    %get3A_88 = vector.shape_cast %get3A_87 : vector<1x128x128xf32> to vector<128x128xf32>
    %get3A_89 = arith.constant 0 : index
    %get3A_90 = arith.constant 8 : index
    %get3A_91 = vector.load %arg2[%get3A_89, %get3A_90] : memref<128x128xf32, #tpu.memory_space<vmem>>, vector<128x1xf32>
    %mul3A_92 = vector.broadcast %get3A_91 : vector<128x1xf32> to vector<128x128xf32>
    %mul3A_93 = arith.mulf %get3A_88, %mul3A_92 : vector<128x128xf32>
    %add3A_94 = arith.addf %add3A_83, %mul3A_93 : vector<128x128xf32>
    %get3A_95 = arith.constant 9 : index
    %get3A_96 = arith.constant 0 : index
    %get3A_97 = arith.constant 0 : index
    %get3A_98 = vector.load %arg1[%get3A_95, %get3A_96, %get3A_97] : memref<50x128x128xf32, #tpu.memory_space<vmem>>, vector<1x128x128xf32>
    %get3A_99 = vector.shape_cast %get3A_98 : vector<1x128x128xf32> to vector<128x128xf32>
    %get3A_100 = arith.constant 0 : index
    %get3A_101 = arith.constant 9 : index
    %get3A_102 = vector.load %arg2[%get3A_100, %get3A_101] : memref<128x128xf32, #tpu.memory_space<vmem>>, vector<128x1xf32>
    %mul3A_103 = vector.broadcast %get3A_102 : vector<128x1xf32> to vector<128x128xf32>
    %mul3A_104 = arith.mulf %get3A_99, %mul3A_103 : vector<128x128xf32>
    %add3A_105 = arith.addf %add3A_94, %mul3A_104 : vector<128x128xf32>
    %get3A_106 = arith.constant 10 : index
    %get3A_107 = arith.constant 0 : index
    %get3A_108 = arith.constant 0 : index
    %get3A_109 = vector.load %arg1[%get3A_106, %get3A_107, %get3A_108] : memref<50x128x128xf32, #tpu.memory_space<vmem>>, vector<1x128x128xf32>
    %get3A_110 = vector.shape_cast %get3A_109 : vector<1x128x128xf32> to vector<128x128xf32>
    %get3A_111 = arith.constant 0 : index
    %get3A_112 = arith.constant 10 : index
    %get3A_113 = vector.load %arg2[%get3A_111, %get3A_112] : memref<128x128xf32, #tpu.memory_space<vmem>>, vector<128x1xf32>
    %mul3A_114 = vector.broadcast %get3A_113 : vector<128x1xf32> to vector<128x128xf32>
    %mul3A_115 = arith.mulf %get3A_110, %mul3A_114 : vector<128x128xf32>
    %add3A_116 = arith.addf %add3A_105, %mul3A_115 : vector<128x128xf32>
    %get3A_117 = arith.constant 11 : index
    %get3A_118 = arith.constant 0 : index
    %get3A_119 = arith.constant 0 : index
    %get3A_120 = vector.load %arg1[%get3A_117, %get3A_118, %get3A_119] : memref<50x128x128xf32, #tpu.memory_space<vmem>>, vector<1x128x128xf32>
    %get3A_121 = vector.shape_cast %get3A_120 : vector<1x128x128xf32> to vector<128x128xf32>
    %get3A_122 = arith.constant 0 : index
    %get3A_123 = arith.constant 11 : index
    %get3A_124 = vector.load %arg2[%get3A_122, %get3A_123] : memref<128x128xf32, #tpu.memory_space<vmem>>, vector<128x1xf32>
    %mul3A_125 = vector.broadcast %get3A_124 : vector<128x1xf32> to vector<128x128xf32>
    %mul3A_126 = arith.mulf %get3A_121, %mul3A_125 : vector<128x128xf32>
    %add3A_127 = arith.addf %add3A_116, %mul3A_126 : vector<128x128xf32>
    %get3A_128 = arith.constant 12 : index
    %get3A_129 = arith.constant 0 : index
    %get3A_130 = arith.constant 0 : index
    %get3A_131 = vector.load %arg1[%get3A_128, %get3A_129, %get3A_130] : memref<50x128x128xf32, #tpu.memory_space<vmem>>, vector<1x128x128xf32>
    %get3A_132 = vector.shape_cast %get3A_131 : vector<1x128x128xf32> to vector<128x128xf32>
    %get3A_133 = arith.constant 0 : index
    %get3A_134 = arith.constant 12 : index
    %get3A_135 = vector.load %arg2[%get3A_133, %get3A_134] : memref<128x128xf32, #tpu.memory_space<vmem>>, vector<128x1xf32>
    %mul3A_136 = vector.broadcast %get3A_135 : vector<128x1xf32> to vector<128x128xf32>
    %mul3A_137 = arith.mulf %get3A_132, %mul3A_136 : vector<128x128xf32>
    %add3A_138 = arith.addf %add3A_127, %mul3A_137 : vector<128x128xf32>
    %get3A_139 = arith.constant 13 : index
    %get3A_140 = arith.constant 0 : index
    %get3A_141 = arith.constant 0 : index
    %get3A_142 = vector.load %arg1[%get3A_139, %get3A_140, %get3A_141] : memref<50x128x128xf32, #tpu.memory_space<vmem>>, vector<1x128x128xf32>
    %get3A_143 = vector.shape_cast %get3A_142 : vector<1x128x128xf32> to vector<128x128xf32>
    %get3A_144 = arith.constant 0 : index
    %get3A_145 = arith.constant 13 : index
    %get3A_146 = vector.load %arg2[%get3A_144, %get3A_145] : memref<128x128xf32, #tpu.memory_space<vmem>>, vector<128x1xf32>
    %mul3A_147 = vector.broadcast %get3A_146 : vector<128x1xf32> to vector<128x128xf32>
    %mul3A_148 = arith.mulf %get3A_143, %mul3A_147 : vector<128x128xf32>
    %add3A_149 = arith.addf %add3A_138, %mul3A_148 : vector<128x128xf32>
    %get3A_150 = arith.constant 14 : index
    %get3A_151 = arith.constant 0 : index
    %get3A_152 = arith.constant 0 : index
    %get3A_153 = vector.load %arg1[%get3A_150, %get3A_151, %get3A_152] : memref<50x128x128xf32, #tpu.memory_space<vmem>>, vector<1x128x128xf32>
    %get3A_154 = vector.shape_cast %get3A_153 : vector<1x128x128xf32> to vector<128x128xf32>
    %get3A_155 = arith.constant 0 : index
    %get3A_156 = arith.constant 14 : index
    %get3A_157 = vector.load %arg2[%get3A_155, %get3A_156] : memref<128x128xf32, #tpu.memory_space<vmem>>, vector<128x1xf32>
    %mul3A_158 = vector.broadcast %get3A_157 : vector<128x1xf32> to vector<128x128xf32>
    %mul3A_159 = arith.mulf %get3A_154, %mul3A_158 : vector<128x128xf32>
    %add3A_160 = arith.addf %add3A_149, %mul3A_159 : vector<128x128xf32>
    %get3A_161 = arith.constant 15 : index
    %get3A_162 = arith.constant 0 : index
    %get3A_163 = arith.constant 0 : index
    %get3A_164 = vector.load %arg1[%get3A_161, %get3A_162, %get3A_163] : memref<50x128x128xf32, #tpu.memory_space<vmem>>, vector<1x128x128xf32>
    %get3A_165 = vector.shape_cast %get3A_164 : vector<1x128x128xf32> to vector<128x128xf32>
    %get3A_166 = arith.constant 0 : index
    %get3A_167 = arith.constant 15 : index
    %get3A_168 = vector.load %arg2[%get3A_166, %get3A_167] : memref<128x128xf32, #tpu.memory_space<vmem>>, vector<128x1xf32>
    %mul3A_169 = vector.broadcast %get3A_168 : vector<128x1xf32> to vector<128x128xf32>
    %mul3A_170 = arith.mulf %get3A_165, %mul3A_169 : vector<128x128xf32>
    %add3A_171 = arith.addf %add3A_160, %mul3A_170 : vector<128x128xf32>
    %get3A_172 = arith.constant 16 : index
    %get3A_173 = arith.constant 0 : index
    %get3A_174 = arith.constant 0 : index
    %get3A_175 = vector.load %arg1[%get3A_172, %get3A_173, %get3A_174] : memref<50x128x128xf32, #tpu.memory_space<vmem>>, vector<1x128x128xf32>
    %get3A_176 = vector.shape_cast %get3A_175 : vector<1x128x128xf32> to vector<128x128xf32>
    %get3A_177 = arith.constant 0 : index
    %get3A_178 = arith.constant 16 : index
    %get3A_179 = vector.load %arg2[%get3A_177, %get3A_178] : memref<128x128xf32, #tpu.memory_space<vmem>>, vector<128x1xf32>
    %mul3A_180 = vector.broadcast %get3A_179 : vector<128x1xf32> to vector<128x128xf32>
    %mul3A_181 = arith.mulf %get3A_176, %mul3A_180 : vector<128x128xf32>
    %add3A_182 = arith.addf %add3A_171, %mul3A_181 : vector<128x128xf32>
    %get3A_183 = arith.constant 17 : index
    %get3A_184 = arith.constant 0 : index
    %get3A_185 = arith.constant 0 : index
    %get3A_186 = vector.load %arg1[%get3A_183, %get3A_184, %get3A_185] : memref<50x128x128xf32, #tpu.memory_space<vmem>>, vector<1x128x128xf32>
    %get3A_187 = vector.shape_cast %get3A_186 : vector<1x128x128xf32> to vector<128x128xf32>
    %get3A_188 = arith.constant 0 : index
    %get3A_189 = arith.constant 17 : index
    %get3A_190 = vector.load %arg2[%get3A_188, %get3A_189] : memref<128x128xf32, #tpu.memory_space<vmem>>, vector<128x1xf32>
    %mul3A_191 = vector.broadcast %get3A_190 : vector<128x1xf32> to vector<128x128xf32>
    %mul3A_192 = arith.mulf %get3A_187, %mul3A_191 : vector<128x128xf32>
    %add3A_193 = arith.addf %add3A_182, %mul3A_192 : vector<128x128xf32>
    %get3A_194 = arith.constant 18 : index
    %get3A_195 = arith.constant 0 : index
    %get3A_196 = arith.constant 0 : index
    %get3A_197 = vector.load %arg1[%get3A_194, %get3A_195, %get3A_196] : memref<50x128x128xf32, #tpu.memory_space<vmem>>, vector<1x128x128xf32>
    %get3A_198 = vector.shape_cast %get3A_197 : vector<1x128x128xf32> to vector<128x128xf32>
    %get3A_199 = arith.constant 0 : index
    %get3A_200 = arith.constant 18 : index
    %get3A_201 = vector.load %arg2[%get3A_199, %get3A_200] : memref<128x128xf32, #tpu.memory_space<vmem>>, vector<128x1xf32>
    %mul3A_202 = vector.broadcast %get3A_201 : vector<128x1xf32> to vector<128x128xf32>
    %mul3A_203 = arith.mulf %get3A_198, %mul3A_202 : vector<128x128xf32>
    %add3A_204 = arith.addf %add3A_193, %mul3A_203 : vector<128x128xf32>
    %get3A_205 = arith.constant 19 : index
    %get3A_206 = arith.constant 0 : index
    %get3A_207 = arith.constant 0 : index
    %get3A_208 = vector.load %arg1[%get3A_205, %get3A_206, %get3A_207] : memref<50x128x128xf32, #tpu.memory_space<vmem>>, vector<1x128x128xf32>
    %get3A_209 = vector.shape_cast %get3A_208 : vector<1x128x128xf32> to vector<128x128xf32>
    %get3A_210 = arith.constant 0 : index
    %get3A_211 = arith.constant 19 : index
    %get3A_212 = vector.load %arg2[%get3A_210, %get3A_211] : memref<128x128xf32, #tpu.memory_space<vmem>>, vector<128x1xf32>
    %mul3A_213 = vector.broadcast %get3A_212 : vector<128x1xf32> to vector<128x128xf32>
    %mul3A_214 = arith.mulf %get3A_209, %mul3A_213 : vector<128x128xf32>
    %add3A_215 = arith.addf %add3A_204, %mul3A_214 : vector<128x128xf32>
    %get3A_216 = arith.constant 20 : index
    %get3A_217 = arith.constant 0 : index
    %get3A_218 = arith.constant 0 : index
    %get3A_219 = vector.load %arg1[%get3A_216, %get3A_217, %get3A_218] : memref<50x128x128xf32, #tpu.memory_space<vmem>>, vector<1x128x128xf32>
    %get3A_220 = vector.shape_cast %get3A_219 : vector<1x128x128xf32> to vector<128x128xf32>
    %get3A_221 = arith.constant 0 : index
    %get3A_222 = arith.constant 20 : index
    %get3A_223 = vector.load %arg2[%get3A_221, %get3A_222] : memref<128x128xf32, #tpu.memory_space<vmem>>, vector<128x1xf32>
    %mul3A_224 = vector.broadcast %get3A_223 : vector<128x1xf32> to vector<128x128xf32>
    %mul3A_225 = arith.mulf %get3A_220, %mul3A_224 : vector<128x128xf32>
    %add3A_226 = arith.addf %add3A_215, %mul3A_225 : vector<128x128xf32>
    %get3A_227 = arith.constant 21 : index
    %get3A_228 = arith.constant 0 : index
    %get3A_229 = arith.constant 0 : index
    %get3A_230 = vector.load %arg1[%get3A_227, %get3A_228, %get3A_229] : memref<50x128x128xf32, #tpu.memory_space<vmem>>, vector<1x128x128xf32>
    %get3A_231 = vector.shape_cast %get3A_230 : vector<1x128x128xf32> to vector<128x128xf32>
    %get3A_232 = arith.constant 0 : index
    %get3A_233 = arith.constant 21 : index
    %get3A_234 = vector.load %arg2[%get3A_232, %get3A_233] : memref<128x128xf32, #tpu.memory_space<vmem>>, vector<128x1xf32>
    %mul3A_235 = vector.broadcast %get3A_234 : vector<128x1xf32> to vector<128x128xf32>
    %mul3A_236 = arith.mulf %get3A_231, %mul3A_235 : vector<128x128xf32>
    %add3A_237 = arith.addf %add3A_226, %mul3A_236 : vector<128x128xf32>
    %get3A_238 = arith.constant 22 : index
    %get3A_239 = arith.constant 0 : index
    %get3A_240 = arith.constant 0 : index
    %get3A_241 = vector.load %arg1[%get3A_238, %get3A_239, %get3A_240] : memref<50x128x128xf32, #tpu.memory_space<vmem>>, vector<1x128x128xf32>
    %get3A_242 = vector.shape_cast %get3A_241 : vector<1x128x128xf32> to vector<128x128xf32>
    %get3A_243 = arith.constant 0 : index
    %get3A_244 = arith.constant 22 : index
    %get3A_245 = vector.load %arg2[%get3A_243, %get3A_244] : memref<128x128xf32, #tpu.memory_space<vmem>>, vector<128x1xf32>
    %mul3A_246 = vector.broadcast %get3A_245 : vector<128x1xf32> to vector<128x128xf32>
    %mul3A_247 = arith.mulf %get3A_242, %mul3A_246 : vector<128x128xf32>
    %add3A_248 = arith.addf %add3A_237, %mul3A_247 : vector<128x128xf32>
    %get3A_249 = arith.constant 23 : index
    %get3A_250 = arith.constant 0 : index
    %get3A_251 = arith.constant 0 : index
    %get3A_252 = vector.load %arg1[%get3A_249, %get3A_250, %get3A_251] : memref<50x128x128xf32, #tpu.memory_space<vmem>>, vector<1x128x128xf32>
    %get3A_253 = vector.shape_cast %get3A_252 : vector<1x128x128xf32> to vector<128x128xf32>
    %get3A_254 = arith.constant 0 : index
    %get3A_255 = arith.constant 23 : index
    %get3A_256 = vector.load %arg2[%get3A_254, %get3A_255] : memref<128x128xf32, #tpu.memory_space<vmem>>, vector<128x1xf32>
    %mul3A_257 = vector.broadcast %get3A_256 : vector<128x1xf32> to vector<128x128xf32>
    %mul3A_258 = arith.mulf %get3A_253, %mul3A_257 : vector<128x128xf32>
    %add3A_259 = arith.addf %add3A_248, %mul3A_258 : vector<128x128xf32>
    %get3A_260 = arith.constant 24 : index
    %get3A_261 = arith.constant 0 : index
    %get3A_262 = arith.constant 0 : index
    %get3A_263 = vector.load %arg1[%get3A_260, %get3A_261, %get3A_262] : memref<50x128x128xf32, #tpu.memory_space<vmem>>, vector<1x128x128xf32>
    %get3A_264 = vector.shape_cast %get3A_263 : vector<1x128x128xf32> to vector<128x128xf32>
    %get3A_265 = arith.constant 0 : index
    %get3A_266 = arith.constant 24 : index
    %get3A_267 = vector.load %arg2[%get3A_265, %get3A_266] : memref<128x128xf32, #tpu.memory_space<vmem>>, vector<128x1xf32>
    %mul3A_268 = vector.broadcast %get3A_267 : vector<128x1xf32> to vector<128x128xf32>
    %mul3A_269 = arith.mulf %get3A_264, %mul3A_268 : vector<128x128xf32>
    %add3A_270 = arith.addf %add3A_259, %mul3A_269 : vector<128x128xf32>
    %get3A_271 = arith.constant 25 : index
    %get3A_272 = arith.constant 0 : index
    %get3A_273 = arith.constant 0 : index
    %get3A_274 = vector.load %arg1[%get3A_271, %get3A_272, %get3A_273] : memref<50x128x128xf32, #tpu.memory_space<vmem>>, vector<1x128x128xf32>
    %get3A_275 = vector.shape_cast %get3A_274 : vector<1x128x128xf32> to vector<128x128xf32>
    %get3A_276 = arith.constant 0 : index
    %get3A_277 = arith.constant 25 : index
    %get3A_278 = vector.load %arg2[%get3A_276, %get3A_277] : memref<128x128xf32, #tpu.memory_space<vmem>>, vector<128x1xf32>
    %mul3A_279 = vector.broadcast %get3A_278 : vector<128x1xf32> to vector<128x128xf32>
    %mul3A_280 = arith.mulf %get3A_275, %mul3A_279 : vector<128x128xf32>
    %add3A_281 = arith.addf %add3A_270, %mul3A_280 : vector<128x128xf32>
    %get3A_282 = arith.constant 26 : index
    %get3A_283 = arith.constant 0 : index
    %get3A_284 = arith.constant 0 : index
    %get3A_285 = vector.load %arg1[%get3A_282, %get3A_283, %get3A_284] : memref<50x128x128xf32, #tpu.memory_space<vmem>>, vector<1x128x128xf32>
    %get3A_286 = vector.shape_cast %get3A_285 : vector<1x128x128xf32> to vector<128x128xf32>
    %get3A_287 = arith.constant 0 : index
    %get3A_288 = arith.constant 26 : index
    %get3A_289 = vector.load %arg2[%get3A_287, %get3A_288] : memref<128x128xf32, #tpu.memory_space<vmem>>, vector<128x1xf32>
    %mul3A_290 = vector.broadcast %get3A_289 : vector<128x1xf32> to vector<128x128xf32>
    %mul3A_291 = arith.mulf %get3A_286, %mul3A_290 : vector<128x128xf32>
    %add3A_292 = arith.addf %add3A_281, %mul3A_291 : vector<128x128xf32>
    %get3A_293 = arith.constant 27 : index
    %get3A_294 = arith.constant 0 : index
    %get3A_295 = arith.constant 0 : index
    %get3A_296 = vector.load %arg1[%get3A_293, %get3A_294, %get3A_295] : memref<50x128x128xf32, #tpu.memory_space<vmem>>, vector<1x128x128xf32>
    %get3A_297 = vector.shape_cast %get3A_296 : vector<1x128x128xf32> to vector<128x128xf32>
    %get3A_298 = arith.constant 0 : index
    %get3A_299 = arith.constant 27 : index
    %get3A_300 = vector.load %arg2[%get3A_298, %get3A_299] : memref<128x128xf32, #tpu.memory_space<vmem>>, vector<128x1xf32>
    %mul3A_301 = vector.broadcast %get3A_300 : vector<128x1xf32> to vector<128x128xf32>
    %mul3A_302 = arith.mulf %get3A_297, %mul3A_301 : vector<128x128xf32>
    %add3A_303 = arith.addf %add3A_292, %mul3A_302 : vector<128x128xf32>
    %get3A_304 = arith.constant 28 : index
    %get3A_305 = arith.constant 0 : index
    %get3A_306 = arith.constant 0 : index
    %get3A_307 = vector.load %arg1[%get3A_304, %get3A_305, %get3A_306] : memref<50x128x128xf32, #tpu.memory_space<vmem>>, vector<1x128x128xf32>
    %get3A_308 = vector.shape_cast %get3A_307 : vector<1x128x128xf32> to vector<128x128xf32>
    %get3A_309 = arith.constant 0 : index
    %get3A_310 = arith.constant 28 : index
    %get3A_311 = vector.load %arg2[%get3A_309, %get3A_310] : memref<128x128xf32, #tpu.memory_space<vmem>>, vector<128x1xf32>
    %mul3A_312 = vector.broadcast %get3A_311 : vector<128x1xf32> to vector<128x128xf32>
    %mul3A_313 = arith.mulf %get3A_308, %mul3A_312 : vector<128x128xf32>
    %add3A_314 = arith.addf %add3A_303, %mul3A_313 : vector<128x128xf32>
    %get3A_315 = arith.constant 29 : index
    %get3A_316 = arith.constant 0 : index
    %get3A_317 = arith.constant 0 : index
    %get3A_318 = vector.load %arg1[%get3A_315, %get3A_316, %get3A_317] : memref<50x128x128xf32, #tpu.memory_space<vmem>>, vector<1x128x128xf32>
    %get3A_319 = vector.shape_cast %get3A_318 : vector<1x128x128xf32> to vector<128x128xf32>
    %get3A_320 = arith.constant 0 : index
    %get3A_321 = arith.constant 29 : index
    %get3A_322 = vector.load %arg2[%get3A_320, %get3A_321] : memref<128x128xf32, #tpu.memory_space<vmem>>, vector<128x1xf32>
    %mul3A_323 = vector.broadcast %get3A_322 : vector<128x1xf32> to vector<128x128xf32>
    %mul3A_324 = arith.mulf %get3A_319, %mul3A_323 : vector<128x128xf32>
    %add3A_325 = arith.addf %add3A_314, %mul3A_324 : vector<128x128xf32>
    %get3A_326 = arith.constant 30 : index
    %get3A_327 = arith.constant 0 : index
    %get3A_328 = arith.constant 0 : index
    %get3A_329 = vector.load %arg1[%get3A_326, %get3A_327, %get3A_328] : memref<50x128x128xf32, #tpu.memory_space<vmem>>, vector<1x128x128xf32>
    %get3A_330 = vector.shape_cast %get3A_329 : vector<1x128x128xf32> to vector<128x128xf32>
    %get3A_331 = arith.constant 0 : index
    %get3A_332 = arith.constant 30 : index
    %get3A_333 = vector.load %arg2[%get3A_331, %get3A_332] : memref<128x128xf32, #tpu.memory_space<vmem>>, vector<128x1xf32>
    %mul3A_334 = vector.broadcast %get3A_333 : vector<128x1xf32> to vector<128x128xf32>
    %mul3A_335 = arith.mulf %get3A_330, %mul3A_334 : vector<128x128xf32>
    %add3A_336 = arith.addf %add3A_325, %mul3A_335 : vector<128x128xf32>
    %get3A_337 = arith.constant 31 : index
    %get3A_338 = arith.constant 0 : index
    %get3A_339 = arith.constant 0 : index
    %get3A_340 = vector.load %arg1[%get3A_337, %get3A_338, %get3A_339] : memref<50x128x128xf32, #tpu.memory_space<vmem>>, vector<1x128x128xf32>
    %get3A_341 = vector.shape_cast %get3A_340 : vector<1x128x128xf32> to vector<128x128xf32>
    %get3A_342 = arith.constant 0 : index
    %get3A_343 = arith.constant 31 : index
    %get3A_344 = vector.load %arg2[%get3A_342, %get3A_343] : memref<128x128xf32, #tpu.memory_space<vmem>>, vector<128x1xf32>
    %mul3A_345 = vector.broadcast %get3A_344 : vector<128x1xf32> to vector<128x128xf32>
    %mul3A_346 = arith.mulf %get3A_341, %mul3A_345 : vector<128x128xf32>
    %add3A_347 = arith.addf %add3A_336, %mul3A_346 : vector<128x128xf32>
    %get3A_348 = arith.constant 32 : index
    %get3A_349 = arith.constant 0 : index
    %get3A_350 = arith.constant 0 : index
    %get3A_351 = vector.load %arg1[%get3A_348, %get3A_349, %get3A_350] : memref<50x128x128xf32, #tpu.memory_space<vmem>>, vector<1x128x128xf32>
    %get3A_352 = vector.shape_cast %get3A_351 : vector<1x128x128xf32> to vector<128x128xf32>
    %get3A_353 = arith.constant 0 : index
    %get3A_354 = arith.constant 32 : index
    %get3A_355 = vector.load %arg2[%get3A_353, %get3A_354] : memref<128x128xf32, #tpu.memory_space<vmem>>, vector<128x1xf32>
    %mul3A_356 = vector.broadcast %get3A_355 : vector<128x1xf32> to vector<128x128xf32>
    %mul3A_357 = arith.mulf %get3A_352, %mul3A_356 : vector<128x128xf32>
    %add3A_358 = arith.addf %add3A_347, %mul3A_357 : vector<128x128xf32>
    %get3A_359 = arith.constant 33 : index
    %get3A_360 = arith.constant 0 : index
    %get3A_361 = arith.constant 0 : index
    %get3A_362 = vector.load %arg1[%get3A_359, %get3A_360, %get3A_361] : memref<50x128x128xf32, #tpu.memory_space<vmem>>, vector<1x128x128xf32>
    %get3A_363 = vector.shape_cast %get3A_362 : vector<1x128x128xf32> to vector<128x128xf32>
    %get3A_364 = arith.constant 0 : index
    %get3A_365 = arith.constant 33 : index
    %get3A_366 = vector.load %arg2[%get3A_364, %get3A_365] : memref<128x128xf32, #tpu.memory_space<vmem>>, vector<128x1xf32>
    %mul3A_367 = vector.broadcast %get3A_366 : vector<128x1xf32> to vector<128x128xf32>
    %mul3A_368 = arith.mulf %get3A_363, %mul3A_367 : vector<128x128xf32>
    %add3A_369 = arith.addf %add3A_358, %mul3A_368 : vector<128x128xf32>
    %get3A_370 = arith.constant 34 : index
    %get3A_371 = arith.constant 0 : index
    %get3A_372 = arith.constant 0 : index
    %get3A_373 = vector.load %arg1[%get3A_370, %get3A_371, %get3A_372] : memref<50x128x128xf32, #tpu.memory_space<vmem>>, vector<1x128x128xf32>
    %get3A_374 = vector.shape_cast %get3A_373 : vector<1x128x128xf32> to vector<128x128xf32>
    %get3A_375 = arith.constant 0 : index
    %get3A_376 = arith.constant 34 : index
    %get3A_377 = vector.load %arg2[%get3A_375, %get3A_376] : memref<128x128xf32, #tpu.memory_space<vmem>>, vector<128x1xf32>
    %mul3A_378 = vector.broadcast %get3A_377 : vector<128x1xf32> to vector<128x128xf32>
    %mul3A_379 = arith.mulf %get3A_374, %mul3A_378 : vector<128x128xf32>
    %add3A_380 = arith.addf %add3A_369, %mul3A_379 : vector<128x128xf32>
    %get3A_381 = arith.constant 35 : index
    %get3A_382 = arith.constant 0 : index
    %get3A_383 = arith.constant 0 : index
    %get3A_384 = vector.load %arg1[%get3A_381, %get3A_382, %get3A_383] : memref<50x128x128xf32, #tpu.memory_space<vmem>>, vector<1x128x128xf32>
    %get3A_385 = vector.shape_cast %get3A_384 : vector<1x128x128xf32> to vector<128x128xf32>
    %get3A_386 = arith.constant 0 : index
    %get3A_387 = arith.constant 35 : index
    %get3A_388 = vector.load %arg2[%get3A_386, %get3A_387] : memref<128x128xf32, #tpu.memory_space<vmem>>, vector<128x1xf32>
    %mul3A_389 = vector.broadcast %get3A_388 : vector<128x1xf32> to vector<128x128xf32>
    %mul3A_390 = arith.mulf %get3A_385, %mul3A_389 : vector<128x128xf32>
    %add3A_391 = arith.addf %add3A_380, %mul3A_390 : vector<128x128xf32>
    %get3A_392 = arith.constant 36 : index
    %get3A_393 = arith.constant 0 : index
    %get3A_394 = arith.constant 0 : index
    %get3A_395 = vector.load %arg1[%get3A_392, %get3A_393, %get3A_394] : memref<50x128x128xf32, #tpu.memory_space<vmem>>, vector<1x128x128xf32>
    %get3A_396 = vector.shape_cast %get3A_395 : vector<1x128x128xf32> to vector<128x128xf32>
    %get3A_397 = arith.constant 0 : index
    %get3A_398 = arith.constant 36 : index
    %get3A_399 = vector.load %arg2[%get3A_397, %get3A_398] : memref<128x128xf32, #tpu.memory_space<vmem>>, vector<128x1xf32>
    %mul3A_400 = vector.broadcast %get3A_399 : vector<128x1xf32> to vector<128x128xf32>
    %mul3A_401 = arith.mulf %get3A_396, %mul3A_400 : vector<128x128xf32>
    %add3A_402 = arith.addf %add3A_391, %mul3A_401 : vector<128x128xf32>
    %get3A_403 = arith.constant 37 : index
    %get3A_404 = arith.constant 0 : index
    %get3A_405 = arith.constant 0 : index
    %get3A_406 = vector.load %arg1[%get3A_403, %get3A_404, %get3A_405] : memref<50x128x128xf32, #tpu.memory_space<vmem>>, vector<1x128x128xf32>
    %get3A_407 = vector.shape_cast %get3A_406 : vector<1x128x128xf32> to vector<128x128xf32>
    %get3A_408 = arith.constant 0 : index
    %get3A_409 = arith.constant 37 : index
    %get3A_410 = vector.load %arg2[%get3A_408, %get3A_409] : memref<128x128xf32, #tpu.memory_space<vmem>>, vector<128x1xf32>
    %mul3A_411 = vector.broadcast %get3A_410 : vector<128x1xf32> to vector<128x128xf32>
    %mul3A_412 = arith.mulf %get3A_407, %mul3A_411 : vector<128x128xf32>
    %add3A_413 = arith.addf %add3A_402, %mul3A_412 : vector<128x128xf32>
    %get3A_414 = arith.constant 38 : index
    %get3A_415 = arith.constant 0 : index
    %get3A_416 = arith.constant 0 : index
    %get3A_417 = vector.load %arg1[%get3A_414, %get3A_415, %get3A_416] : memref<50x128x128xf32, #tpu.memory_space<vmem>>, vector<1x128x128xf32>
    %get3A_418 = vector.shape_cast %get3A_417 : vector<1x128x128xf32> to vector<128x128xf32>
    %get3A_419 = arith.constant 0 : index
    %get3A_420 = arith.constant 38 : index
    %get3A_421 = vector.load %arg2[%get3A_419, %get3A_420] : memref<128x128xf32, #tpu.memory_space<vmem>>, vector<128x1xf32>
    %mul3A_422 = vector.broadcast %get3A_421 : vector<128x1xf32> to vector<128x128xf32>
    %mul3A_423 = arith.mulf %get3A_418, %mul3A_422 : vector<128x128xf32>
    %add3A_424 = arith.addf %add3A_413, %mul3A_423 : vector<128x128xf32>
    %get3A_425 = arith.constant 39 : index
    %get3A_426 = arith.constant 0 : index
    %get3A_427 = arith.constant 0 : index
    %get3A_428 = vector.load %arg1[%get3A_425, %get3A_426, %get3A_427] : memref<50x128x128xf32, #tpu.memory_space<vmem>>, vector<1x128x128xf32>
    %get3A_429 = vector.shape_cast %get3A_428 : vector<1x128x128xf32> to vector<128x128xf32>
    %get3A_430 = arith.constant 0 : index
    %get3A_431 = arith.constant 39 : index
    %get3A_432 = vector.load %arg2[%get3A_430, %get3A_431] : memref<128x128xf32, #tpu.memory_space<vmem>>, vector<128x1xf32>
    %mul3A_433 = vector.broadcast %get3A_432 : vector<128x1xf32> to vector<128x128xf32>
    %mul3A_434 = arith.mulf %get3A_429, %mul3A_433 : vector<128x128xf32>
    %add3A_435 = arith.addf %add3A_424, %mul3A_434 : vector<128x128xf32>
    %get3A_436 = arith.constant 40 : index
    %get3A_437 = arith.constant 0 : index
    %get3A_438 = arith.constant 0 : index
    %get3A_439 = vector.load %arg1[%get3A_436, %get3A_437, %get3A_438] : memref<50x128x128xf32, #tpu.memory_space<vmem>>, vector<1x128x128xf32>
    %get3A_440 = vector.shape_cast %get3A_439 : vector<1x128x128xf32> to vector<128x128xf32>
    %get3A_441 = arith.constant 0 : index
    %get3A_442 = arith.constant 40 : index
    %get3A_443 = vector.load %arg2[%get3A_441, %get3A_442] : memref<128x128xf32, #tpu.memory_space<vmem>>, vector<128x1xf32>
    %mul3A_444 = vector.broadcast %get3A_443 : vector<128x1xf32> to vector<128x128xf32>
    %mul3A_445 = arith.mulf %get3A_440, %mul3A_444 : vector<128x128xf32>
    %add3A_446 = arith.addf %add3A_435, %mul3A_445 : vector<128x128xf32>
    %get3A_447 = arith.constant 41 : index
    %get3A_448 = arith.constant 0 : index
    %get3A_449 = arith.constant 0 : index
    %get3A_450 = vector.load %arg1[%get3A_447, %get3A_448, %get3A_449] : memref<50x128x128xf32, #tpu.memory_space<vmem>>, vector<1x128x128xf32>
    %get3A_451 = vector.shape_cast %get3A_450 : vector<1x128x128xf32> to vector<128x128xf32>
    %get3A_452 = arith.constant 0 : index
    %get3A_453 = arith.constant 41 : index
    %get3A_454 = vector.load %arg2[%get3A_452, %get3A_453] : memref<128x128xf32, #tpu.memory_space<vmem>>, vector<128x1xf32>
    %mul3A_455 = vector.broadcast %get3A_454 : vector<128x1xf32> to vector<128x128xf32>
    %mul3A_456 = arith.mulf %get3A_451, %mul3A_455 : vector<128x128xf32>
    %add3A_457 = arith.addf %add3A_446, %mul3A_456 : vector<128x128xf32>
    %get3A_458 = arith.constant 42 : index
    %get3A_459 = arith.constant 0 : index
    %get3A_460 = arith.constant 0 : index
    %get3A_461 = vector.load %arg1[%get3A_458, %get3A_459, %get3A_460] : memref<50x128x128xf32, #tpu.memory_space<vmem>>, vector<1x128x128xf32>
    %get3A_462 = vector.shape_cast %get3A_461 : vector<1x128x128xf32> to vector<128x128xf32>
    %get3A_463 = arith.constant 0 : index
    %get3A_464 = arith.constant 42 : index
    %get3A_465 = vector.load %arg2[%get3A_463, %get3A_464] : memref<128x128xf32, #tpu.memory_space<vmem>>, vector<128x1xf32>
    %mul3A_466 = vector.broadcast %get3A_465 : vector<128x1xf32> to vector<128x128xf32>
    %mul3A_467 = arith.mulf %get3A_462, %mul3A_466 : vector<128x128xf32>
    %add3A_468 = arith.addf %add3A_457, %mul3A_467 : vector<128x128xf32>
    %get3A_469 = arith.constant 43 : index
    %get3A_470 = arith.constant 0 : index
    %get3A_471 = arith.constant 0 : index
    %get3A_472 = vector.load %arg1[%get3A_469, %get3A_470, %get3A_471] : memref<50x128x128xf32, #tpu.memory_space<vmem>>, vector<1x128x128xf32>
    %get3A_473 = vector.shape_cast %get3A_472 : vector<1x128x128xf32> to vector<128x128xf32>
    %get3A_474 = arith.constant 0 : index
    %get3A_475 = arith.constant 43 : index
    %get3A_476 = vector.load %arg2[%get3A_474, %get3A_475] : memref<128x128xf32, #tpu.memory_space<vmem>>, vector<128x1xf32>
    %mul3A_477 = vector.broadcast %get3A_476 : vector<128x1xf32> to vector<128x128xf32>
    %mul3A_478 = arith.mulf %get3A_473, %mul3A_477 : vector<128x128xf32>
    %add3A_479 = arith.addf %add3A_468, %mul3A_478 : vector<128x128xf32>
    %get3A_480 = arith.constant 44 : index
    %get3A_481 = arith.constant 0 : index
    %get3A_482 = arith.constant 0 : index
    %get3A_483 = vector.load %arg1[%get3A_480, %get3A_481, %get3A_482] : memref<50x128x128xf32, #tpu.memory_space<vmem>>, vector<1x128x128xf32>
    %get3A_484 = vector.shape_cast %get3A_483 : vector<1x128x128xf32> to vector<128x128xf32>
    %get3A_485 = arith.constant 0 : index
    %get3A_486 = arith.constant 44 : index
    %get3A_487 = vector.load %arg2[%get3A_485, %get3A_486] : memref<128x128xf32, #tpu.memory_space<vmem>>, vector<128x1xf32>
    %mul3A_488 = vector.broadcast %get3A_487 : vector<128x1xf32> to vector<128x128xf32>
    %mul3A_489 = arith.mulf %get3A_484, %mul3A_488 : vector<128x128xf32>
    %add3A_490 = arith.addf %add3A_479, %mul3A_489 : vector<128x128xf32>
    %get3A_491 = arith.constant 45 : index
    %get3A_492 = arith.constant 0 : index
    %get3A_493 = arith.constant 0 : index
    %get3A_494 = vector.load %arg1[%get3A_491, %get3A_492, %get3A_493] : memref<50x128x128xf32, #tpu.memory_space<vmem>>, vector<1x128x128xf32>
    %get3A_495 = vector.shape_cast %get3A_494 : vector<1x128x128xf32> to vector<128x128xf32>
    %get3A_496 = arith.constant 0 : index
    %get3A_497 = arith.constant 45 : index
    %get3A_498 = vector.load %arg2[%get3A_496, %get3A_497] : memref<128x128xf32, #tpu.memory_space<vmem>>, vector<128x1xf32>
    %mul3A_499 = vector.broadcast %get3A_498 : vector<128x1xf32> to vector<128x128xf32>
    %mul3A_500 = arith.mulf %get3A_495, %mul3A_499 : vector<128x128xf32>
    %add3A_501 = arith.addf %add3A_490, %mul3A_500 : vector<128x128xf32>
    %get3A_502 = arith.constant 46 : index
    %get3A_503 = arith.constant 0 : index
    %get3A_504 = arith.constant 0 : index
    %get3A_505 = vector.load %arg1[%get3A_502, %get3A_503, %get3A_504] : memref<50x128x128xf32, #tpu.memory_space<vmem>>, vector<1x128x128xf32>
    %get3A_506 = vector.shape_cast %get3A_505 : vector<1x128x128xf32> to vector<128x128xf32>
    %get3A_507 = arith.constant 0 : index
    %get3A_508 = arith.constant 46 : index
    %get3A_509 = vector.load %arg2[%get3A_507, %get3A_508] : memref<128x128xf32, #tpu.memory_space<vmem>>, vector<128x1xf32>
    %mul3A_510 = vector.broadcast %get3A_509 : vector<128x1xf32> to vector<128x128xf32>
    %mul3A_511 = arith.mulf %get3A_506, %mul3A_510 : vector<128x128xf32>
    %add3A_512 = arith.addf %add3A_501, %mul3A_511 : vector<128x128xf32>
    %get3A_513 = arith.constant 47 : index
    %get3A_514 = arith.constant 0 : index
    %get3A_515 = arith.constant 0 : index
    %get3A_516 = vector.load %arg1[%get3A_513, %get3A_514, %get3A_515] : memref<50x128x128xf32, #tpu.memory_space<vmem>>, vector<1x128x128xf32>
    %get3A_517 = vector.shape_cast %get3A_516 : vector<1x128x128xf32> to vector<128x128xf32>
    %get3A_518 = arith.constant 0 : index
    %get3A_519 = arith.constant 47 : index
    %get3A_520 = vector.load %arg2[%get3A_518, %get3A_519] : memref<128x128xf32, #tpu.memory_space<vmem>>, vector<128x1xf32>
    %mul3A_521 = vector.broadcast %get3A_520 : vector<128x1xf32> to vector<128x128xf32>
    %mul3A_522 = arith.mulf %get3A_517, %mul3A_521 : vector<128x128xf32>
    %add3A_523 = arith.addf %add3A_512, %mul3A_522 : vector<128x128xf32>
    %get3A_524 = arith.constant 48 : index
    %get3A_525 = arith.constant 0 : index
    %get3A_526 = arith.constant 0 : index
    %get3A_527 = vector.load %arg1[%get3A_524, %get3A_525, %get3A_526] : memref<50x128x128xf32, #tpu.memory_space<vmem>>, vector<1x128x128xf32>
    %get3A_528 = vector.shape_cast %get3A_527 : vector<1x128x128xf32> to vector<128x128xf32>
    %get3A_529 = arith.constant 0 : index
    %get3A_530 = arith.constant 48 : index
    %get3A_531 = vector.load %arg2[%get3A_529, %get3A_530] : memref<128x128xf32, #tpu.memory_space<vmem>>, vector<128x1xf32>
    %mul3A_532 = vector.broadcast %get3A_531 : vector<128x1xf32> to vector<128x128xf32>
    %mul3A_533 = arith.mulf %get3A_528, %mul3A_532 : vector<128x128xf32>
    %add3A_534 = arith.addf %add3A_523, %mul3A_533 : vector<128x128xf32>
    %get3A_535 = arith.constant 49 : index
    %get3A_536 = arith.constant 0 : index
    %get3A_537 = arith.constant 0 : index
    %get3A_538 = vector.load %arg1[%get3A_535, %get3A_536, %get3A_537] : memref<50x128x128xf32, #tpu.memory_space<vmem>>, vector<1x128x128xf32>
    %get3A_539 = vector.shape_cast %get3A_538 : vector<1x128x128xf32> to vector<128x128xf32>
    %get3A_540 = arith.constant 0 : index
    %get3A_541 = arith.constant 49 : index
    %get3A_542 = vector.load %arg2[%get3A_540, %get3A_541] : memref<128x128xf32, #tpu.memory_space<vmem>>, vector<128x1xf32>
    %mul3A_543 = vector.broadcast %get3A_542 : vector<128x1xf32> to vector<128x128xf32>
    %mul3A_544 = arith.mulf %get3A_539, %mul3A_543 : vector<128x128xf32>
    %add3A_545 = arith.addf %add3A_534, %mul3A_544 : vector<128x128xf32>
    %get3A_546 = arith.constant 0 : index
    %get3A_547 = arith.constant 0 : index
    %get3A_548 = vector.load %arg2[%get3A_546, %get3A_547] : memref<128x128xf32, #tpu.memory_space<vmem>>, vector<128x50xf32>
    %reduce_sum3A = arith.constant dense<0.000000e+00> : vector<128xf32>
    %reduce_sum3A_549 = vector.multi_reduction <add>, %get3A_548, %reduce_sum3A [1] : vector<128x50xf32> to vector<128xf32>
    %broadcast_in_dim3A = vector.shape_cast %reduce_sum3A_549 : vector<128xf32> to vector<128x1xf32>
    %div3A = vector.broadcast %broadcast_in_dim3A : vector<128x1xf32> to vector<128x128xf32>
    %div3A_550 = arith.divf %add3A_545, %div3A : vector<128x128xf32>
    %swap3A = arith.constant 0 : index
    %swap3A_551 = arith.constant 0 : index
    %swap3A_552 = vector.load %arg3[%swap3A, %swap3A_551] : memref<128x128xf32, #tpu.memory_space<vmem>>, vector<128x128xf32>
    tpu.vector_store %arg3[%swap3A, %swap3A_551], %div3A_550 {strides = array<i32>} : memref<128x128xf32, #tpu.memory_space<vmem>>, vector<128x128xf32>,
    return
  }
  func.func @transform_0(%arg0: i32) -> (i32, i32, i32) {
    %add3A = arith.constant 16 : i32
    %add3A_0 = arith.addi %add3A, %arg0 : i32
    %c0_i32 = arith.constant 0 : i32
    %c0_i32_1 = arith.constant 0 : i32
    %c0_i32_2 = arith.constant 0 : i32
    return %c0_i32, %add3A_0, %c0_i32_1 : i32, i32, i32
  }
  func.func @transform_1(%arg0: i32) -> (i32, i32) {
    %add3A = arith.constant 16 : i32
    %add3A_0 = arith.addi %add3A, %arg0 : i32
    %c0_i32 = arith.constant 0 : i32
    %c0_i32_1 = arith.constant 0 : i32
    return %add3A_0, %c0_i32 : i32, i32
  }
  func.func @transform_2(%arg0: i32) -> (i32, i32) {
    %c0_i32 = arith.constant 0 : i32
    %c0_i32_0 = arith.constant 0 : i32
    return %arg0, %c0_i32 : i32, i32
  }
}

</mosaic_0001>

<sc_bundles>
// kernel: kernel.4.cloned.1.call-start
scs
__scs_entry_jumppad:
0x0: {  	(pc) =	sbr.rel $0x88, $3  }
0x1: {  	(tag) =	ssettag $0x0;
	lr =	simm.s32 $0x1  }
0x2: {  	[smem:$0x3F9F] =	sst lr;
	_ =	strace $0xD0000000  }
0x3: {  	_ = 	snop  }
0x4: {  	_ = 	snop  }
0x5: {  	_ = 	snop  }
0x6: {  	_ = 	snop  }
0x7: {  	_ = 	snop  }
__scs_overlays_trampoline_lowered:
0x8: {  	[smem:$0x3FAE] =	sst s0  }
0x9: {  	[smem:$0x3FAF] =	sst s1  }
0xa: {  	[smem:$0x3FB0] =	sst s2  }
0xb: {  	[smem:$0x3FB1] =	sst s3  }
0xc: {  	[smem:$0x3FB2] =	sst s4  }
0xd: {  	[smem:$0x3FB3] =	sst s5  }
0xe: {  	[smem:$0x3FB4] =	sst s6  }
0xf: {  	[smem:$0x3FB5] =	sst s7  }
0x10: {  	[smem:$0x3FB6] =	sst s8  }
0x11: {  	[smem:$0x3FB7] =	sst s9;
	s0 =	simm.s32 @!p0 $0x0  }
0x12: {  	s1 =	sld [smem:$0x3F9D];
	s0 =	simm.s32 @p0 $0x1  }
0x13: {  	[smem:$0x3FB8] =	sst s0;
	s0 =	simm.s32 @!p1 $0x0  }
0x14: {  	s2 =	sld [smem:$0x3F9C];
	s0 =	simm.s32 @p1 $0x1  }
0x15: {  	[smem:$0x3FB9] =	sst s0;
	s0 =	simm.s32 @!p2 $0x0  }
0x16: {  	s3 =	sld [smem:$0x3FDB];
	s0 =	simm.s32 @p2 $0x1  }
0x17: {  	s4 =	simm.s32 $0x1BF5;
	[smem:$0x3FBB] =	sst s0  }
0x18: {  	s0 =	sld [smem:$0x3F9E];
	_ =	swait.ge [sflag:s4], $0x0  }
0x19: {  	s7 =	sld [smem:$0x3F9F]  }
0x1a: {  	s8 =	sadd.s32 $0xFFFFE003, lr  }
0x1b: {  	s9 =	sadd.s32 $0xFFFFFEF7, lr;
	s5 =	simm.s32 $0xFFFFFFFF;
	p2 =	slt.u32 s8, $0xFFFFF086  }
0x1c: {  	p1 =	slt.u32 s9, $0xF7A;
	s5 =	simm.s32 @!p2 $0x0  }
0x1d: {  	s5 =	simm.s32 @p1 $0x1;
	p0 =	seq.s32 s7, s2  }
0x1e: {  	s7 =	smul.u32 @!p0 $0xF7A, s2;
	p2 =	seq.s32 @!p0 s5, $0x0  }
0x1f: {  	s9 =	smul.u32 $0xF7A, s1;
	s8 =	simm.s32 @!p0 $0x1BF5;
	p2 =	por !p2, p0  }
0x20: {  	[sflag:s8] =	ssyncset.s32 @!p0 $0xFFFFF086;
	s6 =	sadd.s32 @!p0 s3, s7;
	s7 =	simm.s32 @!p0 $0x108  }
0x21: {  	s3 =	sadd.s32 s3, s9;
	s6 =	sadd.s32 @!p0 $0x88, s6;
	s7 =	simm.s32 @p2 $0x1082  }
0x22: {  	[simem:s7], [sflag:s8] =	dma.local @!p0 [hbm:s6], $0xF7A  }
0x23: {  	s9 =	sor.u32 $0xD0000000, s2;
	s6 =	simm.s32 $0x108;
	_ =	swait.ge @!p0 [sflag:s8], $0x0  }
0x24: {  	s3 =	sadd.s32 $0x88, s3;
	s6 =	simm.s32 @!p1 $0x1082;
	[sflag:s4] =	ssyncset.s32 $0xFFFFF086  }
0x25: {  	[simem:s6], [sflag:s4] =	dma.local [hbm:s3], $0xF7A  }
0x26: {  	[smem:$0x3F9F] =	sst s1;
	(tag) =	ssettag s2;
	_ =	strace s9  }
0x27: {  	s1 =	sld [smem:$0x3FAF]  }
0x28: {  	s2 =	sld [smem:$0x3FB0]  }
0x29: {  	s4 =	sld [smem:$0x3FB2]  }
0x2a: {  	p0 =	seq.s32 s5, $0x0;
	s5 =	sld [smem:$0x3FB3]  }
0x2b: {  	s6 =	sld [smem:$0x3FB4]  }
0x2c: {  	s7 =	sld [smem:$0x3FB5]  }
0x2d: {  	s3 =	simm.s32 $0x108;
	s8 =	sld [smem:$0x3FB6]  }
0x2e: {  	s3 =	simm.s32 @!p0 $0x1082;
	s9 =	sld [smem:$0x3FB7]  }
0x2f: {  	lr =	sadd.s32 s0, s3;
	s0 =	sld [smem:$0x3FAE]  }
0x30: {  	s3 =	sld [smem:$0x3FB1]  }
0x31: {  	[smem:$0x3FBA] =	sst s10  }
0x32: {  	s10 =	sld [smem:$0x3FB8];
	_ =	sdelay $0x3  }
0x33: {  	p0 =	seq.s32 s10, $0x1;
	s10 =	sld [smem:$0x3FBA];
	_ =	sdelay $0x3  }
0x34: {  	[smem:$0x3FBA] =	sst s10  }
0x35: {  	s10 =	sld [smem:$0x3FB9];
	_ =	sdelay $0x3  }
0x36: {  	p1 =	seq.s32 s10, $0x1;
	s10 =	sld [smem:$0x3FBA];
	_ =	sdelay $0x3  }
0x37: {  	[smem:$0x3FBA] =	sst s10  }
0x38: {  	s10 =	sld [smem:$0x3FBB]  }
0x39: {  	_ = 	snop;
	(pc) =	sbr.ind lr, $3  }
0x3a: {  	_ = 	snop  }
0x3b: {  	_ = 	snop  }
0x3c: {  	p2 =	seq.s32 s10, $0x1;
	s10 =	sld [smem:$0x3FBA]  }
0x3d: {  	_ =	shalt  }
0x3e: {  	_ =	shalt  }
0x3f: {  	_ =	shalt  }
0x40: {  	_ =	shalt  }
0x41: {  	_ =	shalt  }
0x42: {  	_ =	shalt  }
0x43: {  	_ =	shalt  }
0x44: {  	_ =	shalt  }
0x45: {  	_ =	shalt  }
0x46: {  	_ =	shalt  }
0x47: {  	_ =	shalt  }
0x48: {  	_ =	shalt  }
0x49: {  	_ =	shalt  }
0x4a: {  	_ =	shalt  }
0x4b: {  	_ =	shalt  }
0x4c: {  	_ =	shalt  }
0x4d: {  	_ =	shalt  }
0x4e: {  	_ =	shalt  }
0x4f: {  	_ =	shalt  }
0x50: {  	_ =	shalt  }
0x51: {  	_ =	shalt  }
0x52: {  	_ =	shalt  }
0x53: {  	_ =	shalt  }
0x54: {  	_ =	shalt  }
0x55: {  	_ =	shalt  }
0x56: {  	_ =	shalt  }
0x57: {  	_ =	shalt  }
0x58: {  	_ =	shalt  }
0x59: {  	_ =	shalt  }
0x5a: {  	_ =	shalt  }
0x5b: {  	_ =	shalt  }
0x5c: {  	_ =	shalt  }
0x5d: {  	_ =	shalt  }
0x5e: {  	_ =	shalt  }
0x5f: {  	_ =	shalt  }
0x60: {  	_ =	shalt  }
0x61: {  	_ =	shalt  }
0x62: {  	_ =	shalt  }
0x63: {  	_ =	shalt  }
0x64: {  	_ =	shalt  }
0x65: {  	_ =	shalt  }
0x66: {  	_ =	shalt  }
0x67: {  	_ =	shalt  }
0x68: {  	_ =	shalt  }
0x69: {  	_ =	shalt  }
0x6a: {  	_ =	shalt  }
0x6b: {  	_ =	shalt  }
0x6c: {  	_ =	shalt  }
0x6d: {  	_ =	shalt  }
0x6e: {  	_ =	shalt  }
0x6f: {  	_ =	shalt  }
0x70: {  	_ =	shalt  }
0x71: {  	_ =	shalt  }
0x72: {  	_ =	shalt  }
0x73: {  	_ =	shalt  }
0x74: {  	_ =	shalt  }
0x75: {  	_ =	shalt  }
0x76: {  	_ =	shalt  }
0x77: {  	_ =	shalt  }
0x78: {  	_ =	shalt  }
0x79: {  	_ =	shalt  }
0x7a: {  	_ =	shalt  }
0x7b: {  	_ =	shalt  }
0x7c: {  	_ =	shalt  }
0x7d: {  	_ =	shalt  }
0x7e: {  	_ =	shalt  }
0x7f: {  	_ =	shalt  }
0x80: {  	_ =	shalt  }
0x81: {  	_ =	shalt  }
0x82: {  	_ =	shalt  }
0x83: {  	_ =	shalt  }
0x84: {  	_ =	shalt  }
0x85: {  	_ =	shalt  }
0x86: {  	_ =	shalt  }
0x87: {  	_ =	shalt  }
.Lfunc_end0:
.L_simem_size_0:
called_computation_lowered:
.L_overlay_start_0:
0x88: {  	s2 =	sld [smem:$0x3FD9]  }
0x89: {  	s3 =	sld [smem:$0x3FFE];
	_ =	sdelay $0x1  }
0x8a: {  	s1 =	srdreg.scid  }
0x8b: {  	s0 =	sand.u32 $0x1, s1  }
0x8c: {  	s17 =	sshll.u32 s0, $0xA;
	s2 =	sadd.s32 s3, s2  }
0x8d: {  	s2 =	sadd.s32 s2, s17  }
0x8e: {  	[smem:$0x3FC6] =	sst s2  }
0x8f: {  	_ = 	snop  }
0x90: {  	s2 =	sld [smem:$0x3FC9]  }
0x91: {  	s18 =	sld [smem:$0x3FD0];
	(tm) =	ssettm $0x1  }
0x92: {  	s4 =	sld [smem:$0x3FFB];
	_ =	sdelay $0x3  }
0x93: {  	_ =	strace s4  }
0x94: {  	s4 =	sld [smem:$0x3FFC];
	_ =	sdelay $0x3  }
0x95: {  	_ =	strace s4  }
0x96: {  	s4 =	sld [smem:$0x3FFD];
	_ =	sdelay $0x3  }
0x97: {  	_ =	strace s4  }
0x98: {  	_ =	strace $0x8FFFFFFF  }
0x99: {  	s19 =	sld [smem:$0x3FDB];
	_ =	sdelay $0x1  }
0x9a: {  	s5 =	simm.s32 $_scs_section_size  }
0x9b: {  	s6 =	simm.s32 $_size__tile_overlayer_lowered;
	s7 =	simm.s32 $_tile_overlayer_lowered  }
0x9c: {  	s22 =	simm.s32 $0x1BFF;
	s21 =	sshll.u32 s7, $0x1;
	s4 =	sadd.s32 s5, s19  }
0x9d: {  	s8 =	simm.s32 $0x0;
	s20 =	sshll.u32 s6, $0x1;
	s6 =	sadd.s32 s21, s4  }
0x9e: {  	[timem:s8], [sflag:s22] =	dma.local [hbm:s6], s20  }
0x9f: {  	_ =	swait.ge [sflag:s22], s20  }
0xa0: {  	s5 =	ssub.s32 $0x0, s20;
	[sflag:s22] =	ssyncset.done $0x0  }
0xa1: {  	[sflag:s22] =	ssyncadd.s32 s5;
	_ =	sdelay $0x1  }
0xa2: {  	s23 =	simm.s32 $0x1B8B  }
0xa3: {  	_ =	swait.ge [sflag:s23], $0x1  }
0xa4: {  	[sflag:s23] =	ssyncset.done $0x0  }
0xa5: {  	s25 =	simm.s32 $0x1B8E;
	s24 =	sld [smem:$0x3FFE];
	[sflag:s23] =	ssyncadd.s32 $0xFFFFFFFF  }
0xa6: {  	s26 =	simm.s32 $execute0_lowered;
	[smem:$0x3FD2] =	sst s25  }
0xa7: {  	s6 =	sshll.u32 s26, $0x1;
	_ =	strace $0x80000046;
	[dreg:$0x1] =	wrdreg $0xFFFFFFFF  }
0xa8: {  	s28 =	simm.s32 $_size_execute0_lowered;
	s4 =	sadd.s32 s4, s6;
	[dreg:$0x0] =	wrdreg $0x0  }
0xa9: {  	s6 =	sshll.u32 s28, $0x1;
	[dreg:$0x2] =	wrdreg s4  }
0xaa: {  	[dreg:$0x3] =	wrdreg s6  }
0xab: {  	[dreg:$0x4] =	wrdreg $0xC0  }
0xac: {  	_ =	task [dreg:s8], $0x5FFFF  }
0xad: {  	[dreg:$0x1] =	wrdreg $0xFFFFFFFF  }
0xae: {  	[dreg:$0x0] =	wrdreg $0x60  }
0xaf: {  	[dreg:$0x2] =	wrdreg s2  }
0xb0: {  	[dreg:$0x3] =	wrdreg s18  }
0xb1: {  	[dreg:$0x4] =	wrdreg s24  }
0xb2: {  	[dreg:$0x5] =	wrdreg $0x9  }
0xb3: {  	_ =	task.clear_ibuf [dreg:s8], $0x6FFFF;
	_ =	strace $0x90000046  }
0xb4: {  	s29 =	simm.s32 $0x9;
	_ =	strace $0x80000048  }
0xb5: {  	_ =	swait.ge [sflag:s29], $0x1  }
0xb6: {  	[sflag:s29] =	ssyncadd.s32 $0xFFFFFFFF  }
0xb7: {  	_ =	strace $0x90000048  }
0xb8: {  	_ =	sfence  }
0xb9: {  	s30 =	sld [smem:$0x0];
	_ =	sdelay $0x2  }
0xba: {  	s31 =	sshll.u32 s1, $0xD;
	s1 =	sshrl.u32 s1, $0x2  }
0xbb: {  	s3 =	sand.u32 $0x4000, s31;
	s1 =	sadd.s32 s1, s30  }
0xbc: {  	s0 =	sor.u32 s3, s0;
	s1 =	sshll.u32 s1, $0x11  }
0xbd: {  	s0 =	sor.u32 s1, s0  }
0xbe: {  	s0 =	sadd.s32 $0x8F2B, s0  }
0xbf: {  	[sflag:s0] =	ssyncadd.remote.s32 $0x1  }
0xc0: {  	_ =	sfence.sel $0xFFFF  }
0xc1: {  	[dreg:$0x0] =	wrdreg $0xFFFFFFFF;
	(pc) =	sbr.abs _section_cstart, $3  }
0xc2: {  	[dreg:$0x1] =	wrdreg $0xFFFFFFFF  }
0xc3: {  	_ =	task.clear_ibuf [dreg:s8], $0x2FFFF;
	_ =	strace $0x9FFFFFFF  }
0xc4: {  	(tm) =	ssettm $0x7FFFFFFF  }
0xc5: {  	_ =	shalt  }
tec
execute0_lowered:
.L_overlay_start_1:
0x0: {  	(tag) =	ssettag $0x1  }
0x1: {  	s1 =	rddreg [dreg:$0x0]  }
0x2: {  	s2 =	rddreg [dreg:$0x1]  }
0x3: {  	s0 =	rddreg [dreg:$0x2]  }
0x4: {  	s3 =	srdreg.scid;
	s4 =	simm.s32 $0x0;
	s5 =	stileid.u32  }
0x5: {  	s14 =	simm.s32 $0x400;
	s15 =	simm.s32 $0x80000;
	s17 =	simm.s32 $0xC800  }
0x6: {  	s18 =	simm.s32 $0x19400;
	s19 =	simm.s32 $0x1;
	s20 =	simm.s32 $0x19800  }
0x7: {  	s21 =	simm.s32 $0x2;
	s22 =	simm.s32 $0x19C00;
	s23 =	simm.s32 $0x3  }
0x8: {  	s24 =	simm.s32 $0x4;
	s25 =	simm.s32 $0x0;
	s3 =	sand.u32 $0x1, s3  }
0x9: {  	[smem:$0x7FF] =	sst s4;
	s5 =	sshll.u32 s5, $0x7;
	s6 =	sshll.u32 s3, $0x6  }
0xa: {  	s0 =	sadd.s32 $0x600, s0;
	s3 =	ssub.s32 $0x2, s3;
	s5 =	sor.u32 s6, s5  }
0xb: {  	_ =	strace $0x80000047;
	s29 =	sshrl.u32 s3, $0x1;
	s9 =	sshll.u32 s5, $0x4  }
.Ltmp0:
0xc: {  	s3 =	ssub.s32 s3, s29;
	s5 =	sshrl.u32 s5, $0x3;
	(pc) =	sbr.rel .LBB2_1-.Ltmp0, $4  }
0xd: {  	s30 =	sadd.s32 s1, s9;
	s13 =	sor.u32 $0x80, s9;
	s31 =	sadd.s32 s2, s9  }
0xe: {  	s9 =	sadd.s32 s0, s9;
	s10 =	sor.u32 $0x2, s5;
	[dreg:$0x4] =	wrdreg s30  }
0xf: {  	s11 =	sor.u32 $0x3, s5;
	s12 =	smax.u32 s3, $0x1;
	[dreg:$0x5] =	wrdreg s31  }
0x10: {  	s7 =	sadd.s32 s1, s13;
	s8 =	sadd.s32 s2, s13;
	s13 =	sadd.s32 s0, s13  }
.LBB2_12:
0x11: {  	s25 =	sadd.s32 $0x1, s25  }
0x12: {  	_ =	swait.ge [sflag:s23], $0x400;
	p0 =	sne.s32 s25, s12  }
.Ltmp1:
0x13: {  	[sflag:s23] =	ssyncset.done $0x0;
	(pc) =	sbr.rel @!p0 .LBB2_13-.Ltmp1, $4  }
0x14: {  	[sflag:s23] =	ssyncadd.s32 $0xFFFFFC00  }
0x15: {  	_ =	swait.ge [sflag:s24], $0x400  }
0x16: {  	[sflag:s24] =	ssyncset.done $0x0  }
0x17: {  	[sflag:s24] =	ssyncadd.s32 $0xFFFFFC00  }
.LBB2_1:
0x18: {  	s0 =	rddreg [dreg:$0x4]  }
0x19: {  	[tilespmem:s4], [sflag:$0x1] =	stream.strided.gather [hbm4b:s0+s14], $0xC800, s15, s14, $0x38;
	[tilespmem:$0x1A000] =	vst v63  }
0x1a: {  	s31 =	rddreg [dreg:$0x5];
	s3 =	simm.s32 $0x19000  }
0x1b: {  	[tilespmem:s3], [sflag:$0x1] =	stream.linear.gather [hbm4b:s31+s4], $0x400, $0x38;
	[tilespmem:$0x1A000] =	vst v63  }
0x1c: {  	_ = 	snop  }
0x1d: {  	[tilespmem:s17], [sflag:$0x2] =	stream.strided.gather [hbm4b:s7+s14], $0xC800, s15, s14, $0x38;
	[tilespmem:$0x1A000] =	vst v63  }
0x1e: {  	s26 =	simm.s32 $0x0  }
0x1f: {  	[tilespmem:s18], [sflag:$0x2] =	stream.linear.gather [hbm4b:s8+s4], $0x400, $0x38;
	[tilespmem:$0x1A000] =	vst v63  }
.LBB2_2:
0x20: {  	_ =	swait.ge [sflag:s19], $0xC800  }
0x21: {  	[sflag:s19] =	ssyncset.done $0x0  }
0x22: {  	[sflag:s19] =	ssyncadd.s32 $0xFFFF3800  }
0x23: {  	_ =	swait.ge [sflag:s19], $0x400  }
0x24: {  	p0 =	seq.s32 s26, $0x0;
	[sflag:s19] =	ssyncset.done $0x0  }
0x25: {  	s0 =	simm.s32 @!p0 $0x3;
	[sflag:s19] =	ssyncadd.s32 $0xFFFFFC00  }
0x26: {  	_ =	swait.ge @!p0 [sflag:s0], $0x400  }
0x27: {  	s28 =	sshll.u32 s26, $0x1;
	s29 =	simm.s32 $0x0;
	[sflag:s0] =	ssyncset.done @!p0 $0x0  }
0x28: {  	s30 =	simm.s32 $0x19000;
	s31 =	simm.s32 $0x2000;
	[sflag:s0] =	ssyncadd.s32 @!p0 $0xFFFFFC00  }
.LBB2_3:
0x29: {  	v29 =	vld [tilespmem:s31+$0x1C00]  }
0x2a: {  	v31 =	vld [tilespmem:s31+$0x1C10]  }
0x2b: {  	v32 =	vld [tilespmem:s31+$0x1C20]  }
0x2c: {  	v37 =	vld [tilespmem:s31+$0x1C30]  }
0x2d: {  	v38 =	vld [tilespmem:s31+$0x1C40]  }
0x2e: {  	v42 =	vld [tilespmem:s31+$0x1C50]  }
0x2f: {  	v47 =	vld [tilespmem:s31+$0x1800]  }
0x30: {  	v48 =	vld [tilespmem:s31+$0x1810]  }
0x31: {  	v49 =	vld [tilespmem:s31+$0x1820]  }
0x32: {  	v43 =	vld [tilespmem:s31+$0x1830]  }
0x33: {  	v46 =	vld [tilespmem:s31+$0x1840]  }
0x34: {  	v45 =	vld [tilespmem:s31+$0x1850]  }
0x35: {  	v44 =	vld [tilespmem:s31+$0x1400]  }
0x36: {  	v17 =	vld [tilespmem:s31+$0x1410]  }
0x37: {  	v19 =	vld [tilespmem:s31+$0x1420]  }
0x38: {  	v18 =	vld [tilespmem:s31+$0x1430]  }
0x39: {  	v11 =	vld [tilespmem:s31+$0x1440]  }
0x3a: {  	v8 =	vld [tilespmem:s31+$0x1450]  }
0x3b: {  	v41 =	vld [tilespmem:s31+$0x1000]  }
0x3c: {  	v35 =	vld [tilespmem:s31+$0x1010]  }
0x3d: {  	v39 =	vld [tilespmem:s31+$0x1020]  }
0x3e: {  	v36 =	vld [tilespmem:s31+$0x1030]  }
0x3f: {  	v0 =	vmov s30;
	v23 =	vld [tilespmem:s31+$0x1040]  }
0x40: {  	v24 =	vld [tilespmem:s31+$0x1050]  }
0x41: {  	v33 =	vld [tilespmem:s31+$0xC00]  }
0x42: {  	v27 =	vld [tilespmem:s31+$0xC10]  }
0x43: {  	s0 =	simm.s32 $0x0;
	v28 =	vld [tilespmem:s31+$0xC20]  }
0x44: {  	v21 =	vld.idx.msk [tilespmem:v0+s0+$0x0 ss:$0x1], $0xffff  }
0x45: {  	v25 =	vld [tilespmem:s31+$0xC30]  }
0x46: {  	v4 =	vld [tilespmem:s31+$0xC40]  }
0x47: {  	v6 =	vld [tilespmem:s31+$0xC50]  }
0x48: {  	v12 =	vld [tilespmem:s31+$0x800]  }
0x49: {  	v30 =	vld [tilespmem:s31+$0xFFFFE400];
	[tilespmem:$0x1FED0] =	vst v0;
	v1 =	vbroadcast v21, $0xE;
	v0 =	vbroadcast v21, $0xF  }
0x4a: {  	v52 =	vld [tilespmem:s31+$0xFFFFE410];
	v3 =	vbroadcast v21, $0xC;
	v2 =	vbroadcast v21, $0xD  }
0x4b: {  	v20 =	vld [tilespmem:s31+$0xFFFFE000];
	v7 =	vbroadcast v21, $0xA;
	v5 =	vbroadcast v21, $0xB  }
0x4c: {  	v53 =	vld [tilespmem:s31+$0xFFFFE010];
	v10 =	vbroadcast v21, $0x8;
	v9 =	vbroadcast v21, $0x9  }
0x4d: {  	v54 =	vld [tilespmem:s31+$0xFFFFE020];
	v14 =	vbroadcast v21, $0x6;
	v13 =	vbroadcast v21, $0x7  }
0x4e: {  	v55 =	vld [tilespmem:s31+$0xFFFFE030];
	v26 =	vbroadcast v21, $0x0;
	v16 =	vbroadcast v21, $0x4  }
0x4f: {  	v50 =	vld [tilespmem:s31+$0xFFFFF800];
	v15 =	vbroadcast v21, $0x5;
	v22 =	vbroadcast v21, $0x1  }
0x50: {  	v56 =	vld [tilespmem:s31+$0xFFFFE420];
	v58 =	vmul.f32 v26, v20;
	v20 =	vbroadcast v21, $0x2  }
0x51: {  	v57 =	vld [tilespmem:s31+$0xFFFFE430];
	v53 =	vmul.f32 v53, v26;
	v30 =	vmul.f32 v30, v22  }
0x52: {  	v60 =	vld [tilespmem:s31+$0xFFFFE810];
	v54 =	vmul.f32 v54, v26;
	v52 =	vmul.f32 v52, v22  }
0x53: {  	v59 =	vld [tilespmem:s31+$0xFFFFE800];
	v55 =	vmul.f32 v55, v26;
	v21 =	vbroadcast v21, $0x3  }
0x54: {  	v63 =	vimm.f32 $0.0e+00;
	v61 =	vld [tilespmem:s31+$0xFFFFE820];
	v50 =	vmul.f32 v50, v14;
	v11 =	vmul.f32 v11, v2  }
0x55: {  	v62 =	vld [tilespmem:s31+$0xFFFFE830];
	v8 =	vmul.f32 v8, v2;
	v12 =	vmul.f32 v12, v7;
	v58 =	vadd.f32 v58, v63  }
0x56: {  	v40 =	vld [tilespmem:s31+$0x810];
	v4 =	vmul.f32 v4, v5;
	v53 =	vadd.f32 v53, v63;
	v54 =	vadd.f32 v54, v63  }
0x57: {  	v51 =	vld [tilespmem:s31+$0xFFFFEC00];
	v55 =	vadd.f32 v55, v63;
	v60 =	vmul.f32 v60, v20;
	v58 =	vadd.f32 v30, v58  }
0x58: {  	v30 =	vmul.f32 v56, v22;
	v52 =	vadd.f32 v52, v53;
	v53 =	vld [tilespmem:s31+$0xFFFFEC10];
	v56 =	vmul.f32 v57, v22  }
0x59: {  	v61 =	vmul.f32 v61, v20;
	v57 =	vmul.f32 v59, v20;
	v59 =	vld [tilespmem:s31+$0xFFFFEC20]  }
0x5a: {  	v62 =	vmul.f32 v62, v20;
	v54 =	vadd.f32 v30, v54;
	v55 =	vadd.f32 v56, v55;
	v56 =	vld [tilespmem:s31+$0xFFFFEC30]  }
0x5b: {  	v30 =	vmul.f32 v29, v0;
	v29 =	vmul.f32 v31, v0;
	v57 =	vadd.f32 v57, v58;
	v58 =	vld [tilespmem:s31+$0xFFFFF000]  }
0x5c: {  	v51 =	vmul.f32 v51, v21;
	[tilespmem:$0x1FF80] =	vst v4;
	v4 =	vmul.f32 v6, v5;
	v52 =	vadd.f32 v60, v52;
	v60 =	vld [tilespmem:s31+$0xFFFFF010]  }
0x5d: {  	v31 =	vmul.f32 v44, v2;
	[tilespmem:$0x1FEE0] =	vst v29;
	v29 =	vmul.f32 v32, v0;
	v32 =	vld [tilespmem:s31+$0xFFFFF020]  }
0x5e: {  	v54 =	vadd.f32 v61, v54;
	v62 =	vadd.f32 v62, v55;
	v55 =	vld [tilespmem:s31+$0xFFFFF030];
	v53 =	vmul.f32 v53, v21  }
0x5f: {  	v51 =	vadd.f32 v51, v57;
	v57 =	vld [tilespmem:s31+$0xFFFFF400];
	v59 =	vmul.f32 v59, v21;
	[tilespmem:$0x1FEF0] =	vst v29;
	v29 =	vmul.f32 v37, v0  }
0x60: {  	v61 =	vld [tilespmem:s31+$0xFFFFF820];
	v37 =	vmul.f32 v48, v1;
	v56 =	vmul.f32 v56, v21;
	v52 =	vadd.f32 v53, v52  }
0x61: {  	v34 =	vld [tilespmem:s31+$0x820];
	v53 =	vadd.f32 v26, v63;
	v58 =	vmul.f32 v58, v16;
	[tilespmem:$0x1FF00] =	vst v29;
	v29 =	vimm.f32 $0.0e+00  }
0x62: {  	v54 =	vadd.f32 v59, v54;
	v59 =	vld [tilespmem:s31+$0xFFFFF410];
	[tilespmem:$0x1FF10] =	vst v29;
	v29 =	vmul.f32 v38, v0;
	v38 =	vmul.f32 v60, v16  }
0x63: {  	v56 =	vadd.f32 v56, v62;
	v60 =	vld [tilespmem:s31+$0xFFFFF420];
	v63 =	vmul.f32 v32, v16;
	v32 =	vmul.f32 v47, v1  }
0x64: {  	v51 =	vadd.f32 v58, v51;
	v58 =	vld [tilespmem:s31+$0xFFFFF430];
	v55 =	vmul.f32 v55, v16;
	v57 =	vmul.f32 v57, v15  }
0x65: {  	v53 =	vadd.f32 v53, v22;
	v61 =	vmul.f32 v61, v14;
	v47 =	vadd.f32 v38, v52;
	v52 =	vld [tilespmem:s31+$0xFFFFF810]  }
0x66: {  	[tilespmem:$0x1FF20] =	vst v29;
	v29 =	vmul.f32 v42, v0;
	v48 =	vadd.f32 v63, v54;
	v54 =	vld [tilespmem:s31+$0xFFFFFC00];
	v55 =	vadd.f32 v55, v56  }
0x67: {  	v42 =	vmul.f32 v49, v1;
	v62 =	vadd.f32 v57, v51;
	v51 =	vld [tilespmem:s31+$0xFFFFF830];
	v56 =	vmul.f32 v39, v3  }
0x68: {  	v38 =	vld [tilespmem:s31+$0xFFFFFC10];
	v53 =	vadd.f32 v53, v20;
	v39 =	vmul.f32 v23, v3;
	v59 =	vmul.f32 v59, v15  }
0x69: {  	v57 =	vld [tilespmem:s31+$0xFFFFFC20];
	[tilespmem:$0x1FF30] =	vst v29;
	v29 =	vmul.f32 v46, v1;
	v58 =	vmul.f32 v58, v15  }
0x6a: {  	v49 =	vadd.f32 v50, v62;
	v62 =	vld [tilespmem:s31+$0x10];
	v53 =	vadd.f32 v53, v21;
	v63 =	vmul.f32 v60, v15  }
0x6b: {  	v47 =	vadd.f32 v59, v47;
	[tilespmem:$0x1FF40] =	vst v29;
	v29 =	vmul.f32 v45, v1;
	v60 =	vadd.f32 v58, v55;
	v58 =	vld [tilespmem:s31+$0x0]  }
0x6c: {  	v52 =	vmul.f32 v52, v14;
	v48 =	vadd.f32 v63, v48;
	v54 =	vmul.f32 v54, v13;
	v63 =	vld [tilespmem:s31+$0x20]  }
0x6d: {  	v59 =	vld [tilespmem:s31+$0x830];
	v53 =	vadd.f32 v53, v16;
	v51 =	vmul.f32 v51, v14;
	v38 =	vmul.f32 v38, v13  }
0x6e: {  	v55 =	vld [tilespmem:s31+$0xFFFFFC30];
	v57 =	vmul.f32 v57, v13;
	v47 =	vadd.f32 v52, v47;
	v45 =	vadd.f32 v61, v48  }
0x6f: {  	[tilespmem:$0x1FF50] =	vst v29;
	v29 =	vmul.f32 v27, v5;
	v46 =	vadd.f32 v51, v60;
	v60 =	vld [tilespmem:s31+$0x30];
	v49 =	vadd.f32 v54, v49  }
0x70: {  	v54 =	vld [tilespmem:s31+$0x400];
	v52 =	vmul.f32 v19, v2;
	v44 =	vadd.f32 v38, v47;
	v38 =	vmul.f32 v17, v2  }
0x71: {  	v61 =	vld [tilespmem:s31+$0x410];
	v17 =	vmul.f32 v58, v10;
	v19 =	vmul.f32 v63, v10;
	v63 =	vadd.f32 v53, v15  }
0x72: {  	v62 =	vmul.f32 v62, v10;
	v48 =	vld [tilespmem:s31+$0x430];
	v6 =	vmul.f32 v59, v7  }
0x73: {  	v23 =	vld [tilespmem:s31+$0xFFFFFC50];
	v55 =	vmul.f32 v55, v13;
	v17 =	vadd.f32 v17, v49;
	v49 =	vadd.f32 v63, v14  }
0x74: {  	v27 =	vld [tilespmem:s31+$0xFFFFEC40];
	v45 =	vadd.f32 v57, v45;
	v53 =	vmul.f32 v18, v2;
	v44 =	vadd.f32 v62, v44  }
0x75: {  	[tilespmem:$0x1FF70] =	vst v8;
	v57 =	vld [tilespmem:s31+$0x420];
	v46 =	vadd.f32 v55, v46;
	v60 =	vmul.f32 v60, v10;
	v8 =	vadd.f32 v49, v13  }
0x76: {  	v62 =	vld [tilespmem:s31+$0x440];
	v18 =	vmul.f32 v54, v9;
	v19 =	vadd.f32 v19, v45;
	v47 =	vmul.f32 v61, v9  }
0x77: {  	v58 =	vld [tilespmem:s31+$0x840];
	v54 =	vmul.f32 v41, v3;
	v61 =	vmul.f32 v48, v9;
	v8 =	vadd.f32 v8, v10  }
0x78: {  	v63 =	vld [tilespmem:s31+$0x450];
	v41 =	vmul.f32 v24, v3;
	v46 =	vadd.f32 v60, v46;
	v17 =	vadd.f32 v18, v17  }
0x79: {  	v45 =	vld [tilespmem:s31+$0x850];
	v24 =	vmul.f32 v40, v7;
	v18 =	vadd.f32 v47, v44;
	v8 =	vadd.f32 v8, v9  }
0x7a: {  	[tilespmem:$0x1FF60] =	vst v11;
	v11 =	vmul.f32 v57, v9;
	v44 =	vld [tilespmem:s31+$0x40];
	v57 =	vmul.f32 v36, v3;
	v36 =	vadd.f32 v61, v46  }
0x7b: {  	v40 =	vld [tilespmem:s31+$0xFFFFF840];
	v47 =	vadd.f32 v24, v18;
	v24 =	vmul.f32 v62, v9;
	v8 =	vadd.f32 v8, v7  }
0x7c: {  	[tilespmem:$0x1FF90] =	vst v4;
	v55 =	vmul.f32 v35, v3;
	v11 =	vadd.f32 v11, v19;
	v19 =	vld [tilespmem:s31+$0x50];
	v18 =	vmul.f32 v34, v7  }
0x7d: {  	v35 =	vld [tilespmem:s31+$0xFFFFF050];
	[tilespmem:$0x1FFB0] =	vst v24;
	v24 =	vadd.f32 v6, v36;
	v6 =	vmul.f32 v63, v9;
	v4 =	vadd.f32 v8, v5  }
0x7e: {  	v49 =	vld [tilespmem:s31+$0xFFFFFC40];
	v12 =	vadd.f32 v12, v17;
	v18 =	vadd.f32 v18, v11;
	v11 =	vmul.f32 v58, v7  }
0x7f: {  	v17 =	vmul.f32 v33, v5;
	v33 =	vld [tilespmem:s31+$0xFFFFF850];
	[tilespmem:$0x1FFC0] =	vst v6;
	v6 =	vmul.f32 v44, v10;
	v4 =	vadd.f32 v4, v3  }
0x80: {  	v43 =	vmul.f32 v43, v1;
	v59 =	vmul.f32 v23, v13;
	[tilespmem:$0x1FFA0] =	vst v11;
	v8 =	vld [tilespmem:s31+$0xFFFFF450]  }
0x81: {  	v60 =	vmul.f32 v28, v5;
	v11 =	vld [tilespmem:s31+$0xFFFFF040];
	[tilespmem:$0x1FFD0] =	vst v6;
	v6 =	vmul.f32 v19, v10;
	v4 =	vadd.f32 v4, v2  }
0x82: {  	v61 =	vmul.f32 v25, v5;
	v25 =	vld [tilespmem:s31+$0xFFFFF440];
	v45 =	vmul.f32 v45, v7  }
0x83: {  	v23 =	vld [tilespmem:s31+$0xFFFFE840];
	v62 =	vmul.f32 v40, v14;
	[tilespmem:$0x1FFE0] =	vst v6;
	v6 =	vadd.f32 v17, v12;
	v12 =	vadd.f32 v4, v1  }
0x84: {  	v48 =	vld [tilespmem:s31+$0xFFFFE440];
	v40 =	vimm.f32 $0.0e+00;
	v47 =	vadd.f32 v29, v47;
	v58 =	vmul.f32 v49, v13  }
0x85: {  	v63 =	vmul.f32 v33, v14;
	v19 =	vld [tilespmem:s31+$0xFFFFEC50];
	v46 =	vmul.f32 v8, v15;
	v8 =	vadd.f32 v12, v0  }
0x86: {  	v36 =	vimm.f32 $0.0e+00;
	v17 =	vld [tilespmem:s31+$0xFFFFE850];
	v49 =	vmul.f32 v11, v16;
	v11 =	vmul.f32 v27, v21  }
0x87: {  	s16 =	simm.s32 $0x40;
	s3 =	smov.u32 s31;
	s0 =	sshll.u32 s29, $0x7;
	v44 =	vimm.f32 $0.0e+00;
	v4 =	vmul.f32 v25, v15;
	v12 =	vld [tilespmem:s31+$0xFFFFE450];
	[tilespmem:$0x1FFF0] =	vst v8;
	v8 =	vmul.f32 v35, v16  }
.LBB2_4:
0x88: {  	v18 =	vadd.f32 v60, v18;
	_ =	sdelay $0x1  }
0x89: {  	v18 =	vadd.f32 v56, v18  }
0x8a: {  	v27 =	vld [tilespmem:$0x1FEF0]  }
0x8b: {  	v18 =	vadd.f32 v52, v18;
	_ =	sdelay $0x1  }
0x8c: {  	v6 =	vadd.f32 v54, v6;
	v18 =	vadd.f32 v42, v18  }
0x8d: {  	v24 =	vadd.f32 v61, v24  }
0x8e: {  	v6 =	vadd.f32 v31, v6;
	v18 =	vadd.f32 v27, v18  }
0x8f: {  	v24 =	vadd.f32 v57, v24  }
0x90: {  	v6 =	vadd.f32 v32, v6;
	[tilespmem:$0x1FDF0] =	vst v18;
	v18 =	vld [tilespmem:$0x1FF00]  }
0x91: {  	v25 =	vld [tilespmem:s3+$0xFFFFE040];
	v24 =	vadd.f32 v53, v24  }
0x92: {  	v33 =	vld [tilespmem:s3+$0xFFFFE050];
	v6 =	vadd.f32 v30, v6  }
0x93: {  	v34 =	vld [tilespmem:s3+$0xFFFFE060];
	v47 =	vadd.f32 v55, v47;
	v24 =	vadd.f32 v43, v24  }
0x94: {  	[tilespmem:$0x1FDD0] =	vst v6;
	v6 =	vld [tilespmem:$0x1FEE0]  }
0x95: {  	v35 =	vld [tilespmem:s3+$0xFFFFE070];
	v47 =	vadd.f32 v38, v47;
	v18 =	vadd.f32 v18, v24  }
0x96: {  	v50 =	vld [tilespmem:s3+$0xFFFFE460]  }
0x97: {  	v19 =	vmul.f32 v19, v21;
	v37 =	vadd.f32 v37, v47;
	[tilespmem:$0x1FE00] =	vst v18;
	v18 =	vld [tilespmem:$0x1FF10]  }
0x98: {  	v51 =	vld [tilespmem:s3+$0xFFFFE470];
	v23 =	vmul.f32 v23, v20;
	v17 =	vmul.f32 v17, v20  }
0x99: {  	v57 =	vld [tilespmem:s3+$0xFFFFE860];
	v48 =	vmul.f32 v48, v22;
	v56 =	vmul.f32 v33, v26;
	v6 =	vadd.f32 v6, v37  }
0x9a: {  	v61 =	vld [tilespmem:s3+$0xFFFFE870];
	v25 =	vmul.f32 v25, v26;
	v60 =	vmul.f32 v34, v26  }
0x9b: {  	v12 =	vmul.f32 v12, v22;
	v24 =	vadd.f32 v56, v36;
	[tilespmem:$0x1FDE0] =	vst v6;
	v6 =	vmul.f32 v35, v26;
	v26 =	vld [tilespmem:s3+$0xFFFFEC60]  }
0x9c: {  	v29 =	vld [tilespmem:s3+$0xFFFFEC70];
	v30 =	vadd.f32 v60, v44;
	v18 =	vadd.f32 v25, v18;
	v25 =	vmul.f32 v50, v22  }
0x9d: {  	v31 =	vld [tilespmem:s3+$0xFFFFF060];
	v12 =	vadd.f32 v12, v24;
	v6 =	vadd.f32 v6, v40;
	v22 =	vmul.f32 v51, v22  }
0x9e: {  	v24 =	vmul.f32 v57, v20;
	v18 =	vadd.f32 v48, v18;
	v48 =	vld [tilespmem:s3+$0xFFFFF070];
	v25 =	vadd.f32 v25, v30  }
0x9f: {  	v20 =	vmul.f32 v61, v20;
	v12 =	vadd.f32 v17, v12;
	v6 =	vadd.f32 v22, v6;
	v22 =	vld [tilespmem:s3+$0xFFFFF460]  }
0xa0: {  	v17 =	vmul.f32 v26, v21;
	v18 =	vadd.f32 v23, v18;
	v23 =	vld [tilespmem:s3+$0xFFFFF470];
	v24 =	vadd.f32 v24, v25  }
0xa1: {  	v12 =	vadd.f32 v19, v12;
	v6 =	vadd.f32 v20, v6;
	v20 =	vmul.f32 v29, v21;
	v21 =	vld [tilespmem:s3+$0xFFFFF860]  }
0xa2: {  	v19 =	vld [tilespmem:s3+$0xFFFFF870];
	v11 =	vadd.f32 v11, v18;
	v18 =	vmul.f32 v31, v16;
	v17 =	vadd.f32 v17, v24  }
0xa3: {  	v8 =	vadd.f32 v8, v12;
	v6 =	vadd.f32 v20, v6;
	v20 =	vld [tilespmem:s3+$0xFFFFFC60];
	v16 =	vmul.f32 v48, v16  }
0xa4: {  	v12 =	vmul.f32 v22, v15;
	v11 =	vadd.f32 v49, v11;
	v17 =	vadd.f32 v18, v17  }
0xa5: {  	v6 =	vadd.f32 v16, v6;
	v15 =	vmul.f32 v23, v15;
	v16 =	vld [tilespmem:s3+$0x60]  }
0xa6: {  	v4 =	vadd.f32 v4, v11;
	v11 =	vmul.f32 v21, v14;
	v12 =	vadd.f32 v12, v17  }
0xa7: {  	v22 =	vld [tilespmem:s3+$0xFFFFFC70];
	v14 =	vmul.f32 v19, v14  }
0xa8: {  	v18 =	vld [tilespmem:s3+$0x70];
	v6 =	vadd.f32 v15, v6;
	v17 =	vmul.f32 v20, v13;
	v11 =	vadd.f32 v11, v12  }
0xa9: {  	v19 =	vld [tilespmem:s3+$0x470]  }
0xaa: {  	v6 =	vadd.f32 v14, v6;
	v14 =	vmul.f32 v16, v10;
	v11 =	vadd.f32 v17, v11;
	v17 =	vld [tilespmem:$0x1FFD0]  }
0xab: {  	v15 =	vld [tilespmem:s3+$0x460];
	v4 =	vadd.f32 v62, v4  }
0xac: {  	v11 =	vadd.f32 v14, v11;
	v14 =	vld [tilespmem:$0x1FFB0]  }
0xad: {  	v12 =	vmul.f32 v22, v13;
	v13 =	vld [tilespmem:s3+$0x860];
	v4 =	vadd.f32 v58, v4  }
0xae: {  	v8 =	vadd.f32 v46, v8;
	v16 =	vld [tilespmem:s3+$0x870]  }
0xaf: {  	v4 =	vadd.f32 v17, v4;
	v17 =	vld [tilespmem:$0x1FFE0]  }
0xb0: {  	v8 =	vadd.f32 v63, v8;
	v10 =	vmul.f32 v18, v10;
	v6 =	vadd.f32 v12, v6;
	v12 =	vld [tilespmem:s3+$0xC60]  }
0xb1: {  	v15 =	vmul.f32 v15, v9;
	v4 =	vadd.f32 v14, v4;
	v14 =	vld [tilespmem:$0x1FFC0]  }
0xb2: {  	v8 =	vadd.f32 v59, v8;
	v6 =	vadd.f32 v10, v6;
	v10 =	vld [tilespmem:s3+$0x1060]  }
0xb3: {  	v13 =	vmul.f32 v13, v7;
	v11 =	vadd.f32 v15, v11;
	v15 =	vld [tilespmem:$0x1FFA0]  }
0xb4: {  	v8 =	vadd.f32 v17, v8;
	v17 =	vld [tilespmem:s3+$0xC70]  }
0xb5: {  	v9 =	vmul.f32 v19, v9;
	v11 =	vadd.f32 v13, v11;
	v13 =	vld [tilespmem:$0x1FF80]  }
0xb6: {  	v8 =	vadd.f32 v14, v8;
	v14 =	vld [tilespmem:s3+$0x1070]  }
0xb7: {  	v6 =	vadd.f32 v9, v6;
	v7 =	vmul.f32 v16, v7;
	v9 =	vld [tilespmem:s3+$0x1460]  }
0xb8: {  	v4 =	vadd.f32 v15, v4;
	v15 =	vld [tilespmem:s3+$0x1470]  }
0xb9: {  	v12 =	vmul.f32 v12, v5;
	v6 =	vadd.f32 v7, v6;
	v5 =	vmul.f32 v17, v5  }
0xba: {  	v10 =	vmul.f32 v10, v3  }
0xbb: {  	v4 =	vadd.f32 v13, v4;
	v13 =	vld [tilespmem:$0x1FF90];
	v5 =	vadd.f32 v5, v6;
	v3 =	vmul.f32 v14, v3  }
0xbc: {  	v7 =	vld [tilespmem:s3+$0x1860]  }
0xbd: {  	v9 =	vmul.f32 v9, v2;
	v2 =	vmul.f32 v15, v2;
	v3 =	vadd.f32 v3, v5;
	v5 =	vld [tilespmem:$0x1FF60]  }
0xbe: {  	v11 =	vadd.f32 v12, v11;
	v12 =	vld [tilespmem:s3+$0x1C70];
	v8 =	vadd.f32 v45, v8  }
0xbf: {  	v2 =	vadd.f32 v2, v3;
	v3 =	vld [tilespmem:$0x1FF40]  }
0xc0: {  	v4 =	vadd.f32 v39, v4;
	v8 =	vadd.f32 v13, v8;
	v13 =	vld [tilespmem:s3+$0x1870]  }
0xc1: {  	v6 =	vld [tilespmem:s3+$0x1C60]  }
0xc2: {  	s3 =	sadd.s32 $0x4000, s3;
	v4 =	vadd.f32 v5, v4;
	v5 =	vld [tilespmem:$0x1FF70]  }
0xc3: {  	v17 =	vld [tilespmem:s3+$0x1C00]  }
0xc4: {  	v3 =	vadd.f32 v3, v4;
	v4 =	vld [tilespmem:$0x1FF50]  }
0xc5: {  	v10 =	vadd.f32 v10, v11;
	v8 =	vadd.f32 v41, v8;
	v11 =	vld [tilespmem:s3+$0x1C10]  }
0xc6: {  	v7 =	vmul.f32 v7, v1;
	v18 =	vld [tilespmem:s3+$0x1C30];
	v1 =	vmul.f32 v13, v1  }
0xc7: {  	v19 =	vld [tilespmem:s3+$0x1810];
	v5 =	vadd.f32 v5, v8  }
0xc8: {  	v23 =	vld [tilespmem:s3+$0x1820];
	v1 =	vadd.f32 v1, v2  }
0xc9: {  	v24 =	vld [tilespmem:s3+$0x1830];
	v4 =	vadd.f32 v4, v5;
	v5 =	vmul.f32 v6, v0;
	v0 =	vmul.f32 v12, v0  }
0xca: {  	v25 =	vld [tilespmem:s3+$0x1840]  }
0xcb: {  	v27 =	vld [tilespmem:s3+$0x1850];
	v0 =	vadd.f32 v0, v1  }
0xcc: {  	v2 =	vld [tilespmem:$0x1FF20]  }
0xcd: {  	[tilespmem:$0x1FE20] =	vst v0;
	v0 =	vld [tilespmem:$0x1FED0]  }
0xce: {  	v28 =	vld [tilespmem:s3+$0x1400]  }
0xcf: {  	v33 =	vld [tilespmem:s3+$0x1410]  }
0xd0: {  	v34 =	vld [tilespmem:s3+$0x1420]  }
0xd1: {  	v35 =	vld [tilespmem:s3+$0x1430]  }
0xd2: {  	v36 =	vld [tilespmem:s3+$0x1440];
	v2 =	vadd.f32 v2, v3  }
0xd3: {  	v44 =	vld [tilespmem:s3+$0x1450]  }
0xd4: {  	s5 =	sshra.s32 s16, $0x2;
	[tilespmem:$0x1FF10] =	vst v2;
	v2 =	vld [tilespmem:$0x1FF30]  }
0xd5: {  	v22 =	vld.idx.msk [tilespmem:v0+s5+$0x0 ss:$0x1], $0xffff  }
0xd6: {  	v45 =	vld [tilespmem:s3+$0x1000]  }
0xd7: {  	v9 =	vadd.f32 v9, v10;
	v8 =	vld [tilespmem:s3+$0x1C20]  }
0xd8: {  	v46 =	vld [tilespmem:s3+$0x1010]  }
0xd9: {  	v7 =	vadd.f32 v7, v9;
	v47 =	vld [tilespmem:s3+$0x1020];
	v2 =	vadd.f32 v2, v4  }
0xda: {  	v48 =	vld [tilespmem:s3+$0x1030];
	v0 =	vbroadcast v22, $0xF  }
0xdb: {  	v49 =	vld [tilespmem:s3+$0x1040];
	[tilespmem:$0x1FE40] =	vst v2;
	v2 =	vadd.f32 v5, v7  }
0xdc: {  	v58 =	vld [tilespmem:s3+$0x1050];
	v8 =	vmul.f32 v8, v0  }
0xdd: {  	v59 =	vld [tilespmem:s3+$0xC00];
	[tilespmem:$0x1FE10] =	vst v2;
	v1 =	vbroadcast v22, $0xE;
	v3 =	vbroadcast v22, $0xC  }
0xde: {  	v4 =	vld [tilespmem:s3+$0x1800];
	v2 =	vbroadcast v22, $0xD;
	[tilespmem:$0x1FEF0] =	vst v8;
	v8 =	vmul.f32 v18, v0  }
0xdf: {  	v60 =	vld [tilespmem:s3+$0xC10];
	v7 =	vbroadcast v22, $0xA;
	v5 =	vbroadcast v22, $0xB  }
0xe0: {  	v10 =	vbroadcast v22, $0x8;
	v9 =	vbroadcast v22, $0x9;
	[tilespmem:$0x1FF00] =	vst v8;
	v8 =	vld [tilespmem:$0x1FFF0]  }
0xe1: {  	v61 =	vld [tilespmem:s3+$0xC20];
	v14 =	vbroadcast v22, $0x6;
	v13 =	vbroadcast v22, $0x7  }
0xe2: {  	v62 =	vld [tilespmem:s3+$0xC30];
	v16 =	vbroadcast v22, $0x4;
	v15 =	vbroadcast v22, $0x5  }
0xe3: {  	v50 =	vld [tilespmem:s3+$0xC40];
	v26 =	vbroadcast v22, $0x0;
	v4 =	vmul.f32 v4, v1  }
0xe4: {  	v29 =	vld [tilespmem:s3+$0xC50];
	v20 =	vbroadcast v22, $0x2;
	v21 =	vbroadcast v22, $0x3  }
0xe5: {  	v30 =	vld [tilespmem:s3+$0x800];
	v22 =	vbroadcast v22, $0x1;
	[tilespmem:$0x1FE90] =	vst v4;
	v4 =	vmul.f32 v19, v1;
	v8 =	vadd.f32 v26, v8  }
0xe6: {  	v31 =	vld [tilespmem:s3+$0x810]  }
0xe7: {  	v32 =	vld [tilespmem:s3+$0x820];
	[tilespmem:$0x1FE60] =	vst v4;
	v4 =	vadd.f32 v8, v22  }
0xe8: {  	v37 =	vld [tilespmem:s3+$0x830]  }
0xe9: {  	v38 =	vld [tilespmem:s3+$0x840];
	v4 =	vadd.f32 v4, v20  }
0xea: {  	v39 =	vld [tilespmem:s3+$0x850]  }
0xeb: {  	v6 =	vld [tilespmem:s3+$0x1C40];
	v4 =	vadd.f32 v4, v21  }
0xec: {  	v40 =	vld [tilespmem:s3+$0x400]  }
0xed: {  	v12 =	vld [tilespmem:s3+$0x1C50];
	v8 =	vmul.f32 v24, v1;
	v4 =	vadd.f32 v4, v16  }
0xee: {  	v41 =	vld [tilespmem:s3+$0x410]  }
0xef: {  	v42 =	vld [tilespmem:s3+$0x420];
	[tilespmem:$0x1FE30] =	vst v8;
	v8 =	vmul.f32 v25, v1;
	v4 =	vadd.f32 v4, v15  }
0xf0: {  	v43 =	vld [tilespmem:s3+$0x440];
	v6 =	vmul.f32 v6, v0;
	v52 =	vmul.f32 v34, v2  }
0xf1: {  	v53 =	vmul.f32 v35, v2;
	v34 =	vld [tilespmem:s3+$0xFFFFFC00];
	[tilespmem:$0x1FF40] =	vst v8;
	v8 =	vmul.f32 v27, v1;
	v4 =	vadd.f32 v4, v14  }
0xf2: {  	v57 =	vmul.f32 v48, v3;
	v35 =	vld [tilespmem:s3+$0xFFFFFC10];
	[tilespmem:$0x1FF20] =	vst v6;
	v6 =	vmul.f32 v12, v0  }
0xf3: {  	v48 =	vmul.f32 v30, v7;
	v30 =	vld [tilespmem:s3+$0xFFFFF000];
	[tilespmem:$0x1FF50] =	vst v8;
	v8 =	vmul.f32 v28, v2;
	v4 =	vadd.f32 v4, v13  }
0xf4: {  	v56 =	vmul.f32 v47, v3;
	[tilespmem:$0x1FF30] =	vst v6;
	v6 =	vld [tilespmem:s3+$0x450]  }
0xf5: {  	v47 =	vmul.f32 v37, v7;
	v37 =	vld [tilespmem:s3+$0xFFFFEC10];
	[tilespmem:$0x1FE80] =	vst v8;
	v8 =	vmul.f32 v33, v2;
	v4 =	vadd.f32 v4, v10  }
0xf6: {  	v17 =	vmul.f32 v17, v0;
	v54 =	vmul.f32 v45, v3;
	v24 =	vld [tilespmem:s3+$0x20]  }
0xf7: {  	v45 =	vld [tilespmem:s3+$0xFFFFE010];
	[tilespmem:$0x1FE50] =	vst v8;
	v8 =	vmul.f32 v36, v2;
	v36 =	vadd.f32 v4, v9;
	v4 =	vmul.f32 v43, v9  }
0xf8: {  	v51 =	vmul.f32 v39, v7;
	v39 =	vld [tilespmem:s3+$0xFFFFEC30];
	[tilespmem:$0x1FEC0] =	vst v17  }
0xf9: {  	v17 =	vld [tilespmem:s3+$0x430];
	[tilespmem:$0x1FFB0] =	vst v4;
	v4 =	vmul.f32 v6, v9  }
0xfa: {  	v11 =	vmul.f32 v11, v0;
	v19 =	vld [tilespmem:s3+$0x0]  }
0xfb: {  	v12 =	vmul.f32 v23, v1;
	v23 =	vld [tilespmem:s3+$0x10];
	[tilespmem:$0x1FFC0] =	vst v4;
	v4 =	vmul.f32 v24, v10;
	v24 =	vadd.f32 v36, v7  }
0xfc: {  	[tilespmem:$0x1FEE0] =	vst v11;
	v11 =	vmul.f32 v59, v5;
	v28 =	vld [tilespmem:s3+$0x40]  }
0xfd: {  	v59 =	vld [tilespmem:s3+$0xFFFFF810];
	v24 =	vadd.f32 v24, v5  }
0xfe: {  	[tilespmem:$0x1FEA0] =	vst v11;
	v11 =	vmul.f32 v60, v5;
	v33 =	vld [tilespmem:s3+$0x50]  }
0xff: {  	v18 =	vmul.f32 v38, v7;
	v38 =	vld [tilespmem:s3+$0xFFFFE800];
	v60 =	vmul.f32 v61, v5;
	v24 =	vadd.f32 v24, v3  }
0x100: {  	v61 =	vmul.f32 v62, v5;
	v62 =	vld [tilespmem:s3+$0xFFFFF400];
	[tilespmem:$0x1FEB0] =	vst v11;
	v11 =	vmul.f32 v50, v5  }
0x101: {  	[tilespmem:$0x1FFA0] =	vst v18;
	v18 =	vmul.f32 v41, v9;
	v41 =	vld [tilespmem:s3+$0xFFFFE430];
	v28 =	vmul.f32 v28, v10;
	v24 =	vadd.f32 v24, v2  }
0x102: {  	v50 =	vld [tilespmem:s3+$0xFFFFE420];
	[tilespmem:$0x1FF80] =	vst v11;
	v11 =	vmul.f32 v29, v5  }
0x103: {  	v29 =	vld [tilespmem:s3+$0xFFFFF410];
	[tilespmem:$0x1FFD0] =	vst v28;
	v28 =	vmul.f32 v33, v10;
	v24 =	vadd.f32 v24, v1  }
0x104: {  	[tilespmem:$0x1FF90] =	vst v11;
	v11 =	vmul.f32 v32, v7;
	v32 =	vld [tilespmem:s3+$0xFFFFEC00]  }
0x105: {  	[tilespmem:$0x1FFE0] =	vst v28;
	v28 =	vld [tilespmem:s3+$0xFFFFE000];
	v24 =	vadd.f32 v24, v0  }
0x106: {  	v27 =	vld [tilespmem:s3+$0x30];
	[tilespmem:$0x1FF60] =	vst v8;
	v8 =	vmul.f32 v44, v2  }
0x107: {  	[tilespmem:$0x1FFF0] =	vst v24;
	v24 =	vld [tilespmem:$0x1FDD0]  }
0x108: {  	[tilespmem:$0x1FF70] =	vst v8;
	v8 =	vmul.f32 v49, v3;
	v49 =	vmul.f32 v42, v9;
	v42 =	vld [tilespmem:s3+$0xFFFFE400]  }
0x109: {  	v25 =	vmul.f32 v31, v7;
	v31 =	vld [tilespmem:s3+$0xFFFFF010]  }
0x10a: {  	[tilespmem:$0x1FE70] =	vst v8;
	v8 =	vmul.f32 v58, v3;
	v58 =	vld [tilespmem:s3+$0xFFFFF800];
	v28 =	vmul.f32 v26, v28  }
0x10b: {  	v63 =	vmul.f32 v19, v10;
	v19 =	vmul.f32 v27, v10;
	v27 =	vld [tilespmem:s3+$0xFFFFE410]  }
0x10c: {  	v55 =	vmul.f32 v46, v3;
	v46 =	vmul.f32 v40, v9;
	v24 =	vadd.f32 v28, v24;
	v28 =	vld [tilespmem:$0x1FDE0]  }
0x10d: {  	v38 =	vmul.f32 v38, v20;
	v44 =	vld [tilespmem:s3+$0xFFFFE830];
	v42 =	vmul.f32 v42, v22  }
0x10e: {  	v33 =	vmul.f32 v34, v13;
	v34 =	vmul.f32 v35, v13;
	v6 =	vld [tilespmem:s3+$0xFFFFE810]  }
0x10f: {  	v35 =	vmul.f32 v45, v26;
	v40 =	vmul.f32 v58, v14;
	v58 =	vld [tilespmem:s3+$0xFFFFE020];
	v24 =	vadd.f32 v42, v24  }
0x110: {  	v32 =	vmul.f32 v32, v21;
	v45 =	vld [tilespmem:s3+$0xFFFFEC20];
	v27 =	vmul.f32 v27, v22  }
0x111: {  	v24 =	vadd.f32 v38, v24;
	v28 =	vadd.f32 v35, v28;
	v35 =	vmul.f32 v50, v22;
	v50 =	vld [tilespmem:$0x1FDF0]  }
0x112: {  	v43 =	vmul.f32 v59, v14;
	v59 =	vmul.f32 v62, v15;
	v62 =	vld [tilespmem:s3+$0xFFFFE030]  }
0x113: {  	v30 =	vmul.f32 v30, v16;
	v36 =	vld [tilespmem:s3+$0xFFFFE820];
	v24 =	vadd.f32 v32, v24  }
0x114: {  	v6 =	vmul.f32 v6, v20;
	v58 =	vmul.f32 v58, v26;
	v42 =	vmovc v12;
	v12 =	vld [tilespmem:s3+$0xFFFFE450];
	v27 =	vadd.f32 v27, v28  }
0x115: {  	v38 =	vld [tilespmem:s3+$0xFFFFF430];
	v24 =	vadd.f32 v30, v24  }
0x116: {  	v37 =	vmul.f32 v37, v21;
	v6 =	vadd.f32 v6, v27;
	v58 =	vadd.f32 v58, v50;
	v50 =	vld [tilespmem:$0x1FE00]  }
0x117: {  	v31 =	vmul.f32 v31, v16;
	v32 =	vld [tilespmem:s3+$0xFFFFEC40]  }
0x118: {  	v28 =	vmul.f32 v36, v20;
	v36 =	vld [tilespmem:s3+$0xFFFFF030];
	v24 =	vadd.f32 v59, v24;
	v6 =	vadd.f32 v37, v6  }
0x119: {  	v62 =	vmul.f32 v62, v26;
	v37 =	vld [tilespmem:$0x1FE60]  }
0x11a: {  	v29 =	vmul.f32 v29, v15;
	v24 =	vadd.f32 v40, v24;
	v40 =	vld [tilespmem:$0x1FE20];
	v6 =	vadd.f32 v31, v6  }
0x11b: {  	v41 =	vmul.f32 v41, v22;
	v31 =	vld [tilespmem:s3+$0xFFFFFC30];
	v62 =	vadd.f32 v62, v50  }
0x11c: {  	v50 =	vld [tilespmem:s3+$0xFFFFF020];
	v6 =	vadd.f32 v29, v6  }
0x11d: {  	v35 =	vadd.f32 v35, v58;
	v41 =	vadd.f32 v41, v62;
	v62 =	vmul.f32 v44, v20;
	v44 =	vld [tilespmem:s3+$0xFFFFF420]  }
0x11e: {  	v6 =	vadd.f32 v43, v6;
	v43 =	vld [tilespmem:$0x1FE30]  }
0x11f: {  	v27 =	vmul.f32 v45, v21;
	v45 =	vmovc v51;
	v28 =	vadd.f32 v28, v35;
	v51 =	vadd.f32 v62, v41;
	v41 =	vld [tilespmem:s3+$0xFFFFF820]  }
0x120: {  	v39 =	vmul.f32 v39, v21;
	v23 =	vmul.f32 v23, v10;
	v62 =	vld [tilespmem:s3+$0xFFFFF830]  }
0x121: {  	v27 =	vadd.f32 v27, v28;
	v58 =	vmul.f32 v50, v16;
	v50 =	vmul.f32 v36, v16;
	v36 =	vld [tilespmem:s3+$0xFFFFFC20]  }
0x122: {  	v6 =	vadd.f32 v34, v6;
	v28 =	vadd.f32 v39, v51;
	v51 =	vmul.f32 v38, v15;
	v38 =	vld [tilespmem:s3+$0xFFFFFC50]  }
0x123: {  	v39 =	vld [tilespmem:$0x1FE70]  }
0x124: {  	v6 =	vadd.f32 v23, v6;
	v23 =	vld [tilespmem:s3+$0xFFFFE840]  }
0x125: {  	v30 =	vmul.f32 v44, v15;
	v44 =	vld [tilespmem:$0x1FE10]  }
0x126: {  	v27 =	vadd.f32 v58, v27;
	v58 =	vld [tilespmem:s3+$0xFFFFFC40]  }
0x127: {  	v28 =	vadd.f32 v50, v28;
	v50 =	vld [tilespmem:s3+$0xFFFFF850]  }
0x128: {  	v29 =	vmul.f32 v41, v14;
	v27 =	vadd.f32 v30, v27;
	v30 =	vmul.f32 v62, v14;
	v62 =	vld [tilespmem:s3+$0xFFFFF840]  }
0x129: {  	v28 =	vadd.f32 v51, v28;
	v51 =	vld [tilespmem:s3+$0xFFFFF440]  }
0x12a: {  	v24 =	vadd.f32 v33, v24;
	v27 =	vadd.f32 v29, v27;
	v29 =	vmul.f32 v31, v13;
	v31 =	vld [tilespmem:s3+$0xFFFFF040]  }
0x12b: {  	v36 =	vmul.f32 v36, v13;
	v28 =	vadd.f32 v30, v28;
	v30 =	vld [tilespmem:s3+$0xFFFFF450]  }
0x12c: {  	v24 =	vadd.f32 v63, v24;
	v59 =	vmul.f32 v38, v13;
	v38 =	vld [tilespmem:$0x1FE50]  }
0x12d: {  	v27 =	vadd.f32 v36, v27;
	v36 =	vld [tilespmem:$0x1FE40];
	v28 =	vadd.f32 v29, v28  }
0x12e: {  	v6 =	vadd.f32 v18, v6;
	v29 =	vld [tilespmem:s3+$0xFFFFF050]  }
0x12f: {  	v24 =	vadd.f32 v46, v24;
	v28 =	vadd.f32 v19, v28;
	v19 =	vld [tilespmem:s3+$0xFFFFEC50]  }
0x130: {  	v27 =	vadd.f32 v4, v27;
	v46 =	vmul.f32 v30, v15;
	v30 =	vadd.f32 v25, v6;
	v6 =	vld [tilespmem:$0x1FEA0]  }
0x131: {  	p1 =	sne.s32 s16, $0x80;
	v17 =	vmul.f32 v17, v9;
	v25 =	vld [tilespmem:$0x1FEB0]  }
.Ltmp2:
0x132: {  	v18 =	vadd.f32 v49, v27;
	v49 =	vmul.f32 v31, v16;
	v31 =	vld [tilespmem:$0x1FE80];
	(pc) =	sbr.rel @p1 .LBB2_4-.Ltmp2, $4  }
0x133: {  	v58 =	vmul.f32 v58, v13;
	v63 =	vmul.f32 v50, v14;
	v27 =	vadd.f32 v17, v28;
	v17 =	vld [tilespmem:s3+$0xFFFFE850]  }
0x134: {  	v62 =	vmul.f32 v62, v14;
	v4 =	vmul.f32 v51, v15;
	v28 =	vadd.f32 v48, v24;
	v48 =	vld [tilespmem:s3+$0xFFFFE440]  }
0x135: {  	v18 =	vadd.f32 v11, v18;
	v11 =	vmul.f32 v32, v21;
	v32 =	vld [tilespmem:$0x1FE90];
	v24 =	vadd.f32 v47, v27  }
0x136: {  	s16 =	sadd.s32 $0x40, s16;
	v41 =	vmovc v8;
	v8 =	vmul.f32 v29, v16;
	v6 =	vadd.f32 v6, v28;
	v47 =	vadd.f32 v25, v30;
	v30 =	vld [tilespmem:$0x1FEC0]  }
0x137: {  	v25 =	vld [tilespmem:s3+$0xFFFFE040]  }
0x138: {  	v28 =	vld [tilespmem:s3+$0xFFFFE050]  }
0x139: {  	v29 =	vld [tilespmem:s3+$0xFFFFE060]  }
0x13a: {  	v18 =	vadd.f32 v60, v18;
	v60 =	vld [tilespmem:s3+$0xFFFFE070]  }
0x13b: {  	v24 =	vadd.f32 v61, v24;
	v61 =	vld [tilespmem:s3+$0xFFFFE460]  }
0x13c: {  	v33 =	vld [tilespmem:s3+$0xFFFFE470]  }
0x13d: {  	v34 =	vld [tilespmem:s3+$0xFFFFE860]  }
0x13e: {  	v50 =	vld [tilespmem:$0x1FEF0]  }
0x13f: {  	v51 =	vld [tilespmem:$0x1FF00]  }
0x140: {  	v35 =	vld [tilespmem:$0x1FF10]  }
0x141: {  	v27 =	vadd.f32 v55, v47;
	v47 =	vld [tilespmem:s3+$0xFFFFE870]  }
0x142: {  	v6 =	vadd.f32 v54, v6;
	v54 =	vld [tilespmem:s3+$0xFFFFEC70]  }
0x143: {  	v55 =	vld [tilespmem:s3+$0xFFFFF060]  }
0x144: {  	v18 =	vadd.f32 v56, v18;
	v24 =	vadd.f32 v57, v24;
	v57 =	vld [tilespmem:s3+$0xFFFFF070]  }
0x145: {  	v27 =	vadd.f32 v38, v27;
	v38 =	vld [tilespmem:$0x1FEE0]  }
0x146: {  	v6 =	vadd.f32 v31, v6;
	v18 =	vadd.f32 v52, v18;
	v52 =	vld [tilespmem:s3+$0xFFFFEC60]  }
0x147: {  	v24 =	vadd.f32 v53, v24;
	v31 =	vmul.f32 v60, v26;
	v60 =	vld [tilespmem:s3+$0xFFFFF460]  }
0x148: {  	v6 =	vadd.f32 v32, v6;
	v32 =	vmul.f32 v61, v22;
	v61 =	vmul.f32 v34, v20;
	v34 =	vld [tilespmem:s3+$0xFFFFF470]  }
0x149: {  	v27 =	vadd.f32 v37, v27;
	v56 =	vmul.f32 v33, v22;
	v33 =	vld [tilespmem:$0x1FFE0]  }
0x14a: {  	v37 =	vld [tilespmem:s3+$0x1460];
	v18 =	vadd.f32 v42, v18;
	v24 =	vadd.f32 v43, v24;
	v42 =	vmul.f32 v28, v26  }
0x14b: {  	v43 =	vmul.f32 v29, v26;
	v6 =	vadd.f32 v30, v6;
	v30 =	vadd.f32 v38, v27;
	v38 =	vld [tilespmem:s3+$0xFFFFF860]  }
0x14c: {  	v27 =	vadd.f32 v42, v36;
	v42 =	vld [tilespmem:s3+$0xFFFFF870]  }
0x14d: {  	v28 =	vadd.f32 v43, v44;
	v44 =	vld [tilespmem:s3+$0xFFFFFC60]  }
0x14e: {  	v25 =	vmul.f32 v25, v26;
	v26 =	vadd.f32 v50, v18;
	v50 =	vld [tilespmem:s3+$0xFFFFFC70]  }
0x14f: {  	v43 =	vmul.f32 v54, v21;
	v54 =	vld [tilespmem:s3+$0x70]  }
0x150: {  	v18 =	vadd.f32 v51, v24;
	v51 =	vmul.f32 v57, v16;
	v57 =	vld [tilespmem:s3+$0x470]  }
0x151: {  	v31 =	vadd.f32 v31, v40;
	v36 =	vld [tilespmem:$0x1FFB0]  }
0x152: {  	v24 =	vmul.f32 v52, v21;
	v52 =	vld [tilespmem:s3+$0x60]  }
0x153: {  	v12 =	vmul.f32 v12, v22;
	v53 =	vmul.f32 v48, v22;
	v22 =	vadd.f32 v56, v31;
	v56 =	vld [tilespmem:s3+$0x460]  }
0x154: {  	v31 =	vld [tilespmem:$0x1FFD0]  }
0x155: {  	v12 =	vadd.f32 v12, v27;
	v27 =	vld [tilespmem:s3+$0xC60]  }
0x156: {  	v25 =	vadd.f32 v25, v35;
	v35 =	vmul.f32 v47, v20;
	v28 =	vadd.f32 v32, v28;
	v32 =	vld [tilespmem:s3+$0x1060]  }
0x157: {  	v47 =	vmul.f32 v55, v16;
	v55 =	vmul.f32 v34, v15;
	v34 =	vld [tilespmem:s3+$0x1070]  }
0x158: {  	v17 =	vmul.f32 v17, v20;
	v40 =	vadd.f32 v61, v28;
	v61 =	vld [tilespmem:s3+$0x860]  }
0x159: {  	v23 =	vmul.f32 v23, v20;
	v20 =	vadd.f32 v35, v22;
	v28 =	vld [tilespmem:s3+$0xC70]  }
0x15a: {  	v25 =	vadd.f32 v53, v25;
	v12 =	vadd.f32 v17, v12;
	v17 =	vmul.f32 v38, v14;
	v38 =	vld [tilespmem:$0x1FFC0]  }
0x15b: {  	v20 =	vadd.f32 v43, v20;
	v43 =	vld [tilespmem:$0x1FFA0]  }
0x15c: {  	v23 =	vadd.f32 v23, v25;
	v25 =	vmul.f32 v50, v13;
	v50 =	vld [tilespmem:$0x1FF90]  }
0x15d: {  	v29 =	vmul.f32 v54, v10;
	v54 =	vld [tilespmem:s3+$0x1C70]  }
0x15e: {  	v35 =	vmul.f32 v57, v9;
	v57 =	vld [tilespmem:s0+$0xC010]  }
0x15f: {  	v11 =	vadd.f32 v11, v23;
	v23 =	vld [tilespmem:$0x1FF40]  }
0x160: {  	v19 =	vmul.f32 v19, v21;
	v48 =	vadd.f32 v24, v40;
	v40 =	vld [tilespmem:s3+$0x1470]  }
0x161: {  	v24 =	vld [tilespmem:s0+$0xC050]  }
0x162: {  	v53 =	vmul.f32 v60, v15;
	v12 =	vadd.f32 v19, v12;
	v11 =	vadd.f32 v49, v11;
	v49 =	vld [tilespmem:s3+$0x1870]  }
0x163: {  	v60 =	vmul.f32 v42, v14;
	v21 =	vmul.f32 v52, v10;
	v16 =	vadd.f32 v51, v20;
	v51 =	vld [tilespmem:s3+$0x1C60]  }
0x164: {  	v52 =	vmul.f32 v32, v3;
	v8 =	vadd.f32 v8, v12;
	v19 =	vadd.f32 v47, v48;
	v48 =	vld [tilespmem:$0x1FF80]  }
0x165: {  	v4 =	vadd.f32 v4, v11;
	v15 =	vadd.f32 v55, v16;
	v11 =	vmul.f32 v56, v9;
	v55 =	vld [tilespmem:s0+$0xC000]  }
0x166: {  	v16 =	vmul.f32 v61, v7;
	v47 =	vmul.f32 v28, v5;
	v61 =	vld [tilespmem:$0x1FF70];
	v8 =	vadd.f32 v46, v8  }
0x167: {  	v12 =	vadd.f32 v53, v19;
	v46 =	vld [tilespmem:s0+$0x19030];
	v53 =	vmul.f32 v34, v3;
	v32 =	vmul.f32 v54, v0  }
0x168: {  	v28 =	vld [tilespmem:s0+$0xC060];
	v4 =	vadd.f32 v62, v4;
	v62 =	vmul.f32 v44, v13;
	v14 =	vadd.f32 v60, v15  }
0x169: {  	v44 =	vld [tilespmem:s3+$0x1860];
	v15 =	vmul.f32 v27, v5;
	v8 =	vadd.f32 v63, v8;
	v12 =	vadd.f32 v17, v12  }
0x16a: {  	v63 =	vld [tilespmem:s3+$0x870];
	v22 =	vmul.f32 v49, v1;
	v4 =	vadd.f32 v58, v4;
	v13 =	vadd.f32 v25, v14  }
0x16b: {  	v34 =	vld [tilespmem:$0x1FF30];
	v58 =	vmul.f32 v40, v2;
	v8 =	vadd.f32 v59, v8;
	v12 =	vadd.f32 v62, v12  }
0x16c: {  	v62 =	vld [tilespmem:$0x1FFF0];
	v4 =	vadd.f32 v31, v4;
	v10 =	vadd.f32 v29, v13;
	v56 =	vbroadcast v46, $0x0  }
0x16d: {  	v60 =	vld [tilespmem:s0+$0xC020];
	v13 =	vmul.f32 v37, v2;
	v8 =	vadd.f32 v33, v8;
	v12 =	vadd.f32 v21, v12  }
0x16e: {  	v27 =	vld [tilespmem:$0x1FF50];
	v29 =	vmul.f32 v51, v0;
	v4 =	vadd.f32 v36, v4;
	v9 =	vadd.f32 v35, v10  }
0x16f: {  	v40 =	vld [tilespmem:s0+$0xC420];
	v42 =	vmul.f32 v63, v7;
	v10 =	vmul.f32 v44, v1;
	v8 =	vadd.f32 v38, v8  }
0x170: {  	v35 =	vld [tilespmem:s0+$0xC400];
	v36 =	vmul.f32 v56, v55;
	v11 =	vadd.f32 v11, v12;
	v4 =	vadd.f32 v43, v4  }
0x171: {  	v37 =	vld [tilespmem:s0+$0xC410];
	v44 =	vmul.f32 v28, v56;
	v7 =	vadd.f32 v42, v9;
	v19 =	vadd.f32 v56, v62  }
0x172: {  	v59 =	vld [tilespmem:$0x1FF60];
	v38 =	vmul.f32 v60, v56;
	v6 =	vadd.f32 v36, v6;
	v8 =	vadd.f32 v45, v8  }
0x173: {  	v63 =	vld [tilespmem:s0+$0xC030];
	v11 =	vadd.f32 v16, v11;
	v16 =	vbroadcast v46, $0x1;
	v4 =	vadd.f32 v48, v4  }
0x174: {  	v31 =	vld [tilespmem:s0+$0xC070];
	v9 =	vmul.f32 v24, v56;
	v5 =	vadd.f32 v47, v7;
	v8 =	vadd.f32 v50, v8  }
0x175: {  	v21 =	vld [tilespmem:s0+$0xC040];
	v11 =	vadd.f32 v15, v11;
	v25 =	vadd.f32 v19, v16;
	v45 =	vmul.f32 v35, v16  }
0x176: {  	v42 =	vld [tilespmem:s0+$0xC430];
	v47 =	vmul.f32 v37, v16;
	v50 =	vmul.f32 v40, v16;
	v4 =	vadd.f32 v39, v4  }
0x177: {  	v43 =	vld [tilespmem:s0+$0xC440];
	v3 =	vadd.f32 v53, v5;
	v8 =	vadd.f32 v41, v8;
	(erf) = vrcp.f32 v25  }
0x178: {  	v33 =	vld [tilespmem:$0x1FF20];
	v39 =	vmul.f32 v63, v56;
	v7 =	vadd.f32 v52, v11;
	v49 =	vadd.f32 v45, v6  }
0x179: {  	v46 =	vld [tilespmem:s0+$0xC450];
	v11 =	vmul.f32 v57, v56;
	v4 =	vadd.f32 v59, v4;
	v2 =	vadd.f32 v58, v3  }
0x17a: {  	v51 =	vld [tilespmem:s0+$0xC470];
	v5 =	vmul.f32 v31, v56;
	v12 =	vadd.f32 v39, v18;
	v8 =	vadd.f32 v61, v8  }
0x17b: {  	v48 =	vld [tilespmem:s0+$0xC460];
	v53 =	vmul.f32 v42, v16;
	v7 =	vadd.f32 v13, v7;
	v41 =	vadd.f32 v11, v30  }
0x17c: {  	v55 =	vmul.f32 v43, v16;
	v4 =	vadd.f32 v23, v4;
	v1 =	vadd.f32 v22, v2  }
0x17d: {  	v3 =	vmul.f32 v21, v56;
	v8 =	vadd.f32 v27, v8;
	v7 =	vadd.f32 v10, v7  }
0x17e: {  	v56 =	vmul.f32 v46, v16;
	v52 =	vadd.f32 v47, v41;
	v4 =	vadd.f32 v33, v4  }
0x17f: {  	v59 =	vmul.f32 v51, v16;
	v0 =	vadd.f32 v32, v1;
	v1 =	vadd.f32 v38, v26  }
0x180: {  	v57 =	vmul.f32 v48, v16;
	v8 =	vadd.f32 v34, v8;
	v2 =	vadd.f32 v29, v7;
	v54 =	vpop (erf)  }
0x181: {  	v3 =	vadd.f32 v3, v4;
	v1 =	vadd.f32 v50, v1;
	v4 =	vmul.f32 v49, v54  }
0x182: {  	v7 =	vadd.f32 v53, v12;
	v0 =	vadd.f32 v5, v0;
	v5 =	vmul.f32 v52, v54  }
0x183: {  	v8 =	vadd.f32 v9, v8;
	v3 =	vadd.f32 v55, v3;
	v1 =	vmul.f32 v1, v54;
	[tilespmem:s0+$0x19800] =	vst v4  }
0x184: {  	s29 =	sadd.s32 $0x1, s29;
	v2 =	vadd.f32 v44, v2;
	v0 =	vadd.f32 v59, v0;
	v60 =	vmul.f32 v7, v54;
	[tilespmem:s0+$0x19810] =	vst v5  }
0x185: {  	p1 =	sne.s32 s29, $0x8;
	v58 =	vadd.f32 v56, v8;
	v61 =	vmul.f32 v3, v54;
	[tilespmem:s0+$0x19820] =	vst v1  }
.Ltmp3:
0x186: {  	v2 =	vadd.f32 v57, v2;
	v0 =	vmul.f32 v0, v54;
	[tilespmem:s0+$0x19830] =	vst v60;
	(pc) =	sbr.rel @p1 .LBB2_3-.Ltmp3, $4  }
0x187: {  	v62 =	vmul.f32 v58, v54;
	[tilespmem:s0+$0x19840] =	vst v61  }
0x188: {  	v63 =	vmul.f32 v2, v54;
	[tilespmem:s0+$0x19870] =	vst v0  }
0x189: {  	[tilespmem:s0+$0x19850] =	vst v62  }
0x18a: {  	s30 =	sadd.s32 $0x80, s30;
	s31 =	sadd.s32 $0x80, s31;
	[tilespmem:s0+$0x19860] =	vst v63  }
0x18b: {  	s29 =	sshll.u32 s26, $0x8  }
0x18c: {  	p1 =	seq.s32 s26, $0x3;
	s0 =	sadd.s32 s29, s9  }
0x18d: {  	[hbm4b:s0+s4] =	stream.linear.scatter [tilespmem:s20], [sflag:$0x3], $0x400, $0x38;
	[tilespmem:$0x1A000] =	vst v63  }
0x18e: {  	s0 =	sadd.s32 @!p1 s28, s10  }
0x18f: {  	s0 =	sshll.u32 @!p1 s0, $0x7  }
0x190: {  	s5 =	simm.s32 @!p1 $0x400;
	s0 =	sand.u32 @!p1 $0x1FFFFF00, s0  }
0x191: {  	s16 =	simm.s32 @!p1 $0x80000;
	s30 =	simm.s32 @!p1 $0x0;
	s3 =	sadd.s32 @!p1 s1, s0  }
0x192: {  	[tilespmem:s30], [sflag:$0x1] =	stream.strided.gather @!p1 [hbm4b:s3+s5], $0xC800, s16, s5, $0x38;
	[tilespmem:$0x1A000] =	vst v63  }
0x193: {  	s0 =	sadd.s32 @!p1 s2, s0;
	s3 =	simm.s32 @!p1 $0x19000  }
0x194: {  	[tilespmem:s3], [sflag:$0x1] =	stream.linear.gather @!p1 [hbm4b:s0+s30], $0x400, $0x38;
	[tilespmem:$0x1A000] =	vst v63  }
0x195: {  	_ =	swait.ge [sflag:s21], $0xC800  }
0x196: {  	[sflag:s21] =	ssyncset.done $0x0  }
0x197: {  	[sflag:s21] =	ssyncadd.s32 $0xFFFF3800  }
0x198: {  	_ =	swait.ge [sflag:s21], $0x400  }
0x199: {  	[sflag:s21] =	ssyncset.done $0x0  }
0x19a: {  	s0 =	simm.s32 @!p0 $0x4;
	[sflag:s21] =	ssyncadd.s32 $0xFFFFFC00  }
0x19b: {  	_ =	swait.ge @!p0 [sflag:s0], $0x400  }
0x19c: {  	s31 =	simm.s32 $0x19400;
	[sflag:s0] =	ssyncset.done @!p0 $0x0  }
0x19d: {  	s16 =	simm.s32 $0xE800;
	s30 =	simm.s32 $0x0;
	[sflag:s0] =	ssyncadd.s32 @!p0 $0xFFFFFC00  }
.LBB2_7:
0x19e: {  	v29 =	vld [tilespmem:s16+$0x1C00]  }
0x19f: {  	v31 =	vld [tilespmem:s16+$0x1C10]  }
0x1a0: {  	v32 =	vld [tilespmem:s16+$0x1C20]  }
0x1a1: {  	v37 =	vld [tilespmem:s16+$0x1C30]  }
0x1a2: {  	v38 =	vld [tilespmem:s16+$0x1C40]  }
0x1a3: {  	v42 =	vld [tilespmem:s16+$0x1C50]  }
0x1a4: {  	v47 =	vld [tilespmem:s16+$0x1800]  }
0x1a5: {  	v48 =	vld [tilespmem:s16+$0x1810]  }
0x1a6: {  	v49 =	vld [tilespmem:s16+$0x1820]  }
0x1a7: {  	v43 =	vld [tilespmem:s16+$0x1830]  }
0x1a8: {  	v46 =	vld [tilespmem:s16+$0x1840]  }
0x1a9: {  	v45 =	vld [tilespmem:s16+$0x1850]  }
0x1aa: {  	v44 =	vld [tilespmem:s16+$0x1400]  }
0x1ab: {  	v17 =	vld [tilespmem:s16+$0x1410]  }
0x1ac: {  	v19 =	vld [tilespmem:s16+$0x1420]  }
0x1ad: {  	v18 =	vld [tilespmem:s16+$0x1430]  }
0x1ae: {  	v11 =	vld [tilespmem:s16+$0x1440]  }
0x1af: {  	v8 =	vld [tilespmem:s16+$0x1450]  }
0x1b0: {  	v41 =	vld [tilespmem:s16+$0x1000]  }
0x1b1: {  	v35 =	vld [tilespmem:s16+$0x1010]  }
0x1b2: {  	v39 =	vld [tilespmem:s16+$0x1020]  }
0x1b3: {  	v36 =	vld [tilespmem:s16+$0x1030]  }
0x1b4: {  	v0 =	vmov s31;
	v23 =	vld [tilespmem:s16+$0x1040]  }
0x1b5: {  	v24 =	vld [tilespmem:s16+$0x1050]  }
0x1b6: {  	v33 =	vld [tilespmem:s16+$0xC00]  }
0x1b7: {  	v27 =	vld [tilespmem:s16+$0xC10]  }
0x1b8: {  	s0 =	simm.s32 $0x0;
	v28 =	vld [tilespmem:s16+$0xC20]  }
0x1b9: {  	v21 =	vld.idx.msk [tilespmem:v0+s0+$0x0 ss:$0x1], $0xffff  }
0x1ba: {  	v25 =	vld [tilespmem:s16+$0xC30]  }
0x1bb: {  	v4 =	vld [tilespmem:s16+$0xC40]  }
0x1bc: {  	v6 =	vld [tilespmem:s16+$0xC50]  }
0x1bd: {  	v12 =	vld [tilespmem:s16+$0x800]  }
0x1be: {  	v30 =	vld [tilespmem:s16+$0xFFFFE400];
	[tilespmem:$0x1FCA0] =	vst v0;
	v1 =	vbroadcast v21, $0xE;
	v0 =	vbroadcast v21, $0xF  }
0x1bf: {  	v52 =	vld [tilespmem:s16+$0xFFFFE410];
	v3 =	vbroadcast v21, $0xC;
	v2 =	vbroadcast v21, $0xD  }
0x1c0: {  	v20 =	vld [tilespmem:s16+$0xFFFFE000];
	v7 =	vbroadcast v21, $0xA;
	v5 =	vbroadcast v21, $0xB  }
0x1c1: {  	v53 =	vld [tilespmem:s16+$0xFFFFE010];
	v10 =	vbroadcast v21, $0x8;
	v9 =	vbroadcast v21, $0x9  }
0x1c2: {  	v54 =	vld [tilespmem:s16+$0xFFFFE020];
	v14 =	vbroadcast v21, $0x6;
	v13 =	vbroadcast v21, $0x7  }
0x1c3: {  	v55 =	vld [tilespmem:s16+$0xFFFFE030];
	v26 =	vbroadcast v21, $0x0;
	v16 =	vbroadcast v21, $0x4  }
0x1c4: {  	v50 =	vld [tilespmem:s16+$0xFFFFF800];
	v15 =	vbroadcast v21, $0x5;
	v22 =	vbroadcast v21, $0x1  }
0x1c5: {  	v56 =	vld [tilespmem:s16+$0xFFFFE420];
	v58 =	vmul.f32 v26, v20;
	v20 =	vbroadcast v21, $0x2  }
0x1c6: {  	v57 =	vld [tilespmem:s16+$0xFFFFE430];
	v53 =	vmul.f32 v53, v26;
	v30 =	vmul.f32 v30, v22  }
0x1c7: {  	v60 =	vld [tilespmem:s16+$0xFFFFE810];
	v54 =	vmul.f32 v54, v26;
	v52 =	vmul.f32 v52, v22  }
0x1c8: {  	v59 =	vld [tilespmem:s16+$0xFFFFE800];
	v55 =	vmul.f32 v55, v26;
	v21 =	vbroadcast v21, $0x3  }
0x1c9: {  	v63 =	vimm.f32 $0.0e+00;
	v61 =	vld [tilespmem:s16+$0xFFFFE820];
	v50 =	vmul.f32 v50, v14;
	v11 =	vmul.f32 v11, v2  }
0x1ca: {  	v62 =	vld [tilespmem:s16+$0xFFFFE830];
	v8 =	vmul.f32 v8, v2;
	v12 =	vmul.f32 v12, v7;
	v58 =	vadd.f32 v58, v63  }
0x1cb: {  	v40 =	vld [tilespmem:s16+$0x810];
	v4 =	vmul.f32 v4, v5;
	v53 =	vadd.f32 v53, v63;
	v54 =	vadd.f32 v54, v63  }
0x1cc: {  	v51 =	vld [tilespmem:s16+$0xFFFFEC00];
	v55 =	vadd.f32 v55, v63;
	v60 =	vmul.f32 v60, v20;
	v58 =	vadd.f32 v30, v58  }
0x1cd: {  	v30 =	vmul.f32 v56, v22;
	v52 =	vadd.f32 v52, v53;
	v53 =	vld [tilespmem:s16+$0xFFFFEC10];
	v56 =	vmul.f32 v57, v22  }
0x1ce: {  	v61 =	vmul.f32 v61, v20;
	v57 =	vmul.f32 v59, v20;
	v59 =	vld [tilespmem:s16+$0xFFFFEC20]  }
0x1cf: {  	v62 =	vmul.f32 v62, v20;
	v54 =	vadd.f32 v30, v54;
	v55 =	vadd.f32 v56, v55;
	v56 =	vld [tilespmem:s16+$0xFFFFEC30]  }
0x1d0: {  	v30 =	vmul.f32 v29, v0;
	v29 =	vmul.f32 v31, v0;
	v57 =	vadd.f32 v57, v58;
	v58 =	vld [tilespmem:s16+$0xFFFFF000]  }
0x1d1: {  	v51 =	vmul.f32 v51, v21;
	[tilespmem:$0x1FD50] =	vst v4;
	v4 =	vmul.f32 v6, v5;
	v52 =	vadd.f32 v60, v52;
	v60 =	vld [tilespmem:s16+$0xFFFFF010]  }
0x1d2: {  	v31 =	vmul.f32 v44, v2;
	[tilespmem:$0x1FCB0] =	vst v29;
	v29 =	vmul.f32 v32, v0;
	v32 =	vld [tilespmem:s16+$0xFFFFF020]  }
0x1d3: {  	v54 =	vadd.f32 v61, v54;
	v62 =	vadd.f32 v62, v55;
	v55 =	vld [tilespmem:s16+$0xFFFFF030];
	v53 =	vmul.f32 v53, v21  }
0x1d4: {  	v51 =	vadd.f32 v51, v57;
	v57 =	vld [tilespmem:s16+$0xFFFFF400];
	v59 =	vmul.f32 v59, v21;
	[tilespmem:$0x1FCC0] =	vst v29;
	v29 =	vmul.f32 v37, v0  }
0x1d5: {  	v61 =	vld [tilespmem:s16+$0xFFFFF820];
	v37 =	vmul.f32 v48, v1;
	v56 =	vmul.f32 v56, v21;
	v52 =	vadd.f32 v53, v52  }
0x1d6: {  	v34 =	vld [tilespmem:s16+$0x820];
	v53 =	vadd.f32 v26, v63;
	v58 =	vmul.f32 v58, v16;
	[tilespmem:$0x1FCD0] =	vst v29;
	v29 =	vimm.f32 $0.0e+00  }
0x1d7: {  	v54 =	vadd.f32 v59, v54;
	v59 =	vld [tilespmem:s16+$0xFFFFF410];
	[tilespmem:$0x1FCE0] =	vst v29;
	v29 =	vmul.f32 v38, v0;
	v38 =	vmul.f32 v60, v16  }
0x1d8: {  	v56 =	vadd.f32 v56, v62;
	v60 =	vld [tilespmem:s16+$0xFFFFF420];
	v63 =	vmul.f32 v32, v16;
	v32 =	vmul.f32 v47, v1  }
0x1d9: {  	v51 =	vadd.f32 v58, v51;
	v58 =	vld [tilespmem:s16+$0xFFFFF430];
	v55 =	vmul.f32 v55, v16;
	v57 =	vmul.f32 v57, v15  }
0x1da: {  	v53 =	vadd.f32 v53, v22;
	v61 =	vmul.f32 v61, v14;
	v47 =	vadd.f32 v38, v52;
	v52 =	vld [tilespmem:s16+$0xFFFFF810]  }
0x1db: {  	[tilespmem:$0x1FCF0] =	vst v29;
	v29 =	vmul.f32 v42, v0;
	v48 =	vadd.f32 v63, v54;
	v54 =	vld [tilespmem:s16+$0xFFFFFC00];
	v55 =	vadd.f32 v55, v56  }
0x1dc: {  	v42 =	vmul.f32 v49, v1;
	v62 =	vadd.f32 v57, v51;
	v51 =	vld [tilespmem:s16+$0xFFFFF830];
	v56 =	vmul.f32 v39, v3  }
0x1dd: {  	v38 =	vld [tilespmem:s16+$0xFFFFFC10];
	v53 =	vadd.f32 v53, v20;
	v39 =	vmul.f32 v23, v3;
	v59 =	vmul.f32 v59, v15  }
0x1de: {  	v57 =	vld [tilespmem:s16+$0xFFFFFC20];
	[tilespmem:$0x1FD00] =	vst v29;
	v29 =	vmul.f32 v46, v1;
	v58 =	vmul.f32 v58, v15  }
0x1df: {  	v49 =	vadd.f32 v50, v62;
	v62 =	vld [tilespmem:s16+$0x10];
	v53 =	vadd.f32 v53, v21;
	v63 =	vmul.f32 v60, v15  }
0x1e0: {  	v47 =	vadd.f32 v59, v47;
	[tilespmem:$0x1FD10] =	vst v29;
	v29 =	vmul.f32 v45, v1;
	v60 =	vadd.f32 v58, v55;
	v58 =	vld [tilespmem:s16+$0x0]  }
0x1e1: {  	v52 =	vmul.f32 v52, v14;
	v48 =	vadd.f32 v63, v48;
	v54 =	vmul.f32 v54, v13;
	v63 =	vld [tilespmem:s16+$0x20]  }
0x1e2: {  	v59 =	vld [tilespmem:s16+$0x830];
	v53 =	vadd.f32 v53, v16;
	v51 =	vmul.f32 v51, v14;
	v38 =	vmul.f32 v38, v13  }
0x1e3: {  	v55 =	vld [tilespmem:s16+$0xFFFFFC30];
	v57 =	vmul.f32 v57, v13;
	v47 =	vadd.f32 v52, v47;
	v45 =	vadd.f32 v61, v48  }
0x1e4: {  	[tilespmem:$0x1FD20] =	vst v29;
	v29 =	vmul.f32 v27, v5;
	v46 =	vadd.f32 v51, v60;
	v60 =	vld [tilespmem:s16+$0x30];
	v49 =	vadd.f32 v54, v49  }
0x1e5: {  	v54 =	vld [tilespmem:s16+$0x400];
	v52 =	vmul.f32 v19, v2;
	v44 =	vadd.f32 v38, v47;
	v38 =	vmul.f32 v17, v2  }
0x1e6: {  	v61 =	vld [tilespmem:s16+$0x410];
	v17 =	vmul.f32 v58, v10;
	v19 =	vmul.f32 v63, v10;
	v63 =	vadd.f32 v53, v15  }
0x1e7: {  	v62 =	vmul.f32 v62, v10;
	v48 =	vld [tilespmem:s16+$0x430];
	v6 =	vmul.f32 v59, v7  }
0x1e8: {  	v23 =	vld [tilespmem:s16+$0xFFFFFC50];
	v55 =	vmul.f32 v55, v13;
	v17 =	vadd.f32 v17, v49;
	v49 =	vadd.f32 v63, v14  }
0x1e9: {  	v27 =	vld [tilespmem:s16+$0xFFFFEC40];
	v45 =	vadd.f32 v57, v45;
	v53 =	vmul.f32 v18, v2;
	v44 =	vadd.f32 v62, v44  }
0x1ea: {  	[tilespmem:$0x1FD40] =	vst v8;
	v57 =	vld [tilespmem:s16+$0x420];
	v46 =	vadd.f32 v55, v46;
	v60 =	vmul.f32 v60, v10;
	v8 =	vadd.f32 v49, v13  }
0x1eb: {  	v62 =	vld [tilespmem:s16+$0x440];
	v18 =	vmul.f32 v54, v9;
	v19 =	vadd.f32 v19, v45;
	v47 =	vmul.f32 v61, v9  }
0x1ec: {  	v58 =	vld [tilespmem:s16+$0x840];
	v54 =	vmul.f32 v41, v3;
	v61 =	vmul.f32 v48, v9;
	v8 =	vadd.f32 v8, v10  }
0x1ed: {  	v63 =	vld [tilespmem:s16+$0x450];
	v41 =	vmul.f32 v24, v3;
	v46 =	vadd.f32 v60, v46;
	v17 =	vadd.f32 v18, v17  }
0x1ee: {  	v45 =	vld [tilespmem:s16+$0x850];
	v24 =	vmul.f32 v40, v7;
	v18 =	vadd.f32 v47, v44;
	v8 =	vadd.f32 v8, v9  }
0x1ef: {  	[tilespmem:$0x1FD30] =	vst v11;
	v11 =	vmul.f32 v57, v9;
	v44 =	vld [tilespmem:s16+$0x40];
	v57 =	vmul.f32 v36, v3;
	v36 =	vadd.f32 v61, v46  }
0x1f0: {  	v40 =	vld [tilespmem:s16+$0xFFFFF840];
	v47 =	vadd.f32 v24, v18;
	v24 =	vmul.f32 v62, v9;
	v8 =	vadd.f32 v8, v7  }
0x1f1: {  	[tilespmem:$0x1FD60] =	vst v4;
	v55 =	vmul.f32 v35, v3;
	v11 =	vadd.f32 v11, v19;
	v19 =	vld [tilespmem:s16+$0x50];
	v18 =	vmul.f32 v34, v7  }
0x1f2: {  	v35 =	vld [tilespmem:s16+$0xFFFFF050];
	[tilespmem:$0x1FD80] =	vst v24;
	v24 =	vadd.f32 v6, v36;
	v6 =	vmul.f32 v63, v9;
	v4 =	vadd.f32 v8, v5  }
0x1f3: {  	v49 =	vld [tilespmem:s16+$0xFFFFFC40];
	v12 =	vadd.f32 v12, v17;
	v18 =	vadd.f32 v18, v11;
	v11 =	vmul.f32 v58, v7  }
0x1f4: {  	v17 =	vmul.f32 v33, v5;
	v33 =	vld [tilespmem:s16+$0xFFFFF850];
	[tilespmem:$0x1FD90] =	vst v6;
	v6 =	vmul.f32 v44, v10;
	v4 =	vadd.f32 v4, v3  }
0x1f5: {  	v43 =	vmul.f32 v43, v1;
	v59 =	vmul.f32 v23, v13;
	[tilespmem:$0x1FD70] =	vst v11;
	v8 =	vld [tilespmem:s16+$0xFFFFF450]  }
0x1f6: {  	v60 =	vmul.f32 v28, v5;
	v11 =	vld [tilespmem:s16+$0xFFFFF040];
	[tilespmem:$0x1FDA0] =	vst v6;
	v6 =	vmul.f32 v19, v10;
	v4 =	vadd.f32 v4, v2  }
0x1f7: {  	v61 =	vmul.f32 v25, v5;
	v25 =	vld [tilespmem:s16+$0xFFFFF440];
	v45 =	vmul.f32 v45, v7  }
0x1f8: {  	v23 =	vld [tilespmem:s16+$0xFFFFE840];
	v62 =	vmul.f32 v40, v14;
	[tilespmem:$0x1FDB0] =	vst v6;
	v6 =	vadd.f32 v17, v12;
	v12 =	vadd.f32 v4, v1  }
0x1f9: {  	v48 =	vld [tilespmem:s16+$0xFFFFE440];
	v40 =	vimm.f32 $0.0e+00;
	v47 =	vadd.f32 v29, v47;
	v58 =	vmul.f32 v49, v13  }
0x1fa: {  	v63 =	vmul.f32 v33, v14;
	v19 =	vld [tilespmem:s16+$0xFFFFEC50];
	v46 =	vmul.f32 v8, v15;
	v8 =	vadd.f32 v12, v0  }
0x1fb: {  	v36 =	vimm.f32 $0.0e+00;
	v17 =	vld [tilespmem:s16+$0xFFFFE850];
	v49 =	vmul.f32 v11, v16;
	v11 =	vmul.f32 v27, v21  }
0x1fc: {  	s3 =	sshll.u32 s30, $0x7;
	s5 =	simm.s32 $0x40;
	s0 =	smov.u32 s16;
	v44 =	vimm.f32 $0.0e+00;
	v4 =	vmul.f32 v25, v15;
	v12 =	vld [tilespmem:s16+$0xFFFFE450];
	[tilespmem:$0x1FDC0] =	vst v8;
	v8 =	vmul.f32 v35, v16  }
.LBB2_8:
0x1fd: {  	v18 =	vadd.f32 v60, v18;
	_ =	sdelay $0x1  }
0x1fe: {  	v18 =	vadd.f32 v56, v18  }
0x1ff: {  	v27 =	vld [tilespmem:$0x1FCC0]  }
0x200: {  	v18 =	vadd.f32 v52, v18;
	_ =	sdelay $0x1  }
0x201: {  	v6 =	vadd.f32 v54, v6;
	v18 =	vadd.f32 v42, v18  }
0x202: {  	v24 =	vadd.f32 v61, v24  }
0x203: {  	v6 =	vadd.f32 v31, v6;
	v18 =	vadd.f32 v27, v18  }
0x204: {  	v24 =	vadd.f32 v57, v24  }
0x205: {  	v6 =	vadd.f32 v32, v6;
	[tilespmem:$0x1FBC0] =	vst v18;
	v18 =	vld [tilespmem:$0x1FCD0]  }
0x206: {  	v25 =	vld [tilespmem:s0+$0xFFFFE040];
	v24 =	vadd.f32 v53, v24  }
0x207: {  	v33 =	vld [tilespmem:s0+$0xFFFFE050];
	v6 =	vadd.f32 v30, v6  }
0x208: {  	v34 =	vld [tilespmem:s0+$0xFFFFE060];
	v47 =	vadd.f32 v55, v47;
	v24 =	vadd.f32 v43, v24  }
0x209: {  	[tilespmem:$0x1FBA0] =	vst v6;
	v6 =	vld [tilespmem:$0x1FCB0]  }
0x20a: {  	v35 =	vld [tilespmem:s0+$0xFFFFE070];
	v47 =	vadd.f32 v38, v47;
	v18 =	vadd.f32 v18, v24  }
0x20b: {  	v50 =	vld [tilespmem:s0+$0xFFFFE460]  }
0x20c: {  	v19 =	vmul.f32 v19, v21;
	v37 =	vadd.f32 v37, v47;
	[tilespmem:$0x1FBD0] =	vst v18;
	v18 =	vld [tilespmem:$0x1FCE0]  }
0x20d: {  	v51 =	vld [tilespmem:s0+$0xFFFFE470];
	v23 =	vmul.f32 v23, v20;
	v17 =	vmul.f32 v17, v20  }
0x20e: {  	v57 =	vld [tilespmem:s0+$0xFFFFE860];
	v48 =	vmul.f32 v48, v22;
	v56 =	vmul.f32 v33, v26;
	v6 =	vadd.f32 v6, v37  }
0x20f: {  	v61 =	vld [tilespmem:s0+$0xFFFFE870];
	v25 =	vmul.f32 v25, v26;
	v60 =	vmul.f32 v34, v26  }
0x210: {  	v12 =	vmul.f32 v12, v22;
	v24 =	vadd.f32 v56, v36;
	[tilespmem:$0x1FBB0] =	vst v6;
	v6 =	vmul.f32 v35, v26;
	v26 =	vld [tilespmem:s0+$0xFFFFEC60]  }
0x211: {  	v29 =	vld [tilespmem:s0+$0xFFFFEC70];
	v30 =	vadd.f32 v60, v44;
	v18 =	vadd.f32 v25, v18;
	v25 =	vmul.f32 v50, v22  }
0x212: {  	v31 =	vld [tilespmem:s0+$0xFFFFF060];
	v12 =	vadd.f32 v12, v24;
	v6 =	vadd.f32 v6, v40;
	v22 =	vmul.f32 v51, v22  }
0x213: {  	v24 =	vmul.f32 v57, v20;
	v18 =	vadd.f32 v48, v18;
	v48 =	vld [tilespmem:s0+$0xFFFFF070];
	v25 =	vadd.f32 v25, v30  }
0x214: {  	v20 =	vmul.f32 v61, v20;
	v12 =	vadd.f32 v17, v12;
	v6 =	vadd.f32 v22, v6;
	v22 =	vld [tilespmem:s0+$0xFFFFF460]  }
0x215: {  	v17 =	vmul.f32 v26, v21;
	v18 =	vadd.f32 v23, v18;
	v23 =	vld [tilespmem:s0+$0xFFFFF470];
	v24 =	vadd.f32 v24, v25  }
0x216: {  	v12 =	vadd.f32 v19, v12;
	v6 =	vadd.f32 v20, v6;
	v20 =	vmul.f32 v29, v21;
	v21 =	vld [tilespmem:s0+$0xFFFFF860]  }
0x217: {  	v19 =	vld [tilespmem:s0+$0xFFFFF870];
	v11 =	vadd.f32 v11, v18;
	v18 =	vmul.f32 v31, v16;
	v17 =	vadd.f32 v17, v24  }
0x218: {  	v8 =	vadd.f32 v8, v12;
	v6 =	vadd.f32 v20, v6;
	v20 =	vld [tilespmem:s0+$0xFFFFFC60];
	v16 =	vmul.f32 v48, v16  }
0x219: {  	v12 =	vmul.f32 v22, v15;
	v11 =	vadd.f32 v49, v11;
	v17 =	vadd.f32 v18, v17  }
0x21a: {  	v6 =	vadd.f32 v16, v6;
	v15 =	vmul.f32 v23, v15;
	v16 =	vld [tilespmem:s0+$0x60]  }
0x21b: {  	v4 =	vadd.f32 v4, v11;
	v11 =	vmul.f32 v21, v14;
	v12 =	vadd.f32 v12, v17  }
0x21c: {  	v22 =	vld [tilespmem:s0+$0xFFFFFC70];
	v14 =	vmul.f32 v19, v14  }
0x21d: {  	v18 =	vld [tilespmem:s0+$0x70];
	v6 =	vadd.f32 v15, v6;
	v17 =	vmul.f32 v20, v13;
	v11 =	vadd.f32 v11, v12  }
0x21e: {  	v19 =	vld [tilespmem:s0+$0x470]  }
0x21f: {  	v6 =	vadd.f32 v14, v6;
	v14 =	vmul.f32 v16, v10;
	v11 =	vadd.f32 v17, v11;
	v17 =	vld [tilespmem:$0x1FDA0]  }
0x220: {  	v15 =	vld [tilespmem:s0+$0x460];
	v4 =	vadd.f32 v62, v4  }
0x221: {  	v11 =	vadd.f32 v14, v11;
	v14 =	vld [tilespmem:$0x1FD80]  }
0x222: {  	v12 =	vmul.f32 v22, v13;
	v13 =	vld [tilespmem:s0+$0x860];
	v4 =	vadd.f32 v58, v4  }
0x223: {  	v8 =	vadd.f32 v46, v8;
	v16 =	vld [tilespmem:s0+$0x870]  }
0x224: {  	v4 =	vadd.f32 v17, v4;
	v17 =	vld [tilespmem:$0x1FDB0]  }
0x225: {  	v8 =	vadd.f32 v63, v8;
	v10 =	vmul.f32 v18, v10;
	v6 =	vadd.f32 v12, v6;
	v12 =	vld [tilespmem:s0+$0xC60]  }
0x226: {  	v15 =	vmul.f32 v15, v9;
	v4 =	vadd.f32 v14, v4;
	v14 =	vld [tilespmem:$0x1FD90]  }
0x227: {  	v8 =	vadd.f32 v59, v8;
	v6 =	vadd.f32 v10, v6;
	v10 =	vld [tilespmem:s0+$0x1060]  }
0x228: {  	v13 =	vmul.f32 v13, v7;
	v11 =	vadd.f32 v15, v11;
	v15 =	vld [tilespmem:$0x1FD70]  }
0x229: {  	v8 =	vadd.f32 v17, v8;
	v17 =	vld [tilespmem:s0+$0xC70]  }
0x22a: {  	v9 =	vmul.f32 v19, v9;
	v11 =	vadd.f32 v13, v11;
	v13 =	vld [tilespmem:$0x1FD50]  }
0x22b: {  	v8 =	vadd.f32 v14, v8;
	v14 =	vld [tilespmem:s0+$0x1070]  }
0x22c: {  	v6 =	vadd.f32 v9, v6;
	v7 =	vmul.f32 v16, v7;
	v9 =	vld [tilespmem:s0+$0x1460]  }
0x22d: {  	v4 =	vadd.f32 v15, v4;
	v15 =	vld [tilespmem:s0+$0x1470]  }
0x22e: {  	v12 =	vmul.f32 v12, v5;
	v6 =	vadd.f32 v7, v6;
	v5 =	vmul.f32 v17, v5  }
0x22f: {  	v10 =	vmul.f32 v10, v3  }
0x230: {  	v4 =	vadd.f32 v13, v4;
	v13 =	vld [tilespmem:$0x1FD60];
	v5 =	vadd.f32 v5, v6;
	v3 =	vmul.f32 v14, v3  }
0x231: {  	v7 =	vld [tilespmem:s0+$0x1860]  }
0x232: {  	v9 =	vmul.f32 v9, v2;
	v2 =	vmul.f32 v15, v2;
	v3 =	vadd.f32 v3, v5;
	v5 =	vld [tilespmem:$0x1FD30]  }
0x233: {  	v11 =	vadd.f32 v12, v11;
	v12 =	vld [tilespmem:s0+$0x1C70];
	v8 =	vadd.f32 v45, v8  }
0x234: {  	v2 =	vadd.f32 v2, v3;
	v3 =	vld [tilespmem:$0x1FD10]  }
0x235: {  	v4 =	vadd.f32 v39, v4;
	v8 =	vadd.f32 v13, v8;
	v13 =	vld [tilespmem:s0+$0x1870]  }
0x236: {  	v6 =	vld [tilespmem:s0+$0x1C60]  }
0x237: {  	s0 =	sadd.s32 $0x4000, s0;
	v4 =	vadd.f32 v5, v4;
	v5 =	vld [tilespmem:$0x1FD40]  }
0x238: {  	v17 =	vld [tilespmem:s0+$0x1C00]  }
0x239: {  	v3 =	vadd.f32 v3, v4;
	v4 =	vld [tilespmem:$0x1FD20]  }
0x23a: {  	v10 =	vadd.f32 v10, v11;
	v8 =	vadd.f32 v41, v8;
	v11 =	vld [tilespmem:s0+$0x1C10]  }
0x23b: {  	v7 =	vmul.f32 v7, v1;
	v18 =	vld [tilespmem:s0+$0x1C30];
	v1 =	vmul.f32 v13, v1  }
0x23c: {  	v19 =	vld [tilespmem:s0+$0x1810];
	v5 =	vadd.f32 v5, v8  }
0x23d: {  	v23 =	vld [tilespmem:s0+$0x1820];
	v1 =	vadd.f32 v1, v2  }
0x23e: {  	v24 =	vld [tilespmem:s0+$0x1830];
	v4 =	vadd.f32 v4, v5;
	v5 =	vmul.f32 v6, v0;
	v0 =	vmul.f32 v12, v0  }
0x23f: {  	v25 =	vld [tilespmem:s0+$0x1840]  }
0x240: {  	v27 =	vld [tilespmem:s0+$0x1850];
	v0 =	vadd.f32 v0, v1  }
0x241: {  	v2 =	vld [tilespmem:$0x1FCF0]  }
0x242: {  	[tilespmem:$0x1FBF0] =	vst v0;
	v0 =	vld [tilespmem:$0x1FCA0]  }
0x243: {  	v28 =	vld [tilespmem:s0+$0x1400]  }
0x244: {  	v33 =	vld [tilespmem:s0+$0x1410]  }
0x245: {  	v34 =	vld [tilespmem:s0+$0x1420]  }
0x246: {  	v35 =	vld [tilespmem:s0+$0x1430]  }
0x247: {  	v36 =	vld [tilespmem:s0+$0x1440];
	v2 =	vadd.f32 v2, v3  }
0x248: {  	v44 =	vld [tilespmem:s0+$0x1450]  }
0x249: {  	s6 =	sshra.s32 s5, $0x2;
	[tilespmem:$0x1FCE0] =	vst v2;
	v2 =	vld [tilespmem:$0x1FD00]  }
0x24a: {  	v22 =	vld.idx.msk [tilespmem:v0+s6+$0x0 ss:$0x1], $0xffff  }
0x24b: {  	v45 =	vld [tilespmem:s0+$0x1000]  }
0x24c: {  	v9 =	vadd.f32 v9, v10;
	v8 =	vld [tilespmem:s0+$0x1C20]  }
0x24d: {  	v46 =	vld [tilespmem:s0+$0x1010]  }
0x24e: {  	v7 =	vadd.f32 v7, v9;
	v47 =	vld [tilespmem:s0+$0x1020];
	v2 =	vadd.f32 v2, v4  }
0x24f: {  	v48 =	vld [tilespmem:s0+$0x1030];
	v0 =	vbroadcast v22, $0xF  }
0x250: {  	v49 =	vld [tilespmem:s0+$0x1040];
	[tilespmem:$0x1FC10] =	vst v2;
	v2 =	vadd.f32 v5, v7  }
0x251: {  	v58 =	vld [tilespmem:s0+$0x1050];
	v8 =	vmul.f32 v8, v0  }
0x252: {  	v59 =	vld [tilespmem:s0+$0xC00];
	[tilespmem:$0x1FBE0] =	vst v2;
	v1 =	vbroadcast v22, $0xE;
	v3 =	vbroadcast v22, $0xC  }
0x253: {  	v4 =	vld [tilespmem:s0+$0x1800];
	v2 =	vbroadcast v22, $0xD;
	[tilespmem:$0x1FCC0] =	vst v8;
	v8 =	vmul.f32 v18, v0  }
0x254: {  	v60 =	vld [tilespmem:s0+$0xC10];
	v7 =	vbroadcast v22, $0xA;
	v5 =	vbroadcast v22, $0xB  }
0x255: {  	v10 =	vbroadcast v22, $0x8;
	v9 =	vbroadcast v22, $0x9;
	[tilespmem:$0x1FCD0] =	vst v8;
	v8 =	vld [tilespmem:$0x1FDC0]  }
0x256: {  	v61 =	vld [tilespmem:s0+$0xC20];
	v14 =	vbroadcast v22, $0x6;
	v13 =	vbroadcast v22, $0x7  }
0x257: {  	v62 =	vld [tilespmem:s0+$0xC30];
	v16 =	vbroadcast v22, $0x4;
	v15 =	vbroadcast v22, $0x5  }
0x258: {  	v50 =	vld [tilespmem:s0+$0xC40];
	v26 =	vbroadcast v22, $0x0;
	v4 =	vmul.f32 v4, v1  }
0x259: {  	v29 =	vld [tilespmem:s0+$0xC50];
	v20 =	vbroadcast v22, $0x2;
	v21 =	vbroadcast v22, $0x3  }
0x25a: {  	v30 =	vld [tilespmem:s0+$0x800];
	v22 =	vbroadcast v22, $0x1;
	[tilespmem:$0x1FC60] =	vst v4;
	v4 =	vmul.f32 v19, v1;
	v8 =	vadd.f32 v26, v8  }
0x25b: {  	v31 =	vld [tilespmem:s0+$0x810]  }
0x25c: {  	v32 =	vld [tilespmem:s0+$0x820];
	[tilespmem:$0x1FC30] =	vst v4;
	v4 =	vadd.f32 v8, v22  }
0x25d: {  	v37 =	vld [tilespmem:s0+$0x830]  }
0x25e: {  	v38 =	vld [tilespmem:s0+$0x840];
	v4 =	vadd.f32 v4, v20  }
0x25f: {  	v39 =	vld [tilespmem:s0+$0x850]  }
0x260: {  	v6 =	vld [tilespmem:s0+$0x1C40];
	v4 =	vadd.f32 v4, v21  }
0x261: {  	v40 =	vld [tilespmem:s0+$0x400]  }
0x262: {  	v12 =	vld [tilespmem:s0+$0x1C50];
	v8 =	vmul.f32 v24, v1;
	v4 =	vadd.f32 v4, v16  }
0x263: {  	v41 =	vld [tilespmem:s0+$0x410]  }
0x264: {  	v42 =	vld [tilespmem:s0+$0x420];
	[tilespmem:$0x1FC00] =	vst v8;
	v8 =	vmul.f32 v25, v1;
	v4 =	vadd.f32 v4, v15  }
0x265: {  	v43 =	vld [tilespmem:s0+$0x440];
	v6 =	vmul.f32 v6, v0;
	v52 =	vmul.f32 v34, v2  }
0x266: {  	v53 =	vmul.f32 v35, v2;
	v34 =	vld [tilespmem:s0+$0xFFFFFC00];
	[tilespmem:$0x1FD10] =	vst v8;
	v8 =	vmul.f32 v27, v1;
	v4 =	vadd.f32 v4, v14  }
0x267: {  	v57 =	vmul.f32 v48, v3;
	v35 =	vld [tilespmem:s0+$0xFFFFFC10];
	[tilespmem:$0x1FCF0] =	vst v6;
	v6 =	vmul.f32 v12, v0  }
0x268: {  	v48 =	vmul.f32 v30, v7;
	v30 =	vld [tilespmem:s0+$0xFFFFF000];
	[tilespmem:$0x1FD20] =	vst v8;
	v8 =	vmul.f32 v28, v2;
	v4 =	vadd.f32 v4, v13  }
0x269: {  	v56 =	vmul.f32 v47, v3;
	[tilespmem:$0x1FD00] =	vst v6;
	v6 =	vld [tilespmem:s0+$0x450]  }
0x26a: {  	v47 =	vmul.f32 v37, v7;
	v37 =	vld [tilespmem:s0+$0xFFFFEC10];
	[tilespmem:$0x1FC50] =	vst v8;
	v8 =	vmul.f32 v33, v2;
	v4 =	vadd.f32 v4, v10  }
0x26b: {  	v17 =	vmul.f32 v17, v0;
	v54 =	vmul.f32 v45, v3;
	v24 =	vld [tilespmem:s0+$0x20]  }
0x26c: {  	v45 =	vld [tilespmem:s0+$0xFFFFE010];
	[tilespmem:$0x1FC20] =	vst v8;
	v8 =	vmul.f32 v36, v2;
	v36 =	vadd.f32 v4, v9;
	v4 =	vmul.f32 v43, v9  }
0x26d: {  	v51 =	vmul.f32 v39, v7;
	v39 =	vld [tilespmem:s0+$0xFFFFEC30];
	[tilespmem:$0x1FC90] =	vst v17  }
0x26e: {  	v17 =	vld [tilespmem:s0+$0x430];
	[tilespmem:$0x1FD80] =	vst v4;
	v4 =	vmul.f32 v6, v9  }
0x26f: {  	v11 =	vmul.f32 v11, v0;
	v19 =	vld [tilespmem:s0+$0x0]  }
0x270: {  	v12 =	vmul.f32 v23, v1;
	v23 =	vld [tilespmem:s0+$0x10];
	[tilespmem:$0x1FD90] =	vst v4;
	v4 =	vmul.f32 v24, v10;
	v24 =	vadd.f32 v36, v7  }
0x271: {  	[tilespmem:$0x1FCB0] =	vst v11;
	v11 =	vmul.f32 v59, v5;
	v28 =	vld [tilespmem:s0+$0x40]  }
0x272: {  	v59 =	vld [tilespmem:s0+$0xFFFFF810];
	v24 =	vadd.f32 v24, v5  }
0x273: {  	[tilespmem:$0x1FC70] =	vst v11;
	v11 =	vmul.f32 v60, v5;
	v33 =	vld [tilespmem:s0+$0x50]  }
0x274: {  	v18 =	vmul.f32 v38, v7;
	v38 =	vld [tilespmem:s0+$0xFFFFE800];
	v60 =	vmul.f32 v61, v5;
	v24 =	vadd.f32 v24, v3  }
0x275: {  	v61 =	vmul.f32 v62, v5;
	v62 =	vld [tilespmem:s0+$0xFFFFF400];
	[tilespmem:$0x1FC80] =	vst v11;
	v11 =	vmul.f32 v50, v5  }
0x276: {  	[tilespmem:$0x1FD70] =	vst v18;
	v18 =	vmul.f32 v41, v9;
	v41 =	vld [tilespmem:s0+$0xFFFFE430];
	v28 =	vmul.f32 v28, v10;
	v24 =	vadd.f32 v24, v2  }
0x277: {  	v50 =	vld [tilespmem:s0+$0xFFFFE420];
	[tilespmem:$0x1FD50] =	vst v11;
	v11 =	vmul.f32 v29, v5  }
0x278: {  	v29 =	vld [tilespmem:s0+$0xFFFFF410];
	[tilespmem:$0x1FDA0] =	vst v28;
	v28 =	vmul.f32 v33, v10;
	v24 =	vadd.f32 v24, v1  }
0x279: {  	[tilespmem:$0x1FD60] =	vst v11;
	v11 =	vmul.f32 v32, v7;
	v32 =	vld [tilespmem:s0+$0xFFFFEC00]  }
0x27a: {  	[tilespmem:$0x1FDB0] =	vst v28;
	v28 =	vld [tilespmem:s0+$0xFFFFE000];
	v24 =	vadd.f32 v24, v0  }
0x27b: {  	v27 =	vld [tilespmem:s0+$0x30];
	[tilespmem:$0x1FD30] =	vst v8;
	v8 =	vmul.f32 v44, v2  }
0x27c: {  	[tilespmem:$0x1FDC0] =	vst v24;
	v24 =	vld [tilespmem:$0x1FBA0]  }
0x27d: {  	[tilespmem:$0x1FD40] =	vst v8;
	v8 =	vmul.f32 v49, v3;
	v49 =	vmul.f32 v42, v9;
	v42 =	vld [tilespmem:s0+$0xFFFFE400]  }
0x27e: {  	v25 =	vmul.f32 v31, v7;
	v31 =	vld [tilespmem:s0+$0xFFFFF010]  }
0x27f: {  	[tilespmem:$0x1FC40] =	vst v8;
	v8 =	vmul.f32 v58, v3;
	v58 =	vld [tilespmem:s0+$0xFFFFF800];
	v28 =	vmul.f32 v26, v28  }
0x280: {  	v63 =	vmul.f32 v19, v10;
	v19 =	vmul.f32 v27, v10;
	v27 =	vld [tilespmem:s0+$0xFFFFE410]  }
0x281: {  	v55 =	vmul.f32 v46, v3;
	v46 =	vmul.f32 v40, v9;
	v24 =	vadd.f32 v28, v24;
	v28 =	vld [tilespmem:$0x1FBB0]  }
0x282: {  	v38 =	vmul.f32 v38, v20;
	v44 =	vld [tilespmem:s0+$0xFFFFE830];
	v42 =	vmul.f32 v42, v22  }
0x283: {  	v33 =	vmul.f32 v34, v13;
	v34 =	vmul.f32 v35, v13;
	v6 =	vld [tilespmem:s0+$0xFFFFE810]  }
0x284: {  	v35 =	vmul.f32 v45, v26;
	v40 =	vmul.f32 v58, v14;
	v58 =	vld [tilespmem:s0+$0xFFFFE020];
	v24 =	vadd.f32 v42, v24  }
0x285: {  	v32 =	vmul.f32 v32, v21;
	v45 =	vld [tilespmem:s0+$0xFFFFEC20];
	v27 =	vmul.f32 v27, v22  }
0x286: {  	v24 =	vadd.f32 v38, v24;
	v28 =	vadd.f32 v35, v28;
	v35 =	vmul.f32 v50, v22;
	v50 =	vld [tilespmem:$0x1FBC0]  }
0x287: {  	v43 =	vmul.f32 v59, v14;
	v59 =	vmul.f32 v62, v15;
	v62 =	vld [tilespmem:s0+$0xFFFFE030]  }
0x288: {  	v30 =	vmul.f32 v30, v16;
	v36 =	vld [tilespmem:s0+$0xFFFFE820];
	v24 =	vadd.f32 v32, v24  }
0x289: {  	v6 =	vmul.f32 v6, v20;
	v58 =	vmul.f32 v58, v26;
	v42 =	vmovc v12;
	v12 =	vld [tilespmem:s0+$0xFFFFE450];
	v27 =	vadd.f32 v27, v28  }
0x28a: {  	v38 =	vld [tilespmem:s0+$0xFFFFF430];
	v24 =	vadd.f32 v30, v24  }
0x28b: {  	v37 =	vmul.f32 v37, v21;
	v6 =	vadd.f32 v6, v27;
	v58 =	vadd.f32 v58, v50;
	v50 =	vld [tilespmem:$0x1FBD0]  }
0x28c: {  	v31 =	vmul.f32 v31, v16;
	v32 =	vld [tilespmem:s0+$0xFFFFEC40]  }
0x28d: {  	v28 =	vmul.f32 v36, v20;
	v36 =	vld [tilespmem:s0+$0xFFFFF030];
	v24 =	vadd.f32 v59, v24;
	v6 =	vadd.f32 v37, v6  }
0x28e: {  	v62 =	vmul.f32 v62, v26;
	v37 =	vld [tilespmem:$0x1FC30]  }
0x28f: {  	v29 =	vmul.f32 v29, v15;
	v24 =	vadd.f32 v40, v24;
	v40 =	vld [tilespmem:$0x1FBF0];
	v6 =	vadd.f32 v31, v6  }
0x290: {  	v41 =	vmul.f32 v41, v22;
	v31 =	vld [tilespmem:s0+$0xFFFFFC30];
	v62 =	vadd.f32 v62, v50  }
0x291: {  	v50 =	vld [tilespmem:s0+$0xFFFFF020];
	v6 =	vadd.f32 v29, v6  }
0x292: {  	v35 =	vadd.f32 v35, v58;
	v41 =	vadd.f32 v41, v62;
	v62 =	vmul.f32 v44, v20;
	v44 =	vld [tilespmem:s0+$0xFFFFF420]  }
0x293: {  	v6 =	vadd.f32 v43, v6;
	v43 =	vld [tilespmem:$0x1FC00]  }
0x294: {  	v27 =	vmul.f32 v45, v21;
	v45 =	vmovc v51;
	v28 =	vadd.f32 v28, v35;
	v51 =	vadd.f32 v62, v41;
	v41 =	vld [tilespmem:s0+$0xFFFFF820]  }
0x295: {  	v39 =	vmul.f32 v39, v21;
	v23 =	vmul.f32 v23, v10;
	v62 =	vld [tilespmem:s0+$0xFFFFF830]  }
0x296: {  	v27 =	vadd.f32 v27, v28;
	v58 =	vmul.f32 v50, v16;
	v50 =	vmul.f32 v36, v16;
	v36 =	vld [tilespmem:s0+$0xFFFFFC20]  }
0x297: {  	v6 =	vadd.f32 v34, v6;
	v28 =	vadd.f32 v39, v51;
	v51 =	vmul.f32 v38, v15;
	v38 =	vld [tilespmem:s0+$0xFFFFFC50]  }
0x298: {  	v39 =	vld [tilespmem:$0x1FC40]  }
0x299: {  	v6 =	vadd.f32 v23, v6;
	v23 =	vld [tilespmem:s0+$0xFFFFE840]  }
0x29a: {  	v30 =	vmul.f32 v44, v15;
	v44 =	vld [tilespmem:$0x1FBE0]  }
0x29b: {  	v27 =	vadd.f32 v58, v27;
	v58 =	vld [tilespmem:s0+$0xFFFFFC40]  }
0x29c: {  	v28 =	vadd.f32 v50, v28;
	v50 =	vld [tilespmem:s0+$0xFFFFF850]  }
0x29d: {  	v29 =	vmul.f32 v41, v14;
	v27 =	vadd.f32 v30, v27;
	v30 =	vmul.f32 v62, v14;
	v62 =	vld [tilespmem:s0+$0xFFFFF840]  }
0x29e: {  	v28 =	vadd.f32 v51, v28;
	v51 =	vld [tilespmem:s0+$0xFFFFF440]  }
0x29f: {  	v24 =	vadd.f32 v33, v24;
	v27 =	vadd.f32 v29, v27;
	v29 =	vmul.f32 v31, v13;
	v31 =	vld [tilespmem:s0+$0xFFFFF040]  }
0x2a0: {  	v36 =	vmul.f32 v36, v13;
	v28 =	vadd.f32 v30, v28;
	v30 =	vld [tilespmem:s0+$0xFFFFF450]  }
0x2a1: {  	v24 =	vadd.f32 v63, v24;
	v59 =	vmul.f32 v38, v13;
	v38 =	vld [tilespmem:$0x1FC20]  }
0x2a2: {  	v27 =	vadd.f32 v36, v27;
	v36 =	vld [tilespmem:$0x1FC10];
	v28 =	vadd.f32 v29, v28  }
0x2a3: {  	v6 =	vadd.f32 v18, v6;
	v29 =	vld [tilespmem:s0+$0xFFFFF050]  }
0x2a4: {  	v24 =	vadd.f32 v46, v24;
	v28 =	vadd.f32 v19, v28;
	v19 =	vld [tilespmem:s0+$0xFFFFEC50]  }
0x2a5: {  	v27 =	vadd.f32 v4, v27;
	v46 =	vmul.f32 v30, v15;
	v30 =	vadd.f32 v25, v6;
	v6 =	vld [tilespmem:$0x1FC70]  }
0x2a6: {  	p0 =	sne.s32 s5, $0x80;
	v17 =	vmul.f32 v17, v9;
	v25 =	vld [tilespmem:$0x1FC80]  }
.Ltmp4:
0x2a7: {  	v18 =	vadd.f32 v49, v27;
	v49 =	vmul.f32 v31, v16;
	v31 =	vld [tilespmem:$0x1FC50];
	(pc) =	sbr.rel @p0 .LBB2_8-.Ltmp4, $4  }
0x2a8: {  	v58 =	vmul.f32 v58, v13;
	v63 =	vmul.f32 v50, v14;
	v27 =	vadd.f32 v17, v28;
	v17 =	vld [tilespmem:s0+$0xFFFFE850]  }
0x2a9: {  	v62 =	vmul.f32 v62, v14;
	v4 =	vmul.f32 v51, v15;
	v28 =	vadd.f32 v48, v24;
	v48 =	vld [tilespmem:s0+$0xFFFFE440]  }
0x2aa: {  	v18 =	vadd.f32 v11, v18;
	v11 =	vmul.f32 v32, v21;
	v32 =	vld [tilespmem:$0x1FC60];
	v24 =	vadd.f32 v47, v27  }
0x2ab: {  	s5 =	sadd.s32 $0x40, s5;
	v41 =	vmovc v8;
	v8 =	vmul.f32 v29, v16;
	v6 =	vadd.f32 v6, v28;
	v47 =	vadd.f32 v25, v30;
	v30 =	vld [tilespmem:$0x1FC90]  }
0x2ac: {  	v25 =	vld [tilespmem:s0+$0xFFFFE040]  }
0x2ad: {  	v28 =	vld [tilespmem:s0+$0xFFFFE050]  }
0x2ae: {  	v29 =	vld [tilespmem:s0+$0xFFFFE060]  }
0x2af: {  	v18 =	vadd.f32 v60, v18;
	v60 =	vld [tilespmem:s0+$0xFFFFE070]  }
0x2b0: {  	v24 =	vadd.f32 v61, v24;
	v61 =	vld [tilespmem:s0+$0xFFFFE460]  }
0x2b1: {  	v33 =	vld [tilespmem:s0+$0xFFFFE470]  }
0x2b2: {  	v34 =	vld [tilespmem:s0+$0xFFFFE860]  }
0x2b3: {  	v50 =	vld [tilespmem:$0x1FCC0]  }
0x2b4: {  	v51 =	vld [tilespmem:$0x1FCD0]  }
0x2b5: {  	v35 =	vld [tilespmem:$0x1FCE0]  }
0x2b6: {  	v27 =	vadd.f32 v55, v47;
	v47 =	vld [tilespmem:s0+$0xFFFFE870]  }
0x2b7: {  	v6 =	vadd.f32 v54, v6;
	v54 =	vld [tilespmem:s0+$0xFFFFEC70]  }
0x2b8: {  	v55 =	vld [tilespmem:s0+$0xFFFFF060]  }
0x2b9: {  	v18 =	vadd.f32 v56, v18;
	v24 =	vadd.f32 v57, v24;
	v57 =	vld [tilespmem:s0+$0xFFFFF070]  }
0x2ba: {  	v27 =	vadd.f32 v38, v27;
	v38 =	vld [tilespmem:$0x1FCB0]  }
0x2bb: {  	v6 =	vadd.f32 v31, v6;
	v18 =	vadd.f32 v52, v18;
	v52 =	vld [tilespmem:s0+$0xFFFFEC60]  }
0x2bc: {  	v24 =	vadd.f32 v53, v24;
	v31 =	vmul.f32 v60, v26;
	v60 =	vld [tilespmem:s0+$0xFFFFF460]  }
0x2bd: {  	v6 =	vadd.f32 v32, v6;
	v32 =	vmul.f32 v61, v22;
	v61 =	vmul.f32 v34, v20;
	v34 =	vld [tilespmem:s0+$0xFFFFF470]  }
0x2be: {  	v27 =	vadd.f32 v37, v27;
	v56 =	vmul.f32 v33, v22;
	v33 =	vld [tilespmem:$0x1FDB0]  }
0x2bf: {  	v37 =	vld [tilespmem:s0+$0x1460];
	v18 =	vadd.f32 v42, v18;
	v24 =	vadd.f32 v43, v24;
	v42 =	vmul.f32 v28, v26  }
0x2c0: {  	v43 =	vmul.f32 v29, v26;
	v6 =	vadd.f32 v30, v6;
	v30 =	vadd.f32 v38, v27;
	v38 =	vld [tilespmem:s0+$0xFFFFF860]  }
0x2c1: {  	v27 =	vadd.f32 v42, v36;
	v42 =	vld [tilespmem:s0+$0xFFFFF870]  }
0x2c2: {  	v28 =	vadd.f32 v43, v44;
	v44 =	vld [tilespmem:s0+$0xFFFFFC60]  }
0x2c3: {  	v25 =	vmul.f32 v25, v26;
	v26 =	vadd.f32 v50, v18;
	v50 =	vld [tilespmem:s0+$0xFFFFFC70]  }
0x2c4: {  	v43 =	vmul.f32 v54, v21;
	v54 =	vld [tilespmem:s0+$0x70]  }
0x2c5: {  	v18 =	vadd.f32 v51, v24;
	v51 =	vmul.f32 v57, v16;
	v57 =	vld [tilespmem:s0+$0x470]  }
0x2c6: {  	v31 =	vadd.f32 v31, v40;
	v36 =	vld [tilespmem:$0x1FD80]  }
0x2c7: {  	v24 =	vmul.f32 v52, v21;
	v52 =	vld [tilespmem:s0+$0x60]  }
0x2c8: {  	v12 =	vmul.f32 v12, v22;
	v53 =	vmul.f32 v48, v22;
	v22 =	vadd.f32 v56, v31;
	v56 =	vld [tilespmem:s0+$0x460]  }
0x2c9: {  	v31 =	vld [tilespmem:$0x1FDA0]  }
0x2ca: {  	v12 =	vadd.f32 v12, v27;
	v27 =	vld [tilespmem:s0+$0xC60]  }
0x2cb: {  	v25 =	vadd.f32 v25, v35;
	v35 =	vmul.f32 v47, v20;
	v28 =	vadd.f32 v32, v28;
	v32 =	vld [tilespmem:s0+$0x1060]  }
0x2cc: {  	v47 =	vmul.f32 v55, v16;
	v55 =	vmul.f32 v34, v15;
	v34 =	vld [tilespmem:s0+$0x1070]  }
0x2cd: {  	v17 =	vmul.f32 v17, v20;
	v40 =	vadd.f32 v61, v28;
	v61 =	vld [tilespmem:s0+$0x860]  }
0x2ce: {  	v23 =	vmul.f32 v23, v20;
	v20 =	vadd.f32 v35, v22;
	v28 =	vld [tilespmem:s0+$0xC70]  }
0x2cf: {  	v25 =	vadd.f32 v53, v25;
	v12 =	vadd.f32 v17, v12;
	v17 =	vmul.f32 v38, v14;
	v38 =	vld [tilespmem:$0x1FD90]  }
0x2d0: {  	v20 =	vadd.f32 v43, v20;
	v43 =	vld [tilespmem:$0x1FD70]  }
0x2d1: {  	v23 =	vadd.f32 v23, v25;
	v25 =	vmul.f32 v50, v13;
	v50 =	vld [tilespmem:$0x1FD60]  }
0x2d2: {  	v29 =	vmul.f32 v54, v10;
	v54 =	vld [tilespmem:s0+$0x1C70]  }
0x2d3: {  	v35 =	vmul.f32 v57, v9;
	v57 =	vld [tilespmem:s3+$0x18810]  }
0x2d4: {  	v11 =	vadd.f32 v11, v23;
	v23 =	vld [tilespmem:$0x1FD10]  }
0x2d5: {  	v19 =	vmul.f32 v19, v21;
	v48 =	vadd.f32 v24, v40;
	v40 =	vld [tilespmem:s0+$0x1470]  }
0x2d6: {  	v24 =	vld [tilespmem:s3+$0x18850]  }
0x2d7: {  	v53 =	vmul.f32 v60, v15;
	v12 =	vadd.f32 v19, v12;
	v11 =	vadd.f32 v49, v11;
	v49 =	vld [tilespmem:s0+$0x1870]  }
0x2d8: {  	v60 =	vmul.f32 v42, v14;
	v21 =	vmul.f32 v52, v10;
	v16 =	vadd.f32 v51, v20;
	v51 =	vld [tilespmem:s0+$0x1C60]  }
0x2d9: {  	v52 =	vmul.f32 v32, v3;
	v8 =	vadd.f32 v8, v12;
	v19 =	vadd.f32 v47, v48;
	v48 =	vld [tilespmem:$0x1FD50]  }
0x2da: {  	v4 =	vadd.f32 v4, v11;
	v15 =	vadd.f32 v55, v16;
	v11 =	vmul.f32 v56, v9;
	v55 =	vld [tilespmem:s3+$0x18800]  }
0x2db: {  	v16 =	vmul.f32 v61, v7;
	v47 =	vmul.f32 v28, v5;
	v61 =	vld [tilespmem:$0x1FD40];
	v8 =	vadd.f32 v46, v8  }
0x2dc: {  	v12 =	vadd.f32 v53, v19;
	v46 =	vld [tilespmem:s3+$0x19430];
	v53 =	vmul.f32 v34, v3;
	v32 =	vmul.f32 v54, v0  }
0x2dd: {  	v28 =	vld [tilespmem:s3+$0x18860];
	v4 =	vadd.f32 v62, v4;
	v62 =	vmul.f32 v44, v13;
	v14 =	vadd.f32 v60, v15  }
0x2de: {  	v44 =	vld [tilespmem:s0+$0x1860];
	v15 =	vmul.f32 v27, v5;
	v8 =	vadd.f32 v63, v8;
	v12 =	vadd.f32 v17, v12  }
0x2df: {  	v63 =	vld [tilespmem:s0+$0x870];
	v22 =	vmul.f32 v49, v1;
	v4 =	vadd.f32 v58, v4;
	v13 =	vadd.f32 v25, v14  }
0x2e0: {  	v34 =	vld [tilespmem:$0x1FD00];
	v58 =	vmul.f32 v40, v2;
	v8 =	vadd.f32 v59, v8;
	v12 =	vadd.f32 v62, v12  }
0x2e1: {  	v62 =	vld [tilespmem:$0x1FDC0];
	v4 =	vadd.f32 v31, v4;
	v10 =	vadd.f32 v29, v13;
	v56 =	vbroadcast v46, $0x0  }
0x2e2: {  	v60 =	vld [tilespmem:s3+$0x18820];
	v13 =	vmul.f32 v37, v2;
	v8 =	vadd.f32 v33, v8;
	v12 =	vadd.f32 v21, v12  }
0x2e3: {  	v27 =	vld [tilespmem:$0x1FD20];
	v29 =	vmul.f32 v51, v0;
	v4 =	vadd.f32 v36, v4;
	v9 =	vadd.f32 v35, v10  }
0x2e4: {  	v40 =	vld [tilespmem:s3+$0x18C20];
	v42 =	vmul.f32 v63, v7;
	v10 =	vmul.f32 v44, v1;
	v8 =	vadd.f32 v38, v8  }
0x2e5: {  	v35 =	vld [tilespmem:s3+$0x18C00];
	v36 =	vmul.f32 v56, v55;
	v11 =	vadd.f32 v11, v12;
	v4 =	vadd.f32 v43, v4  }
0x2e6: {  	v37 =	vld [tilespmem:s3+$0x18C10];
	v44 =	vmul.f32 v28, v56;
	v7 =	vadd.f32 v42, v9;
	v19 =	vadd.f32 v56, v62  }
0x2e7: {  	v59 =	vld [tilespmem:$0x1FD30];
	v38 =	vmul.f32 v60, v56;
	v6 =	vadd.f32 v36, v6;
	v8 =	vadd.f32 v45, v8  }
0x2e8: {  	v63 =	vld [tilespmem:s3+$0x18830];
	v11 =	vadd.f32 v16, v11;
	v16 =	vbroadcast v46, $0x1;
	v4 =	vadd.f32 v48, v4  }
0x2e9: {  	v31 =	vld [tilespmem:s3+$0x18870];
	v9 =	vmul.f32 v24, v56;
	v5 =	vadd.f32 v47, v7;
	v8 =	vadd.f32 v50, v8  }
0x2ea: {  	v21 =	vld [tilespmem:s3+$0x18840];
	v11 =	vadd.f32 v15, v11;
	v25 =	vadd.f32 v19, v16;
	v45 =	vmul.f32 v35, v16  }
0x2eb: {  	v42 =	vld [tilespmem:s3+$0x18C30];
	v47 =	vmul.f32 v37, v16;
	v50 =	vmul.f32 v40, v16;
	v4 =	vadd.f32 v39, v4  }
0x2ec: {  	v43 =	vld [tilespmem:s3+$0x18C40];
	v3 =	vadd.f32 v53, v5;
	v8 =	vadd.f32 v41, v8;
	(erf) = vrcp.f32 v25  }
0x2ed: {  	v33 =	vld [tilespmem:$0x1FCF0];
	v39 =	vmul.f32 v63, v56;
	v7 =	vadd.f32 v52, v11;
	v49 =	vadd.f32 v45, v6  }
0x2ee: {  	v46 =	vld [tilespmem:s3+$0x18C50];
	v11 =	vmul.f32 v57, v56;
	v4 =	vadd.f32 v59, v4;
	v2 =	vadd.f32 v58, v3  }
0x2ef: {  	v51 =	vld [tilespmem:s3+$0x18C70];
	v5 =	vmul.f32 v31, v56;
	v12 =	vadd.f32 v39, v18;
	v8 =	vadd.f32 v61, v8  }
0x2f0: {  	v48 =	vld [tilespmem:s3+$0x18C60];
	v53 =	vmul.f32 v42, v16;
	v7 =	vadd.f32 v13, v7;
	v41 =	vadd.f32 v11, v30  }
0x2f1: {  	v55 =	vmul.f32 v43, v16;
	v4 =	vadd.f32 v23, v4;
	v1 =	vadd.f32 v22, v2  }
0x2f2: {  	v3 =	vmul.f32 v21, v56;
	v8 =	vadd.f32 v27, v8;
	v7 =	vadd.f32 v10, v7  }
0x2f3: {  	v56 =	vmul.f32 v46, v16;
	v52 =	vadd.f32 v47, v41;
	v4 =	vadd.f32 v33, v4  }
0x2f4: {  	v59 =	vmul.f32 v51, v16;
	v0 =	vadd.f32 v32, v1;
	v1 =	vadd.f32 v38, v26  }
0x2f5: {  	v57 =	vmul.f32 v48, v16;
	v8 =	vadd.f32 v34, v8;
	v2 =	vadd.f32 v29, v7;
	v54 =	vpop (erf)  }
0x2f6: {  	v3 =	vadd.f32 v3, v4;
	v1 =	vadd.f32 v50, v1;
	v4 =	vmul.f32 v49, v54  }
0x2f7: {  	v7 =	vadd.f32 v53, v12;
	v0 =	vadd.f32 v5, v0;
	v5 =	vmul.f32 v52, v54  }
0x2f8: {  	v8 =	vadd.f32 v9, v8;
	v3 =	vadd.f32 v55, v3;
	v1 =	vmul.f32 v1, v54;
	[tilespmem:s3+$0x19C00] =	vst v4  }
0x2f9: {  	s30 =	sadd.s32 $0x1, s30;
	v2 =	vadd.f32 v44, v2;
	v0 =	vadd.f32 v59, v0;
	v60 =	vmul.f32 v7, v54;
	[tilespmem:s3+$0x19C10] =	vst v5  }
0x2fa: {  	p0 =	sne.s32 s30, $0x8;
	v58 =	vadd.f32 v56, v8;
	v61 =	vmul.f32 v3, v54;
	[tilespmem:s3+$0x19C20] =	vst v1  }
.Ltmp5:
0x2fb: {  	v2 =	vadd.f32 v57, v2;
	v0 =	vmul.f32 v0, v54;
	[tilespmem:s3+$0x19C30] =	vst v60;
	(pc) =	sbr.rel @p0 .LBB2_7-.Ltmp5, $4  }
0x2fc: {  	v62 =	vmul.f32 v58, v54;
	[tilespmem:s3+$0x19C40] =	vst v61  }
0x2fd: {  	v63 =	vmul.f32 v2, v54;
	[tilespmem:s3+$0x19C70] =	vst v0  }
0x2fe: {  	[tilespmem:s3+$0x19C50] =	vst v62  }
0x2ff: {  	s31 =	sadd.s32 $0x80, s31;
	s16 =	sadd.s32 $0x80, s16;
	[tilespmem:s3+$0x19C60] =	vst v63  }
.Ltmp6:
0x300: {  	(pc) =	sbr.rel @p1 .LBB2_12-.Ltmp6, $3  }
0x301: {  	_ =	sdelay $0x1  }
0x302: {  	s0 =	sadd.s32 s13, s29  }
0x303: {  	[hbm4b:s0+s4] =	stream.linear.scatter [tilespmem:s22], [sflag:$0x4], $0x400, $0x38;
	[tilespmem:$0x1A000] =	vst v63  }
0x304: {  	s0 =	sadd.s32 s28, s11  }
.Ltmp7:
0x305: {  	s0 =	sshll.u32 s0, $0x7;
	(pc) =	sbr.rel .LBB2_2-.Ltmp7, $4  }
0x306: {  	s3 =	sadd.s32 s1, s0  }
0x307: {  	[tilespmem:s17], [sflag:$0x2] =	stream.strided.gather [hbm4b:s3+s14], $0xC800, s15, s14, $0x38;
	[tilespmem:$0x1A000] =	vst v63  }
0x308: {  	s26 =	sadd.s32 $0x1, s26;
	s0 =	sadd.s32 s2, s0  }
0x309: {  	[tilespmem:s18], [sflag:$0x2] =	stream.linear.gather [hbm4b:s0+s4], $0x400, $0x38;
	[tilespmem:$0x1A000] =	vst v63  }
.LBB2_13:
0x30a: {  	_ =	sfence.sel $0x180000  }
0x30b: {  	[bflag:$0x0] =	sbarrier.arrive $0xFFFF  }
0x30c: {  	_ =	strace $0x90000047  }
0x30d: {  	s0 =	stileid.u32;
	[bflag:$0x2] =	sbarrier.arrive $0xFFFF  }
0x30e: {  	p0 =	sne.s32 s0, $0x0;
	s0 =	rddreg [dreg:$0x3]  }
0x30f: {  	s0 =	sadd.s32 @!p0 $0x100000, s0  }
0x310: {  	[sflag:s0] =	ssyncadd.tile.s32 @!p0 $0x1;
	_ =	shalt  }
.Lfunc_end2:
_tile_overlayer_lowered:
.L_overlay_start_2:
0x311: {  	(tag) =	ssettag $0x2  }
0x312: {  	s0 =	rddreg [dreg:$0x0];
	s2 =	stileid.u32  }
0x313: {  	s1 =	rddreg [dreg:$0x1];
	p0 =	sne.s32 s2, $0x0  }
0x314: {  	s3 =	rddreg [dreg:$0x2];
	[bflag:$0x3] =	sbarrier.arrive $0xFFFF;
	s2 =	simm.s32 @!p0 $0x1C05  }
0x315: {  	[timem:s3], [sflag:s2] =	dma.local @!p0 [hbm:s0], s1  }
0x316: {  	s0 =	simm.s32 @!p0 $0x5  }
0x317: {  	_ =	swait.ge @!p0 [sflag:s0], s1  }
0x318: {  	s1 =	ssub.s32 @!p0 $0x0, s1;
	[sflag:s0] =	ssyncset.done @!p0 $0x0  }
0x319: {  	[sflag:s0] =	ssyncadd.s32 @!p0 s1  }
0x31a: {  	[bflag:$0x3] =	sbarrier.arrive $0xFFFF  }
0x31b: {  	_ =	shalt  }

</sc_bundles>
